<compile_context>
chip_gen: v7x
topology: tpu7x:2x2x1
jax: 0.10.2.dev20260603
libtpu: 0.0.44.dev20260713+nightly
codegen_flags: <defaults>
</compile_context>

<pallas_src>
import functools

import jax
import jax.numpy as jnp
from jax import lax
from jax.experimental import pallas as pl
from jax.experimental.pallas import tpu as pltpu
from jax.experimental.pallas import tpu_sc as plsc

N = 10000
D = 128
DEG = 32
LANES = 16

_NC = 2
_NS = 16
_NW = _NC * _NS

_NP = 10240
_PER_W = _NP // _NW
_GI = 128


def _make_segsum(stage_table: bool, chunk: int):
    mesh = plsc.VectorSubcoreMesh(core_axis_name="c", subcore_axis_name="s")
    tab_rows = 10112 if stage_table else 8
    _CHUNK = chunk
    _NIDX = _CHUNK * DEG
    _CHUNKS = _PER_W // _CHUNK
    n_g = _NIDX // _GI

    def body(table_hbm, idx_hbm, out_hbm, idx_v, rows0, rows1, zero_v,
             dst0, dst1, acc_sh, tab_sh, gsem0, gsem1, osem0, osem1):
        cid = lax.axis_index("c")
        sid = lax.axis_index("s")
        wid = sid * _NC + cid
        base = wid * _PER_W
        rows = (rows0, rows1)
        dst = (dst0, dst1)
        gsem = (gsem0, gsem1)
        osem = (osem0, osem1)

        if stage_table:
            srows = tab_rows // _NS
            pltpu.sync_copy(table_hbm.at[pl.ds(sid * srows, srows)],
                            tab_sh.at[pl.ds(sid * srows, srows)])
            table = tab_sh
        else:
            table = table_hbm

        def gather(c, b):
            for h in range(n_g):
                pltpu.async_copy(
                    table.at[idx_v.at[pl.ds(c * _NIDX + h * _GI, _GI)]],
                    rows[b].at[pl.ds(h * _GI, _GI)], gsem[b])

        def gather_wait(c, b):
            for h in range(n_g):
                pltpu.make_async_copy(
                    table.at[idx_v.at[pl.ds(c * _NIDX + h * _GI, _GI)]],
                    rows[b].at[pl.ds(h * _GI, _GI)], gsem[b]).wait()

        def slot(b):
            return (sid * 2 + b) * _CHUNK

        def out_copy(c, b):
            return pltpu.make_async_copy(
                acc_sh.at[pl.ds(slot(b), _CHUNK)],
                out_hbm.at[pl.ds(base + c * _CHUNK, _CHUNK)], osem[b])

        pltpu.sync_copy(idx_hbm.at[pl.ds(base * DEG, _PER_W * DEG)], idx_v)

        for a in range(_CHUNK):
            for s in range(D // LANES):
                zero_v[a, pl.ds(s * LANES, LANES)] = jnp.zeros(
                    (LANES,), jnp.float32)
        for b in range(2):
            for j in range(_NIDX // LANES):
                dst[b][pl.ds(j * LANES, LANES)] = jnp.full(
                    (LANES,), (j * LANES) // DEG, jnp.int32) + slot(b)

        if stage_table:
            plsc.subcore_barrier()

        gather(0, 0)

        def pair(i, carry):
            for b in range(2):
                c = 2 * i + b

                @pl.when(c + 1 < _CHUNKS)
                def _():
                    gather(c + 1, 1 - b)

                @pl.when(c >= 2)
                def _():
                    out_copy(c - 2, b).wait()

                pltpu.sync_copy(zero_v, acc_sh.at[pl.ds(slot(b), _CHUNK)])
                gather_wait(c, b)
                pltpu.sync_copy(rows[b], acc_sh.at[dst[b]], add=True)
                out_copy(c, b).start()
            return carry

        lax.fori_loop(0, _CHUNKS // 2, pair, 0)
        out_copy(_CHUNKS - 2, 0).wait()
        out_copy(_CHUNKS - 1, 1).wait()

    return pl.kernel(
        body,
        out_type=jax.ShapeDtypeStruct((_NP, D), jnp.float32),
        mesh=mesh,
        scratch_types=[
            pltpu.VMEM((_PER_W * DEG,), jnp.int32),
            pltpu.VMEM((_NIDX, D), jnp.float32),
            pltpu.VMEM((_NIDX, D), jnp.float32),
            pltpu.VMEM((_CHUNK, D), jnp.float32),
            pltpu.VMEM((_NIDX,), jnp.int32),
            pltpu.VMEM((_NIDX,), jnp.int32),
            pltpu.VMEM_SHARED((_NS * 2 * _CHUNK, D), jnp.float32),
            pltpu.VMEM_SHARED((tab_rows, D), jnp.float32),
            pltpu.SemaphoreType.DMA,
            pltpu.SemaphoreType.DMA,
            pltpu.SemaphoreType.DMA,
            pltpu.SemaphoreType.DMA,
        ],
    )


_BR = 512


def _mm2_relu_body(x1, x2, w1, w2, o):
    acc = jnp.dot(x1[...], w1[...], preferred_element_type=jnp.float32)
    acc += jnp.dot(x2[...], w2[...], preferred_element_type=jnp.float32)
    o[...] = jnp.maximum(acc, 0.0)


def _mm2_relu(x1, x2, w1, w2):
    return pl.pallas_call(
        _mm2_relu_body,
        grid=(_NP // _BR,),
        in_specs=[
            pl.BlockSpec((_BR, D), lambda i: (i, 0)),
            pl.BlockSpec((_BR, D), lambda i: (i, 0)),
            pl.BlockSpec((D, D), lambda i: (0, 0)),
            pl.BlockSpec((D, D), lambda i: (0, 0)),
        ],
        out_specs=pl.BlockSpec((_BR, D), lambda i: (i, 0)),
        out_shape=jax.ShapeDtypeStruct((_NP, D), jnp.float32),
    )(x1, x2, w1, w2)


def _resid_mm_relu_body(r, x, w, o):
    acc = jnp.dot(x[...], w[...], preferred_element_type=jnp.float32)
    o[...] = jnp.maximum(r[...] + acc, 0.0)


def _resid_mm_relu(r, x, w):
    return pl.pallas_call(
        _resid_mm_relu_body,
        grid=(_NP // _BR,),
        in_specs=[
            pl.BlockSpec((_BR, D), lambda i: (i, 0)),
            pl.BlockSpec((_BR, D), lambda i: (i, 0)),
            pl.BlockSpec((D, D), lambda i: (0, 0)),
        ],
        out_specs=pl.BlockSpec((_BR, D), lambda i: (i, 0)),
        out_shape=jax.ShapeDtypeStruct((_NP, D), jnp.float32),
    )(r, x, w)


def kernel(f_atoms, f_bonds, a2b, b2a, b2revb, a_scope, b_scope, a2a,
           features_batch, W_i, W_h1, W_h2, W_o):
    del b2a, b2revb, a_scope, b_scope, features_batch
    pad_n = _NP - N
    f_atoms_p = jnp.pad(f_atoms, ((0, pad_n), (0, 0)))
    a2b_flat = jnp.pad(a2b.reshape(-1), (0, pad_n * DEG))
    a2a_flat = jnp.pad(a2a.reshape(-1), (0, pad_n * DEG))

    segsum_hbm = _make_segsum(stage_table=False, chunk=8)
    segsum_sp = _make_segsum(stage_table=True, chunk=4)

    bond_agg = segsum_hbm(f_bonds, a2b_flat)
    input_atom = _mm2_relu(f_atoms_p, bond_agg, W_i[:D], W_i[D:])
    agg1 = segsum_sp(input_atom, a2a_flat)
    message = _resid_mm_relu(input_atom, agg1, W_h1)
    agg2 = segsum_sp(message, a2a_flat)
    message = _resid_mm_relu(input_atom, agg2, W_h2)
    atom_output = _mm2_relu(f_atoms_p, message, W_o[:D], W_o[D:])
    return atom_output[:N]

# --- scband reference (transcript-rebuilt; emitter-appended) ---
"""Pipeline reference for scband-node-block-parallel-9964324127438 (READ-ONLY COPY).

The authoritative reference and input builder live on the scoring server;
editing this copy changes nothing except your own understanding.
"""

import jax, jax.numpy as jnp
import numpy as np

N, E, D, DEG, M, FD = 10000, 320000, 128, 32, 64, 200

def setup_inputs(seed: int = 0) -> dict:
    key = jax.random.key(seed)
    ks = jax.random.split(key, 13)
    f_atoms = jax.random.normal(ks[0], (N, D), dtype=jnp.float32)
    f_bonds = jax.random.normal(ks[1], (E, D), dtype=jnp.float32)
    a2b = jax.random.randint(ks[2], (N, DEG), 0, E)
    b2a = jax.random.randint(ks[3], (E,), 0, N)
    b2revb = jax.random.randint(ks[4], (E,), 0, E)
    a_scope = jax.random.randint(ks[5], (M, 2), 0, N)
    b_scope = jax.random.randint(ks[6], (M, 2), 0, E)
    a2a = jax.random.randint(ks[7], (N, DEG), 0, N)
    features_batch = jax.random.normal(ks[8], (M, FD), dtype=jnp.float32)
    W_i = jax.random.normal(ks[9], (2 * D, D), dtype=jnp.float32) * 0.02
    W_h1 = jax.random.normal(ks[10], (D, D), dtype=jnp.float32) * 0.02
    W_h2 = jax.random.normal(ks[11], (D, D), dtype=jnp.float32) * 0.02
    W_o = jax.random.normal(ks[12], (2 * D, D), dtype=jnp.float32) * 0.02
    return {
        "f_atoms": f_atoms, "f_bonds": f_bonds, "a2b": a2b, "b2a": b2a,
        "b2revb": b2revb, "a_scope": a_scope, "b_scope": b_scope, "a2a": a2a,
        "features_batch": features_batch,
        "W_i": W_i, "W_h1": W_h1, "W_h2": W_h2, "W_o": W_o,
    }


def reference(f_atoms, f_bonds, a2b, b2a, b2revb, a_scope, b_scope, a2a,
              features_batch, W_i, W_h1, W_h2, W_o):
    # GROVER node-view message passing blocks (stack of 2 node_blocks).
    # Incoming bond features aggregated into atom input via a2b gather.
    bond_nei = jnp.take(f_bonds, a2b, axis=0)          # [N, DEG, D] gather
    bond_agg = bond_nei.sum(axis=1)                     # [N, D]
    input_atom = jax.nn.relu(
        jnp.concatenate([f_atoms, bond_agg], axis=-1) @ W_i)  # [N, D]
    message = input_atom
    for W_h in (W_h1, W_h2):
        nei = jnp.take(message, a2a, axis=0)            # [N, DEG, D] gather
        agg = nei.sum(axis=1)                           # [N, D]
        message = jax.nn.relu(input_atom + agg @ W_h)   # residual update
    a_input = jnp.concatenate([f_atoms, message], axis=-1)
    atom_output = jax.nn.relu(a_input @ W_o)            # [N, D]
    return atom_output

if __name__ == "__main__":
    import jax
    _d = setup_inputs()
    print(jax.jit(kernel)(*tuple(_d.values())))

</pallas_src>

<mosaic_0001>
#map = affine_map<(d0, d1) -> (0, 0)>
#map1 = affine_map<(d0, d1) -> (0)>
module attributes {stable_mosaic.version = 14 : i64} {
  func.func @body(%arg0: i32, %arg1: i32, %arg2: memref<10240x128xf32, #tpu.memory_space<hbm>>, %arg3: memref<327680xi32, #tpu.memory_space<hbm>>, %arg4: memref<10240x128xf32, #tpu.memory_space<hbm>>, %arg5: memref<10240xi32, #tpu.memory_space<vmem>>, %arg6: memref<128x128xf32, #tpu.memory_space<vmem>>, %arg7: memref<128x128xf32, #tpu.memory_space<vmem>>, %arg8: memref<4x128xf32, #tpu.memory_space<vmem>>, %arg9: memref<128xi32, #tpu.memory_space<vmem>>, %arg10: memref<128xi32, #tpu.memory_space<vmem>>, %arg11: memref<128x128xf32, #tpu.memory_space<vmem_shared>>, %arg12: memref<10112x128xf32, #tpu.memory_space<vmem_shared>>, %arg13: memref<!tpu.dma_semaphore, #tpu.memory_space<semaphore_mem>>, %arg14: memref<!tpu.dma_semaphore, #tpu.memory_space<semaphore_mem>>, %arg15: memref<!tpu.dma_semaphore, #tpu.memory_space<semaphore_mem>>, %arg16: memref<!tpu.dma_semaphore, #tpu.memory_space<semaphore_mem>>) attributes {dimension_semantics = [#tpu.dimension_semantics<core_parallel>, #tpu.dimension_semantics<subcore_parallel>], iteration_bounds = array<i64: 2, 16>, scalar_prefetch = 0 : i64, scratch_operands = 12 : i64, tpu.core_type = #tpu.core_type<sc_vector_subcore>, window_params = [{transform_indices = #map}, {transform_indices = #map1}, {transform_indices = #map}]} {
    %mul3A = arith.constant 2 : i32
    %mul3A_0 = arith.muli %arg1, %mul3A : i32
    %add3A = arith.addi %mul3A_0, %arg0 : i32
    %mul3A_1 = arith.constant 320 : i32
    %mul3A_2 = arith.muli %add3A, %mul3A_1 : i32
    %mul3A_3 = arith.constant 632 : i32
    %mul3A_4 = arith.muli %arg1, %mul3A_3 : i32
    %mul3A_5 = arith.constant 632 : i32
    %mul3A_6 = arith.muli %arg1, %mul3A_5 : i32
    "tpu.region"() ({
      %run_scoped3A = tpu.sem_alloc : memref<!tpu.dma_semaphore, #tpu.memory_space<semaphore_mem>>
      %dma_start3A_522 = arith.constant 0 : i32
      %dma_start3A_523 = tpu.memref_slice %arg12[%mul3A_6, %dma_start3A_522] : memref<10112x128xf32, #tpu.memory_space<vmem_shared>> -> memref<632x128xf32, #tpu.memory_space<vmem_shared>>
      %dma_start3A_524 = arith.constant 0 : i32
      %dma_start3A_525 = tpu.memref_slice %arg2[%mul3A_4, %dma_start3A_524] : memref<10240x128xf32, #tpu.memory_space<hbm>> -> memref<632x128xf32, #tpu.memory_space<hbm>>
      tpu.enqueue_dma source(%dma_start3A_525 : memref<632x128xf32, #tpu.memory_space<hbm>>) target(%dma_start3A_523 : memref<632x128xf32, #tpu.memory_space<vmem_shared>>) target_semaphore(%run_scoped3A : memref<!tpu.dma_semaphore, #tpu.memory_space<semaphore_mem>>)
      %dma_wait3A_526 = arith.constant 0 : i32
      %dma_wait3A_527 = tpu.memref_slice %arg12[%mul3A_6, %dma_wait3A_526] : memref<10112x128xf32, #tpu.memory_space<vmem_shared>> -> memref<632x128xf32, #tpu.memory_space<vmem_shared>>
      %dma_wait3A_528 = arith.constant 0 : i32
      %dma_wait3A_529 = tpu.memref_slice %arg2[%mul3A_4, %dma_wait3A_528] : memref<10240x128xf32, #tpu.memory_space<hbm>> -> memref<632x128xf32, #tpu.memory_space<hbm>>
      tpu.wait_dma2 semaphore(%run_scoped3A : memref<!tpu.dma_semaphore, #tpu.memory_space<semaphore_mem>>) src(%dma_wait3A_529 : memref<632x128xf32, #tpu.memory_space<hbm>>) dst(%dma_wait3A_527 : memref<632x128xf32, #tpu.memory_space<vmem_shared>>)
      tpu.yield
    }) : () -> ()
    %mul3A_7 = arith.constant 32 : i32
    %mul3A_8 = arith.muli %mul3A_2, %mul3A_7 : i32
    "tpu.region"() ({
      %run_scoped3A = tpu.sem_alloc : memref<!tpu.dma_semaphore, #tpu.memory_space<semaphore_mem>>
      %dma_start3A_522 = tpu.memref_slice %arg3[%mul3A_8] : memref<327680xi32, #tpu.memory_space<hbm>> -> memref<10240xi32, #tpu.memory_space<hbm>>
      %dma_start3A_523 = tpu.memref_slice %arg3[%mul3A_8] : memref<327680xi32, #tpu.memory_space<hbm>> -> memref<10240xi32, #tpu.memory_space<hbm>>
      tpu.enqueue_dma source(%dma_start3A_523 : memref<10240xi32, #tpu.memory_space<hbm>>) target(%arg5 : memref<10240xi32, #tpu.memory_space<vmem>>) target_semaphore(%run_scoped3A : memref<!tpu.dma_semaphore, #tpu.memory_space<semaphore_mem>>)
      %dma_wait3A_524 = tpu.memref_slice %arg3[%mul3A_8] : memref<327680xi32, #tpu.memory_space<hbm>> -> memref<10240xi32, #tpu.memory_space<hbm>>
      %dma_wait3A_525 = tpu.memref_slice %arg3[%mul3A_8] : memref<327680xi32, #tpu.memory_space<hbm>> -> memref<10240xi32, #tpu.memory_space<hbm>>
      tpu.wait_dma2 semaphore(%run_scoped3A : memref<!tpu.dma_semaphore, #tpu.memory_space<semaphore_mem>>) src(%dma_wait3A_525 : memref<10240xi32, #tpu.memory_space<hbm>>) dst(%arg5 : memref<10240xi32, #tpu.memory_space<vmem>>)
      tpu.yield
    }) : () -> ()
    %broadcast_in_dim3A = arith.constant 0.000000e+00 : f32
    %broadcast_in_dim3A_9 = vector.broadcast %broadcast_in_dim3A : f32 to vector<16xf32>
    %swap3A = arith.constant 0 : i32
    %swap3A_10 = arith.index_cast %swap3A : i32 to index
    %swap3A_11 = arith.constant 0 : index
    %swap3A_12 = tpu.vector_load %arg8[%swap3A_10, %swap3A_11] {strides = array<i32>} : memref<4x128xf32, #tpu.memory_space<vmem>>, vector<1x16xf32>,
    %swap3A_13 = vector.shape_cast %swap3A_12 : vector<1x16xf32> to vector<16xf32>
    %swap3A_14 = vector.shape_cast %broadcast_in_dim3A_9 : vector<16xf32> to vector<1x16xf32>
    tpu.vector_store %arg8[%swap3A_10, %swap3A_11], %swap3A_14 {strides = array<i32>} : memref<4x128xf32, #tpu.memory_space<vmem>>, vector<1x16xf32>,
    %broadcast_in_dim3A_15 = arith.constant 0.000000e+00 : f32
    %broadcast_in_dim3A_16 = vector.broadcast %broadcast_in_dim3A_15 : f32 to vector<16xf32>
    %swap3A_17 = arith.constant 0 : i32
    %swap3A_18 = arith.index_cast %swap3A_17 : i32 to index
    %swap3A_19 = arith.constant 16 : index
    %swap3A_20 = tpu.vector_load %arg8[%swap3A_18, %swap3A_19] {strides = array<i32>} : memref<4x128xf32, #tpu.memory_space<vmem>>, vector<1x16xf32>,
    %swap3A_21 = vector.shape_cast %swap3A_20 : vector<1x16xf32> to vector<16xf32>
    %swap3A_22 = vector.shape_cast %broadcast_in_dim3A_16 : vector<16xf32> to vector<1x16xf32>
    tpu.vector_store %arg8[%swap3A_18, %swap3A_19], %swap3A_22 {strides = array<i32>} : memref<4x128xf32, #tpu.memory_space<vmem>>, vector<1x16xf32>,
    %broadcast_in_dim3A_23 = arith.constant 0.000000e+00 : f32
    %broadcast_in_dim3A_24 = vector.broadcast %broadcast_in_dim3A_23 : f32 to vector<16xf32>
    %swap3A_25 = arith.constant 0 : i32
    %swap3A_26 = arith.index_cast %swap3A_25 : i32 to index
    %swap3A_27 = arith.constant 32 : index
    %swap3A_28 = tpu.vector_load %arg8[%swap3A_26, %swap3A_27] {strides = array<i32>} : memref<4x128xf32, #tpu.memory_space<vmem>>, vector<1x16xf32>,
    %swap3A_29 = vector.shape_cast %swap3A_28 : vector<1x16xf32> to vector<16xf32>
    %swap3A_30 = vector.shape_cast %broadcast_in_dim3A_24 : vector<16xf32> to vector<1x16xf32>
    tpu.vector_store %arg8[%swap3A_26, %swap3A_27], %swap3A_30 {strides = array<i32>} : memref<4x128xf32, #tpu.memory_space<vmem>>, vector<1x16xf32>,
    %broadcast_in_dim3A_31 = arith.constant 0.000000e+00 : f32
    %broadcast_in_dim3A_32 = vector.broadcast %broadcast_in_dim3A_31 : f32 to vector<16xf32>
    %swap3A_33 = arith.constant 0 : i32
    %swap3A_34 = arith.index_cast %swap3A_33 : i32 to index
    %swap3A_35 = arith.constant 48 : index
    %swap3A_36 = tpu.vector_load %arg8[%swap3A_34, %swap3A_35] {strides = array<i32>} : memref<4x128xf32, #tpu.memory_space<vmem>>, vector<1x16xf32>,
    %swap3A_37 = vector.shape_cast %swap3A_36 : vector<1x16xf32> to vector<16xf32>
    %swap3A_38 = vector.shape_cast %broadcast_in_dim3A_32 : vector<16xf32> to vector<1x16xf32>
    tpu.vector_store %arg8[%swap3A_34, %swap3A_35], %swap3A_38 {strides = array<i32>} : memref<4x128xf32, #tpu.memory_space<vmem>>, vector<1x16xf32>,
    %broadcast_in_dim3A_39 = arith.constant 0.000000e+00 : f32
    %broadcast_in_dim3A_40 = vector.broadcast %broadcast_in_dim3A_39 : f32 to vector<16xf32>
    %swap3A_41 = arith.constant 0 : i32
    %swap3A_42 = arith.index_cast %swap3A_41 : i32 to index
    %swap3A_43 = arith.constant 64 : index
    %swap3A_44 = tpu.vector_load %arg8[%swap3A_42, %swap3A_43] {strides = array<i32>} : memref<4x128xf32, #tpu.memory_space<vmem>>, vector<1x16xf32>,
    %swap3A_45 = vector.shape_cast %swap3A_44 : vector<1x16xf32> to vector<16xf32>
    %swap3A_46 = vector.shape_cast %broadcast_in_dim3A_40 : vector<16xf32> to vector<1x16xf32>
    tpu.vector_store %arg8[%swap3A_42, %swap3A_43], %swap3A_46 {strides = array<i32>} : memref<4x128xf32, #tpu.memory_space<vmem>>, vector<1x16xf32>,
    %broadcast_in_dim3A_47 = arith.constant 0.000000e+00 : f32
    %broadcast_in_dim3A_48 = vector.broadcast %broadcast_in_dim3A_47 : f32 to vector<16xf32>
    %swap3A_49 = arith.constant 0 : i32
    %swap3A_50 = arith.index_cast %swap3A_49 : i32 to index
    %swap3A_51 = arith.constant 80 : index
    %swap3A_52 = tpu.vector_load %arg8[%swap3A_50, %swap3A_51] {strides = array<i32>} : memref<4x128xf32, #tpu.memory_space<vmem>>, vector<1x16xf32>,
    %swap3A_53 = vector.shape_cast %swap3A_52 : vector<1x16xf32> to vector<16xf32>
    %swap3A_54 = vector.shape_cast %broadcast_in_dim3A_48 : vector<16xf32> to vector<1x16xf32>
    tpu.vector_store %arg8[%swap3A_50, %swap3A_51], %swap3A_54 {strides = array<i32>} : memref<4x128xf32, #tpu.memory_space<vmem>>, vector<1x16xf32>,
    %broadcast_in_dim3A_55 = arith.constant 0.000000e+00 : f32
    %broadcast_in_dim3A_56 = vector.broadcast %broadcast_in_dim3A_55 : f32 to vector<16xf32>
    %swap3A_57 = arith.constant 0 : i32
    %swap3A_58 = arith.index_cast %swap3A_57 : i32 to index
    %swap3A_59 = arith.constant 96 : index
    %swap3A_60 = tpu.vector_load %arg8[%swap3A_58, %swap3A_59] {strides = array<i32>} : memref<4x128xf32, #tpu.memory_space<vmem>>, vector<1x16xf32>,
    %swap3A_61 = vector.shape_cast %swap3A_60 : vector<1x16xf32> to vector<16xf32>
    %swap3A_62 = vector.shape_cast %broadcast_in_dim3A_56 : vector<16xf32> to vector<1x16xf32>
    tpu.vector_store %arg8[%swap3A_58, %swap3A_59], %swap3A_62 {strides = array<i32>} : memref<4x128xf32, #tpu.memory_space<vmem>>, vector<1x16xf32>,
    %broadcast_in_dim3A_63 = arith.constant 0.000000e+00 : f32
    %broadcast_in_dim3A_64 = vector.broadcast %broadcast_in_dim3A_63 : f32 to vector<16xf32>
    %swap3A_65 = arith.constant 0 : i32
    %swap3A_66 = arith.index_cast %swap3A_65 : i32 to index
    %swap3A_67 = arith.constant 112 : index
    %swap3A_68 = tpu.vector_load %arg8[%swap3A_66, %swap3A_67] {strides = array<i32>} : memref<4x128xf32, #tpu.memory_space<vmem>>, vector<1x16xf32>,
    %swap3A_69 = vector.shape_cast %swap3A_68 : vector<1x16xf32> to vector<16xf32>
    %swap3A_70 = vector.shape_cast %broadcast_in_dim3A_64 : vector<16xf32> to vector<1x16xf32>
    tpu.vector_store %arg8[%swap3A_66, %swap3A_67], %swap3A_70 {strides = array<i32>} : memref<4x128xf32, #tpu.memory_space<vmem>>, vector<1x16xf32>,
    %broadcast_in_dim3A_71 = arith.constant 0.000000e+00 : f32
    %broadcast_in_dim3A_72 = vector.broadcast %broadcast_in_dim3A_71 : f32 to vector<16xf32>
    %swap3A_73 = arith.constant 1 : i32
    %swap3A_74 = arith.index_cast %swap3A_73 : i32 to index
    %swap3A_75 = arith.constant 0 : index
    %swap3A_76 = tpu.vector_load %arg8[%swap3A_74, %swap3A_75] {strides = array<i32>} : memref<4x128xf32, #tpu.memory_space<vmem>>, vector<1x16xf32>,
    %swap3A_77 = vector.shape_cast %swap3A_76 : vector<1x16xf32> to vector<16xf32>
    %swap3A_78 = vector.shape_cast %broadcast_in_dim3A_72 : vector<16xf32> to vector<1x16xf32>
    tpu.vector_store %arg8[%swap3A_74, %swap3A_75], %swap3A_78 {strides = array<i32>} : memref<4x128xf32, #tpu.memory_space<vmem>>, vector<1x16xf32>,
    %broadcast_in_dim3A_79 = arith.constant 0.000000e+00 : f32
    %broadcast_in_dim3A_80 = vector.broadcast %broadcast_in_dim3A_79 : f32 to vector<16xf32>
    %swap3A_81 = arith.constant 1 : i32
    %swap3A_82 = arith.index_cast %swap3A_81 : i32 to index
    %swap3A_83 = arith.constant 16 : index
    %swap3A_84 = tpu.vector_load %arg8[%swap3A_82, %swap3A_83] {strides = array<i32>} : memref<4x128xf32, #tpu.memory_space<vmem>>, vector<1x16xf32>,
    %swap3A_85 = vector.shape_cast %swap3A_84 : vector<1x16xf32> to vector<16xf32>
    %swap3A_86 = vector.shape_cast %broadcast_in_dim3A_80 : vector<16xf32> to vector<1x16xf32>
    tpu.vector_store %arg8[%swap3A_82, %swap3A_83], %swap3A_86 {strides = array<i32>} : memref<4x128xf32, #tpu.memory_space<vmem>>, vector<1x16xf32>,
    %broadcast_in_dim3A_87 = arith.constant 0.000000e+00 : f32
    %broadcast_in_dim3A_88 = vector.broadcast %broadcast_in_dim3A_87 : f32 to vector<16xf32>
    %swap3A_89 = arith.constant 1 : i32
    %swap3A_90 = arith.index_cast %swap3A_89 : i32 to index
    %swap3A_91 = arith.constant 32 : index
    %swap3A_92 = tpu.vector_load %arg8[%swap3A_90, %swap3A_91] {strides = array<i32>} : memref<4x128xf32, #tpu.memory_space<vmem>>, vector<1x16xf32>,
    %swap3A_93 = vector.shape_cast %swap3A_92 : vector<1x16xf32> to vector<16xf32>
    %swap3A_94 = vector.shape_cast %broadcast_in_dim3A_88 : vector<16xf32> to vector<1x16xf32>
    tpu.vector_store %arg8[%swap3A_90, %swap3A_91], %swap3A_94 {strides = array<i32>} : memref<4x128xf32, #tpu.memory_space<vmem>>, vector<1x16xf32>,
    %broadcast_in_dim3A_95 = arith.constant 0.000000e+00 : f32
    %broadcast_in_dim3A_96 = vector.broadcast %broadcast_in_dim3A_95 : f32 to vector<16xf32>
    %swap3A_97 = arith.constant 1 : i32
    %swap3A_98 = arith.index_cast %swap3A_97 : i32 to index
    %swap3A_99 = arith.constant 48 : index
    %swap3A_100 = tpu.vector_load %arg8[%swap3A_98, %swap3A_99] {strides = array<i32>} : memref<4x128xf32, #tpu.memory_space<vmem>>, vector<1x16xf32>,
    %swap3A_101 = vector.shape_cast %swap3A_100 : vector<1x16xf32> to vector<16xf32>
    %swap3A_102 = vector.shape_cast %broadcast_in_dim3A_96 : vector<16xf32> to vector<1x16xf32>
    tpu.vector_store %arg8[%swap3A_98, %swap3A_99], %swap3A_102 {strides = array<i32>} : memref<4x128xf32, #tpu.memory_space<vmem>>, vector<1x16xf32>,
    %broadcast_in_dim3A_103 = arith.constant 0.000000e+00 : f32
    %broadcast_in_dim3A_104 = vector.broadcast %broadcast_in_dim3A_103 : f32 to vector<16xf32>
    %swap3A_105 = arith.constant 1 : i32
    %swap3A_106 = arith.index_cast %swap3A_105 : i32 to index
    %swap3A_107 = arith.constant 64 : index
    %swap3A_108 = tpu.vector_load %arg8[%swap3A_106, %swap3A_107] {strides = array<i32>} : memref<4x128xf32, #tpu.memory_space<vmem>>, vector<1x16xf32>,
    %swap3A_109 = vector.shape_cast %swap3A_108 : vector<1x16xf32> to vector<16xf32>
    %swap3A_110 = vector.shape_cast %broadcast_in_dim3A_104 : vector<16xf32> to vector<1x16xf32>
    tpu.vector_store %arg8[%swap3A_106, %swap3A_107], %swap3A_110 {strides = array<i32>} : memref<4x128xf32, #tpu.memory_space<vmem>>, vector<1x16xf32>,
    %broadcast_in_dim3A_111 = arith.constant 0.000000e+00 : f32
    %broadcast_in_dim3A_112 = vector.broadcast %broadcast_in_dim3A_111 : f32 to vector<16xf32>
    %swap3A_113 = arith.constant 1 : i32
    %swap3A_114 = arith.index_cast %swap3A_113 : i32 to index
    %swap3A_115 = arith.constant 80 : index
    %swap3A_116 = tpu.vector_load %arg8[%swap3A_114, %swap3A_115] {strides = array<i32>} : memref<4x128xf32, #tpu.memory_space<vmem>>, vector<1x16xf32>,
    %swap3A_117 = vector.shape_cast %swap3A_116 : vector<1x16xf32> to vector<16xf32>
    %swap3A_118 = vector.shape_cast %broadcast_in_dim3A_112 : vector<16xf32> to vector<1x16xf32>
    tpu.vector_store %arg8[%swap3A_114, %swap3A_115], %swap3A_118 {strides = array<i32>} : memref<4x128xf32, #tpu.memory_space<vmem>>, vector<1x16xf32>,
    %broadcast_in_dim3A_119 = arith.constant 0.000000e+00 : f32
    %broadcast_in_dim3A_120 = vector.broadcast %broadcast_in_dim3A_119 : f32 to vector<16xf32>
    %swap3A_121 = arith.constant 1 : i32
    %swap3A_122 = arith.index_cast %swap3A_121 : i32 to index
    %swap3A_123 = arith.constant 96 : index
    %swap3A_124 = tpu.vector_load %arg8[%swap3A_122, %swap3A_123] {strides = array<i32>} : memref<4x128xf32, #tpu.memory_space<vmem>>, vector<1x16xf32>,
    %swap3A_125 = vector.shape_cast %swap3A_124 : vector<1x16xf32> to vector<16xf32>
    %swap3A_126 = vector.shape_cast %broadcast_in_dim3A_120 : vector<16xf32> to vector<1x16xf32>
    tpu.vector_store %arg8[%swap3A_122, %swap3A_123], %swap3A_126 {strides = array<i32>} : memref<4x128xf32, #tpu.memory_space<vmem>>, vector<1x16xf32>,
    %broadcast_in_dim3A_127 = arith.constant 0.000000e+00 : f32
    %broadcast_in_dim3A_128 = vector.broadcast %broadcast_in_dim3A_127 : f32 to vector<16xf32>
    %swap3A_129 = arith.constant 1 : i32
    %swap3A_130 = arith.index_cast %swap3A_129 : i32 to index
    %swap3A_131 = arith.constant 112 : index
    %swap3A_132 = tpu.vector_load %arg8[%swap3A_130, %swap3A_131] {strides = array<i32>} : memref<4x128xf32, #tpu.memory_space<vmem>>, vector<1x16xf32>,
    %swap3A_133 = vector.shape_cast %swap3A_132 : vector<1x16xf32> to vector<16xf32>
    %swap3A_134 = vector.shape_cast %broadcast_in_dim3A_128 : vector<16xf32> to vector<1x16xf32>
    tpu.vector_store %arg8[%swap3A_130, %swap3A_131], %swap3A_134 {strides = array<i32>} : memref<4x128xf32, #tpu.memory_space<vmem>>, vector<1x16xf32>,
    %broadcast_in_dim3A_135 = arith.constant 0.000000e+00 : f32
    %broadcast_in_dim3A_136 = vector.broadcast %broadcast_in_dim3A_135 : f32 to vector<16xf32>
    %swap3A_137 = arith.constant 2 : i32
    %swap3A_138 = arith.index_cast %swap3A_137 : i32 to index
    %swap3A_139 = arith.constant 0 : index
    %swap3A_140 = tpu.vector_load %arg8[%swap3A_138, %swap3A_139] {strides = array<i32>} : memref<4x128xf32, #tpu.memory_space<vmem>>, vector<1x16xf32>,
    %swap3A_141 = vector.shape_cast %swap3A_140 : vector<1x16xf32> to vector<16xf32>
    %swap3A_142 = vector.shape_cast %broadcast_in_dim3A_136 : vector<16xf32> to vector<1x16xf32>
    tpu.vector_store %arg8[%swap3A_138, %swap3A_139], %swap3A_142 {strides = array<i32>} : memref<4x128xf32, #tpu.memory_space<vmem>>, vector<1x16xf32>,
    %broadcast_in_dim3A_143 = arith.constant 0.000000e+00 : f32
    %broadcast_in_dim3A_144 = vector.broadcast %broadcast_in_dim3A_143 : f32 to vector<16xf32>
    %swap3A_145 = arith.constant 2 : i32
    %swap3A_146 = arith.index_cast %swap3A_145 : i32 to index
    %swap3A_147 = arith.constant 16 : index
    %swap3A_148 = tpu.vector_load %arg8[%swap3A_146, %swap3A_147] {strides = array<i32>} : memref<4x128xf32, #tpu.memory_space<vmem>>, vector<1x16xf32>,
    %swap3A_149 = vector.shape_cast %swap3A_148 : vector<1x16xf32> to vector<16xf32>
    %swap3A_150 = vector.shape_cast %broadcast_in_dim3A_144 : vector<16xf32> to vector<1x16xf32>
    tpu.vector_store %arg8[%swap3A_146, %swap3A_147], %swap3A_150 {strides = array<i32>} : memref<4x128xf32, #tpu.memory_space<vmem>>, vector<1x16xf32>,
    %broadcast_in_dim3A_151 = arith.constant 0.000000e+00 : f32
    %broadcast_in_dim3A_152 = vector.broadcast %broadcast_in_dim3A_151 : f32 to vector<16xf32>
    %swap3A_153 = arith.constant 2 : i32
    %swap3A_154 = arith.index_cast %swap3A_153 : i32 to index
    %swap3A_155 = arith.constant 32 : index
    %swap3A_156 = tpu.vector_load %arg8[%swap3A_154, %swap3A_155] {strides = array<i32>} : memref<4x128xf32, #tpu.memory_space<vmem>>, vector<1x16xf32>,
    %swap3A_157 = vector.shape_cast %swap3A_156 : vector<1x16xf32> to vector<16xf32>
    %swap3A_158 = vector.shape_cast %broadcast_in_dim3A_152 : vector<16xf32> to vector<1x16xf32>
    tpu.vector_store %arg8[%swap3A_154, %swap3A_155], %swap3A_158 {strides = array<i32>} : memref<4x128xf32, #tpu.memory_space<vmem>>, vector<1x16xf32>,
    %broadcast_in_dim3A_159 = arith.constant 0.000000e+00 : f32
    %broadcast_in_dim3A_160 = vector.broadcast %broadcast_in_dim3A_159 : f32 to vector<16xf32>
    %swap3A_161 = arith.constant 2 : i32
    %swap3A_162 = arith.index_cast %swap3A_161 : i32 to index
    %swap3A_163 = arith.constant 48 : index
    %swap3A_164 = tpu.vector_load %arg8[%swap3A_162, %swap3A_163] {strides = array<i32>} : memref<4x128xf32, #tpu.memory_space<vmem>>, vector<1x16xf32>,
    %swap3A_165 = vector.shape_cast %swap3A_164 : vector<1x16xf32> to vector<16xf32>
    %swap3A_166 = vector.shape_cast %broadcast_in_dim3A_160 : vector<16xf32> to vector<1x16xf32>
    tpu.vector_store %arg8[%swap3A_162, %swap3A_163], %swap3A_166 {strides = array<i32>} : memref<4x128xf32, #tpu.memory_space<vmem>>, vector<1x16xf32>,
    %broadcast_in_dim3A_167 = arith.constant 0.000000e+00 : f32
    %broadcast_in_dim3A_168 = vector.broadcast %broadcast_in_dim3A_167 : f32 to vector<16xf32>
    %swap3A_169 = arith.constant 2 : i32
    %swap3A_170 = arith.index_cast %swap3A_169 : i32 to index
    %swap3A_171 = arith.constant 64 : index
    %swap3A_172 = tpu.vector_load %arg8[%swap3A_170, %swap3A_171] {strides = array<i32>} : memref<4x128xf32, #tpu.memory_space<vmem>>, vector<1x16xf32>,
    %swap3A_173 = vector.shape_cast %swap3A_172 : vector<1x16xf32> to vector<16xf32>
    %swap3A_174 = vector.shape_cast %broadcast_in_dim3A_168 : vector<16xf32> to vector<1x16xf32>
    tpu.vector_store %arg8[%swap3A_170, %swap3A_171], %swap3A_174 {strides = array<i32>} : memref<4x128xf32, #tpu.memory_space<vmem>>, vector<1x16xf32>,
    %broadcast_in_dim3A_175 = arith.constant 0.000000e+00 : f32
    %broadcast_in_dim3A_176 = vector.broadcast %broadcast_in_dim3A_175 : f32 to vector<16xf32>
    %swap3A_177 = arith.constant 2 : i32
    %swap3A_178 = arith.index_cast %swap3A_177 : i32 to index
    %swap3A_179 = arith.constant 80 : index
    %swap3A_180 = tpu.vector_load %arg8[%swap3A_178, %swap3A_179] {strides = array<i32>} : memref<4x128xf32, #tpu.memory_space<vmem>>, vector<1x16xf32>,
    %swap3A_181 = vector.shape_cast %swap3A_180 : vector<1x16xf32> to vector<16xf32>
    %swap3A_182 = vector.shape_cast %broadcast_in_dim3A_176 : vector<16xf32> to vector<1x16xf32>
    tpu.vector_store %arg8[%swap3A_178, %swap3A_179], %swap3A_182 {strides = array<i32>} : memref<4x128xf32, #tpu.memory_space<vmem>>, vector<1x16xf32>,
    %broadcast_in_dim3A_183 = arith.constant 0.000000e+00 : f32
    %broadcast_in_dim3A_184 = vector.broadcast %broadcast_in_dim3A_183 : f32 to vector<16xf32>
    %swap3A_185 = arith.constant 2 : i32
    %swap3A_186 = arith.index_cast %swap3A_185 : i32 to index
    %swap3A_187 = arith.constant 96 : index
    %swap3A_188 = tpu.vector_load %arg8[%swap3A_186, %swap3A_187] {strides = array<i32>} : memref<4x128xf32, #tpu.memory_space<vmem>>, vector<1x16xf32>,
    %swap3A_189 = vector.shape_cast %swap3A_188 : vector<1x16xf32> to vector<16xf32>
    %swap3A_190 = vector.shape_cast %broadcast_in_dim3A_184 : vector<16xf32> to vector<1x16xf32>
    tpu.vector_store %arg8[%swap3A_186, %swap3A_187], %swap3A_190 {strides = array<i32>} : memref<4x128xf32, #tpu.memory_space<vmem>>, vector<1x16xf32>,
    %broadcast_in_dim3A_191 = arith.constant 0.000000e+00 : f32
    %broadcast_in_dim3A_192 = vector.broadcast %broadcast_in_dim3A_191 : f32 to vector<16xf32>
    %swap3A_193 = arith.constant 2 : i32
    %swap3A_194 = arith.index_cast %swap3A_193 : i32 to index
    %swap3A_195 = arith.constant 112 : index
    %swap3A_196 = tpu.vector_load %arg8[%swap3A_194, %swap3A_195] {strides = array<i32>} : memref<4x128xf32, #tpu.memory_space<vmem>>, vector<1x16xf32>,
    %swap3A_197 = vector.shape_cast %swap3A_196 : vector<1x16xf32> to vector<16xf32>
    %swap3A_198 = vector.shape_cast %broadcast_in_dim3A_192 : vector<16xf32> to vector<1x16xf32>
    tpu.vector_store %arg8[%swap3A_194, %swap3A_195], %swap3A_198 {strides = array<i32>} : memref<4x128xf32, #tpu.memory_space<vmem>>, vector<1x16xf32>,
    %broadcast_in_dim3A_199 = arith.constant 0.000000e+00 : f32
    %broadcast_in_dim3A_200 = vector.broadcast %broadcast_in_dim3A_199 : f32 to vector<16xf32>
    %swap3A_201 = arith.constant 3 : i32
    %swap3A_202 = arith.index_cast %swap3A_201 : i32 to index
    %swap3A_203 = arith.constant 0 : index
    %swap3A_204 = tpu.vector_load %arg8[%swap3A_202, %swap3A_203] {strides = array<i32>} : memref<4x128xf32, #tpu.memory_space<vmem>>, vector<1x16xf32>,
    %swap3A_205 = vector.shape_cast %swap3A_204 : vector<1x16xf32> to vector<16xf32>
    %swap3A_206 = vector.shape_cast %broadcast_in_dim3A_200 : vector<16xf32> to vector<1x16xf32>
    tpu.vector_store %arg8[%swap3A_202, %swap3A_203], %swap3A_206 {strides = array<i32>} : memref<4x128xf32, #tpu.memory_space<vmem>>, vector<1x16xf32>,
    %broadcast_in_dim3A_207 = arith.constant 0.000000e+00 : f32
    %broadcast_in_dim3A_208 = vector.broadcast %broadcast_in_dim3A_207 : f32 to vector<16xf32>
    %swap3A_209 = arith.constant 3 : i32
    %swap3A_210 = arith.index_cast %swap3A_209 : i32 to index
    %swap3A_211 = arith.constant 16 : index
    %swap3A_212 = tpu.vector_load %arg8[%swap3A_210, %swap3A_211] {strides = array<i32>} : memref<4x128xf32, #tpu.memory_space<vmem>>, vector<1x16xf32>,
    %swap3A_213 = vector.shape_cast %swap3A_212 : vector<1x16xf32> to vector<16xf32>
    %swap3A_214 = vector.shape_cast %broadcast_in_dim3A_208 : vector<16xf32> to vector<1x16xf32>
    tpu.vector_store %arg8[%swap3A_210, %swap3A_211], %swap3A_214 {strides = array<i32>} : memref<4x128xf32, #tpu.memory_space<vmem>>, vector<1x16xf32>,
    %broadcast_in_dim3A_215 = arith.constant 0.000000e+00 : f32
    %broadcast_in_dim3A_216 = vector.broadcast %broadcast_in_dim3A_215 : f32 to vector<16xf32>
    %swap3A_217 = arith.constant 3 : i32
    %swap3A_218 = arith.index_cast %swap3A_217 : i32 to index
    %swap3A_219 = arith.constant 32 : index
    %swap3A_220 = tpu.vector_load %arg8[%swap3A_218, %swap3A_219] {strides = array<i32>} : memref<4x128xf32, #tpu.memory_space<vmem>>, vector<1x16xf32>,
    %swap3A_221 = vector.shape_cast %swap3A_220 : vector<1x16xf32> to vector<16xf32>
    %swap3A_222 = vector.shape_cast %broadcast_in_dim3A_216 : vector<16xf32> to vector<1x16xf32>
    tpu.vector_store %arg8[%swap3A_218, %swap3A_219], %swap3A_222 {strides = array<i32>} : memref<4x128xf32, #tpu.memory_space<vmem>>, vector<1x16xf32>,
    %broadcast_in_dim3A_223 = arith.constant 0.000000e+00 : f32
    %broadcast_in_dim3A_224 = vector.broadcast %broadcast_in_dim3A_223 : f32 to vector<16xf32>
    %swap3A_225 = arith.constant 3 : i32
    %swap3A_226 = arith.index_cast %swap3A_225 : i32 to index
    %swap3A_227 = arith.constant 48 : index
    %swap3A_228 = tpu.vector_load %arg8[%swap3A_226, %swap3A_227] {strides = array<i32>} : memref<4x128xf32, #tpu.memory_space<vmem>>, vector<1x16xf32>,
    %swap3A_229 = vector.shape_cast %swap3A_228 : vector<1x16xf32> to vector<16xf32>
    %swap3A_230 = vector.shape_cast %broadcast_in_dim3A_224 : vector<16xf32> to vector<1x16xf32>
    tpu.vector_store %arg8[%swap3A_226, %swap3A_227], %swap3A_230 {strides = array<i32>} : memref<4x128xf32, #tpu.memory_space<vmem>>, vector<1x16xf32>,
    %broadcast_in_dim3A_231 = arith.constant 0.000000e+00 : f32
    %broadcast_in_dim3A_232 = vector.broadcast %broadcast_in_dim3A_231 : f32 to vector<16xf32>
    %swap3A_233 = arith.constant 3 : i32
    %swap3A_234 = arith.index_cast %swap3A_233 : i32 to index
    %swap3A_235 = arith.constant 64 : index
    %swap3A_236 = tpu.vector_load %arg8[%swap3A_234, %swap3A_235] {strides = array<i32>} : memref<4x128xf32, #tpu.memory_space<vmem>>, vector<1x16xf32>,
    %swap3A_237 = vector.shape_cast %swap3A_236 : vector<1x16xf32> to vector<16xf32>
    %swap3A_238 = vector.shape_cast %broadcast_in_dim3A_232 : vector<16xf32> to vector<1x16xf32>
    tpu.vector_store %arg8[%swap3A_234, %swap3A_235], %swap3A_238 {strides = array<i32>} : memref<4x128xf32, #tpu.memory_space<vmem>>, vector<1x16xf32>,
    %broadcast_in_dim3A_239 = arith.constant 0.000000e+00 : f32
    %broadcast_in_dim3A_240 = vector.broadcast %broadcast_in_dim3A_239 : f32 to vector<16xf32>
    %swap3A_241 = arith.constant 3 : i32
    %swap3A_242 = arith.index_cast %swap3A_241 : i32 to index
    %swap3A_243 = arith.constant 80 : index
    %swap3A_244 = tpu.vector_load %arg8[%swap3A_242, %swap3A_243] {strides = array<i32>} : memref<4x128xf32, #tpu.memory_space<vmem>>, vector<1x16xf32>,
    %swap3A_245 = vector.shape_cast %swap3A_244 : vector<1x16xf32> to vector<16xf32>
    %swap3A_246 = vector.shape_cast %broadcast_in_dim3A_240 : vector<16xf32> to vector<1x16xf32>
    tpu.vector_store %arg8[%swap3A_242, %swap3A_243], %swap3A_246 {strides = array<i32>} : memref<4x128xf32, #tpu.memory_space<vmem>>, vector<1x16xf32>,
    %broadcast_in_dim3A_247 = arith.constant 0.000000e+00 : f32
    %broadcast_in_dim3A_248 = vector.broadcast %broadcast_in_dim3A_247 : f32 to vector<16xf32>
    %swap3A_249 = arith.constant 3 : i32
    %swap3A_250 = arith.index_cast %swap3A_249 : i32 to index
    %swap3A_251 = arith.constant 96 : index
    %swap3A_252 = tpu.vector_load %arg8[%swap3A_250, %swap3A_251] {strides = array<i32>} : memref<4x128xf32, #tpu.memory_space<vmem>>, vector<1x16xf32>,
    %swap3A_253 = vector.shape_cast %swap3A_252 : vector<1x16xf32> to vector<16xf32>
    %swap3A_254 = vector.shape_cast %broadcast_in_dim3A_248 : vector<16xf32> to vector<1x16xf32>
    tpu.vector_store %arg8[%swap3A_250, %swap3A_251], %swap3A_254 {strides = array<i32>} : memref<4x128xf32, #tpu.memory_space<vmem>>, vector<1x16xf32>,
    %broadcast_in_dim3A_255 = arith.constant 0.000000e+00 : f32
    %broadcast_in_dim3A_256 = vector.broadcast %broadcast_in_dim3A_255 : f32 to vector<16xf32>
    %swap3A_257 = arith.constant 3 : i32
    %swap3A_258 = arith.index_cast %swap3A_257 : i32 to index
    %swap3A_259 = arith.constant 112 : index
    %swap3A_260 = tpu.vector_load %arg8[%swap3A_258, %swap3A_259] {strides = array<i32>} : memref<4x128xf32, #tpu.memory_space<vmem>>, vector<1x16xf32>,
    %swap3A_261 = vector.shape_cast %swap3A_260 : vector<1x16xf32> to vector<16xf32>
    %swap3A_262 = vector.shape_cast %broadcast_in_dim3A_256 : vector<16xf32> to vector<1x16xf32>
    tpu.vector_store %arg8[%swap3A_258, %swap3A_259], %swap3A_262 {strides = array<i32>} : memref<4x128xf32, #tpu.memory_space<vmem>>, vector<1x16xf32>,
    %broadcast_in_dim3A_263 = arith.constant 0 : i32
    %broadcast_in_dim3A_264 = vector.broadcast %broadcast_in_dim3A_263 : i32 to vector<16xi32>
    %mul3A_265 = arith.constant 2 : i32
    %mul3A_266 = arith.muli %arg1, %mul3A_265 : i32
    %add3A_267 = arith.constant 0 : i32
    %add3A_268 = arith.addi %mul3A_266, %add3A_267 : i32
    %mul3A_269 = arith.constant 4 : i32
    %mul3A_270 = arith.muli %add3A_268, %mul3A_269 : i32
    %add3A_271 = vector.broadcast %mul3A_270 : i32 to vector<16xi32>
    %add3A_272 = arith.addi %broadcast_in_dim3A_264, %add3A_271 : vector<16xi32>
    %swap3A_273 = arith.constant 0 : index
    %swap3A_274 = tpu.vector_load %arg9[%swap3A_273] {strides = array<i32>} : memref<128xi32, #tpu.memory_space<vmem>>, vector<16xi32>,
    %swap3A_275 = vector.shape_cast %swap3A_274 : vector<16xi32> to vector<16xi32>
    %swap3A_276 = vector.shape_cast %add3A_272 : vector<16xi32> to vector<16xi32>
    tpu.vector_store %arg9[%swap3A_273], %swap3A_276 {strides = array<i32>} : memref<128xi32, #tpu.memory_space<vmem>>, vector<16xi32>,
    %broadcast_in_dim3A_277 = arith.constant 0 : i32
    %broadcast_in_dim3A_278 = vector.broadcast %broadcast_in_dim3A_277 : i32 to vector<16xi32>
    %mul3A_279 = arith.constant 2 : i32
    %mul3A_280 = arith.muli %arg1, %mul3A_279 : i32
    %add3A_281 = arith.constant 0 : i32
    %add3A_282 = arith.addi %mul3A_280, %add3A_281 : i32
    %mul3A_283 = arith.constant 4 : i32
    %mul3A_284 = arith.muli %add3A_282, %mul3A_283 : i32
    %add3A_285 = vector.broadcast %mul3A_284 : i32 to vector<16xi32>
    %add3A_286 = arith.addi %broadcast_in_dim3A_278, %add3A_285 : vector<16xi32>
    %swap3A_287 = arith.constant 16 : index
    %swap3A_288 = tpu.vector_load %arg9[%swap3A_287] {strides = array<i32>} : memref<128xi32, #tpu.memory_space<vmem>>, vector<16xi32>,
    %swap3A_289 = vector.shape_cast %swap3A_288 : vector<16xi32> to vector<16xi32>
    %swap3A_290 = vector.shape_cast %add3A_286 : vector<16xi32> to vector<16xi32>
    tpu.vector_store %arg9[%swap3A_287], %swap3A_290 {strides = array<i32>} : memref<128xi32, #tpu.memory_space<vmem>>, vector<16xi32>,
    %broadcast_in_dim3A_291 = arith.constant 1 : i32
    %broadcast_in_dim3A_292 = vector.broadcast %broadcast_in_dim3A_291 : i32 to vector<16xi32>
    %mul3A_293 = arith.constant 2 : i32
    %mul3A_294 = arith.muli %arg1, %mul3A_293 : i32
    %add3A_295 = arith.constant 0 : i32
    %add3A_296 = arith.addi %mul3A_294, %add3A_295 : i32
    %mul3A_297 = arith.constant 4 : i32
    %mul3A_298 = arith.muli %add3A_296, %mul3A_297 : i32
    %add3A_299 = vector.broadcast %mul3A_298 : i32 to vector<16xi32>
    %add3A_300 = arith.addi %broadcast_in_dim3A_292, %add3A_299 : vector<16xi32>
    %swap3A_301 = arith.constant 32 : index
    %swap3A_302 = tpu.vector_load %arg9[%swap3A_301] {strides = array<i32>} : memref<128xi32, #tpu.memory_space<vmem>>, vector<16xi32>,
    %swap3A_303 = vector.shape_cast %swap3A_302 : vector<16xi32> to vector<16xi32>
    %swap3A_304 = vector.shape_cast %add3A_300 : vector<16xi32> to vector<16xi32>
    tpu.vector_store %arg9[%swap3A_301], %swap3A_304 {strides = array<i32>} : memref<128xi32, #tpu.memory_space<vmem>>, vector<16xi32>,
    %broadcast_in_dim3A_305 = arith.constant 1 : i32
    %broadcast_in_dim3A_306 = vector.broadcast %broadcast_in_dim3A_305 : i32 to vector<16xi32>
    %mul3A_307 = arith.constant 2 : i32
    %mul3A_308 = arith.muli %arg1, %mul3A_307 : i32
    %add3A_309 = arith.constant 0 : i32
    %add3A_310 = arith.addi %mul3A_308, %add3A_309 : i32
    %mul3A_311 = arith.constant 4 : i32
    %mul3A_312 = arith.muli %add3A_310, %mul3A_311 : i32
    %add3A_313 = vector.broadcast %mul3A_312 : i32 to vector<16xi32>
    %add3A_314 = arith.addi %broadcast_in_dim3A_306, %add3A_313 : vector<16xi32>
    %swap3A_315 = arith.constant 48 : index
    %swap3A_316 = tpu.vector_load %arg9[%swap3A_315] {strides = array<i32>} : memref<128xi32, #tpu.memory_space<vmem>>, vector<16xi32>,
    %swap3A_317 = vector.shape_cast %swap3A_316 : vector<16xi32> to vector<16xi32>
    %swap3A_318 = vector.shape_cast %add3A_314 : vector<16xi32> to vector<16xi32>
    tpu.vector_store %arg9[%swap3A_315], %swap3A_318 {strides = array<i32>} : memref<128xi32, #tpu.memory_space<vmem>>, vector<16xi32>,
    %broadcast_in_dim3A_319 = arith.constant 2 : i32
    %broadcast_in_dim3A_320 = vector.broadcast %broadcast_in_dim3A_319 : i32 to vector<16xi32>
    %mul3A_321 = arith.constant 2 : i32
    %mul3A_322 = arith.muli %arg1, %mul3A_321 : i32
    %add3A_323 = arith.constant 0 : i32
    %add3A_324 = arith.addi %mul3A_322, %add3A_323 : i32
    %mul3A_325 = arith.constant 4 : i32
    %mul3A_326 = arith.muli %add3A_324, %mul3A_325 : i32
    %add3A_327 = vector.broadcast %mul3A_326 : i32 to vector<16xi32>
    %add3A_328 = arith.addi %broadcast_in_dim3A_320, %add3A_327 : vector<16xi32>
    %swap3A_329 = arith.constant 64 : index
    %swap3A_330 = tpu.vector_load %arg9[%swap3A_329] {strides = array<i32>} : memref<128xi32, #tpu.memory_space<vmem>>, vector<16xi32>,
    %swap3A_331 = vector.shape_cast %swap3A_330 : vector<16xi32> to vector<16xi32>
    %swap3A_332 = vector.shape_cast %add3A_328 : vector<16xi32> to vector<16xi32>
    tpu.vector_store %arg9[%swap3A_329], %swap3A_332 {strides = array<i32>} : memref<128xi32, #tpu.memory_space<vmem>>, vector<16xi32>,
    %broadcast_in_dim3A_333 = arith.constant 2 : i32
    %broadcast_in_dim3A_334 = vector.broadcast %broadcast_in_dim3A_333 : i32 to vector<16xi32>
    %mul3A_335 = arith.constant 2 : i32
    %mul3A_336 = arith.muli %arg1, %mul3A_335 : i32
    %add3A_337 = arith.constant 0 : i32
    %add3A_338 = arith.addi %mul3A_336, %add3A_337 : i32
    %mul3A_339 = arith.constant 4 : i32
    %mul3A_340 = arith.muli %add3A_338, %mul3A_339 : i32
    %add3A_341 = vector.broadcast %mul3A_340 : i32 to vector<16xi32>
    %add3A_342 = arith.addi %broadcast_in_dim3A_334, %add3A_341 : vector<16xi32>
    %swap3A_343 = arith.constant 80 : index
    %swap3A_344 = tpu.vector_load %arg9[%swap3A_343] {strides = array<i32>} : memref<128xi32, #tpu.memory_space<vmem>>, vector<16xi32>,
    %swap3A_345 = vector.shape_cast %swap3A_344 : vector<16xi32> to vector<16xi32>
    %swap3A_346 = vector.shape_cast %add3A_342 : vector<16xi32> to vector<16xi32>
    tpu.vector_store %arg9[%swap3A_343], %swap3A_346 {strides = array<i32>} : memref<128xi32, #tpu.memory_space<vmem>>, vector<16xi32>,
    %broadcast_in_dim3A_347 = arith.constant 3 : i32
    %broadcast_in_dim3A_348 = vector.broadcast %broadcast_in_dim3A_347 : i32 to vector<16xi32>
    %mul3A_349 = arith.constant 2 : i32
    %mul3A_350 = arith.muli %arg1, %mul3A_349 : i32
    %add3A_351 = arith.constant 0 : i32
    %add3A_352 = arith.addi %mul3A_350, %add3A_351 : i32
    %mul3A_353 = arith.constant 4 : i32
    %mul3A_354 = arith.muli %add3A_352, %mul3A_353 : i32
    %add3A_355 = vector.broadcast %mul3A_354 : i32 to vector<16xi32>
    %add3A_356 = arith.addi %broadcast_in_dim3A_348, %add3A_355 : vector<16xi32>
    %swap3A_357 = arith.constant 96 : index
    %swap3A_358 = tpu.vector_load %arg9[%swap3A_357] {strides = array<i32>} : memref<128xi32, #tpu.memory_space<vmem>>, vector<16xi32>,
    %swap3A_359 = vector.shape_cast %swap3A_358 : vector<16xi32> to vector<16xi32>
    %swap3A_360 = vector.shape_cast %add3A_356 : vector<16xi32> to vector<16xi32>
    tpu.vector_store %arg9[%swap3A_357], %swap3A_360 {strides = array<i32>} : memref<128xi32, #tpu.memory_space<vmem>>, vector<16xi32>,
    %broadcast_in_dim3A_361 = arith.constant 3 : i32
    %broadcast_in_dim3A_362 = vector.broadcast %broadcast_in_dim3A_361 : i32 to vector<16xi32>
    %mul3A_363 = arith.constant 2 : i32
    %mul3A_364 = arith.muli %arg1, %mul3A_363 : i32
    %add3A_365 = arith.constant 0 : i32
    %add3A_366 = arith.addi %mul3A_364, %add3A_365 : i32
    %mul3A_367 = arith.constant 4 : i32
    %mul3A_368 = arith.muli %add3A_366, %mul3A_367 : i32
    %add3A_369 = vector.broadcast %mul3A_368 : i32 to vector<16xi32>
    %add3A_370 = arith.addi %broadcast_in_dim3A_362, %add3A_369 : vector<16xi32>
    %swap3A_371 = arith.constant 112 : index
    %swap3A_372 = tpu.vector_load %arg9[%swap3A_371] {strides = array<i32>} : memref<128xi32, #tpu.memory_space<vmem>>, vector<16xi32>,
    %swap3A_373 = vector.shape_cast %swap3A_372 : vector<16xi32> to vector<16xi32>
    %swap3A_374 = vector.shape_cast %add3A_370 : vector<16xi32> to vector<16xi32>
    tpu.vector_store %arg9[%swap3A_371], %swap3A_374 {strides = array<i32>} : memref<128xi32, #tpu.memory_space<vmem>>, vector<16xi32>,
    %broadcast_in_dim3A_375 = arith.constant 0 : i32
    %broadcast_in_dim3A_376 = vector.broadcast %broadcast_in_dim3A_375 : i32 to vector<16xi32>
    %mul3A_377 = arith.constant 2 : i32
    %mul3A_378 = arith.muli %arg1, %mul3A_377 : i32
    %add3A_379 = arith.constant 1 : i32
    %add3A_380 = arith.addi %mul3A_378, %add3A_379 : i32
    %mul3A_381 = arith.constant 4 : i32
    %mul3A_382 = arith.muli %add3A_380, %mul3A_381 : i32
    %add3A_383 = vector.broadcast %mul3A_382 : i32 to vector<16xi32>
    %add3A_384 = arith.addi %broadcast_in_dim3A_376, %add3A_383 : vector<16xi32>
    %swap3A_385 = arith.constant 0 : index
    %swap3A_386 = tpu.vector_load %arg10[%swap3A_385] {strides = array<i32>} : memref<128xi32, #tpu.memory_space<vmem>>, vector<16xi32>,
    %swap3A_387 = vector.shape_cast %swap3A_386 : vector<16xi32> to vector<16xi32>
    %swap3A_388 = vector.shape_cast %add3A_384 : vector<16xi32> to vector<16xi32>
    tpu.vector_store %arg10[%swap3A_385], %swap3A_388 {strides = array<i32>} : memref<128xi32, #tpu.memory_space<vmem>>, vector<16xi32>,
    %broadcast_in_dim3A_389 = arith.constant 0 : i32
    %broadcast_in_dim3A_390 = vector.broadcast %broadcast_in_dim3A_389 : i32 to vector<16xi32>
    %mul3A_391 = arith.constant 2 : i32
    %mul3A_392 = arith.muli %arg1, %mul3A_391 : i32
    %add3A_393 = arith.constant 1 : i32
    %add3A_394 = arith.addi %mul3A_392, %add3A_393 : i32
    %mul3A_395 = arith.constant 4 : i32
    %mul3A_396 = arith.muli %add3A_394, %mul3A_395 : i32
    %add3A_397 = vector.broadcast %mul3A_396 : i32 to vector<16xi32>
    %add3A_398 = arith.addi %broadcast_in_dim3A_390, %add3A_397 : vector<16xi32>
    %swap3A_399 = arith.constant 16 : index
    %swap3A_400 = tpu.vector_load %arg10[%swap3A_399] {strides = array<i32>} : memref<128xi32, #tpu.memory_space<vmem>>, vector<16xi32>,
    %swap3A_401 = vector.shape_cast %swap3A_400 : vector<16xi32> to vector<16xi32>
    %swap3A_402 = vector.shape_cast %add3A_398 : vector<16xi32> to vector<16xi32>
    tpu.vector_store %arg10[%swap3A_399], %swap3A_402 {strides = array<i32>} : memref<128xi32, #tpu.memory_space<vmem>>, vector<16xi32>,
    %broadcast_in_dim3A_403 = arith.constant 1 : i32
    %broadcast_in_dim3A_404 = vector.broadcast %broadcast_in_dim3A_403 : i32 to vector<16xi32>
    %mul3A_405 = arith.constant 2 : i32
    %mul3A_406 = arith.muli %arg1, %mul3A_405 : i32
    %add3A_407 = arith.constant 1 : i32
    %add3A_408 = arith.addi %mul3A_406, %add3A_407 : i32
    %mul3A_409 = arith.constant 4 : i32
    %mul3A_410 = arith.muli %add3A_408, %mul3A_409 : i32
    %add3A_411 = vector.broadcast %mul3A_410 : i32 to vector<16xi32>
    %add3A_412 = arith.addi %broadcast_in_dim3A_404, %add3A_411 : vector<16xi32>
    %swap3A_413 = arith.constant 32 : index
    %swap3A_414 = tpu.vector_load %arg10[%swap3A_413] {strides = array<i32>} : memref<128xi32, #tpu.memory_space<vmem>>, vector<16xi32>,
    %swap3A_415 = vector.shape_cast %swap3A_414 : vector<16xi32> to vector<16xi32>
    %swap3A_416 = vector.shape_cast %add3A_412 : vector<16xi32> to vector<16xi32>
    tpu.vector_store %arg10[%swap3A_413], %swap3A_416 {strides = array<i32>} : memref<128xi32, #tpu.memory_space<vmem>>, vector<16xi32>,
    %broadcast_in_dim3A_417 = arith.constant 1 : i32
    %broadcast_in_dim3A_418 = vector.broadcast %broadcast_in_dim3A_417 : i32 to vector<16xi32>
    %mul3A_419 = arith.constant 2 : i32
    %mul3A_420 = arith.muli %arg1, %mul3A_419 : i32
    %add3A_421 = arith.constant 1 : i32
    %add3A_422 = arith.addi %mul3A_420, %add3A_421 : i32
    %mul3A_423 = arith.constant 4 : i32
    %mul3A_424 = arith.muli %add3A_422, %mul3A_423 : i32
    %add3A_425 = vector.broadcast %mul3A_424 : i32 to vector<16xi32>
    %add3A_426 = arith.addi %broadcast_in_dim3A_418, %add3A_425 : vector<16xi32>
    %swap3A_427 = arith.constant 48 : index
    %swap3A_428 = tpu.vector_load %arg10[%swap3A_427] {strides = array<i32>} : memref<128xi32, #tpu.memory_space<vmem>>, vector<16xi32>,
    %swap3A_429 = vector.shape_cast %swap3A_428 : vector<16xi32> to vector<16xi32>
    %swap3A_430 = vector.shape_cast %add3A_426 : vector<16xi32> to vector<16xi32>
    tpu.vector_store %arg10[%swap3A_427], %swap3A_430 {strides = array<i32>} : memref<128xi32, #tpu.memory_space<vmem>>, vector<16xi32>,
    %broadcast_in_dim3A_431 = arith.constant 2 : i32
    %broadcast_in_dim3A_432 = vector.broadcast %broadcast_in_dim3A_431 : i32 to vector<16xi32>
    %mul3A_433 = arith.constant 2 : i32
    %mul3A_434 = arith.muli %arg1, %mul3A_433 : i32
    %add3A_435 = arith.constant 1 : i32
    %add3A_436 = arith.addi %mul3A_434, %add3A_435 : i32
    %mul3A_437 = arith.constant 4 : i32
    %mul3A_438 = arith.muli %add3A_436, %mul3A_437 : i32
    %add3A_439 = vector.broadcast %mul3A_438 : i32 to vector<16xi32>
    %add3A_440 = arith.addi %broadcast_in_dim3A_432, %add3A_439 : vector<16xi32>
    %swap3A_441 = arith.constant 64 : index
    %swap3A_442 = tpu.vector_load %arg10[%swap3A_441] {strides = array<i32>} : memref<128xi32, #tpu.memory_space<vmem>>, vector<16xi32>,
    %swap3A_443 = vector.shape_cast %swap3A_442 : vector<16xi32> to vector<16xi32>
    %swap3A_444 = vector.shape_cast %add3A_440 : vector<16xi32> to vector<16xi32>
    tpu.vector_store %arg10[%swap3A_441], %swap3A_444 {strides = array<i32>} : memref<128xi32, #tpu.memory_space<vmem>>, vector<16xi32>,
    %broadcast_in_dim3A_445 = arith.constant 2 : i32
    %broadcast_in_dim3A_446 = vector.broadcast %broadcast_in_dim3A_445 : i32 to vector<16xi32>
    %mul3A_447 = arith.constant 2 : i32
    %mul3A_448 = arith.muli %arg1, %mul3A_447 : i32
    %add3A_449 = arith.constant 1 : i32
    %add3A_450 = arith.addi %mul3A_448, %add3A_449 : i32
    %mul3A_451 = arith.constant 4 : i32
    %mul3A_452 = arith.muli %add3A_450, %mul3A_451 : i32
    %add3A_453 = vector.broadcast %mul3A_452 : i32 to vector<16xi32>
    %add3A_454 = arith.addi %broadcast_in_dim3A_446, %add3A_453 : vector<16xi32>
    %swap3A_455 = arith.constant 80 : index
    %swap3A_456 = tpu.vector_load %arg10[%swap3A_455] {strides = array<i32>} : memref<128xi32, #tpu.memory_space<vmem>>, vector<16xi32>,
    %swap3A_457 = vector.shape_cast %swap3A_456 : vector<16xi32> to vector<16xi32>
    %swap3A_458 = vector.shape_cast %add3A_454 : vector<16xi32> to vector<16xi32>
    tpu.vector_store %arg10[%swap3A_455], %swap3A_458 {strides = array<i32>} : memref<128xi32, #tpu.memory_space<vmem>>, vector<16xi32>,
    %broadcast_in_dim3A_459 = arith.constant 3 : i32
    %broadcast_in_dim3A_460 = vector.broadcast %broadcast_in_dim3A_459 : i32 to vector<16xi32>
    %mul3A_461 = arith.constant 2 : i32
    %mul3A_462 = arith.muli %arg1, %mul3A_461 : i32
    %add3A_463 = arith.constant 1 : i32
    %add3A_464 = arith.addi %mul3A_462, %add3A_463 : i32
    %mul3A_465 = arith.constant 4 : i32
    %mul3A_466 = arith.muli %add3A_464, %mul3A_465 : i32
    %add3A_467 = vector.broadcast %mul3A_466 : i32 to vector<16xi32>
    %add3A_468 = arith.addi %broadcast_in_dim3A_460, %add3A_467 : vector<16xi32>
    %swap3A_469 = arith.constant 96 : index
    %swap3A_470 = tpu.vector_load %arg10[%swap3A_469] {strides = array<i32>} : memref<128xi32, #tpu.memory_space<vmem>>, vector<16xi32>,
    %swap3A_471 = vector.shape_cast %swap3A_470 : vector<16xi32> to vector<16xi32>
    %swap3A_472 = vector.shape_cast %add3A_468 : vector<16xi32> to vector<16xi32>
    tpu.vector_store %arg10[%swap3A_469], %swap3A_472 {strides = array<i32>} : memref<128xi32, #tpu.memory_space<vmem>>, vector<16xi32>,
    %broadcast_in_dim3A_473 = arith.constant 3 : i32
    %broadcast_in_dim3A_474 = vector.broadcast %broadcast_in_dim3A_473 : i32 to vector<16xi32>
    %mul3A_475 = arith.constant 2 : i32
    %mul3A_476 = arith.muli %arg1, %mul3A_475 : i32
    %add3A_477 = arith.constant 1 : i32
    %add3A_478 = arith.addi %mul3A_476, %add3A_477 : i32
    %mul3A_479 = arith.constant 4 : i32
    %mul3A_480 = arith.muli %add3A_478, %mul3A_479 : i32
    %add3A_481 = vector.broadcast %mul3A_480 : i32 to vector<16xi32>
    %add3A_482 = arith.addi %broadcast_in_dim3A_474, %add3A_481 : vector<16xi32>
    %swap3A_483 = arith.constant 112 : index
    %swap3A_484 = tpu.vector_load %arg10[%swap3A_483] {strides = array<i32>} : memref<128xi32, #tpu.memory_space<vmem>>, vector<16xi32>,
    %swap3A_485 = vector.shape_cast %swap3A_484 : vector<16xi32> to vector<16xi32>
    %swap3A_486 = vector.shape_cast %add3A_482 : vector<16xi32> to vector<16xi32>
    tpu.vector_store %arg10[%swap3A_483], %swap3A_486 {strides = array<i32>} : memref<128xi32, #tpu.memory_space<vmem>>, vector<16xi32>,
    %barrier3A = arith.constant 0 : index
    tpu.barrier barrier_id(%barrier3A)
    %dma_start3A = arith.constant 0 : i32
    %dma_start3A_487 = arith.constant 0 : i32
    %dma_start3A_488 = tpu.memref_slice %arg6[%dma_start3A, %dma_start3A_487] : memref<128x128xf32, #tpu.memory_space<vmem>> -> memref<128x128xf32, #tpu.memory_space<vmem>>
    %dma_start3A_489 = arith.constant 0 : i32
    %dma_start3A_490 = tpu.memref_slice %arg5[%dma_start3A_489] : memref<10240xi32, #tpu.memory_space<vmem>> -> memref<128xi32, #tpu.memory_space<vmem>>
    %dma_start3A_491 = arith.constant 0 : i32
    %dma_start3A_492 = arith.constant 0 : i32
    %dma_start3A_493 = tpu.memref_slice %arg12[%dma_start3A_491, %dma_start3A_492] : memref<10112x128xf32, #tpu.memory_space<vmem_shared>> -> memref<10112x128xf32, #tpu.memory_space<vmem_shared>>
    tpu.enqueue_indirect_dma source(%dma_start3A_493 : memref<10112x128xf32, #tpu.memory_space<vmem_shared>>) target(%dma_start3A_488 : memref<128x128xf32, #tpu.memory_space<vmem>>) offsets(%dma_start3A_490 : memref<128xi32, #tpu.memory_space<vmem>>) semaphore(%arg13 : memref<!tpu.dma_semaphore, #tpu.memory_space<semaphore_mem>>)
    %scan3A = arith.constant 0 : i32
    %scan3A_494 = arith.constant 0 : i32
    %scan3A_495 = arith.constant 40 : i32
    %scan3A_496 = arith.addi %scan3A_494, %scan3A_495 : i32
    %scan3A_497 = arith.constant 1 : i32
    scf.for %scan3A_522 = %scan3A_494 to %scan3A_496 step %scan3A_497  : i32 {
      %mul3A_523 = arith.constant 2 : i32
      %mul3A_524 = arith.muli %mul3A_523, %scan3A_522 : i32
      %add3A_525 = arith.constant 0 : i32
      %add3A_526 = arith.addi %mul3A_524, %add3A_525 : i32
      %add3A_527 = arith.constant 1 : i32
      %add3A_528 = arith.addi %add3A_526, %add3A_527 : i32
      %lt3A = arith.constant 80 : i32
      %lt3A_529 = arith.cmpi slt, %add3A_528, %lt3A : i32
      %convert_element_type3A = arith.extui %lt3A_529 : i1 to i32
      %cond3A = arith.constant 0 : i32
      %cond3A_530 = arith.cmpi ne, %convert_element_type3A, %cond3A : i32
      scf.if %cond3A_530 {
        %add3A_611 = arith.constant 1 : i32
        %add3A_612 = arith.addi %add3A_526, %add3A_611 : i32
        %mul3A_613 = arith.constant 128 : i32
        %mul3A_614 = arith.muli %add3A_612, %mul3A_613 : i32
        %add3A_615 = arith.constant 0 : i32
        %add3A_616 = arith.addi %mul3A_614, %add3A_615 : i32
        %dma_start3A_617 = arith.constant 0 : i32
        %dma_start3A_618 = arith.constant 0 : i32
        %dma_start3A_619 = tpu.memref_slice %arg7[%dma_start3A_617, %dma_start3A_618] : memref<128x128xf32, #tpu.memory_space<vmem>> -> memref<128x128xf32, #tpu.memory_space<vmem>>
        %dma_start3A_620 = tpu.memref_slice %arg5[%add3A_616] : memref<10240xi32, #tpu.memory_space<vmem>> -> memref<128xi32, #tpu.memory_space<vmem>>
        %dma_start3A_621 = arith.constant 0 : i32
        %dma_start3A_622 = arith.constant 0 : i32
        %dma_start3A_623 = tpu.memref_slice %arg12[%dma_start3A_621, %dma_start3A_622] : memref<10112x128xf32, #tpu.memory_space<vmem_shared>> -> memref<10112x128xf32, #tpu.memory_space<vmem_shared>>
        tpu.enqueue_indirect_dma source(%dma_start3A_623 : memref<10112x128xf32, #tpu.memory_space<vmem_shared>>) target(%dma_start3A_619 : memref<128x128xf32, #tpu.memory_space<vmem>>) offsets(%dma_start3A_620 : memref<128xi32, #tpu.memory_space<vmem>>) semaphore(%arg14 : memref<!tpu.dma_semaphore, #tpu.memory_space<semaphore_mem>>)
      } else {
      }
      %ge3A = arith.constant 2 : i32
      %ge3A_531 = arith.cmpi sge, %add3A_526, %ge3A : i32
      %convert_element_type3A_532 = arith.extui %ge3A_531 : i1 to i32
      %cond3A_533 = arith.constant 0 : i32
      %cond3A_534 = arith.cmpi ne, %convert_element_type3A_532, %cond3A_533 : i32
      scf.if %cond3A_534 {
        %sub3A = arith.constant 2 : i32
        %sub3A_611 = arith.subi %add3A_526, %sub3A : i32
        %mul3A_612 = arith.constant 2 : i32
        %mul3A_613 = arith.muli %arg1, %mul3A_612 : i32
        %add3A_614 = arith.constant 0 : i32
        %add3A_615 = arith.addi %mul3A_613, %add3A_614 : i32
        %mul3A_616 = arith.constant 4 : i32
        %mul3A_617 = arith.muli %add3A_615, %mul3A_616 : i32
        %mul3A_618 = arith.constant 4 : i32
        %mul3A_619 = arith.muli %sub3A_611, %mul3A_618 : i32
        %add3A_620 = arith.addi %mul3A_2, %mul3A_619 : i32
        %dma_wait3A_621 = arith.constant 0 : i32
        %dma_wait3A_622 = tpu.memref_slice %arg4[%add3A_620, %dma_wait3A_621] : memref<10240x128xf32, #tpu.memory_space<hbm>> -> memref<4x128xf32, #tpu.memory_space<hbm>>
        %dma_wait3A_623 = arith.constant 0 : i32
        %dma_wait3A_624 = tpu.memref_slice %arg11[%mul3A_617, %dma_wait3A_623] : memref<128x128xf32, #tpu.memory_space<vmem_shared>> -> memref<4x128xf32, #tpu.memory_space<vmem_shared>>
        tpu.wait_dma2 semaphore(%arg15 : memref<!tpu.dma_semaphore, #tpu.memory_space<semaphore_mem>>) src(%dma_wait3A_624 : memref<4x128xf32, #tpu.memory_space<vmem_shared>>) dst(%dma_wait3A_622 : memref<4x128xf32, #tpu.memory_space<hbm>>)
      } else {
      }
      %mul3A_535 = arith.constant 2 : i32
      %mul3A_536 = arith.muli %arg1, %mul3A_535 : i32
      %add3A_537 = arith.constant 0 : i32
      %add3A_538 = arith.addi %mul3A_536, %add3A_537 : i32
      %mul3A_539 = arith.constant 4 : i32
      %mul3A_540 = arith.muli %add3A_538, %mul3A_539 : i32
      "tpu.region"() ({
        %run_scoped3A = tpu.sem_alloc : memref<!tpu.dma_semaphore, #tpu.memory_space<semaphore_mem>>
        %dma_start3A_611 = arith.constant 0 : i32
        %dma_start3A_612 = tpu.memref_slice %arg11[%mul3A_540, %dma_start3A_611] : memref<128x128xf32, #tpu.memory_space<vmem_shared>> -> memref<4x128xf32, #tpu.memory_space<vmem_shared>>
        %dma_start3A_613 = arith.constant 0 : i32
        %dma_start3A_614 = tpu.memref_slice %arg11[%mul3A_540, %dma_start3A_613] : memref<128x128xf32, #tpu.memory_space<vmem_shared>> -> memref<4x128xf32, #tpu.memory_space<vmem_shared>>
        tpu.enqueue_dma source(%arg8 : memref<4x128xf32, #tpu.memory_space<vmem>>) target(%dma_start3A_614 : memref<4x128xf32, #tpu.memory_space<vmem_shared>>) target_semaphore(%run_scoped3A : memref<!tpu.dma_semaphore, #tpu.memory_space<semaphore_mem>>)
        %dma_wait3A_615 = arith.constant 0 : i32
        %dma_wait3A_616 = tpu.memref_slice %arg11[%mul3A_540, %dma_wait3A_615] : memref<128x128xf32, #tpu.memory_space<vmem_shared>> -> memref<4x128xf32, #tpu.memory_space<vmem_shared>>
        %dma_wait3A_617 = arith.constant 0 : i32
        %dma_wait3A_618 = tpu.memref_slice %arg11[%mul3A_540, %dma_wait3A_617] : memref<128x128xf32, #tpu.memory_space<vmem_shared>> -> memref<4x128xf32, #tpu.memory_space<vmem_shared>>
        tpu.wait_dma2 semaphore(%run_scoped3A : memref<!tpu.dma_semaphore, #tpu.memory_space<semaphore_mem>>) src(%arg8 : memref<4x128xf32, #tpu.memory_space<vmem>>) dst(%dma_wait3A_618 : memref<4x128xf32, #tpu.memory_space<vmem_shared>>)
        tpu.yield
      }) : () -> ()
      %mul3A_541 = arith.constant 128 : i32
      %mul3A_542 = arith.muli %add3A_526, %mul3A_541 : i32
      %add3A_543 = arith.constant 0 : i32
      %add3A_544 = arith.addi %mul3A_542, %add3A_543 : i32
      %dma_wait3A_545 = arith.constant 0 : i32
      %dma_wait3A_546 = arith.constant 0 : i32
      %dma_wait3A_547 = tpu.memref_slice %arg6[%dma_wait3A_545, %dma_wait3A_546] : memref<128x128xf32, #tpu.memory_space<vmem>> -> memref<128x128xf32, #tpu.memory_space<vmem>>
      %dma_wait3A_548 = tpu.memref_slice %arg5[%add3A_544] : memref<10240xi32, #tpu.memory_space<vmem>> -> memref<128xi32, #tpu.memory_space<vmem>>
      %dma_wait3A_549 = arith.constant 0 : i32
      %dma_wait3A_550 = arith.constant 0 : i32
      %dma_wait3A_551 = tpu.memref_slice %arg12[%dma_wait3A_549, %dma_wait3A_550] : memref<10112x128xf32, #tpu.memory_space<vmem_shared>> -> memref<10112x128xf32, #tpu.memory_space<vmem_shared>>
      tpu.wait_indirect_dma semaphore(%arg13 : memref<!tpu.dma_semaphore, #tpu.memory_space<semaphore_mem>>) src(%dma_wait3A_551 : memref<10112x128xf32, #tpu.memory_space<vmem_shared>>) dst(%dma_wait3A_547 : memref<128x128xf32, #tpu.memory_space<vmem>>)
      "tpu.region"() ({
        %run_scoped3A = tpu.sem_alloc : memref<!tpu.dma_semaphore, #tpu.memory_space<semaphore_mem>>
        %dma_start3A_611 = arith.constant 0 : i32
        %dma_start3A_612 = arith.constant 0 : i32
        %dma_start3A_613 = tpu.memref_slice %arg11[%dma_start3A_611, %dma_start3A_612] : memref<128x128xf32, #tpu.memory_space<vmem_shared>> -> memref<128x128xf32, #tpu.memory_space<vmem_shared>>
        tpu.enqueue_indirect_dma source(%arg6 : memref<128x128xf32, #tpu.memory_space<vmem>>) target(%dma_start3A_613 : memref<128x128xf32, #tpu.memory_space<vmem_shared>>) offsets(%arg9 : memref<128xi32, #tpu.memory_space<vmem>>) semaphore(%run_scoped3A : memref<!tpu.dma_semaphore, #tpu.memory_space<semaphore_mem>>) {add = true}
        %dma_wait3A_614 = arith.constant 0 : i32
        %dma_wait3A_615 = arith.constant 0 : i32
        %dma_wait3A_616 = tpu.memref_slice %arg11[%dma_wait3A_614, %dma_wait3A_615] : memref<128x128xf32, #tpu.memory_space<vmem_shared>> -> memref<128x128xf32, #tpu.memory_space<vmem_shared>>
        tpu.wait_indirect_dma semaphore(%run_scoped3A : memref<!tpu.dma_semaphore, #tpu.memory_space<semaphore_mem>>) src(%arg6 : memref<128x128xf32, #tpu.memory_space<vmem>>) dst(%dma_wait3A_616 : memref<128x128xf32, #tpu.memory_space<vmem_shared>>)
        tpu.yield
      }) : () -> ()
      %mul3A_552 = arith.constant 2 : i32
      %mul3A_553 = arith.muli %arg1, %mul3A_552 : i32
      %add3A_554 = arith.constant 0 : i32
      %add3A_555 = arith.addi %mul3A_553, %add3A_554 : i32
      %mul3A_556 = arith.constant 4 : i32
      %mul3A_557 = arith.muli %add3A_555, %mul3A_556 : i32
      %mul3A_558 = arith.constant 4 : i32
      %mul3A_559 = arith.muli %add3A_526, %mul3A_558 : i32
      %add3A_560 = arith.addi %mul3A_2, %mul3A_559 : i32
      %dma_start3A_561 = arith.constant 0 : i32
      %dma_start3A_562 = tpu.memref_slice %arg4[%add3A_560, %dma_start3A_561] : memref<10240x128xf32, #tpu.memory_space<hbm>> -> memref<4x128xf32, #tpu.memory_space<hbm>>
      %dma_start3A_563 = arith.constant 0 : i32
      %dma_start3A_564 = tpu.memref_slice %arg11[%mul3A_557, %dma_start3A_563] : memref<128x128xf32, #tpu.memory_space<vmem_shared>> -> memref<4x128xf32, #tpu.memory_space<vmem_shared>>
      tpu.enqueue_dma source(%dma_start3A_564 : memref<4x128xf32, #tpu.memory_space<vmem_shared>>) target(%dma_start3A_562 : memref<4x128xf32, #tpu.memory_space<hbm>>) target_semaphore(%arg15 : memref<!tpu.dma_semaphore, #tpu.memory_space<semaphore_mem>>)
      %mul3A_565 = arith.constant 2 : i32
      %mul3A_566 = arith.muli %mul3A_565, %scan3A_522 : i32
      %add3A_567 = arith.constant 1 : i32
      %add3A_568 = arith.addi %mul3A_566, %add3A_567 : i32
      %add3A_569 = arith.constant 1 : i32
      %add3A_570 = arith.addi %add3A_568, %add3A_569 : i32
      %lt3A_571 = arith.constant 80 : i32
      %lt3A_572 = arith.cmpi slt, %add3A_570, %lt3A_571 : i32
      %convert_element_type3A_573 = arith.extui %lt3A_572 : i1 to i32
      %cond3A_574 = arith.constant 0 : i32
      %cond3A_575 = arith.cmpi ne, %convert_element_type3A_573, %cond3A_574 : i32
      scf.if %cond3A_575 {
        %add3A_611 = arith.constant 1 : i32
        %add3A_612 = arith.addi %add3A_568, %add3A_611 : i32
        %mul3A_613 = arith.constant 128 : i32
        %mul3A_614 = arith.muli %add3A_612, %mul3A_613 : i32
        %add3A_615 = arith.constant 0 : i32
        %add3A_616 = arith.addi %mul3A_614, %add3A_615 : i32
        %dma_start3A_617 = arith.constant 0 : i32
        %dma_start3A_618 = arith.constant 0 : i32
        %dma_start3A_619 = tpu.memref_slice %arg6[%dma_start3A_617, %dma_start3A_618] : memref<128x128xf32, #tpu.memory_space<vmem>> -> memref<128x128xf32, #tpu.memory_space<vmem>>
        %dma_start3A_620 = tpu.memref_slice %arg5[%add3A_616] : memref<10240xi32, #tpu.memory_space<vmem>> -> memref<128xi32, #tpu.memory_space<vmem>>
        %dma_start3A_621 = arith.constant 0 : i32
        %dma_start3A_622 = arith.constant 0 : i32
        %dma_start3A_623 = tpu.memref_slice %arg12[%dma_start3A_621, %dma_start3A_622] : memref<10112x128xf32, #tpu.memory_space<vmem_shared>> -> memref<10112x128xf32, #tpu.memory_space<vmem_shared>>
        tpu.enqueue_indirect_dma source(%dma_start3A_623 : memref<10112x128xf32, #tpu.memory_space<vmem_shared>>) target(%dma_start3A_619 : memref<128x128xf32, #tpu.memory_space<vmem>>) offsets(%dma_start3A_620 : memref<128xi32, #tpu.memory_space<vmem>>) semaphore(%arg13 : memref<!tpu.dma_semaphore, #tpu.memory_space<semaphore_mem>>)
      } else {
      }
      %ge3A_576 = arith.constant 2 : i32
      %ge3A_577 = arith.cmpi sge, %add3A_568, %ge3A_576 : i32
      %convert_element_type3A_578 = arith.extui %ge3A_577 : i1 to i32
      %cond3A_579 = arith.constant 0 : i32
      %cond3A_580 = arith.cmpi ne, %convert_element_type3A_578, %cond3A_579 : i32
      scf.if %cond3A_580 {
        %sub3A = arith.constant 2 : i32
        %sub3A_611 = arith.subi %add3A_568, %sub3A : i32
        %mul3A_612 = arith.constant 2 : i32
        %mul3A_613 = arith.muli %arg1, %mul3A_612 : i32
        %add3A_614 = arith.constant 1 : i32
        %add3A_615 = arith.addi %mul3A_613, %add3A_614 : i32
        %mul3A_616 = arith.constant 4 : i32
        %mul3A_617 = arith.muli %add3A_615, %mul3A_616 : i32
        %mul3A_618 = arith.constant 4 : i32
        %mul3A_619 = arith.muli %sub3A_611, %mul3A_618 : i32
        %add3A_620 = arith.addi %mul3A_2, %mul3A_619 : i32
        %dma_wait3A_621 = arith.constant 0 : i32
        %dma_wait3A_622 = tpu.memref_slice %arg4[%add3A_620, %dma_wait3A_621] : memref<10240x128xf32, #tpu.memory_space<hbm>> -> memref<4x128xf32, #tpu.memory_space<hbm>>
        %dma_wait3A_623 = arith.constant 0 : i32
        %dma_wait3A_624 = tpu.memref_slice %arg11[%mul3A_617, %dma_wait3A_623] : memref<128x128xf32, #tpu.memory_space<vmem_shared>> -> memref<4x128xf32, #tpu.memory_space<vmem_shared>>
        tpu.wait_dma2 semaphore(%arg16 : memref<!tpu.dma_semaphore, #tpu.memory_space<semaphore_mem>>) src(%dma_wait3A_624 : memref<4x128xf32, #tpu.memory_space<vmem_shared>>) dst(%dma_wait3A_622 : memref<4x128xf32, #tpu.memory_space<hbm>>)
      } else {
      }
      %mul3A_581 = arith.constant 2 : i32
      %mul3A_582 = arith.muli %arg1, %mul3A_581 : i32
      %add3A_583 = arith.constant 1 : i32
      %add3A_584 = arith.addi %mul3A_582, %add3A_583 : i32
      %mul3A_585 = arith.constant 4 : i32
      %mul3A_586 = arith.muli %add3A_584, %mul3A_585 : i32
      "tpu.region"() ({
        %run_scoped3A = tpu.sem_alloc : memref<!tpu.dma_semaphore, #tpu.memory_space<semaphore_mem>>
        %dma_start3A_611 = arith.constant 0 : i32
        %dma_start3A_612 = tpu.memref_slice %arg11[%mul3A_586, %dma_start3A_611] : memref<128x128xf32, #tpu.memory_space<vmem_shared>> -> memref<4x128xf32, #tpu.memory_space<vmem_shared>>
        %dma_start3A_613 = arith.constant 0 : i32
        %dma_start3A_614 = tpu.memref_slice %arg11[%mul3A_586, %dma_start3A_613] : memref<128x128xf32, #tpu.memory_space<vmem_shared>> -> memref<4x128xf32, #tpu.memory_space<vmem_shared>>
        tpu.enqueue_dma source(%arg8 : memref<4x128xf32, #tpu.memory_space<vmem>>) target(%dma_start3A_614 : memref<4x128xf32, #tpu.memory_space<vmem_shared>>) target_semaphore(%run_scoped3A : memref<!tpu.dma_semaphore, #tpu.memory_space<semaphore_mem>>)
        %dma_wait3A_615 = arith.constant 0 : i32
        %dma_wait3A_616 = tpu.memref_slice %arg11[%mul3A_586, %dma_wait3A_615] : memref<128x128xf32, #tpu.memory_space<vmem_shared>> -> memref<4x128xf32, #tpu.memory_space<vmem_shared>>
        %dma_wait3A_617 = arith.constant 0 : i32
        %dma_wait3A_618 = tpu.memref_slice %arg11[%mul3A_586, %dma_wait3A_617] : memref<128x128xf32, #tpu.memory_space<vmem_shared>> -> memref<4x128xf32, #tpu.memory_space<vmem_shared>>
        tpu.wait_dma2 semaphore(%run_scoped3A : memref<!tpu.dma_semaphore, #tpu.memory_space<semaphore_mem>>) src(%arg8 : memref<4x128xf32, #tpu.memory_space<vmem>>) dst(%dma_wait3A_618 : memref<4x128xf32, #tpu.memory_space<vmem_shared>>)
        tpu.yield
      }) : () -> ()
      %mul3A_587 = arith.constant 128 : i32
      %mul3A_588 = arith.muli %add3A_568, %mul3A_587 : i32
      %add3A_589 = arith.constant 0 : i32
      %add3A_590 = arith.addi %mul3A_588, %add3A_589 : i32
      %dma_wait3A_591 = arith.constant 0 : i32
      %dma_wait3A_592 = arith.constant 0 : i32
      %dma_wait3A_593 = tpu.memref_slice %arg7[%dma_wait3A_591, %dma_wait3A_592] : memref<128x128xf32, #tpu.memory_space<vmem>> -> memref<128x128xf32, #tpu.memory_space<vmem>>
      %dma_wait3A_594 = tpu.memref_slice %arg5[%add3A_590] : memref<10240xi32, #tpu.memory_space<vmem>> -> memref<128xi32, #tpu.memory_space<vmem>>
      %dma_wait3A_595 = arith.constant 0 : i32
      %dma_wait3A_596 = arith.constant 0 : i32
      %dma_wait3A_597 = tpu.memref_slice %arg12[%dma_wait3A_595, %dma_wait3A_596] : memref<10112x128xf32, #tpu.memory_space<vmem_shared>> -> memref<10112x128xf32, #tpu.memory_space<vmem_shared>>
      tpu.wait_indirect_dma semaphore(%arg14 : memref<!tpu.dma_semaphore, #tpu.memory_space<semaphore_mem>>) src(%dma_wait3A_597 : memref<10112x128xf32, #tpu.memory_space<vmem_shared>>) dst(%dma_wait3A_593 : memref<128x128xf32, #tpu.memory_space<vmem>>)
      "tpu.region"() ({
        %run_scoped3A = tpu.sem_alloc : memref<!tpu.dma_semaphore, #tpu.memory_space<semaphore_mem>>
        %dma_start3A_611 = arith.constant 0 : i32
        %dma_start3A_612 = arith.constant 0 : i32
        %dma_start3A_613 = tpu.memref_slice %arg11[%dma_start3A_611, %dma_start3A_612] : memref<128x128xf32, #tpu.memory_space<vmem_shared>> -> memref<128x128xf32, #tpu.memory_space<vmem_shared>>
        tpu.enqueue_indirect_dma source(%arg7 : memref<128x128xf32, #tpu.memory_space<vmem>>) target(%dma_start3A_613 : memref<128x128xf32, #tpu.memory_space<vmem_shared>>) offsets(%arg10 : memref<128xi32, #tpu.memory_space<vmem>>) semaphore(%run_scoped3A : memref<!tpu.dma_semaphore, #tpu.memory_space<semaphore_mem>>) {add = true}
        %dma_wait3A_614 = arith.constant 0 : i32
        %dma_wait3A_615 = arith.constant 0 : i32
        %dma_wait3A_616 = tpu.memref_slice %arg11[%dma_wait3A_614, %dma_wait3A_615] : memref<128x128xf32, #tpu.memory_space<vmem_shared>> -> memref<128x128xf32, #tpu.memory_space<vmem_shared>>
        tpu.wait_indirect_dma semaphore(%run_scoped3A : memref<!tpu.dma_semaphore, #tpu.memory_space<semaphore_mem>>) src(%arg7 : memref<128x128xf32, #tpu.memory_space<vmem>>) dst(%dma_wait3A_616 : memref<128x128xf32, #tpu.memory_space<vmem_shared>>)
        tpu.yield
      }) : () -> ()
      %mul3A_598 = arith.constant 2 : i32
      %mul3A_599 = arith.muli %arg1, %mul3A_598 : i32
      %add3A_600 = arith.constant 1 : i32
      %add3A_601 = arith.addi %mul3A_599, %add3A_600 : i32
      %mul3A_602 = arith.constant 4 : i32
      %mul3A_603 = arith.muli %add3A_601, %mul3A_602 : i32
      %mul3A_604 = arith.constant 4 : i32
      %mul3A_605 = arith.muli %add3A_568, %mul3A_604 : i32
      %add3A_606 = arith.addi %mul3A_2, %mul3A_605 : i32
      %dma_start3A_607 = arith.constant 0 : i32
      %dma_start3A_608 = tpu.memref_slice %arg4[%add3A_606, %dma_start3A_607] : memref<10240x128xf32, #tpu.memory_space<hbm>> -> memref<4x128xf32, #tpu.memory_space<hbm>>
      %dma_start3A_609 = arith.constant 0 : i32
      %dma_start3A_610 = tpu.memref_slice %arg11[%mul3A_603, %dma_start3A_609] : memref<128x128xf32, #tpu.memory_space<vmem_shared>> -> memref<4x128xf32, #tpu.memory_space<vmem_shared>>
      tpu.enqueue_dma source(%dma_start3A_610 : memref<4x128xf32, #tpu.memory_space<vmem_shared>>) target(%dma_start3A_608 : memref<4x128xf32, #tpu.memory_space<hbm>>) target_semaphore(%arg16 : memref<!tpu.dma_semaphore, #tpu.memory_space<semaphore_mem>>)
    }
    %scan3A_498 = arith.constant 40 : i32
    %mul3A_499 = arith.constant 2 : i32
    %mul3A_500 = arith.muli %arg1, %mul3A_499 : i32
    %add3A_501 = arith.constant 0 : i32
    %add3A_502 = arith.addi %mul3A_500, %add3A_501 : i32
    %mul3A_503 = arith.constant 4 : i32
    %mul3A_504 = arith.muli %add3A_502, %mul3A_503 : i32
    %add3A_505 = arith.constant 312 : i32
    %add3A_506 = arith.addi %mul3A_2, %add3A_505 : i32
    %dma_wait3A = arith.constant 0 : i32
    %dma_wait3A_507 = tpu.memref_slice %arg4[%add3A_506, %dma_wait3A] : memref<10240x128xf32, #tpu.memory_space<hbm>> -> memref<4x128xf32, #tpu.memory_space<hbm>>
    %dma_wait3A_508 = arith.constant 0 : i32
    %dma_wait3A_509 = tpu.memref_slice %arg11[%mul3A_504, %dma_wait3A_508] : memref<128x128xf32, #tpu.memory_space<vmem_shared>> -> memref<4x128xf32, #tpu.memory_space<vmem_shared>>
    tpu.wait_dma2 semaphore(%arg15 : memref<!tpu.dma_semaphore, #tpu.memory_space<semaphore_mem>>) src(%dma_wait3A_509 : memref<4x128xf32, #tpu.memory_space<vmem_shared>>) dst(%dma_wait3A_507 : memref<4x128xf32, #tpu.memory_space<hbm>>)
    %mul3A_510 = arith.constant 2 : i32
    %mul3A_511 = arith.muli %arg1, %mul3A_510 : i32
    %add3A_512 = arith.constant 1 : i32
    %add3A_513 = arith.addi %mul3A_511, %add3A_512 : i32
    %mul3A_514 = arith.constant 4 : i32
    %mul3A_515 = arith.muli %add3A_513, %mul3A_514 : i32
    %add3A_516 = arith.constant 316 : i32
    %add3A_517 = arith.addi %mul3A_2, %add3A_516 : i32
    %dma_wait3A_518 = arith.constant 0 : i32
    %dma_wait3A_519 = tpu.memref_slice %arg4[%add3A_517, %dma_wait3A_518] : memref<10240x128xf32, #tpu.memory_space<hbm>> -> memref<4x128xf32, #tpu.memory_space<hbm>>
    %dma_wait3A_520 = arith.constant 0 : i32
    %dma_wait3A_521 = tpu.memref_slice %arg11[%mul3A_515, %dma_wait3A_520] : memref<128x128xf32, #tpu.memory_space<vmem_shared>> -> memref<4x128xf32, #tpu.memory_space<vmem_shared>>
    tpu.wait_dma2 semaphore(%arg16 : memref<!tpu.dma_semaphore, #tpu.memory_space<semaphore_mem>>) src(%dma_wait3A_521 : memref<4x128xf32, #tpu.memory_space<vmem_shared>>) dst(%dma_wait3A_519 : memref<4x128xf32, #tpu.memory_space<hbm>>)
    return
  }
}

#map = affine_map<(d0, d1) -> (0, 0)>
#map1 = affine_map<(d0, d1) -> (0)>
module attributes {stable_mosaic.version = 14 : i64} {
  func.func @body(%arg0: i32, %arg1: i32, %arg2: memref<10240x128xf32, #tpu.memory_space<hbm>>, %arg3: memref<327680xi32, #tpu.memory_space<hbm>>, %arg4: memref<10240x128xf32, #tpu.memory_space<hbm>>, %arg5: memref<10240xi32, #tpu.memory_space<vmem>>, %arg6: memref<128x128xf32, #tpu.memory_space<vmem>>, %arg7: memref<128x128xf32, #tpu.memory_space<vmem>>, %arg8: memref<4x128xf32, #tpu.memory_space<vmem>>, %arg9: memref<128xi32, #tpu.memory_space<vmem>>, %arg10: memref<128xi32, #tpu.memory_space<vmem>>, %arg11: memref<128x128xf32, #tpu.memory_space<vmem_shared>>, %arg12: memref<10112x128xf32, #tpu.memory_space<vmem_shared>>, %arg13: memref<!tpu.dma_semaphore, #tpu.memory_space<semaphore_mem>>, %arg14: memref<!tpu.dma_semaphore, #tpu.memory_space<semaphore_mem>>, %arg15: memref<!tpu.dma_semaphore, #tpu.memory_space<semaphore_mem>>, %arg16: memref<!tpu.dma_semaphore, #tpu.memory_space<semaphore_mem>>) attributes {dimension_semantics = [#tpu.dimension_semantics<core_parallel>, #tpu.dimension_semantics<subcore_parallel>], iteration_bounds = array<i64: 2, 16>, scalar_prefetch = 0 : i64, scratch_operands = 12 : i64, tpu.core_type = #tpu.core_type<sc_vector_subcore>, window_params = [{transform_indices = #map}, {transform_indices = #map1}, {transform_indices = #map}]} {
    %mul3A = arith.constant 2 : i32
    %mul3A_0 = arith.muli %arg1, %mul3A : i32
    %add3A = arith.addi %mul3A_0, %arg0 : i32
    %mul3A_1 = arith.constant 320 : i32
    %mul3A_2 = arith.muli %add3A, %mul3A_1 : i32
    %mul3A_3 = arith.constant 632 : i32
    %mul3A_4 = arith.muli %arg1, %mul3A_3 : i32
    %mul3A_5 = arith.constant 632 : i32
    %mul3A_6 = arith.muli %arg1, %mul3A_5 : i32
    "tpu.region"() ({
      %run_scoped3A = tpu.sem_alloc : memref<!tpu.dma_semaphore, #tpu.memory_space<semaphore_mem>>
      %dma_start3A_522 = arith.constant 0 : i32
      %dma_start3A_523 = tpu.memref_slice %arg12[%mul3A_6, %dma_start3A_522] : memref<10112x128xf32, #tpu.memory_space<vmem_shared>> -> memref<632x128xf32, #tpu.memory_space<vmem_shared>>
      %dma_start3A_524 = arith.constant 0 : i32
      %dma_start3A_525 = tpu.memref_slice %arg2[%mul3A_4, %dma_start3A_524] : memref<10240x128xf32, #tpu.memory_space<hbm>> -> memref<632x128xf32, #tpu.memory_space<hbm>>
      tpu.enqueue_dma source(%dma_start3A_525 : memref<632x128xf32, #tpu.memory_space<hbm>>) target(%dma_start3A_523 : memref<632x128xf32, #tpu.memory_space<vmem_shared>>) target_semaphore(%run_scoped3A : memref<!tpu.dma_semaphore, #tpu.memory_space<semaphore_mem>>)
      %dma_wait3A_526 = arith.constant 0 : i32
      %dma_wait3A_527 = tpu.memref_slice %arg12[%mul3A_6, %dma_wait3A_526] : memref<10112x128xf32, #tpu.memory_space<vmem_shared>> -> memref<632x128xf32, #tpu.memory_space<vmem_shared>>
      %dma_wait3A_528 = arith.constant 0 : i32
      %dma_wait3A_529 = tpu.memref_slice %arg2[%mul3A_4, %dma_wait3A_528] : memref<10240x128xf32, #tpu.memory_space<hbm>> -> memref<632x128xf32, #tpu.memory_space<hbm>>
      tpu.wait_dma2 semaphore(%run_scoped3A : memref<!tpu.dma_semaphore, #tpu.memory_space<semaphore_mem>>) src(%dma_wait3A_529 : memref<632x128xf32, #tpu.memory_space<hbm>>) dst(%dma_wait3A_527 : memref<632x128xf32, #tpu.memory_space<vmem_shared>>)
      tpu.yield
    }) : () -> ()
    %mul3A_7 = arith.constant 32 : i32
    %mul3A_8 = arith.muli %mul3A_2, %mul3A_7 : i32
    "tpu.region"() ({
      %run_scoped3A = tpu.sem_alloc : memref<!tpu.dma_semaphore, #tpu.memory_space<semaphore_mem>>
      %dma_start3A_522 = tpu.memref_slice %arg3[%mul3A_8] : memref<327680xi32, #tpu.memory_space<hbm>> -> memref<10240xi32, #tpu.memory_space<hbm>>
      %dma_start3A_523 = tpu.memref_slice %arg3[%mul3A_8] : memref<327680xi32, #tpu.memory_space<hbm>> -> memref<10240xi32, #tpu.memory_space<hbm>>
      tpu.enqueue_dma source(%dma_start3A_523 : memref<10240xi32, #tpu.memory_space<hbm>>) target(%arg5 : memref<10240xi32, #tpu.memory_space<vmem>>) target_semaphore(%run_scoped3A : memref<!tpu.dma_semaphore, #tpu.memory_space<semaphore_mem>>)
      %dma_wait3A_524 = tpu.memref_slice %arg3[%mul3A_8] : memref<327680xi32, #tpu.memory_space<hbm>> -> memref<10240xi32, #tpu.memory_space<hbm>>
      %dma_wait3A_525 = tpu.memref_slice %arg3[%mul3A_8] : memref<327680xi32, #tpu.memory_space<hbm>> -> memref<10240xi32, #tpu.memory_space<hbm>>
      tpu.wait_dma2 semaphore(%run_scoped3A : memref<!tpu.dma_semaphore, #tpu.memory_space<semaphore_mem>>) src(%dma_wait3A_525 : memref<10240xi32, #tpu.memory_space<hbm>>) dst(%arg5 : memref<10240xi32, #tpu.memory_space<vmem>>)
      tpu.yield
    }) : () -> ()
    %broadcast_in_dim3A = arith.constant 0.000000e+00 : f32
    %broadcast_in_dim3A_9 = vector.broadcast %broadcast_in_dim3A : f32 to vector<16xf32>
    %swap3A = arith.constant 0 : i32
    %swap3A_10 = arith.index_cast %swap3A : i32 to index
    %swap3A_11 = arith.constant 0 : index
    %swap3A_12 = tpu.vector_load %arg8[%swap3A_10, %swap3A_11] {strides = array<i32>} : memref<4x128xf32, #tpu.memory_space<vmem>>, vector<1x16xf32>,
    %swap3A_13 = vector.shape_cast %swap3A_12 : vector<1x16xf32> to vector<16xf32>
    %swap3A_14 = vector.shape_cast %broadcast_in_dim3A_9 : vector<16xf32> to vector<1x16xf32>
    tpu.vector_store %arg8[%swap3A_10, %swap3A_11], %swap3A_14 {strides = array<i32>} : memref<4x128xf32, #tpu.memory_space<vmem>>, vector<1x16xf32>,
    %broadcast_in_dim3A_15 = arith.constant 0.000000e+00 : f32
    %broadcast_in_dim3A_16 = vector.broadcast %broadcast_in_dim3A_15 : f32 to vector<16xf32>
    %swap3A_17 = arith.constant 0 : i32
    %swap3A_18 = arith.index_cast %swap3A_17 : i32 to index
    %swap3A_19 = arith.constant 16 : index
    %swap3A_20 = tpu.vector_load %arg8[%swap3A_18, %swap3A_19] {strides = array<i32>} : memref<4x128xf32, #tpu.memory_space<vmem>>, vector<1x16xf32>,
    %swap3A_21 = vector.shape_cast %swap3A_20 : vector<1x16xf32> to vector<16xf32>
    %swap3A_22 = vector.shape_cast %broadcast_in_dim3A_16 : vector<16xf32> to vector<1x16xf32>
    tpu.vector_store %arg8[%swap3A_18, %swap3A_19], %swap3A_22 {strides = array<i32>} : memref<4x128xf32, #tpu.memory_space<vmem>>, vector<1x16xf32>,
    %broadcast_in_dim3A_23 = arith.constant 0.000000e+00 : f32
    %broadcast_in_dim3A_24 = vector.broadcast %broadcast_in_dim3A_23 : f32 to vector<16xf32>
    %swap3A_25 = arith.constant 0 : i32
    %swap3A_26 = arith.index_cast %swap3A_25 : i32 to index
    %swap3A_27 = arith.constant 32 : index
    %swap3A_28 = tpu.vector_load %arg8[%swap3A_26, %swap3A_27] {strides = array<i32>} : memref<4x128xf32, #tpu.memory_space<vmem>>, vector<1x16xf32>,
    %swap3A_29 = vector.shape_cast %swap3A_28 : vector<1x16xf32> to vector<16xf32>
    %swap3A_30 = vector.shape_cast %broadcast_in_dim3A_24 : vector<16xf32> to vector<1x16xf32>
    tpu.vector_store %arg8[%swap3A_26, %swap3A_27], %swap3A_30 {strides = array<i32>} : memref<4x128xf32, #tpu.memory_space<vmem>>, vector<1x16xf32>,
    %broadcast_in_dim3A_31 = arith.constant 0.000000e+00 : f32
    %broadcast_in_dim3A_32 = vector.broadcast %broadcast_in_dim3A_31 : f32 to vector<16xf32>
    %swap3A_33 = arith.constant 0 : i32
    %swap3A_34 = arith.index_cast %swap3A_33 : i32 to index
    %swap3A_35 = arith.constant 48 : index
    %swap3A_36 = tpu.vector_load %arg8[%swap3A_34, %swap3A_35] {strides = array<i32>} : memref<4x128xf32, #tpu.memory_space<vmem>>, vector<1x16xf32>,
    %swap3A_37 = vector.shape_cast %swap3A_36 : vector<1x16xf32> to vector<16xf32>
    %swap3A_38 = vector.shape_cast %broadcast_in_dim3A_32 : vector<16xf32> to vector<1x16xf32>
    tpu.vector_store %arg8[%swap3A_34, %swap3A_35], %swap3A_38 {strides = array<i32>} : memref<4x128xf32, #tpu.memory_space<vmem>>, vector<1x16xf32>,
    %broadcast_in_dim3A_39 = arith.constant 0.000000e+00 : f32
    %broadcast_in_dim3A_40 = vector.broadcast %broadcast_in_dim3A_39 : f32 to vector<16xf32>
    %swap3A_41 = arith.constant 0 : i32
    %swap3A_42 = arith.index_cast %swap3A_41 : i32 to index
    %swap3A_43 = arith.constant 64 : index
    %swap3A_44 = tpu.vector_load %arg8[%swap3A_42, %swap3A_43] {strides = array<i32>} : memref<4x128xf32, #tpu.memory_space<vmem>>, vector<1x16xf32>,
    %swap3A_45 = vector.shape_cast %swap3A_44 : vector<1x16xf32> to vector<16xf32>
    %swap3A_46 = vector.shape_cast %broadcast_in_dim3A_40 : vector<16xf32> to vector<1x16xf32>
    tpu.vector_store %arg8[%swap3A_42, %swap3A_43], %swap3A_46 {strides = array<i32>} : memref<4x128xf32, #tpu.memory_space<vmem>>, vector<1x16xf32>,
    %broadcast_in_dim3A_47 = arith.constant 0.000000e+00 : f32
    %broadcast_in_dim3A_48 = vector.broadcast %broadcast_in_dim3A_47 : f32 to vector<16xf32>
    %swap3A_49 = arith.constant 0 : i32
    %swap3A_50 = arith.index_cast %swap3A_49 : i32 to index
    %swap3A_51 = arith.constant 80 : index
    %swap3A_52 = tpu.vector_load %arg8[%swap3A_50, %swap3A_51] {strides = array<i32>} : memref<4x128xf32, #tpu.memory_space<vmem>>, vector<1x16xf32>,
    %swap3A_53 = vector.shape_cast %swap3A_52 : vector<1x16xf32> to vector<16xf32>
    %swap3A_54 = vector.shape_cast %broadcast_in_dim3A_48 : vector<16xf32> to vector<1x16xf32>
    tpu.vector_store %arg8[%swap3A_50, %swap3A_51], %swap3A_54 {strides = array<i32>} : memref<4x128xf32, #tpu.memory_space<vmem>>, vector<1x16xf32>,
    %broadcast_in_dim3A_55 = arith.constant 0.000000e+00 : f32
    %broadcast_in_dim3A_56 = vector.broadcast %broadcast_in_dim3A_55 : f32 to vector<16xf32>
    %swap3A_57 = arith.constant 0 : i32
    %swap3A_58 = arith.index_cast %swap3A_57 : i32 to index
    %swap3A_59 = arith.constant 96 : index
    %swap3A_60 = tpu.vector_load %arg8[%swap3A_58, %swap3A_59] {strides = array<i32>} : memref<4x128xf32, #tpu.memory_space<vmem>>, vector<1x16xf32>,
    %swap3A_61 = vector.shape_cast %swap3A_60 : vector<1x16xf32> to vector<16xf32>
    %swap3A_62 = vector.shape_cast %broadcast_in_dim3A_56 : vector<16xf32> to vector<1x16xf32>
    tpu.vector_store %arg8[%swap3A_58, %swap3A_59], %swap3A_62 {strides = array<i32>} : memref<4x128xf32, #tpu.memory_space<vmem>>, vector<1x16xf32>,
    %broadcast_in_dim3A_63 = arith.constant 0.000000e+00 : f32
    %broadcast_in_dim3A_64 = vector.broadcast %broadcast_in_dim3A_63 : f32 to vector<16xf32>
    %swap3A_65 = arith.constant 0 : i32
    %swap3A_66 = arith.index_cast %swap3A_65 : i32 to index
    %swap3A_67 = arith.constant 112 : index
    %swap3A_68 = tpu.vector_load %arg8[%swap3A_66, %swap3A_67] {strides = array<i32>} : memref<4x128xf32, #tpu.memory_space<vmem>>, vector<1x16xf32>,
    %swap3A_69 = vector.shape_cast %swap3A_68 : vector<1x16xf32> to vector<16xf32>
    %swap3A_70 = vector.shape_cast %broadcast_in_dim3A_64 : vector<16xf32> to vector<1x16xf32>
    tpu.vector_store %arg8[%swap3A_66, %swap3A_67], %swap3A_70 {strides = array<i32>} : memref<4x128xf32, #tpu.memory_space<vmem>>, vector<1x16xf32>,
    %broadcast_in_dim3A_71 = arith.constant 0.000000e+00 : f32
    %broadcast_in_dim3A_72 = vector.broadcast %broadcast_in_dim3A_71 : f32 to vector<16xf32>
    %swap3A_73 = arith.constant 1 : i32
    %swap3A_74 = arith.index_cast %swap3A_73 : i32 to index
    %swap3A_75 = arith.constant 0 : index
    %swap3A_76 = tpu.vector_load %arg8[%swap3A_74, %swap3A_75] {strides = array<i32>} : memref<4x128xf32, #tpu.memory_space<vmem>>, vector<1x16xf32>,
    %swap3A_77 = vector.shape_cast %swap3A_76 : vector<1x16xf32> to vector<16xf32>
    %swap3A_78 = vector.shape_cast %broadcast_in_dim3A_72 : vector<16xf32> to vector<1x16xf32>
    tpu.vector_store %arg8[%swap3A_74, %swap3A_75], %swap3A_78 {strides = array<i32>} : memref<4x128xf32, #tpu.memory_space<vmem>>, vector<1x16xf32>,
    %broadcast_in_dim3A_79 = arith.constant 0.000000e+00 : f32
    %broadcast_in_dim3A_80 = vector.broadcast %broadcast_in_dim3A_79 : f32 to vector<16xf32>
    %swap3A_81 = arith.constant 1 : i32
    %swap3A_82 = arith.index_cast %swap3A_81 : i32 to index
    %swap3A_83 = arith.constant 16 : index
    %swap3A_84 = tpu.vector_load %arg8[%swap3A_82, %swap3A_83] {strides = array<i32>} : memref<4x128xf32, #tpu.memory_space<vmem>>, vector<1x16xf32>,
    %swap3A_85 = vector.shape_cast %swap3A_84 : vector<1x16xf32> to vector<16xf32>
    %swap3A_86 = vector.shape_cast %broadcast_in_dim3A_80 : vector<16xf32> to vector<1x16xf32>
    tpu.vector_store %arg8[%swap3A_82, %swap3A_83], %swap3A_86 {strides = array<i32>} : memref<4x128xf32, #tpu.memory_space<vmem>>, vector<1x16xf32>,
    %broadcast_in_dim3A_87 = arith.constant 0.000000e+00 : f32
    %broadcast_in_dim3A_88 = vector.broadcast %broadcast_in_dim3A_87 : f32 to vector<16xf32>
    %swap3A_89 = arith.constant 1 : i32
    %swap3A_90 = arith.index_cast %swap3A_89 : i32 to index
    %swap3A_91 = arith.constant 32 : index
    %swap3A_92 = tpu.vector_load %arg8[%swap3A_90, %swap3A_91] {strides = array<i32>} : memref<4x128xf32, #tpu.memory_space<vmem>>, vector<1x16xf32>,
    %swap3A_93 = vector.shape_cast %swap3A_92 : vector<1x16xf32> to vector<16xf32>
    %swap3A_94 = vector.shape_cast %broadcast_in_dim3A_88 : vector<16xf32> to vector<1x16xf32>
    tpu.vector_store %arg8[%swap3A_90, %swap3A_91], %swap3A_94 {strides = array<i32>} : memref<4x128xf32, #tpu.memory_space<vmem>>, vector<1x16xf32>,
    %broadcast_in_dim3A_95 = arith.constant 0.000000e+00 : f32
    %broadcast_in_dim3A_96 = vector.broadcast %broadcast_in_dim3A_95 : f32 to vector<16xf32>
    %swap3A_97 = arith.constant 1 : i32
    %swap3A_98 = arith.index_cast %swap3A_97 : i32 to index
    %swap3A_99 = arith.constant 48 : index
    %swap3A_100 = tpu.vector_load %arg8[%swap3A_98, %swap3A_99] {strides = array<i32>} : memref<4x128xf32, #tpu.memory_space<vmem>>, vector<1x16xf32>,
    %swap3A_101 = vector.shape_cast %swap3A_100 : vector<1x16xf32> to vector<16xf32>
    %swap3A_102 = vector.shape_cast %broadcast_in_dim3A_96 : vector<16xf32> to vector<1x16xf32>
    tpu.vector_store %arg8[%swap3A_98, %swap3A_99], %swap3A_102 {strides = array<i32>} : memref<4x128xf32, #tpu.memory_space<vmem>>, vector<1x16xf32>,
    %broadcast_in_dim3A_103 = arith.constant 0.000000e+00 : f32
    %broadcast_in_dim3A_104 = vector.broadcast %broadcast_in_dim3A_103 : f32 to vector<16xf32>
    %swap3A_105 = arith.constant 1 : i32
    %swap3A_106 = arith.index_cast %swap3A_105 : i32 to index
    %swap3A_107 = arith.constant 64 : index
    %swap3A_108 = tpu.vector_load %arg8[%swap3A_106, %swap3A_107] {strides = array<i32>} : memref<4x128xf32, #tpu.memory_space<vmem>>, vector<1x16xf32>,
    %swap3A_109 = vector.shape_cast %swap3A_108 : vector<1x16xf32> to vector<16xf32>
    %swap3A_110 = vector.shape_cast %broadcast_in_dim3A_104 : vector<16xf32> to vector<1x16xf32>
    tpu.vector_store %arg8[%swap3A_106, %swap3A_107], %swap3A_110 {strides = array<i32>} : memref<4x128xf32, #tpu.memory_space<vmem>>, vector<1x16xf32>,
    %broadcast_in_dim3A_111 = arith.constant 0.000000e+00 : f32
    %broadcast_in_dim3A_112 = vector.broadcast %broadcast_in_dim3A_111 : f32 to vector<16xf32>
    %swap3A_113 = arith.constant 1 : i32
    %swap3A_114 = arith.index_cast %swap3A_113 : i32 to index
    %swap3A_115 = arith.constant 80 : index
    %swap3A_116 = tpu.vector_load %arg8[%swap3A_114, %swap3A_115] {strides = array<i32>} : memref<4x128xf32, #tpu.memory_space<vmem>>, vector<1x16xf32>,
    %swap3A_117 = vector.shape_cast %swap3A_116 : vector<1x16xf32> to vector<16xf32>
    %swap3A_118 = vector.shape_cast %broadcast_in_dim3A_112 : vector<16xf32> to vector<1x16xf32>
    tpu.vector_store %arg8[%swap3A_114, %swap3A_115], %swap3A_118 {strides = array<i32>} : memref<4x128xf32, #tpu.memory_space<vmem>>, vector<1x16xf32>,
    %broadcast_in_dim3A_119 = arith.constant 0.000000e+00 : f32
    %broadcast_in_dim3A_120 = vector.broadcast %broadcast_in_dim3A_119 : f32 to vector<16xf32>
    %swap3A_121 = arith.constant 1 : i32
    %swap3A_122 = arith.index_cast %swap3A_121 : i32 to index
    %swap3A_123 = arith.constant 96 : index
    %swap3A_124 = tpu.vector_load %arg8[%swap3A_122, %swap3A_123] {strides = array<i32>} : memref<4x128xf32, #tpu.memory_space<vmem>>, vector<1x16xf32>,
    %swap3A_125 = vector.shape_cast %swap3A_124 : vector<1x16xf32> to vector<16xf32>
    %swap3A_126 = vector.shape_cast %broadcast_in_dim3A_120 : vector<16xf32> to vector<1x16xf32>
    tpu.vector_store %arg8[%swap3A_122, %swap3A_123], %swap3A_126 {strides = array<i32>} : memref<4x128xf32, #tpu.memory_space<vmem>>, vector<1x16xf32>,
    %broadcast_in_dim3A_127 = arith.constant 0.000000e+00 : f32
    %broadcast_in_dim3A_128 = vector.broadcast %broadcast_in_dim3A_127 : f32 to vector<16xf32>
    %swap3A_129 = arith.constant 1 : i32
    %swap3A_130 = arith.index_cast %swap3A_129 : i32 to index
    %swap3A_131 = arith.constant 112 : index
    %swap3A_132 = tpu.vector_load %arg8[%swap3A_130, %swap3A_131] {strides = array<i32>} : memref<4x128xf32, #tpu.memory_space<vmem>>, vector<1x16xf32>,
    %swap3A_133 = vector.shape_cast %swap3A_132 : vector<1x16xf32> to vector<16xf32>
    %swap3A_134 = vector.shape_cast %broadcast_in_dim3A_128 : vector<16xf32> to vector<1x16xf32>
    tpu.vector_store %arg8[%swap3A_130, %swap3A_131], %swap3A_134 {strides = array<i32>} : memref<4x128xf32, #tpu.memory_space<vmem>>, vector<1x16xf32>,
    %broadcast_in_dim3A_135 = arith.constant 0.000000e+00 : f32
    %broadcast_in_dim3A_136 = vector.broadcast %broadcast_in_dim3A_135 : f32 to vector<16xf32>
    %swap3A_137 = arith.constant 2 : i32
    %swap3A_138 = arith.index_cast %swap3A_137 : i32 to index
    %swap3A_139 = arith.constant 0 : index
    %swap3A_140 = tpu.vector_load %arg8[%swap3A_138, %swap3A_139] {strides = array<i32>} : memref<4x128xf32, #tpu.memory_space<vmem>>, vector<1x16xf32>,
    %swap3A_141 = vector.shape_cast %swap3A_140 : vector<1x16xf32> to vector<16xf32>
    %swap3A_142 = vector.shape_cast %broadcast_in_dim3A_136 : vector<16xf32> to vector<1x16xf32>
    tpu.vector_store %arg8[%swap3A_138, %swap3A_139], %swap3A_142 {strides = array<i32>} : memref<4x128xf32, #tpu.memory_space<vmem>>, vector<1x16xf32>,
    %broadcast_in_dim3A_143 = arith.constant 0.000000e+00 : f32
    %broadcast_in_dim3A_144 = vector.broadcast %broadcast_in_dim3A_143 : f32 to vector<16xf32>
    %swap3A_145 = arith.constant 2 : i32
    %swap3A_146 = arith.index_cast %swap3A_145 : i32 to index
    %swap3A_147 = arith.constant 16 : index
    %swap3A_148 = tpu.vector_load %arg8[%swap3A_146, %swap3A_147] {strides = array<i32>} : memref<4x128xf32, #tpu.memory_space<vmem>>, vector<1x16xf32>,
    %swap3A_149 = vector.shape_cast %swap3A_148 : vector<1x16xf32> to vector<16xf32>
    %swap3A_150 = vector.shape_cast %broadcast_in_dim3A_144 : vector<16xf32> to vector<1x16xf32>
    tpu.vector_store %arg8[%swap3A_146, %swap3A_147], %swap3A_150 {strides = array<i32>} : memref<4x128xf32, #tpu.memory_space<vmem>>, vector<1x16xf32>,
    %broadcast_in_dim3A_151 = arith.constant 0.000000e+00 : f32
    %broadcast_in_dim3A_152 = vector.broadcast %broadcast_in_dim3A_151 : f32 to vector<16xf32>
    %swap3A_153 = arith.constant 2 : i32
    %swap3A_154 = arith.index_cast %swap3A_153 : i32 to index
    %swap3A_155 = arith.constant 32 : index
    %swap3A_156 = tpu.vector_load %arg8[%swap3A_154, %swap3A_155] {strides = array<i32>} : memref<4x128xf32, #tpu.memory_space<vmem>>, vector<1x16xf32>,
    %swap3A_157 = vector.shape_cast %swap3A_156 : vector<1x16xf32> to vector<16xf32>
    %swap3A_158 = vector.shape_cast %broadcast_in_dim3A_152 : vector<16xf32> to vector<1x16xf32>
    tpu.vector_store %arg8[%swap3A_154, %swap3A_155], %swap3A_158 {strides = array<i32>} : memref<4x128xf32, #tpu.memory_space<vmem>>, vector<1x16xf32>,
    %broadcast_in_dim3A_159 = arith.constant 0.000000e+00 : f32
    %broadcast_in_dim3A_160 = vector.broadcast %broadcast_in_dim3A_159 : f32 to vector<16xf32>
    %swap3A_161 = arith.constant 2 : i32
    %swap3A_162 = arith.index_cast %swap3A_161 : i32 to index
    %swap3A_163 = arith.constant 48 : index
    %swap3A_164 = tpu.vector_load %arg8[%swap3A_162, %swap3A_163] {strides = array<i32>} : memref<4x128xf32, #tpu.memory_space<vmem>>, vector<1x16xf32>,
    %swap3A_165 = vector.shape_cast %swap3A_164 : vector<1x16xf32> to vector<16xf32>
    %swap3A_166 = vector.shape_cast %broadcast_in_dim3A_160 : vector<16xf32> to vector<1x16xf32>
    tpu.vector_store %arg8[%swap3A_162, %swap3A_163], %swap3A_166 {strides = array<i32>} : memref<4x128xf32, #tpu.memory_space<vmem>>, vector<1x16xf32>,
    %broadcast_in_dim3A_167 = arith.constant 0.000000e+00 : f32
    %broadcast_in_dim3A_168 = vector.broadcast %broadcast_in_dim3A_167 : f32 to vector<16xf32>
    %swap3A_169 = arith.constant 2 : i32
    %swap3A_170 = arith.index_cast %swap3A_169 : i32 to index
    %swap3A_171 = arith.constant 64 : index
    %swap3A_172 = tpu.vector_load %arg8[%swap3A_170, %swap3A_171] {strides = array<i32>} : memref<4x128xf32, #tpu.memory_space<vmem>>, vector<1x16xf32>,
    %swap3A_173 = vector.shape_cast %swap3A_172 : vector<1x16xf32> to vector<16xf32>
    %swap3A_174 = vector.shape_cast %broadcast_in_dim3A_168 : vector<16xf32> to vector<1x16xf32>
    tpu.vector_store %arg8[%swap3A_170, %swap3A_171], %swap3A_174 {strides = array<i32>} : memref<4x128xf32, #tpu.memory_space<vmem>>, vector<1x16xf32>,
    %broadcast_in_dim3A_175 = arith.constant 0.000000e+00 : f32
    %broadcast_in_dim3A_176 = vector.broadcast %broadcast_in_dim3A_175 : f32 to vector<16xf32>
    %swap3A_177 = arith.constant 2 : i32
    %swap3A_178 = arith.index_cast %swap3A_177 : i32 to index
    %swap3A_179 = arith.constant 80 : index
    %swap3A_180 = tpu.vector_load %arg8[%swap3A_178, %swap3A_179] {strides = array<i32>} : memref<4x128xf32, #tpu.memory_space<vmem>>, vector<1x16xf32>,
    %swap3A_181 = vector.shape_cast %swap3A_180 : vector<1x16xf32> to vector<16xf32>
    %swap3A_182 = vector.shape_cast %broadcast_in_dim3A_176 : vector<16xf32> to vector<1x16xf32>
    tpu.vector_store %arg8[%swap3A_178, %swap3A_179], %swap3A_182 {strides = array<i32>} : memref<4x128xf32, #tpu.memory_space<vmem>>, vector<1x16xf32>,
    %broadcast_in_dim3A_183 = arith.constant 0.000000e+00 : f32
    %broadcast_in_dim3A_184 = vector.broadcast %broadcast_in_dim3A_183 : f32 to vector<16xf32>
    %swap3A_185 = arith.constant 2 : i32
    %swap3A_186 = arith.index_cast %swap3A_185 : i32 to index
    %swap3A_187 = arith.constant 96 : index
    %swap3A_188 = tpu.vector_load %arg8[%swap3A_186, %swap3A_187] {strides = array<i32>} : memref<4x128xf32, #tpu.memory_space<vmem>>, vector<1x16xf32>,
    %swap3A_189 = vector.shape_cast %swap3A_188 : vector<1x16xf32> to vector<16xf32>
    %swap3A_190 = vector.shape_cast %broadcast_in_dim3A_184 : vector<16xf32> to vector<1x16xf32>
    tpu.vector_store %arg8[%swap3A_186, %swap3A_187], %swap3A_190 {strides = array<i32>} : memref<4x128xf32, #tpu.memory_space<vmem>>, vector<1x16xf32>,
    %broadcast_in_dim3A_191 = arith.constant 0.000000e+00 : f32
    %broadcast_in_dim3A_192 = vector.broadcast %broadcast_in_dim3A_191 : f32 to vector<16xf32>
    %swap3A_193 = arith.constant 2 : i32
    %swap3A_194 = arith.index_cast %swap3A_193 : i32 to index
    %swap3A_195 = arith.constant 112 : index
    %swap3A_196 = tpu.vector_load %arg8[%swap3A_194, %swap3A_195] {strides = array<i32>} : memref<4x128xf32, #tpu.memory_space<vmem>>, vector<1x16xf32>,
    %swap3A_197 = vector.shape_cast %swap3A_196 : vector<1x16xf32> to vector<16xf32>
    %swap3A_198 = vector.shape_cast %broadcast_in_dim3A_192 : vector<16xf32> to vector<1x16xf32>
    tpu.vector_store %arg8[%swap3A_194, %swap3A_195], %swap3A_198 {strides = array<i32>} : memref<4x128xf32, #tpu.memory_space<vmem>>, vector<1x16xf32>,
    %broadcast_in_dim3A_199 = arith.constant 0.000000e+00 : f32
    %broadcast_in_dim3A_200 = vector.broadcast %broadcast_in_dim3A_199 : f32 to vector<16xf32>
    %swap3A_201 = arith.constant 3 : i32
    %swap3A_202 = arith.index_cast %swap3A_201 : i32 to index
    %swap3A_203 = arith.constant 0 : index
    %swap3A_204 = tpu.vector_load %arg8[%swap3A_202, %swap3A_203] {strides = array<i32>} : memref<4x128xf32, #tpu.memory_space<vmem>>, vector<1x16xf32>,
    %swap3A_205 = vector.shape_cast %swap3A_204 : vector<1x16xf32> to vector<16xf32>
    %swap3A_206 = vector.shape_cast %broadcast_in_dim3A_200 : vector<16xf32> to vector<1x16xf32>
    tpu.vector_store %arg8[%swap3A_202, %swap3A_203], %swap3A_206 {strides = array<i32>} : memref<4x128xf32, #tpu.memory_space<vmem>>, vector<1x16xf32>,
    %broadcast_in_dim3A_207 = arith.constant 0.000000e+00 : f32
    %broadcast_in_dim3A_208 = vector.broadcast %broadcast_in_dim3A_207 : f32 to vector<16xf32>
    %swap3A_209 = arith.constant 3 : i32
    %swap3A_210 = arith.index_cast %swap3A_209 : i32 to index
    %swap3A_211 = arith.constant 16 : index
    %swap3A_212 = tpu.vector_load %arg8[%swap3A_210, %swap3A_211] {strides = array<i32>} : memref<4x128xf32, #tpu.memory_space<vmem>>, vector<1x16xf32>,
    %swap3A_213 = vector.shape_cast %swap3A_212 : vector<1x16xf32> to vector<16xf32>
    %swap3A_214 = vector.shape_cast %broadcast_in_dim3A_208 : vector<16xf32> to vector<1x16xf32>
    tpu.vector_store %arg8[%swap3A_210, %swap3A_211], %swap3A_214 {strides = array<i32>} : memref<4x128xf32, #tpu.memory_space<vmem>>, vector<1x16xf32>,
    %broadcast_in_dim3A_215 = arith.constant 0.000000e+00 : f32
    %broadcast_in_dim3A_216 = vector.broadcast %broadcast_in_dim3A_215 : f32 to vector<16xf32>
    %swap3A_217 = arith.constant 3 : i32
    %swap3A_218 = arith.index_cast %swap3A_217 : i32 to index
    %swap3A_219 = arith.constant 32 : index
    %swap3A_220 = tpu.vector_load %arg8[%swap3A_218, %swap3A_219] {strides = array<i32>} : memref<4x128xf32, #tpu.memory_space<vmem>>, vector<1x16xf32>,
    %swap3A_221 = vector.shape_cast %swap3A_220 : vector<1x16xf32> to vector<16xf32>
    %swap3A_222 = vector.shape_cast %broadcast_in_dim3A_216 : vector<16xf32> to vector<1x16xf32>
    tpu.vector_store %arg8[%swap3A_218, %swap3A_219], %swap3A_222 {strides = array<i32>} : memref<4x128xf32, #tpu.memory_space<vmem>>, vector<1x16xf32>,
    %broadcast_in_dim3A_223 = arith.constant 0.000000e+00 : f32
    %broadcast_in_dim3A_224 = vector.broadcast %broadcast_in_dim3A_223 : f32 to vector<16xf32>
    %swap3A_225 = arith.constant 3 : i32
    %swap3A_226 = arith.index_cast %swap3A_225 : i32 to index
    %swap3A_227 = arith.constant 48 : index
    %swap3A_228 = tpu.vector_load %arg8[%swap3A_226, %swap3A_227] {strides = array<i32>} : memref<4x128xf32, #tpu.memory_space<vmem>>, vector<1x16xf32>,
    %swap3A_229 = vector.shape_cast %swap3A_228 : vector<1x16xf32> to vector<16xf32>
    %swap3A_230 = vector.shape_cast %broadcast_in_dim3A_224 : vector<16xf32> to vector<1x16xf32>
    tpu.vector_store %arg8[%swap3A_226, %swap3A_227], %swap3A_230 {strides = array<i32>} : memref<4x128xf32, #tpu.memory_space<vmem>>, vector<1x16xf32>,
    %broadcast_in_dim3A_231 = arith.constant 0.000000e+00 : f32
    %broadcast_in_dim3A_232 = vector.broadcast %broadcast_in_dim3A_231 : f32 to vector<16xf32>
    %swap3A_233 = arith.constant 3 : i32
    %swap3A_234 = arith.index_cast %swap3A_233 : i32 to index
    %swap3A_235 = arith.constant 64 : index
    %swap3A_236 = tpu.vector_load %arg8[%swap3A_234, %swap3A_235] {strides = array<i32>} : memref<4x128xf32, #tpu.memory_space<vmem>>, vector<1x16xf32>,
    %swap3A_237 = vector.shape_cast %swap3A_236 : vector<1x16xf32> to vector<16xf32>
    %swap3A_238 = vector.shape_cast %broadcast_in_dim3A_232 : vector<16xf32> to vector<1x16xf32>
    tpu.vector_store %arg8[%swap3A_234, %swap3A_235], %swap3A_238 {strides = array<i32>} : memref<4x128xf32, #tpu.memory_space<vmem>>, vector<1x16xf32>,
    %broadcast_in_dim3A_239 = arith.constant 0.000000e+00 : f32
    %broadcast_in_dim3A_240 = vector.broadcast %broadcast_in_dim3A_239 : f32 to vector<16xf32>
    %swap3A_241 = arith.constant 3 : i32
    %swap3A_242 = arith.index_cast %swap3A_241 : i32 to index
    %swap3A_243 = arith.constant 80 : index
    %swap3A_244 = tpu.vector_load %arg8[%swap3A_242, %swap3A_243] {strides = array<i32>} : memref<4x128xf32, #tpu.memory_space<vmem>>, vector<1x16xf32>,
    %swap3A_245 = vector.shape_cast %swap3A_244 : vector<1x16xf32> to vector<16xf32>
    %swap3A_246 = vector.shape_cast %broadcast_in_dim3A_240 : vector<16xf32> to vector<1x16xf32>
    tpu.vector_store %arg8[%swap3A_242, %swap3A_243], %swap3A_246 {strides = array<i32>} : memref<4x128xf32, #tpu.memory_space<vmem>>, vector<1x16xf32>,
    %broadcast_in_dim3A_247 = arith.constant 0.000000e+00 : f32
    %broadcast_in_dim3A_248 = vector.broadcast %broadcast_in_dim3A_247 : f32 to vector<16xf32>
    %swap3A_249 = arith.constant 3 : i32
    %swap3A_250 = arith.index_cast %swap3A_249 : i32 to index
    %swap3A_251 = arith.constant 96 : index
    %swap3A_252 = tpu.vector_load %arg8[%swap3A_250, %swap3A_251] {strides = array<i32>} : memref<4x128xf32, #tpu.memory_space<vmem>>, vector<1x16xf32>,
    %swap3A_253 = vector.shape_cast %swap3A_252 : vector<1x16xf32> to vector<16xf32>
    %swap3A_254 = vector.shape_cast %broadcast_in_dim3A_248 : vector<16xf32> to vector<1x16xf32>
    tpu.vector_store %arg8[%swap3A_250, %swap3A_251], %swap3A_254 {strides = array<i32>} : memref<4x128xf32, #tpu.memory_space<vmem>>, vector<1x16xf32>,
    %broadcast_in_dim3A_255 = arith.constant 0.000000e+00 : f32
    %broadcast_in_dim3A_256 = vector.broadcast %broadcast_in_dim3A_255 : f32 to vector<16xf32>
    %swap3A_257 = arith.constant 3 : i32
    %swap3A_258 = arith.index_cast %swap3A_257 : i32 to index
    %swap3A_259 = arith.constant 112 : index
    %swap3A_260 = tpu.vector_load %arg8[%swap3A_258, %swap3A_259] {strides = array<i32>} : memref<4x128xf32, #tpu.memory_space<vmem>>, vector<1x16xf32>,
    %swap3A_261 = vector.shape_cast %swap3A_260 : vector<1x16xf32> to vector<16xf32>
    %swap3A_262 = vector.shape_cast %broadcast_in_dim3A_256 : vector<16xf32> to vector<1x16xf32>
    tpu.vector_store %arg8[%swap3A_258, %swap3A_259], %swap3A_262 {strides = array<i32>} : memref<4x128xf32, #tpu.memory_space<vmem>>, vector<1x16xf32>,
    %broadcast_in_dim3A_263 = arith.constant 0 : i32
    %broadcast_in_dim3A_264 = vector.broadcast %broadcast_in_dim3A_263 : i32 to vector<16xi32>
    %mul3A_265 = arith.constant 2 : i32
    %mul3A_266 = arith.muli %arg1, %mul3A_265 : i32
    %add3A_267 = arith.constant 0 : i32
    %add3A_268 = arith.addi %mul3A_266, %add3A_267 : i32
    %mul3A_269 = arith.constant 4 : i32
    %mul3A_270 = arith.muli %add3A_268, %mul3A_269 : i32
    %add3A_271 = vector.broadcast %mul3A_270 : i32 to vector<16xi32>
    %add3A_272 = arith.addi %broadcast_in_dim3A_264, %add3A_271 : vector<16xi32>
    %swap3A_273 = arith.constant 0 : index
    %swap3A_274 = tpu.vector_load %arg9[%swap3A_273] {strides = array<i32>} : memref<128xi32, #tpu.memory_space<vmem>>, vector<16xi32>,
    %swap3A_275 = vector.shape_cast %swap3A_274 : vector<16xi32> to vector<16xi32>
    %swap3A_276 = vector.shape_cast %add3A_272 : vector<16xi32> to vector<16xi32>
    tpu.vector_store %arg9[%swap3A_273], %swap3A_276 {strides = array<i32>} : memref<128xi32, #tpu.memory_space<vmem>>, vector<16xi32>,
    %broadcast_in_dim3A_277 = arith.constant 0 : i32
    %broadcast_in_dim3A_278 = vector.broadcast %broadcast_in_dim3A_277 : i32 to vector<16xi32>
    %mul3A_279 = arith.constant 2 : i32
    %mul3A_280 = arith.muli %arg1, %mul3A_279 : i32
    %add3A_281 = arith.constant 0 : i32
    %add3A_282 = arith.addi %mul3A_280, %add3A_281 : i32
    %mul3A_283 = arith.constant 4 : i32
    %mul3A_284 = arith.muli %add3A_282, %mul3A_283 : i32
    %add3A_285 = vector.broadcast %mul3A_284 : i32 to vector<16xi32>
    %add3A_286 = arith.addi %broadcast_in_dim3A_278, %add3A_285 : vector<16xi32>
    %swap3A_287 = arith.constant 16 : index
    %swap3A_288 = tpu.vector_load %arg9[%swap3A_287] {strides = array<i32>} : memref<128xi32, #tpu.memory_space<vmem>>, vector<16xi32>,
    %swap3A_289 = vector.shape_cast %swap3A_288 : vector<16xi32> to vector<16xi32>
    %swap3A_290 = vector.shape_cast %add3A_286 : vector<16xi32> to vector<16xi32>
    tpu.vector_store %arg9[%swap3A_287], %swap3A_290 {strides = array<i32>} : memref<128xi32, #tpu.memory_space<vmem>>, vector<16xi32>,
    %broadcast_in_dim3A_291 = arith.constant 1 : i32
    %broadcast_in_dim3A_292 = vector.broadcast %broadcast_in_dim3A_291 : i32 to vector<16xi32>
    %mul3A_293 = arith.constant 2 : i32
    %mul3A_294 = arith.muli %arg1, %mul3A_293 : i32
    %add3A_295 = arith.constant 0 : i32
    %add3A_296 = arith.addi %mul3A_294, %add3A_295 : i32
    %mul3A_297 = arith.constant 4 : i32
    %mul3A_298 = arith.muli %add3A_296, %mul3A_297 : i32
    %add3A_299 = vector.broadcast %mul3A_298 : i32 to vector<16xi32>
    %add3A_300 = arith.addi %broadcast_in_dim3A_292, %add3A_299 : vector<16xi32>
    %swap3A_301 = arith.constant 32 : index
    %swap3A_302 = tpu.vector_load %arg9[%swap3A_301] {strides = array<i32>} : memref<128xi32, #tpu.memory_space<vmem>>, vector<16xi32>,
    %swap3A_303 = vector.shape_cast %swap3A_302 : vector<16xi32> to vector<16xi32>
    %swap3A_304 = vector.shape_cast %add3A_300 : vector<16xi32> to vector<16xi32>
    tpu.vector_store %arg9[%swap3A_301], %swap3A_304 {strides = array<i32>} : memref<128xi32, #tpu.memory_space<vmem>>, vector<16xi32>,
    %broadcast_in_dim3A_305 = arith.constant 1 : i32
    %broadcast_in_dim3A_306 = vector.broadcast %broadcast_in_dim3A_305 : i32 to vector<16xi32>
    %mul3A_307 = arith.constant 2 : i32
    %mul3A_308 = arith.muli %arg1, %mul3A_307 : i32
    %add3A_309 = arith.constant 0 : i32
    %add3A_310 = arith.addi %mul3A_308, %add3A_309 : i32
    %mul3A_311 = arith.constant 4 : i32
    %mul3A_312 = arith.muli %add3A_310, %mul3A_311 : i32
    %add3A_313 = vector.broadcast %mul3A_312 : i32 to vector<16xi32>
    %add3A_314 = arith.addi %broadcast_in_dim3A_306, %add3A_313 : vector<16xi32>
    %swap3A_315 = arith.constant 48 : index
    %swap3A_316 = tpu.vector_load %arg9[%swap3A_315] {strides = array<i32>} : memref<128xi32, #tpu.memory_space<vmem>>, vector<16xi32>,
    %swap3A_317 = vector.shape_cast %swap3A_316 : vector<16xi32> to vector<16xi32>
    %swap3A_318 = vector.shape_cast %add3A_314 : vector<16xi32> to vector<16xi32>
    tpu.vector_store %arg9[%swap3A_315], %swap3A_318 {strides = array<i32>} : memref<128xi32, #tpu.memory_space<vmem>>, vector<16xi32>,
    %broadcast_in_dim3A_319 = arith.constant 2 : i32
    %broadcast_in_dim3A_320 = vector.broadcast %broadcast_in_dim3A_319 : i32 to vector<16xi32>
    %mul3A_321 = arith.constant 2 : i32
    %mul3A_322 = arith.muli %arg1, %mul3A_321 : i32
    %add3A_323 = arith.constant 0 : i32
    %add3A_324 = arith.addi %mul3A_322, %add3A_323 : i32
    %mul3A_325 = arith.constant 4 : i32
    %mul3A_326 = arith.muli %add3A_324, %mul3A_325 : i32
    %add3A_327 = vector.broadcast %mul3A_326 : i32 to vector<16xi32>
    %add3A_328 = arith.addi %broadcast_in_dim3A_320, %add3A_327 : vector<16xi32>
    %swap3A_329 = arith.constant 64 : index
    %swap3A_330 = tpu.vector_load %arg9[%swap3A_329] {strides = array<i32>} : memref<128xi32, #tpu.memory_space<vmem>>, vector<16xi32>,
    %swap3A_331 = vector.shape_cast %swap3A_330 : vector<16xi32> to vector<16xi32>
    %swap3A_332 = vector.shape_cast %add3A_328 : vector<16xi32> to vector<16xi32>
    tpu.vector_store %arg9[%swap3A_329], %swap3A_332 {strides = array<i32>} : memref<128xi32, #tpu.memory_space<vmem>>, vector<16xi32>,
    %broadcast_in_dim3A_333 = arith.constant 2 : i32
    %broadcast_in_dim3A_334 = vector.broadcast %broadcast_in_dim3A_333 : i32 to vector<16xi32>
    %mul3A_335 = arith.constant 2 : i32
    %mul3A_336 = arith.muli %arg1, %mul3A_335 : i32
    %add3A_337 = arith.constant 0 : i32
    %add3A_338 = arith.addi %mul3A_336, %add3A_337 : i32
    %mul3A_339 = arith.constant 4 : i32
    %mul3A_340 = arith.muli %add3A_338, %mul3A_339 : i32
    %add3A_341 = vector.broadcast %mul3A_340 : i32 to vector<16xi32>
    %add3A_342 = arith.addi %broadcast_in_dim3A_334, %add3A_341 : vector<16xi32>
    %swap3A_343 = arith.constant 80 : index
    %swap3A_344 = tpu.vector_load %arg9[%swap3A_343] {strides = array<i32>} : memref<128xi32, #tpu.memory_space<vmem>>, vector<16xi32>,
    %swap3A_345 = vector.shape_cast %swap3A_344 : vector<16xi32> to vector<16xi32>
    %swap3A_346 = vector.shape_cast %add3A_342 : vector<16xi32> to vector<16xi32>
    tpu.vector_store %arg9[%swap3A_343], %swap3A_346 {strides = array<i32>} : memref<128xi32, #tpu.memory_space<vmem>>, vector<16xi32>,
    %broadcast_in_dim3A_347 = arith.constant 3 : i32
    %broadcast_in_dim3A_348 = vector.broadcast %broadcast_in_dim3A_347 : i32 to vector<16xi32>
    %mul3A_349 = arith.constant 2 : i32
    %mul3A_350 = arith.muli %arg1, %mul3A_349 : i32
    %add3A_351 = arith.constant 0 : i32
    %add3A_352 = arith.addi %mul3A_350, %add3A_351 : i32
    %mul3A_353 = arith.constant 4 : i32
    %mul3A_354 = arith.muli %add3A_352, %mul3A_353 : i32
    %add3A_355 = vector.broadcast %mul3A_354 : i32 to vector<16xi32>
    %add3A_356 = arith.addi %broadcast_in_dim3A_348, %add3A_355 : vector<16xi32>
    %swap3A_357 = arith.constant 96 : index
    %swap3A_358 = tpu.vector_load %arg9[%swap3A_357] {strides = array<i32>} : memref<128xi32, #tpu.memory_space<vmem>>, vector<16xi32>,
    %swap3A_359 = vector.shape_cast %swap3A_358 : vector<16xi32> to vector<16xi32>
    %swap3A_360 = vector.shape_cast %add3A_356 : vector<16xi32> to vector<16xi32>
    tpu.vector_store %arg9[%swap3A_357], %swap3A_360 {strides = array<i32>} : memref<128xi32, #tpu.memory_space<vmem>>, vector<16xi32>,
    %broadcast_in_dim3A_361 = arith.constant 3 : i32
    %broadcast_in_dim3A_362 = vector.broadcast %broadcast_in_dim3A_361 : i32 to vector<16xi32>
    %mul3A_363 = arith.constant 2 : i32
    %mul3A_364 = arith.muli %arg1, %mul3A_363 : i32
    %add3A_365 = arith.constant 0 : i32
    %add3A_366 = arith.addi %mul3A_364, %add3A_365 : i32
    %mul3A_367 = arith.constant 4 : i32
    %mul3A_368 = arith.muli %add3A_366, %mul3A_367 : i32
    %add3A_369 = vector.broadcast %mul3A_368 : i32 to vector<16xi32>
    %add3A_370 = arith.addi %broadcast_in_dim3A_362, %add3A_369 : vector<16xi32>
    %swap3A_371 = arith.constant 112 : index
    %swap3A_372 = tpu.vector_load %arg9[%swap3A_371] {strides = array<i32>} : memref<128xi32, #tpu.memory_space<vmem>>, vector<16xi32>,
    %swap3A_373 = vector.shape_cast %swap3A_372 : vector<16xi32> to vector<16xi32>
    %swap3A_374 = vector.shape_cast %add3A_370 : vector<16xi32> to vector<16xi32>
    tpu.vector_store %arg9[%swap3A_371], %swap3A_374 {strides = array<i32>} : memref<128xi32, #tpu.memory_space<vmem>>, vector<16xi32>,
    %broadcast_in_dim3A_375 = arith.constant 0 : i32
    %broadcast_in_dim3A_376 = vector.broadcast %broadcast_in_dim3A_375 : i32 to vector<16xi32>
    %mul3A_377 = arith.constant 2 : i32
    %mul3A_378 = arith.muli %arg1, %mul3A_377 : i32
    %add3A_379 = arith.constant 1 : i32
    %add3A_380 = arith.addi %mul3A_378, %add3A_379 : i32
    %mul3A_381 = arith.constant 4 : i32
    %mul3A_382 = arith.muli %add3A_380, %mul3A_381 : i32
    %add3A_383 = vector.broadcast %mul3A_382 : i32 to vector<16xi32>
    %add3A_384 = arith.addi %broadcast_in_dim3A_376, %add3A_383 : vector<16xi32>
    %swap3A_385 = arith.constant 0 : index
    %swap3A_386 = tpu.vector_load %arg10[%swap3A_385] {strides = array<i32>} : memref<128xi32, #tpu.memory_space<vmem>>, vector<16xi32>,
    %swap3A_387 = vector.shape_cast %swap3A_386 : vector<16xi32> to vector<16xi32>
    %swap3A_388 = vector.shape_cast %add3A_384 : vector<16xi32> to vector<16xi32>
    tpu.vector_store %arg10[%swap3A_385], %swap3A_388 {strides = array<i32>} : memref<128xi32, #tpu.memory_space<vmem>>, vector<16xi32>,
    %broadcast_in_dim3A_389 = arith.constant 0 : i32
    %broadcast_in_dim3A_390 = vector.broadcast %broadcast_in_dim3A_389 : i32 to vector<16xi32>
    %mul3A_391 = arith.constant 2 : i32
    %mul3A_392 = arith.muli %arg1, %mul3A_391 : i32
    %add3A_393 = arith.constant 1 : i32
    %add3A_394 = arith.addi %mul3A_392, %add3A_393 : i32
    %mul3A_395 = arith.constant 4 : i32
    %mul3A_396 = arith.muli %add3A_394, %mul3A_395 : i32
    %add3A_397 = vector.broadcast %mul3A_396 : i32 to vector<16xi32>
    %add3A_398 = arith.addi %broadcast_in_dim3A_390, %add3A_397 : vector<16xi32>
    %swap3A_399 = arith.constant 16 : index
    %swap3A_400 = tpu.vector_load %arg10[%swap3A_399] {strides = array<i32>} : memref<128xi32, #tpu.memory_space<vmem>>, vector<16xi32>,
    %swap3A_401 = vector.shape_cast %swap3A_400 : vector<16xi32> to vector<16xi32>
    %swap3A_402 = vector.shape_cast %add3A_398 : vector<16xi32> to vector<16xi32>
    tpu.vector_store %arg10[%swap3A_399], %swap3A_402 {strides = array<i32>} : memref<128xi32, #tpu.memory_space<vmem>>, vector<16xi32>,
    %broadcast_in_dim3A_403 = arith.constant 1 : i32
    %broadcast_in_dim3A_404 = vector.broadcast %broadcast_in_dim3A_403 : i32 to vector<16xi32>
    %mul3A_405 = arith.constant 2 : i32
    %mul3A_406 = arith.muli %arg1, %mul3A_405 : i32
    %add3A_407 = arith.constant 1 : i32
    %add3A_408 = arith.addi %mul3A_406, %add3A_407 : i32
    %mul3A_409 = arith.constant 4 : i32
    %mul3A_410 = arith.muli %add3A_408, %mul3A_409 : i32
    %add3A_411 = vector.broadcast %mul3A_410 : i32 to vector<16xi32>
    %add3A_412 = arith.addi %broadcast_in_dim3A_404, %add3A_411 : vector<16xi32>
    %swap3A_413 = arith.constant 32 : index
    %swap3A_414 = tpu.vector_load %arg10[%swap3A_413] {strides = array<i32>} : memref<128xi32, #tpu.memory_space<vmem>>, vector<16xi32>,
    %swap3A_415 = vector.shape_cast %swap3A_414 : vector<16xi32> to vector<16xi32>
    %swap3A_416 = vector.shape_cast %add3A_412 : vector<16xi32> to vector<16xi32>
    tpu.vector_store %arg10[%swap3A_413], %swap3A_416 {strides = array<i32>} : memref<128xi32, #tpu.memory_space<vmem>>, vector<16xi32>,
    %broadcast_in_dim3A_417 = arith.constant 1 : i32
    %broadcast_in_dim3A_418 = vector.broadcast %broadcast_in_dim3A_417 : i32 to vector<16xi32>
    %mul3A_419 = arith.constant 2 : i32
    %mul3A_420 = arith.muli %arg1, %mul3A_419 : i32
    %add3A_421 = arith.constant 1 : i32
    %add3A_422 = arith.addi %mul3A_420, %add3A_421 : i32
    %mul3A_423 = arith.constant 4 : i32
    %mul3A_424 = arith.muli %add3A_422, %mul3A_423 : i32
    %add3A_425 = vector.broadcast %mul3A_424 : i32 to vector<16xi32>
    %add3A_426 = arith.addi %broadcast_in_dim3A_418, %add3A_425 : vector<16xi32>
    %swap3A_427 = arith.constant 48 : index
    %swap3A_428 = tpu.vector_load %arg10[%swap3A_427] {strides = array<i32>} : memref<128xi32, #tpu.memory_space<vmem>>, vector<16xi32>,
    %swap3A_429 = vector.shape_cast %swap3A_428 : vector<16xi32> to vector<16xi32>
    %swap3A_430 = vector.shape_cast %add3A_426 : vector<16xi32> to vector<16xi32>
    tpu.vector_store %arg10[%swap3A_427], %swap3A_430 {strides = array<i32>} : memref<128xi32, #tpu.memory_space<vmem>>, vector<16xi32>,
    %broadcast_in_dim3A_431 = arith.constant 2 : i32
    %broadcast_in_dim3A_432 = vector.broadcast %broadcast_in_dim3A_431 : i32 to vector<16xi32>
    %mul3A_433 = arith.constant 2 : i32
    %mul3A_434 = arith.muli %arg1, %mul3A_433 : i32
    %add3A_435 = arith.constant 1 : i32
    %add3A_436 = arith.addi %mul3A_434, %add3A_435 : i32
    %mul3A_437 = arith.constant 4 : i32
    %mul3A_438 = arith.muli %add3A_436, %mul3A_437 : i32
    %add3A_439 = vector.broadcast %mul3A_438 : i32 to vector<16xi32>
    %add3A_440 = arith.addi %broadcast_in_dim3A_432, %add3A_439 : vector<16xi32>
    %swap3A_441 = arith.constant 64 : index
    %swap3A_442 = tpu.vector_load %arg10[%swap3A_441] {strides = array<i32>} : memref<128xi32, #tpu.memory_space<vmem>>, vector<16xi32>,
    %swap3A_443 = vector.shape_cast %swap3A_442 : vector<16xi32> to vector<16xi32>
    %swap3A_444 = vector.shape_cast %add3A_440 : vector<16xi32> to vector<16xi32>
    tpu.vector_store %arg10[%swap3A_441], %swap3A_444 {strides = array<i32>} : memref<128xi32, #tpu.memory_space<vmem>>, vector<16xi32>,
    %broadcast_in_dim3A_445 = arith.constant 2 : i32
    %broadcast_in_dim3A_446 = vector.broadcast %broadcast_in_dim3A_445 : i32 to vector<16xi32>
    %mul3A_447 = arith.constant 2 : i32
    %mul3A_448 = arith.muli %arg1, %mul3A_447 : i32
    %add3A_449 = arith.constant 1 : i32
    %add3A_450 = arith.addi %mul3A_448, %add3A_449 : i32
    %mul3A_451 = arith.constant 4 : i32
    %mul3A_452 = arith.muli %add3A_450, %mul3A_451 : i32
    %add3A_453 = vector.broadcast %mul3A_452 : i32 to vector<16xi32>
    %add3A_454 = arith.addi %broadcast_in_dim3A_446, %add3A_453 : vector<16xi32>
    %swap3A_455 = arith.constant 80 : index
    %swap3A_456 = tpu.vector_load %arg10[%swap3A_455] {strides = array<i32>} : memref<128xi32, #tpu.memory_space<vmem>>, vector<16xi32>,
    %swap3A_457 = vector.shape_cast %swap3A_456 : vector<16xi32> to vector<16xi32>
    %swap3A_458 = vector.shape_cast %add3A_454 : vector<16xi32> to vector<16xi32>
    tpu.vector_store %arg10[%swap3A_455], %swap3A_458 {strides = array<i32>} : memref<128xi32, #tpu.memory_space<vmem>>, vector<16xi32>,
    %broadcast_in_dim3A_459 = arith.constant 3 : i32
    %broadcast_in_dim3A_460 = vector.broadcast %broadcast_in_dim3A_459 : i32 to vector<16xi32>
    %mul3A_461 = arith.constant 2 : i32
    %mul3A_462 = arith.muli %arg1, %mul3A_461 : i32
    %add3A_463 = arith.constant 1 : i32
    %add3A_464 = arith.addi %mul3A_462, %add3A_463 : i32
    %mul3A_465 = arith.constant 4 : i32
    %mul3A_466 = arith.muli %add3A_464, %mul3A_465 : i32
    %add3A_467 = vector.broadcast %mul3A_466 : i32 to vector<16xi32>
    %add3A_468 = arith.addi %broadcast_in_dim3A_460, %add3A_467 : vector<16xi32>
    %swap3A_469 = arith.constant 96 : index
    %swap3A_470 = tpu.vector_load %arg10[%swap3A_469] {strides = array<i32>} : memref<128xi32, #tpu.memory_space<vmem>>, vector<16xi32>,
    %swap3A_471 = vector.shape_cast %swap3A_470 : vector<16xi32> to vector<16xi32>
    %swap3A_472 = vector.shape_cast %add3A_468 : vector<16xi32> to vector<16xi32>
    tpu.vector_store %arg10[%swap3A_469], %swap3A_472 {strides = array<i32>} : memref<128xi32, #tpu.memory_space<vmem>>, vector<16xi32>,
    %broadcast_in_dim3A_473 = arith.constant 3 : i32
    %broadcast_in_dim3A_474 = vector.broadcast %broadcast_in_dim3A_473 : i32 to vector<16xi32>
    %mul3A_475 = arith.constant 2 : i32
    %mul3A_476 = arith.muli %arg1, %mul3A_475 : i32
    %add3A_477 = arith.constant 1 : i32
    %add3A_478 = arith.addi %mul3A_476, %add3A_477 : i32
    %mul3A_479 = arith.constant 4 : i32
    %mul3A_480 = arith.muli %add3A_478, %mul3A_479 : i32
    %add3A_481 = vector.broadcast %mul3A_480 : i32 to vector<16xi32>
    %add3A_482 = arith.addi %broadcast_in_dim3A_474, %add3A_481 : vector<16xi32>
    %swap3A_483 = arith.constant 112 : index
    %swap3A_484 = tpu.vector_load %arg10[%swap3A_483] {strides = array<i32>} : memref<128xi32, #tpu.memory_space<vmem>>, vector<16xi32>,
    %swap3A_485 = vector.shape_cast %swap3A_484 : vector<16xi32> to vector<16xi32>
    %swap3A_486 = vector.shape_cast %add3A_482 : vector<16xi32> to vector<16xi32>
    tpu.vector_store %arg10[%swap3A_483], %swap3A_486 {strides = array<i32>} : memref<128xi32, #tpu.memory_space<vmem>>, vector<16xi32>,
    %barrier3A = arith.constant 0 : index
    tpu.barrier barrier_id(%barrier3A)
    %dma_start3A = arith.constant 0 : i32
    %dma_start3A_487 = arith.constant 0 : i32
    %dma_start3A_488 = tpu.memref_slice %arg6[%dma_start3A, %dma_start3A_487] : memref<128x128xf32, #tpu.memory_space<vmem>> -> memref<128x128xf32, #tpu.memory_space<vmem>>
    %dma_start3A_489 = arith.constant 0 : i32
    %dma_start3A_490 = tpu.memref_slice %arg5[%dma_start3A_489] : memref<10240xi32, #tpu.memory_space<vmem>> -> memref<128xi32, #tpu.memory_space<vmem>>
    %dma_start3A_491 = arith.constant 0 : i32
    %dma_start3A_492 = arith.constant 0 : i32
    %dma_start3A_493 = tpu.memref_slice %arg12[%dma_start3A_491, %dma_start3A_492] : memref<10112x128xf32, #tpu.memory_space<vmem_shared>> -> memref<10112x128xf32, #tpu.memory_space<vmem_shared>>
    tpu.enqueue_indirect_dma source(%dma_start3A_493 : memref<10112x128xf32, #tpu.memory_space<vmem_shared>>) target(%dma_start3A_488 : memref<128x128xf32, #tpu.memory_space<vmem>>) offsets(%dma_start3A_490 : memref<128xi32, #tpu.memory_space<vmem>>) semaphore(%arg13 : memref<!tpu.dma_semaphore, #tpu.memory_space<semaphore_mem>>)
    %scan3A = arith.constant 0 : i32
    %scan3A_494 = arith.constant 0 : i32
    %scan3A_495 = arith.constant 40 : i32
    %scan3A_496 = arith.addi %scan3A_494, %scan3A_495 : i32
    %scan3A_497 = arith.constant 1 : i32
    scf.for %scan3A_522 = %scan3A_494 to %scan3A_496 step %scan3A_497  : i32 {
      %mul3A_523 = arith.constant 2 : i32
      %mul3A_524 = arith.muli %mul3A_523, %scan3A_522 : i32
      %add3A_525 = arith.constant 0 : i32
      %add3A_526 = arith.addi %mul3A_524, %add3A_525 : i32
      %add3A_527 = arith.constant 1 : i32
      %add3A_528 = arith.addi %add3A_526, %add3A_527 : i32
      %lt3A = arith.constant 80 : i32
      %lt3A_529 = arith.cmpi slt, %add3A_528, %lt3A : i32
      %convert_element_type3A = arith.extui %lt3A_529 : i1 to i32
      %cond3A = arith.constant 0 : i32
      %cond3A_530 = arith.cmpi ne, %convert_element_type3A, %cond3A : i32
      scf.if %cond3A_530 {
        %add3A_611 = arith.constant 1 : i32
        %add3A_612 = arith.addi %add3A_526, %add3A_611 : i32
        %mul3A_613 = arith.constant 128 : i32
        %mul3A_614 = arith.muli %add3A_612, %mul3A_613 : i32
        %add3A_615 = arith.constant 0 : i32
        %add3A_616 = arith.addi %mul3A_614, %add3A_615 : i32
        %dma_start3A_617 = arith.constant 0 : i32
        %dma_start3A_618 = arith.constant 0 : i32
        %dma_start3A_619 = tpu.memref_slice %arg7[%dma_start3A_617, %dma_start3A_618] : memref<128x128xf32, #tpu.memory_space<vmem>> -> memref<128x128xf32, #tpu.memory_space<vmem>>
        %dma_start3A_620 = tpu.memref_slice %arg5[%add3A_616] : memref<10240xi32, #tpu.memory_space<vmem>> -> memref<128xi32, #tpu.memory_space<vmem>>
        %dma_start3A_621 = arith.constant 0 : i32
        %dma_start3A_622 = arith.constant 0 : i32
        %dma_start3A_623 = tpu.memref_slice %arg12[%dma_start3A_621, %dma_start3A_622] : memref<10112x128xf32, #tpu.memory_space<vmem_shared>> -> memref<10112x128xf32, #tpu.memory_space<vmem_shared>>
        tpu.enqueue_indirect_dma source(%dma_start3A_623 : memref<10112x128xf32, #tpu.memory_space<vmem_shared>>) target(%dma_start3A_619 : memref<128x128xf32, #tpu.memory_space<vmem>>) offsets(%dma_start3A_620 : memref<128xi32, #tpu.memory_space<vmem>>) semaphore(%arg14 : memref<!tpu.dma_semaphore, #tpu.memory_space<semaphore_mem>>)
      } else {
      }
      %ge3A = arith.constant 2 : i32
      %ge3A_531 = arith.cmpi sge, %add3A_526, %ge3A : i32
      %convert_element_type3A_532 = arith.extui %ge3A_531 : i1 to i32
      %cond3A_533 = arith.constant 0 : i32
      %cond3A_534 = arith.cmpi ne, %convert_element_type3A_532, %cond3A_533 : i32
      scf.if %cond3A_534 {
        %sub3A = arith.constant 2 : i32
        %sub3A_611 = arith.subi %add3A_526, %sub3A : i32
        %mul3A_612 = arith.constant 2 : i32
        %mul3A_613 = arith.muli %arg1, %mul3A_612 : i32
        %add3A_614 = arith.constant 0 : i32
        %add3A_615 = arith.addi %mul3A_613, %add3A_614 : i32
        %mul3A_616 = arith.constant 4 : i32
        %mul3A_617 = arith.muli %add3A_615, %mul3A_616 : i32
        %mul3A_618 = arith.constant 4 : i32
        %mul3A_619 = arith.muli %sub3A_611, %mul3A_618 : i32
        %add3A_620 = arith.addi %mul3A_2, %mul3A_619 : i32
        %dma_wait3A_621 = arith.constant 0 : i32
        %dma_wait3A_622 = tpu.memref_slice %arg4[%add3A_620, %dma_wait3A_621] : memref<10240x128xf32, #tpu.memory_space<hbm>> -> memref<4x128xf32, #tpu.memory_space<hbm>>
        %dma_wait3A_623 = arith.constant 0 : i32
        %dma_wait3A_624 = tpu.memref_slice %arg11[%mul3A_617, %dma_wait3A_623] : memref<128x128xf32, #tpu.memory_space<vmem_shared>> -> memref<4x128xf32, #tpu.memory_space<vmem_shared>>
        tpu.wait_dma2 semaphore(%arg15 : memref<!tpu.dma_semaphore, #tpu.memory_space<semaphore_mem>>) src(%dma_wait3A_624 : memref<4x128xf32, #tpu.memory_space<vmem_shared>>) dst(%dma_wait3A_622 : memref<4x128xf32, #tpu.memory_space<hbm>>)
      } else {
      }
      %mul3A_535 = arith.constant 2 : i32
      %mul3A_536 = arith.muli %arg1, %mul3A_535 : i32
      %add3A_537 = arith.constant 0 : i32
      %add3A_538 = arith.addi %mul3A_536, %add3A_537 : i32
      %mul3A_539 = arith.constant 4 : i32
      %mul3A_540 = arith.muli %add3A_538, %mul3A_539 : i32
      "tpu.region"() ({
        %run_scoped3A = tpu.sem_alloc : memref<!tpu.dma_semaphore, #tpu.memory_space<semaphore_mem>>
        %dma_start3A_611 = arith.constant 0 : i32
        %dma_start3A_612 = tpu.memref_slice %arg11[%mul3A_540, %dma_start3A_611] : memref<128x128xf32, #tpu.memory_space<vmem_shared>> -> memref<4x128xf32, #tpu.memory_space<vmem_shared>>
        %dma_start3A_613 = arith.constant 0 : i32
        %dma_start3A_614 = tpu.memref_slice %arg11[%mul3A_540, %dma_start3A_613] : memref<128x128xf32, #tpu.memory_space<vmem_shared>> -> memref<4x128xf32, #tpu.memory_space<vmem_shared>>
        tpu.enqueue_dma source(%arg8 : memref<4x128xf32, #tpu.memory_space<vmem>>) target(%dma_start3A_614 : memref<4x128xf32, #tpu.memory_space<vmem_shared>>) target_semaphore(%run_scoped3A : memref<!tpu.dma_semaphore, #tpu.memory_space<semaphore_mem>>)
        %dma_wait3A_615 = arith.constant 0 : i32
        %dma_wait3A_616 = tpu.memref_slice %arg11[%mul3A_540, %dma_wait3A_615] : memref<128x128xf32, #tpu.memory_space<vmem_shared>> -> memref<4x128xf32, #tpu.memory_space<vmem_shared>>
        %dma_wait3A_617 = arith.constant 0 : i32
        %dma_wait3A_618 = tpu.memref_slice %arg11[%mul3A_540, %dma_wait3A_617] : memref<128x128xf32, #tpu.memory_space<vmem_shared>> -> memref<4x128xf32, #tpu.memory_space<vmem_shared>>
        tpu.wait_dma2 semaphore(%run_scoped3A : memref<!tpu.dma_semaphore, #tpu.memory_space<semaphore_mem>>) src(%arg8 : memref<4x128xf32, #tpu.memory_space<vmem>>) dst(%dma_wait3A_618 : memref<4x128xf32, #tpu.memory_space<vmem_shared>>)
        tpu.yield
      }) : () -> ()
      %mul3A_541 = arith.constant 128 : i32
      %mul3A_542 = arith.muli %add3A_526, %mul3A_541 : i32
      %add3A_543 = arith.constant 0 : i32
      %add3A_544 = arith.addi %mul3A_542, %add3A_543 : i32
      %dma_wait3A_545 = arith.constant 0 : i32
      %dma_wait3A_546 = arith.constant 0 : i32
      %dma_wait3A_547 = tpu.memref_slice %arg6[%dma_wait3A_545, %dma_wait3A_546] : memref<128x128xf32, #tpu.memory_space<vmem>> -> memref<128x128xf32, #tpu.memory_space<vmem>>
      %dma_wait3A_548 = tpu.memref_slice %arg5[%add3A_544] : memref<10240xi32, #tpu.memory_space<vmem>> -> memref<128xi32, #tpu.memory_space<vmem>>
      %dma_wait3A_549 = arith.constant 0 : i32
      %dma_wait3A_550 = arith.constant 0 : i32
      %dma_wait3A_551 = tpu.memref_slice %arg12[%dma_wait3A_549, %dma_wait3A_550] : memref<10112x128xf32, #tpu.memory_space<vmem_shared>> -> memref<10112x128xf32, #tpu.memory_space<vmem_shared>>
      tpu.wait_indirect_dma semaphore(%arg13 : memref<!tpu.dma_semaphore, #tpu.memory_space<semaphore_mem>>) src(%dma_wait3A_551 : memref<10112x128xf32, #tpu.memory_space<vmem_shared>>) dst(%dma_wait3A_547 : memref<128x128xf32, #tpu.memory_space<vmem>>)
      "tpu.region"() ({
        %run_scoped3A = tpu.sem_alloc : memref<!tpu.dma_semaphore, #tpu.memory_space<semaphore_mem>>
        %dma_start3A_611 = arith.constant 0 : i32
        %dma_start3A_612 = arith.constant 0 : i32
        %dma_start3A_613 = tpu.memref_slice %arg11[%dma_start3A_611, %dma_start3A_612] : memref<128x128xf32, #tpu.memory_space<vmem_shared>> -> memref<128x128xf32, #tpu.memory_space<vmem_shared>>
        tpu.enqueue_indirect_dma source(%arg6 : memref<128x128xf32, #tpu.memory_space<vmem>>) target(%dma_start3A_613 : memref<128x128xf32, #tpu.memory_space<vmem_shared>>) offsets(%arg9 : memref<128xi32, #tpu.memory_space<vmem>>) semaphore(%run_scoped3A : memref<!tpu.dma_semaphore, #tpu.memory_space<semaphore_mem>>) {add = true}
        %dma_wait3A_614 = arith.constant 0 : i32
        %dma_wait3A_615 = arith.constant 0 : i32
        %dma_wait3A_616 = tpu.memref_slice %arg11[%dma_wait3A_614, %dma_wait3A_615] : memref<128x128xf32, #tpu.memory_space<vmem_shared>> -> memref<128x128xf32, #tpu.memory_space<vmem_shared>>
        tpu.wait_indirect_dma semaphore(%run_scoped3A : memref<!tpu.dma_semaphore, #tpu.memory_space<semaphore_mem>>) src(%arg6 : memref<128x128xf32, #tpu.memory_space<vmem>>) dst(%dma_wait3A_616 : memref<128x128xf32, #tpu.memory_space<vmem_shared>>)
        tpu.yield
      }) : () -> ()
      %mul3A_552 = arith.constant 2 : i32
      %mul3A_553 = arith.muli %arg1, %mul3A_552 : i32
      %add3A_554 = arith.constant 0 : i32
      %add3A_555 = arith.addi %mul3A_553, %add3A_554 : i32
      %mul3A_556 = arith.constant 4 : i32
      %mul3A_557 = arith.muli %add3A_555, %mul3A_556 : i32
      %mul3A_558 = arith.constant 4 : i32
      %mul3A_559 = arith.muli %add3A_526, %mul3A_558 : i32
      %add3A_560 = arith.addi %mul3A_2, %mul3A_559 : i32
      %dma_start3A_561 = arith.constant 0 : i32
      %dma_start3A_562 = tpu.memref_slice %arg4[%add3A_560, %dma_start3A_561] : memref<10240x128xf32, #tpu.memory_space<hbm>> -> memref<4x128xf32, #tpu.memory_space<hbm>>
      %dma_start3A_563 = arith.constant 0 : i32
      %dma_start3A_564 = tpu.memref_slice %arg11[%mul3A_557, %dma_start3A_563] : memref<128x128xf32, #tpu.memory_space<vmem_shared>> -> memref<4x128xf32, #tpu.memory_space<vmem_shared>>
      tpu.enqueue_dma source(%dma_start3A_564 : memref<4x128xf32, #tpu.memory_space<vmem_shared>>) target(%dma_start3A_562 : memref<4x128xf32, #tpu.memory_space<hbm>>) target_semaphore(%arg15 : memref<!tpu.dma_semaphore, #tpu.memory_space<semaphore_mem>>)
      %mul3A_565 = arith.constant 2 : i32
      %mul3A_566 = arith.muli %mul3A_565, %scan3A_522 : i32
      %add3A_567 = arith.constant 1 : i32
      %add3A_568 = arith.addi %mul3A_566, %add3A_567 : i32
      %add3A_569 = arith.constant 1 : i32
      %add3A_570 = arith.addi %add3A_568, %add3A_569 : i32
      %lt3A_571 = arith.constant 80 : i32
      %lt3A_572 = arith.cmpi slt, %add3A_570, %lt3A_571 : i32
      %convert_element_type3A_573 = arith.extui %lt3A_572 : i1 to i32
      %cond3A_574 = arith.constant 0 : i32
      %cond3A_575 = arith.cmpi ne, %convert_element_type3A_573, %cond3A_574 : i32
      scf.if %cond3A_575 {
        %add3A_611 = arith.constant 1 : i32
        %add3A_612 = arith.addi %add3A_568, %add3A_611 : i32
        %mul3A_613 = arith.constant 128 : i32
        %mul3A_614 = arith.muli %add3A_612, %mul3A_613 : i32
        %add3A_615 = arith.constant 0 : i32
        %add3A_616 = arith.addi %mul3A_614, %add3A_615 : i32
        %dma_start3A_617 = arith.constant 0 : i32
        %dma_start3A_618 = arith.constant 0 : i32
        %dma_start3A_619 = tpu.memref_slice %arg6[%dma_start3A_617, %dma_start3A_618] : memref<128x128xf32, #tpu.memory_space<vmem>> -> memref<128x128xf32, #tpu.memory_space<vmem>>
        %dma_start3A_620 = tpu.memref_slice %arg5[%add3A_616] : memref<10240xi32, #tpu.memory_space<vmem>> -> memref<128xi32, #tpu.memory_space<vmem>>
        %dma_start3A_621 = arith.constant 0 : i32
        %dma_start3A_622 = arith.constant 0 : i32
        %dma_start3A_623 = tpu.memref_slice %arg12[%dma_start3A_621, %dma_start3A_622] : memref<10112x128xf32, #tpu.memory_space<vmem_shared>> -> memref<10112x128xf32, #tpu.memory_space<vmem_shared>>
        tpu.enqueue_indirect_dma source(%dma_start3A_623 : memref<10112x128xf32, #tpu.memory_space<vmem_shared>>) target(%dma_start3A_619 : memref<128x128xf32, #tpu.memory_space<vmem>>) offsets(%dma_start3A_620 : memref<128xi32, #tpu.memory_space<vmem>>) semaphore(%arg13 : memref<!tpu.dma_semaphore, #tpu.memory_space<semaphore_mem>>)
      } else {
      }
      %ge3A_576 = arith.constant 2 : i32
      %ge3A_577 = arith.cmpi sge, %add3A_568, %ge3A_576 : i32
      %convert_element_type3A_578 = arith.extui %ge3A_577 : i1 to i32
      %cond3A_579 = arith.constant 0 : i32
      %cond3A_580 = arith.cmpi ne, %convert_element_type3A_578, %cond3A_579 : i32
      scf.if %cond3A_580 {
        %sub3A = arith.constant 2 : i32
        %sub3A_611 = arith.subi %add3A_568, %sub3A : i32
        %mul3A_612 = arith.constant 2 : i32
        %mul3A_613 = arith.muli %arg1, %mul3A_612 : i32
        %add3A_614 = arith.constant 1 : i32
        %add3A_615 = arith.addi %mul3A_613, %add3A_614 : i32
        %mul3A_616 = arith.constant 4 : i32
        %mul3A_617 = arith.muli %add3A_615, %mul3A_616 : i32
        %mul3A_618 = arith.constant 4 : i32
        %mul3A_619 = arith.muli %sub3A_611, %mul3A_618 : i32
        %add3A_620 = arith.addi %mul3A_2, %mul3A_619 : i32
        %dma_wait3A_621 = arith.constant 0 : i32
        %dma_wait3A_622 = tpu.memref_slice %arg4[%add3A_620, %dma_wait3A_621] : memref<10240x128xf32, #tpu.memory_space<hbm>> -> memref<4x128xf32, #tpu.memory_space<hbm>>
        %dma_wait3A_623 = arith.constant 0 : i32
        %dma_wait3A_624 = tpu.memref_slice %arg11[%mul3A_617, %dma_wait3A_623] : memref<128x128xf32, #tpu.memory_space<vmem_shared>> -> memref<4x128xf32, #tpu.memory_space<vmem_shared>>
        tpu.wait_dma2 semaphore(%arg16 : memref<!tpu.dma_semaphore, #tpu.memory_space<semaphore_mem>>) src(%dma_wait3A_624 : memref<4x128xf32, #tpu.memory_space<vmem_shared>>) dst(%dma_wait3A_622 : memref<4x128xf32, #tpu.memory_space<hbm>>)
      } else {
      }
      %mul3A_581 = arith.constant 2 : i32
      %mul3A_582 = arith.muli %arg1, %mul3A_581 : i32
      %add3A_583 = arith.constant 1 : i32
      %add3A_584 = arith.addi %mul3A_582, %add3A_583 : i32
      %mul3A_585 = arith.constant 4 : i32
      %mul3A_586 = arith.muli %add3A_584, %mul3A_585 : i32
      "tpu.region"() ({
        %run_scoped3A = tpu.sem_alloc : memref<!tpu.dma_semaphore, #tpu.memory_space<semaphore_mem>>
        %dma_start3A_611 = arith.constant 0 : i32
        %dma_start3A_612 = tpu.memref_slice %arg11[%mul3A_586, %dma_start3A_611] : memref<128x128xf32, #tpu.memory_space<vmem_shared>> -> memref<4x128xf32, #tpu.memory_space<vmem_shared>>
        %dma_start3A_613 = arith.constant 0 : i32
        %dma_start3A_614 = tpu.memref_slice %arg11[%mul3A_586, %dma_start3A_613] : memref<128x128xf32, #tpu.memory_space<vmem_shared>> -> memref<4x128xf32, #tpu.memory_space<vmem_shared>>
        tpu.enqueue_dma source(%arg8 : memref<4x128xf32, #tpu.memory_space<vmem>>) target(%dma_start3A_614 : memref<4x128xf32, #tpu.memory_space<vmem_shared>>) target_semaphore(%run_scoped3A : memref<!tpu.dma_semaphore, #tpu.memory_space<semaphore_mem>>)
        %dma_wait3A_615 = arith.constant 0 : i32
        %dma_wait3A_616 = tpu.memref_slice %arg11[%mul3A_586, %dma_wait3A_615] : memref<128x128xf32, #tpu.memory_space<vmem_shared>> -> memref<4x128xf32, #tpu.memory_space<vmem_shared>>
        %dma_wait3A_617 = arith.constant 0 : i32
        %dma_wait3A_618 = tpu.memref_slice %arg11[%mul3A_586, %dma_wait3A_617] : memref<128x128xf32, #tpu.memory_space<vmem_shared>> -> memref<4x128xf32, #tpu.memory_space<vmem_shared>>
        tpu.wait_dma2 semaphore(%run_scoped3A : memref<!tpu.dma_semaphore, #tpu.memory_space<semaphore_mem>>) src(%arg8 : memref<4x128xf32, #tpu.memory_space<vmem>>) dst(%dma_wait3A_618 : memref<4x128xf32, #tpu.memory_space<vmem_shared>>)
        tpu.yield
      }) : () -> ()
      %mul3A_587 = arith.constant 128 : i32
      %mul3A_588 = arith.muli %add3A_568, %mul3A_587 : i32
      %add3A_589 = arith.constant 0 : i32
      %add3A_590 = arith.addi %mul3A_588, %add3A_589 : i32
      %dma_wait3A_591 = arith.constant 0 : i32
      %dma_wait3A_592 = arith.constant 0 : i32
      %dma_wait3A_593 = tpu.memref_slice %arg7[%dma_wait3A_591, %dma_wait3A_592] : memref<128x128xf32, #tpu.memory_space<vmem>> -> memref<128x128xf32, #tpu.memory_space<vmem>>
      %dma_wait3A_594 = tpu.memref_slice %arg5[%add3A_590] : memref<10240xi32, #tpu.memory_space<vmem>> -> memref<128xi32, #tpu.memory_space<vmem>>
      %dma_wait3A_595 = arith.constant 0 : i32
      %dma_wait3A_596 = arith.constant 0 : i32
      %dma_wait3A_597 = tpu.memref_slice %arg12[%dma_wait3A_595, %dma_wait3A_596] : memref<10112x128xf32, #tpu.memory_space<vmem_shared>> -> memref<10112x128xf32, #tpu.memory_space<vmem_shared>>
      tpu.wait_indirect_dma semaphore(%arg14 : memref<!tpu.dma_semaphore, #tpu.memory_space<semaphore_mem>>) src(%dma_wait3A_597 : memref<10112x128xf32, #tpu.memory_space<vmem_shared>>) dst(%dma_wait3A_593 : memref<128x128xf32, #tpu.memory_space<vmem>>)
      "tpu.region"() ({
        %run_scoped3A = tpu.sem_alloc : memref<!tpu.dma_semaphore, #tpu.memory_space<semaphore_mem>>
        %dma_start3A_611 = arith.constant 0 : i32
        %dma_start3A_612 = arith.constant 0 : i32
        %dma_start3A_613 = tpu.memref_slice %arg11[%dma_start3A_611, %dma_start3A_612] : memref<128x128xf32, #tpu.memory_space<vmem_shared>> -> memref<128x128xf32, #tpu.memory_space<vmem_shared>>
        tpu.enqueue_indirect_dma source(%arg7 : memref<128x128xf32, #tpu.memory_space<vmem>>) target(%dma_start3A_613 : memref<128x128xf32, #tpu.memory_space<vmem_shared>>) offsets(%arg10 : memref<128xi32, #tpu.memory_space<vmem>>) semaphore(%run_scoped3A : memref<!tpu.dma_semaphore, #tpu.memory_space<semaphore_mem>>) {add = true}
        %dma_wait3A_614 = arith.constant 0 : i32
        %dma_wait3A_615 = arith.constant 0 : i32
        %dma_wait3A_616 = tpu.memref_slice %arg11[%dma_wait3A_614, %dma_wait3A_615] : memref<128x128xf32, #tpu.memory_space<vmem_shared>> -> memref<128x128xf32, #tpu.memory_space<vmem_shared>>
        tpu.wait_indirect_dma semaphore(%run_scoped3A : memref<!tpu.dma_semaphore, #tpu.memory_space<semaphore_mem>>) src(%arg7 : memref<128x128xf32, #tpu.memory_space<vmem>>) dst(%dma_wait3A_616 : memref<128x128xf32, #tpu.memory_space<vmem_shared>>)
        tpu.yield
      }) : () -> ()
      %mul3A_598 = arith.constant 2 : i32
      %mul3A_599 = arith.muli %arg1, %mul3A_598 : i32
      %add3A_600 = arith.constant 1 : i32
      %add3A_601 = arith.addi %mul3A_599, %add3A_600 : i32
      %mul3A_602 = arith.constant 4 : i32
      %mul3A_603 = arith.muli %add3A_601, %mul3A_602 : i32
      %mul3A_604 = arith.constant 4 : i32
      %mul3A_605 = arith.muli %add3A_568, %mul3A_604 : i32
      %add3A_606 = arith.addi %mul3A_2, %mul3A_605 : i32
      %dma_start3A_607 = arith.constant 0 : i32
      %dma_start3A_608 = tpu.memref_slice %arg4[%add3A_606, %dma_start3A_607] : memref<10240x128xf32, #tpu.memory_space<hbm>> -> memref<4x128xf32, #tpu.memory_space<hbm>>
      %dma_start3A_609 = arith.constant 0 : i32
      %dma_start3A_610 = tpu.memref_slice %arg11[%mul3A_603, %dma_start3A_609] : memref<128x128xf32, #tpu.memory_space<vmem_shared>> -> memref<4x128xf32, #tpu.memory_space<vmem_shared>>
      tpu.enqueue_dma source(%dma_start3A_610 : memref<4x128xf32, #tpu.memory_space<vmem_shared>>) target(%dma_start3A_608 : memref<4x128xf32, #tpu.memory_space<hbm>>) target_semaphore(%arg16 : memref<!tpu.dma_semaphore, #tpu.memory_space<semaphore_mem>>)
    }
    %scan3A_498 = arith.constant 40 : i32
    %mul3A_499 = arith.constant 2 : i32
    %mul3A_500 = arith.muli %arg1, %mul3A_499 : i32
    %add3A_501 = arith.constant 0 : i32
    %add3A_502 = arith.addi %mul3A_500, %add3A_501 : i32
    %mul3A_503 = arith.constant 4 : i32
    %mul3A_504 = arith.muli %add3A_502, %mul3A_503 : i32
    %add3A_505 = arith.constant 312 : i32
    %add3A_506 = arith.addi %mul3A_2, %add3A_505 : i32
    %dma_wait3A = arith.constant 0 : i32
    %dma_wait3A_507 = tpu.memref_slice %arg4[%add3A_506, %dma_wait3A] : memref<10240x128xf32, #tpu.memory_space<hbm>> -> memref<4x128xf32, #tpu.memory_space<hbm>>
    %dma_wait3A_508 = arith.constant 0 : i32
    %dma_wait3A_509 = tpu.memref_slice %arg11[%mul3A_504, %dma_wait3A_508] : memref<128x128xf32, #tpu.memory_space<vmem_shared>> -> memref<4x128xf32, #tpu.memory_space<vmem_shared>>
    tpu.wait_dma2 semaphore(%arg15 : memref<!tpu.dma_semaphore, #tpu.memory_space<semaphore_mem>>) src(%dma_wait3A_509 : memref<4x128xf32, #tpu.memory_space<vmem_shared>>) dst(%dma_wait3A_507 : memref<4x128xf32, #tpu.memory_space<hbm>>)
    %mul3A_510 = arith.constant 2 : i32
    %mul3A_511 = arith.muli %arg1, %mul3A_510 : i32
    %add3A_512 = arith.constant 1 : i32
    %add3A_513 = arith.addi %mul3A_511, %add3A_512 : i32
    %mul3A_514 = arith.constant 4 : i32
    %mul3A_515 = arith.muli %add3A_513, %mul3A_514 : i32
    %add3A_516 = arith.constant 316 : i32
    %add3A_517 = arith.addi %mul3A_2, %add3A_516 : i32
    %dma_wait3A_518 = arith.constant 0 : i32
    %dma_wait3A_519 = tpu.memref_slice %arg4[%add3A_517, %dma_wait3A_518] : memref<10240x128xf32, #tpu.memory_space<hbm>> -> memref<4x128xf32, #tpu.memory_space<hbm>>
    %dma_wait3A_520 = arith.constant 0 : i32
    %dma_wait3A_521 = tpu.memref_slice %arg11[%mul3A_515, %dma_wait3A_520] : memref<128x128xf32, #tpu.memory_space<vmem_shared>> -> memref<4x128xf32, #tpu.memory_space<vmem_shared>>
    tpu.wait_dma2 semaphore(%arg16 : memref<!tpu.dma_semaphore, #tpu.memory_space<semaphore_mem>>) src(%dma_wait3A_521 : memref<4x128xf32, #tpu.memory_space<vmem_shared>>) dst(%dma_wait3A_519 : memref<4x128xf32, #tpu.memory_space<hbm>>)
    return
  }
}

#map = affine_map<(d0, d1) -> (0, 0)>
#map1 = affine_map<(d0, d1) -> (0)>
module attributes {stable_mosaic.version = 14 : i64} {
  func.func @body(%arg0: i32, %arg1: i32, %arg2: memref<320000x128xf32, #tpu.memory_space<hbm>>, %arg3: memref<327680xi32, #tpu.memory_space<hbm>>, %arg4: memref<10240x128xf32, #tpu.memory_space<hbm>>, %arg5: memref<10240xi32, #tpu.memory_space<vmem>>, %arg6: memref<256x128xf32, #tpu.memory_space<vmem>>, %arg7: memref<256x128xf32, #tpu.memory_space<vmem>>, %arg8: memref<8x128xf32, #tpu.memory_space<vmem>>, %arg9: memref<256xi32, #tpu.memory_space<vmem>>, %arg10: memref<256xi32, #tpu.memory_space<vmem>>, %arg11: memref<256x128xf32, #tpu.memory_space<vmem_shared>>, %arg12: memref<8x128xf32, #tpu.memory_space<vmem_shared>>, %arg13: memref<!tpu.dma_semaphore, #tpu.memory_space<semaphore_mem>>, %arg14: memref<!tpu.dma_semaphore, #tpu.memory_space<semaphore_mem>>, %arg15: memref<!tpu.dma_semaphore, #tpu.memory_space<semaphore_mem>>, %arg16: memref<!tpu.dma_semaphore, #tpu.memory_space<semaphore_mem>>) attributes {dimension_semantics = [#tpu.dimension_semantics<core_parallel>, #tpu.dimension_semantics<subcore_parallel>], iteration_bounds = array<i64: 2, 16>, scalar_prefetch = 0 : i64, scratch_operands = 12 : i64, tpu.core_type = #tpu.core_type<sc_vector_subcore>, window_params = [{transform_indices = #map}, {transform_indices = #map1}, {transform_indices = #map}]} {
    %mul3A = arith.constant 2 : i32
    %mul3A_0 = arith.muli %arg1, %mul3A : i32
    %add3A = arith.addi %mul3A_0, %arg0 : i32
    %mul3A_1 = arith.constant 320 : i32
    %mul3A_2 = arith.muli %add3A, %mul3A_1 : i32
    %mul3A_3 = arith.constant 32 : i32
    %mul3A_4 = arith.muli %mul3A_2, %mul3A_3 : i32
    "tpu.region"() ({
      %run_scoped3A = tpu.sem_alloc : memref<!tpu.dma_semaphore, #tpu.memory_space<semaphore_mem>>
      %dma_start3A_1006 = tpu.memref_slice %arg3[%mul3A_4] : memref<327680xi32, #tpu.memory_space<hbm>> -> memref<10240xi32, #tpu.memory_space<hbm>>
      %dma_start3A_1007 = tpu.memref_slice %arg3[%mul3A_4] : memref<327680xi32, #tpu.memory_space<hbm>> -> memref<10240xi32, #tpu.memory_space<hbm>>
      tpu.enqueue_dma source(%dma_start3A_1007 : memref<10240xi32, #tpu.memory_space<hbm>>) target(%arg5 : memref<10240xi32, #tpu.memory_space<vmem>>) target_semaphore(%run_scoped3A : memref<!tpu.dma_semaphore, #tpu.memory_space<semaphore_mem>>)
      %dma_wait3A_1008 = tpu.memref_slice %arg3[%mul3A_4] : memref<327680xi32, #tpu.memory_space<hbm>> -> memref<10240xi32, #tpu.memory_space<hbm>>
      %dma_wait3A_1009 = tpu.memref_slice %arg3[%mul3A_4] : memref<327680xi32, #tpu.memory_space<hbm>> -> memref<10240xi32, #tpu.memory_space<hbm>>
      tpu.wait_dma2 semaphore(%run_scoped3A : memref<!tpu.dma_semaphore, #tpu.memory_space<semaphore_mem>>) src(%dma_wait3A_1009 : memref<10240xi32, #tpu.memory_space<hbm>>) dst(%arg5 : memref<10240xi32, #tpu.memory_space<vmem>>)
      tpu.yield
    }) : () -> ()
    %broadcast_in_dim3A = arith.constant 0.000000e+00 : f32
    %broadcast_in_dim3A_5 = vector.broadcast %broadcast_in_dim3A : f32 to vector<16xf32>
    %swap3A = arith.constant 0 : i32
    %swap3A_6 = arith.index_cast %swap3A : i32 to index
    %swap3A_7 = arith.constant 0 : index
    %swap3A_8 = tpu.vector_load %arg8[%swap3A_6, %swap3A_7] {strides = array<i32>} : memref<8x128xf32, #tpu.memory_space<vmem>>, vector<1x16xf32>,
    %swap3A_9 = vector.shape_cast %swap3A_8 : vector<1x16xf32> to vector<16xf32>
    %swap3A_10 = vector.shape_cast %broadcast_in_dim3A_5 : vector<16xf32> to vector<1x16xf32>
    tpu.vector_store %arg8[%swap3A_6, %swap3A_7], %swap3A_10 {strides = array<i32>} : memref<8x128xf32, #tpu.memory_space<vmem>>, vector<1x16xf32>,
    %broadcast_in_dim3A_11 = arith.constant 0.000000e+00 : f32
    %broadcast_in_dim3A_12 = vector.broadcast %broadcast_in_dim3A_11 : f32 to vector<16xf32>
    %swap3A_13 = arith.constant 0 : i32
    %swap3A_14 = arith.index_cast %swap3A_13 : i32 to index
    %swap3A_15 = arith.constant 16 : index
    %swap3A_16 = tpu.vector_load %arg8[%swap3A_14, %swap3A_15] {strides = array<i32>} : memref<8x128xf32, #tpu.memory_space<vmem>>, vector<1x16xf32>,
    %swap3A_17 = vector.shape_cast %swap3A_16 : vector<1x16xf32> to vector<16xf32>
    %swap3A_18 = vector.shape_cast %broadcast_in_dim3A_12 : vector<16xf32> to vector<1x16xf32>
    tpu.vector_store %arg8[%swap3A_14, %swap3A_15], %swap3A_18 {strides = array<i32>} : memref<8x128xf32, #tpu.memory_space<vmem>>, vector<1x16xf32>,
    %broadcast_in_dim3A_19 = arith.constant 0.000000e+00 : f32
    %broadcast_in_dim3A_20 = vector.broadcast %broadcast_in_dim3A_19 : f32 to vector<16xf32>
    %swap3A_21 = arith.constant 0 : i32
    %swap3A_22 = arith.index_cast %swap3A_21 : i32 to index
    %swap3A_23 = arith.constant 32 : index
    %swap3A_24 = tpu.vector_load %arg8[%swap3A_22, %swap3A_23] {strides = array<i32>} : memref<8x128xf32, #tpu.memory_space<vmem>>, vector<1x16xf32>,
    %swap3A_25 = vector.shape_cast %swap3A_24 : vector<1x16xf32> to vector<16xf32>
    %swap3A_26 = vector.shape_cast %broadcast_in_dim3A_20 : vector<16xf32> to vector<1x16xf32>
    tpu.vector_store %arg8[%swap3A_22, %swap3A_23], %swap3A_26 {strides = array<i32>} : memref<8x128xf32, #tpu.memory_space<vmem>>, vector<1x16xf32>,
    %broadcast_in_dim3A_27 = arith.constant 0.000000e+00 : f32
    %broadcast_in_dim3A_28 = vector.broadcast %broadcast_in_dim3A_27 : f32 to vector<16xf32>
    %swap3A_29 = arith.constant 0 : i32
    %swap3A_30 = arith.index_cast %swap3A_29 : i32 to index
    %swap3A_31 = arith.constant 48 : index
    %swap3A_32 = tpu.vector_load %arg8[%swap3A_30, %swap3A_31] {strides = array<i32>} : memref<8x128xf32, #tpu.memory_space<vmem>>, vector<1x16xf32>,
    %swap3A_33 = vector.shape_cast %swap3A_32 : vector<1x16xf32> to vector<16xf32>
    %swap3A_34 = vector.shape_cast %broadcast_in_dim3A_28 : vector<16xf32> to vector<1x16xf32>
    tpu.vector_store %arg8[%swap3A_30, %swap3A_31], %swap3A_34 {strides = array<i32>} : memref<8x128xf32, #tpu.memory_space<vmem>>, vector<1x16xf32>,
    %broadcast_in_dim3A_35 = arith.constant 0.000000e+00 : f32
    %broadcast_in_dim3A_36 = vector.broadcast %broadcast_in_dim3A_35 : f32 to vector<16xf32>
    %swap3A_37 = arith.constant 0 : i32
    %swap3A_38 = arith.index_cast %swap3A_37 : i32 to index
    %swap3A_39 = arith.constant 64 : index
    %swap3A_40 = tpu.vector_load %arg8[%swap3A_38, %swap3A_39] {strides = array<i32>} : memref<8x128xf32, #tpu.memory_space<vmem>>, vector<1x16xf32>,
    %swap3A_41 = vector.shape_cast %swap3A_40 : vector<1x16xf32> to vector<16xf32>
    %swap3A_42 = vector.shape_cast %broadcast_in_dim3A_36 : vector<16xf32> to vector<1x16xf32>
    tpu.vector_store %arg8[%swap3A_38, %swap3A_39], %swap3A_42 {strides = array<i32>} : memref<8x128xf32, #tpu.memory_space<vmem>>, vector<1x16xf32>,
    %broadcast_in_dim3A_43 = arith.constant 0.000000e+00 : f32
    %broadcast_in_dim3A_44 = vector.broadcast %broadcast_in_dim3A_43 : f32 to vector<16xf32>
    %swap3A_45 = arith.constant 0 : i32
    %swap3A_46 = arith.index_cast %swap3A_45 : i32 to index
    %swap3A_47 = arith.constant 80 : index
    %swap3A_48 = tpu.vector_load %arg8[%swap3A_46, %swap3A_47] {strides = array<i32>} : memref<8x128xf32, #tpu.memory_space<vmem>>, vector<1x16xf32>,
    %swap3A_49 = vector.shape_cast %swap3A_48 : vector<1x16xf32> to vector<16xf32>
    %swap3A_50 = vector.shape_cast %broadcast_in_dim3A_44 : vector<16xf32> to vector<1x16xf32>
    tpu.vector_store %arg8[%swap3A_46, %swap3A_47], %swap3A_50 {strides = array<i32>} : memref<8x128xf32, #tpu.memory_space<vmem>>, vector<1x16xf32>,
    %broadcast_in_dim3A_51 = arith.constant 0.000000e+00 : f32
    %broadcast_in_dim3A_52 = vector.broadcast %broadcast_in_dim3A_51 : f32 to vector<16xf32>
    %swap3A_53 = arith.constant 0 : i32
    %swap3A_54 = arith.index_cast %swap3A_53 : i32 to index
    %swap3A_55 = arith.constant 96 : index
    %swap3A_56 = tpu.vector_load %arg8[%swap3A_54, %swap3A_55] {strides = array<i32>} : memref<8x128xf32, #tpu.memory_space<vmem>>, vector<1x16xf32>,
    %swap3A_57 = vector.shape_cast %swap3A_56 : vector<1x16xf32> to vector<16xf32>
    %swap3A_58 = vector.shape_cast %broadcast_in_dim3A_52 : vector<16xf32> to vector<1x16xf32>
    tpu.vector_store %arg8[%swap3A_54, %swap3A_55], %swap3A_58 {strides = array<i32>} : memref<8x128xf32, #tpu.memory_space<vmem>>, vector<1x16xf32>,
    %broadcast_in_dim3A_59 = arith.constant 0.000000e+00 : f32
    %broadcast_in_dim3A_60 = vector.broadcast %broadcast_in_dim3A_59 : f32 to vector<16xf32>
    %swap3A_61 = arith.constant 0 : i32
    %swap3A_62 = arith.index_cast %swap3A_61 : i32 to index
    %swap3A_63 = arith.constant 112 : index
    %swap3A_64 = tpu.vector_load %arg8[%swap3A_62, %swap3A_63] {strides = array<i32>} : memref<8x128xf32, #tpu.memory_space<vmem>>, vector<1x16xf32>,
    %swap3A_65 = vector.shape_cast %swap3A_64 : vector<1x16xf32> to vector<16xf32>
    %swap3A_66 = vector.shape_cast %broadcast_in_dim3A_60 : vector<16xf32> to vector<1x16xf32>
    tpu.vector_store %arg8[%swap3A_62, %swap3A_63], %swap3A_66 {strides = array<i32>} : memref<8x128xf32, #tpu.memory_space<vmem>>, vector<1x16xf32>,
    %broadcast_in_dim3A_67 = arith.constant 0.000000e+00 : f32
    %broadcast_in_dim3A_68 = vector.broadcast %broadcast_in_dim3A_67 : f32 to vector<16xf32>
    %swap3A_69 = arith.constant 1 : i32
    %swap3A_70 = arith.index_cast %swap3A_69 : i32 to index
    %swap3A_71 = arith.constant 0 : index
    %swap3A_72 = tpu.vector_load %arg8[%swap3A_70, %swap3A_71] {strides = array<i32>} : memref<8x128xf32, #tpu.memory_space<vmem>>, vector<1x16xf32>,
    %swap3A_73 = vector.shape_cast %swap3A_72 : vector<1x16xf32> to vector<16xf32>
    %swap3A_74 = vector.shape_cast %broadcast_in_dim3A_68 : vector<16xf32> to vector<1x16xf32>
    tpu.vector_store %arg8[%swap3A_70, %swap3A_71], %swap3A_74 {strides = array<i32>} : memref<8x128xf32, #tpu.memory_space<vmem>>, vector<1x16xf32>,
    %broadcast_in_dim3A_75 = arith.constant 0.000000e+00 : f32
    %broadcast_in_dim3A_76 = vector.broadcast %broadcast_in_dim3A_75 : f32 to vector<16xf32>
    %swap3A_77 = arith.constant 1 : i32
    %swap3A_78 = arith.index_cast %swap3A_77 : i32 to index
    %swap3A_79 = arith.constant 16 : index
    %swap3A_80 = tpu.vector_load %arg8[%swap3A_78, %swap3A_79] {strides = array<i32>} : memref<8x128xf32, #tpu.memory_space<vmem>>, vector<1x16xf32>,
    %swap3A_81 = vector.shape_cast %swap3A_80 : vector<1x16xf32> to vector<16xf32>
    %swap3A_82 = vector.shape_cast %broadcast_in_dim3A_76 : vector<16xf32> to vector<1x16xf32>
    tpu.vector_store %arg8[%swap3A_78, %swap3A_79], %swap3A_82 {strides = array<i32>} : memref<8x128xf32, #tpu.memory_space<vmem>>, vector<1x16xf32>,
    %broadcast_in_dim3A_83 = arith.constant 0.000000e+00 : f32
    %broadcast_in_dim3A_84 = vector.broadcast %broadcast_in_dim3A_83 : f32 to vector<16xf32>
    %swap3A_85 = arith.constant 1 : i32
    %swap3A_86 = arith.index_cast %swap3A_85 : i32 to index
    %swap3A_87 = arith.constant 32 : index
    %swap3A_88 = tpu.vector_load %arg8[%swap3A_86, %swap3A_87] {strides = array<i32>} : memref<8x128xf32, #tpu.memory_space<vmem>>, vector<1x16xf32>,
    %swap3A_89 = vector.shape_cast %swap3A_88 : vector<1x16xf32> to vector<16xf32>
    %swap3A_90 = vector.shape_cast %broadcast_in_dim3A_84 : vector<16xf32> to vector<1x16xf32>
    tpu.vector_store %arg8[%swap3A_86, %swap3A_87], %swap3A_90 {strides = array<i32>} : memref<8x128xf32, #tpu.memory_space<vmem>>, vector<1x16xf32>,
    %broadcast_in_dim3A_91 = arith.constant 0.000000e+00 : f32
    %broadcast_in_dim3A_92 = vector.broadcast %broadcast_in_dim3A_91 : f32 to vector<16xf32>
    %swap3A_93 = arith.constant 1 : i32
    %swap3A_94 = arith.index_cast %swap3A_93 : i32 to index
    %swap3A_95 = arith.constant 48 : index
    %swap3A_96 = tpu.vector_load %arg8[%swap3A_94, %swap3A_95] {strides = array<i32>} : memref<8x128xf32, #tpu.memory_space<vmem>>, vector<1x16xf32>,
    %swap3A_97 = vector.shape_cast %swap3A_96 : vector<1x16xf32> to vector<16xf32>
    %swap3A_98 = vector.shape_cast %broadcast_in_dim3A_92 : vector<16xf32> to vector<1x16xf32>
    tpu.vector_store %arg8[%swap3A_94, %swap3A_95], %swap3A_98 {strides = array<i32>} : memref<8x128xf32, #tpu.memory_space<vmem>>, vector<1x16xf32>,
    %broadcast_in_dim3A_99 = arith.constant 0.000000e+00 : f32
    %broadcast_in_dim3A_100 = vector.broadcast %broadcast_in_dim3A_99 : f32 to vector<16xf32>
    %swap3A_101 = arith.constant 1 : i32
    %swap3A_102 = arith.index_cast %swap3A_101 : i32 to index
    %swap3A_103 = arith.constant 64 : index
    %swap3A_104 = tpu.vector_load %arg8[%swap3A_102, %swap3A_103] {strides = array<i32>} : memref<8x128xf32, #tpu.memory_space<vmem>>, vector<1x16xf32>,
    %swap3A_105 = vector.shape_cast %swap3A_104 : vector<1x16xf32> to vector<16xf32>
    %swap3A_106 = vector.shape_cast %broadcast_in_dim3A_100 : vector<16xf32> to vector<1x16xf32>
    tpu.vector_store %arg8[%swap3A_102, %swap3A_103], %swap3A_106 {strides = array<i32>} : memref<8x128xf32, #tpu.memory_space<vmem>>, vector<1x16xf32>,
    %broadcast_in_dim3A_107 = arith.constant 0.000000e+00 : f32
    %broadcast_in_dim3A_108 = vector.broadcast %broadcast_in_dim3A_107 : f32 to vector<16xf32>
    %swap3A_109 = arith.constant 1 : i32
    %swap3A_110 = arith.index_cast %swap3A_109 : i32 to index
    %swap3A_111 = arith.constant 80 : index
    %swap3A_112 = tpu.vector_load %arg8[%swap3A_110, %swap3A_111] {strides = array<i32>} : memref<8x128xf32, #tpu.memory_space<vmem>>, vector<1x16xf32>,
    %swap3A_113 = vector.shape_cast %swap3A_112 : vector<1x16xf32> to vector<16xf32>
    %swap3A_114 = vector.shape_cast %broadcast_in_dim3A_108 : vector<16xf32> to vector<1x16xf32>
    tpu.vector_store %arg8[%swap3A_110, %swap3A_111], %swap3A_114 {strides = array<i32>} : memref<8x128xf32, #tpu.memory_space<vmem>>, vector<1x16xf32>,
    %broadcast_in_dim3A_115 = arith.constant 0.000000e+00 : f32
    %broadcast_in_dim3A_116 = vector.broadcast %broadcast_in_dim3A_115 : f32 to vector<16xf32>
    %swap3A_117 = arith.constant 1 : i32
    %swap3A_118 = arith.index_cast %swap3A_117 : i32 to index
    %swap3A_119 = arith.constant 96 : index
    %swap3A_120 = tpu.vector_load %arg8[%swap3A_118, %swap3A_119] {strides = array<i32>} : memref<8x128xf32, #tpu.memory_space<vmem>>, vector<1x16xf32>,
    %swap3A_121 = vector.shape_cast %swap3A_120 : vector<1x16xf32> to vector<16xf32>
    %swap3A_122 = vector.shape_cast %broadcast_in_dim3A_116 : vector<16xf32> to vector<1x16xf32>
    tpu.vector_store %arg8[%swap3A_118, %swap3A_119], %swap3A_122 {strides = array<i32>} : memref<8x128xf32, #tpu.memory_space<vmem>>, vector<1x16xf32>,
    %broadcast_in_dim3A_123 = arith.constant 0.000000e+00 : f32
    %broadcast_in_dim3A_124 = vector.broadcast %broadcast_in_dim3A_123 : f32 to vector<16xf32>
    %swap3A_125 = arith.constant 1 : i32
    %swap3A_126 = arith.index_cast %swap3A_125 : i32 to index
    %swap3A_127 = arith.constant 112 : index
    %swap3A_128 = tpu.vector_load %arg8[%swap3A_126, %swap3A_127] {strides = array<i32>} : memref<8x128xf32, #tpu.memory_space<vmem>>, vector<1x16xf32>,
    %swap3A_129 = vector.shape_cast %swap3A_128 : vector<1x16xf32> to vector<16xf32>
    %swap3A_130 = vector.shape_cast %broadcast_in_dim3A_124 : vector<16xf32> to vector<1x16xf32>
    tpu.vector_store %arg8[%swap3A_126, %swap3A_127], %swap3A_130 {strides = array<i32>} : memref<8x128xf32, #tpu.memory_space<vmem>>, vector<1x16xf32>,
    %broadcast_in_dim3A_131 = arith.constant 0.000000e+00 : f32
    %broadcast_in_dim3A_132 = vector.broadcast %broadcast_in_dim3A_131 : f32 to vector<16xf32>
    %swap3A_133 = arith.constant 2 : i32
    %swap3A_134 = arith.index_cast %swap3A_133 : i32 to index
    %swap3A_135 = arith.constant 0 : index
    %swap3A_136 = tpu.vector_load %arg8[%swap3A_134, %swap3A_135] {strides = array<i32>} : memref<8x128xf32, #tpu.memory_space<vmem>>, vector<1x16xf32>,
    %swap3A_137 = vector.shape_cast %swap3A_136 : vector<1x16xf32> to vector<16xf32>
    %swap3A_138 = vector.shape_cast %broadcast_in_dim3A_132 : vector<16xf32> to vector<1x16xf32>
    tpu.vector_store %arg8[%swap3A_134, %swap3A_135], %swap3A_138 {strides = array<i32>} : memref<8x128xf32, #tpu.memory_space<vmem>>, vector<1x16xf32>,
    %broadcast_in_dim3A_139 = arith.constant 0.000000e+00 : f32
    %broadcast_in_dim3A_140 = vector.broadcast %broadcast_in_dim3A_139 : f32 to vector<16xf32>
    %swap3A_141 = arith.constant 2 : i32
    %swap3A_142 = arith.index_cast %swap3A_141 : i32 to index
    %swap3A_143 = arith.constant 16 : index
    %swap3A_144 = tpu.vector_load %arg8[%swap3A_142, %swap3A_143] {strides = array<i32>} : memref<8x128xf32, #tpu.memory_space<vmem>>, vector<1x16xf32>,
    %swap3A_145 = vector.shape_cast %swap3A_144 : vector<1x16xf32> to vector<16xf32>
    %swap3A_146 = vector.shape_cast %broadcast_in_dim3A_140 : vector<16xf32> to vector<1x16xf32>
    tpu.vector_store %arg8[%swap3A_142, %swap3A_143], %swap3A_146 {strides = array<i32>} : memref<8x128xf32, #tpu.memory_space<vmem>>, vector<1x16xf32>,
    %broadcast_in_dim3A_147 = arith.constant 0.000000e+00 : f32
    %broadcast_in_dim3A_148 = vector.broadcast %broadcast_in_dim3A_147 : f32 to vector<16xf32>
    %swap3A_149 = arith.constant 2 : i32
    %swap3A_150 = arith.index_cast %swap3A_149 : i32 to index
    %swap3A_151 = arith.constant 32 : index
    %swap3A_152 = tpu.vector_load %arg8[%swap3A_150, %swap3A_151] {strides = array<i32>} : memref<8x128xf32, #tpu.memory_space<vmem>>, vector<1x16xf32>,
    %swap3A_153 = vector.shape_cast %swap3A_152 : vector<1x16xf32> to vector<16xf32>
    %swap3A_154 = vector.shape_cast %broadcast_in_dim3A_148 : vector<16xf32> to vector<1x16xf32>
    tpu.vector_store %arg8[%swap3A_150, %swap3A_151], %swap3A_154 {strides = array<i32>} : memref<8x128xf32, #tpu.memory_space<vmem>>, vector<1x16xf32>,
    %broadcast_in_dim3A_155 = arith.constant 0.000000e+00 : f32
    %broadcast_in_dim3A_156 = vector.broadcast %broadcast_in_dim3A_155 : f32 to vector<16xf32>
    %swap3A_157 = arith.constant 2 : i32
    %swap3A_158 = arith.index_cast %swap3A_157 : i32 to index
    %swap3A_159 = arith.constant 48 : index
    %swap3A_160 = tpu.vector_load %arg8[%swap3A_158, %swap3A_159] {strides = array<i32>} : memref<8x128xf32, #tpu.memory_space<vmem>>, vector<1x16xf32>,
    %swap3A_161 = vector.shape_cast %swap3A_160 : vector<1x16xf32> to vector<16xf32>
    %swap3A_162 = vector.shape_cast %broadcast_in_dim3A_156 : vector<16xf32> to vector<1x16xf32>
    tpu.vector_store %arg8[%swap3A_158, %swap3A_159], %swap3A_162 {strides = array<i32>} : memref<8x128xf32, #tpu.memory_space<vmem>>, vector<1x16xf32>,
    %broadcast_in_dim3A_163 = arith.constant 0.000000e+00 : f32
    %broadcast_in_dim3A_164 = vector.broadcast %broadcast_in_dim3A_163 : f32 to vector<16xf32>
    %swap3A_165 = arith.constant 2 : i32
    %swap3A_166 = arith.index_cast %swap3A_165 : i32 to index
    %swap3A_167 = arith.constant 64 : index
    %swap3A_168 = tpu.vector_load %arg8[%swap3A_166, %swap3A_167] {strides = array<i32>} : memref<8x128xf32, #tpu.memory_space<vmem>>, vector<1x16xf32>,
    %swap3A_169 = vector.shape_cast %swap3A_168 : vector<1x16xf32> to vector<16xf32>
    %swap3A_170 = vector.shape_cast %broadcast_in_dim3A_164 : vector<16xf32> to vector<1x16xf32>
    tpu.vector_store %arg8[%swap3A_166, %swap3A_167], %swap3A_170 {strides = array<i32>} : memref<8x128xf32, #tpu.memory_space<vmem>>, vector<1x16xf32>,
    %broadcast_in_dim3A_171 = arith.constant 0.000000e+00 : f32
    %broadcast_in_dim3A_172 = vector.broadcast %broadcast_in_dim3A_171 : f32 to vector<16xf32>
    %swap3A_173 = arith.constant 2 : i32
    %swap3A_174 = arith.index_cast %swap3A_173 : i32 to index
    %swap3A_175 = arith.constant 80 : index
    %swap3A_176 = tpu.vector_load %arg8[%swap3A_174, %swap3A_175] {strides = array<i32>} : memref<8x128xf32, #tpu.memory_space<vmem>>, vector<1x16xf32>,
    %swap3A_177 = vector.shape_cast %swap3A_176 : vector<1x16xf32> to vector<16xf32>
    %swap3A_178 = vector.shape_cast %broadcast_in_dim3A_172 : vector<16xf32> to vector<1x16xf32>
    tpu.vector_store %arg8[%swap3A_174, %swap3A_175], %swap3A_178 {strides = array<i32>} : memref<8x128xf32, #tpu.memory_space<vmem>>, vector<1x16xf32>,
    %broadcast_in_dim3A_179 = arith.constant 0.000000e+00 : f32
    %broadcast_in_dim3A_180 = vector.broadcast %broadcast_in_dim3A_179 : f32 to vector<16xf32>
    %swap3A_181 = arith.constant 2 : i32
    %swap3A_182 = arith.index_cast %swap3A_181 : i32 to index
    %swap3A_183 = arith.constant 96 : index
    %swap3A_184 = tpu.vector_load %arg8[%swap3A_182, %swap3A_183] {strides = array<i32>} : memref<8x128xf32, #tpu.memory_space<vmem>>, vector<1x16xf32>,
    %swap3A_185 = vector.shape_cast %swap3A_184 : vector<1x16xf32> to vector<16xf32>
    %swap3A_186 = vector.shape_cast %broadcast_in_dim3A_180 : vector<16xf32> to vector<1x16xf32>
    tpu.vector_store %arg8[%swap3A_182, %swap3A_183], %swap3A_186 {strides = array<i32>} : memref<8x128xf32, #tpu.memory_space<vmem>>, vector<1x16xf32>,
    %broadcast_in_dim3A_187 = arith.constant 0.000000e+00 : f32
    %broadcast_in_dim3A_188 = vector.broadcast %broadcast_in_dim3A_187 : f32 to vector<16xf32>
    %swap3A_189 = arith.constant 2 : i32
    %swap3A_190 = arith.index_cast %swap3A_189 : i32 to index
    %swap3A_191 = arith.constant 112 : index
    %swap3A_192 = tpu.vector_load %arg8[%swap3A_190, %swap3A_191] {strides = array<i32>} : memref<8x128xf32, #tpu.memory_space<vmem>>, vector<1x16xf32>,
    %swap3A_193 = vector.shape_cast %swap3A_192 : vector<1x16xf32> to vector<16xf32>
    %swap3A_194 = vector.shape_cast %broadcast_in_dim3A_188 : vector<16xf32> to vector<1x16xf32>
    tpu.vector_store %arg8[%swap3A_190, %swap3A_191], %swap3A_194 {strides = array<i32>} : memref<8x128xf32, #tpu.memory_space<vmem>>, vector<1x16xf32>,
    %broadcast_in_dim3A_195 = arith.constant 0.000000e+00 : f32
    %broadcast_in_dim3A_196 = vector.broadcast %broadcast_in_dim3A_195 : f32 to vector<16xf32>
    %swap3A_197 = arith.constant 3 : i32
    %swap3A_198 = arith.index_cast %swap3A_197 : i32 to index
    %swap3A_199 = arith.constant 0 : index
    %swap3A_200 = tpu.vector_load %arg8[%swap3A_198, %swap3A_199] {strides = array<i32>} : memref<8x128xf32, #tpu.memory_space<vmem>>, vector<1x16xf32>,
    %swap3A_201 = vector.shape_cast %swap3A_200 : vector<1x16xf32> to vector<16xf32>
    %swap3A_202 = vector.shape_cast %broadcast_in_dim3A_196 : vector<16xf32> to vector<1x16xf32>
    tpu.vector_store %arg8[%swap3A_198, %swap3A_199], %swap3A_202 {strides = array<i32>} : memref<8x128xf32, #tpu.memory_space<vmem>>, vector<1x16xf32>,
    %broadcast_in_dim3A_203 = arith.constant 0.000000e+00 : f32
    %broadcast_in_dim3A_204 = vector.broadcast %broadcast_in_dim3A_203 : f32 to vector<16xf32>
    %swap3A_205 = arith.constant 3 : i32
    %swap3A_206 = arith.index_cast %swap3A_205 : i32 to index
    %swap3A_207 = arith.constant 16 : index
    %swap3A_208 = tpu.vector_load %arg8[%swap3A_206, %swap3A_207] {strides = array<i32>} : memref<8x128xf32, #tpu.memory_space<vmem>>, vector<1x16xf32>,
    %swap3A_209 = vector.shape_cast %swap3A_208 : vector<1x16xf32> to vector<16xf32>
    %swap3A_210 = vector.shape_cast %broadcast_in_dim3A_204 : vector<16xf32> to vector<1x16xf32>
    tpu.vector_store %arg8[%swap3A_206, %swap3A_207], %swap3A_210 {strides = array<i32>} : memref<8x128xf32, #tpu.memory_space<vmem>>, vector<1x16xf32>,
    %broadcast_in_dim3A_211 = arith.constant 0.000000e+00 : f32
    %broadcast_in_dim3A_212 = vector.broadcast %broadcast_in_dim3A_211 : f32 to vector<16xf32>
    %swap3A_213 = arith.constant 3 : i32
    %swap3A_214 = arith.index_cast %swap3A_213 : i32 to index
    %swap3A_215 = arith.constant 32 : index
    %swap3A_216 = tpu.vector_load %arg8[%swap3A_214, %swap3A_215] {strides = array<i32>} : memref<8x128xf32, #tpu.memory_space<vmem>>, vector<1x16xf32>,
    %swap3A_217 = vector.shape_cast %swap3A_216 : vector<1x16xf32> to vector<16xf32>
    %swap3A_218 = vector.shape_cast %broadcast_in_dim3A_212 : vector<16xf32> to vector<1x16xf32>
    tpu.vector_store %arg8[%swap3A_214, %swap3A_215], %swap3A_218 {strides = array<i32>} : memref<8x128xf32, #tpu.memory_space<vmem>>, vector<1x16xf32>,
    %broadcast_in_dim3A_219 = arith.constant 0.000000e+00 : f32
    %broadcast_in_dim3A_220 = vector.broadcast %broadcast_in_dim3A_219 : f32 to vector<16xf32>
    %swap3A_221 = arith.constant 3 : i32
    %swap3A_222 = arith.index_cast %swap3A_221 : i32 to index
    %swap3A_223 = arith.constant 48 : index
    %swap3A_224 = tpu.vector_load %arg8[%swap3A_222, %swap3A_223] {strides = array<i32>} : memref<8x128xf32, #tpu.memory_space<vmem>>, vector<1x16xf32>,
    %swap3A_225 = vector.shape_cast %swap3A_224 : vector<1x16xf32> to vector<16xf32>
    %swap3A_226 = vector.shape_cast %broadcast_in_dim3A_220 : vector<16xf32> to vector<1x16xf32>
    tpu.vector_store %arg8[%swap3A_222, %swap3A_223], %swap3A_226 {strides = array<i32>} : memref<8x128xf32, #tpu.memory_space<vmem>>, vector<1x16xf32>,
    %broadcast_in_dim3A_227 = arith.constant 0.000000e+00 : f32
    %broadcast_in_dim3A_228 = vector.broadcast %broadcast_in_dim3A_227 : f32 to vector<16xf32>
    %swap3A_229 = arith.constant 3 : i32
    %swap3A_230 = arith.index_cast %swap3A_229 : i32 to index
    %swap3A_231 = arith.constant 64 : index
    %swap3A_232 = tpu.vector_load %arg8[%swap3A_230, %swap3A_231] {strides = array<i32>} : memref<8x128xf32, #tpu.memory_space<vmem>>, vector<1x16xf32>,
    %swap3A_233 = vector.shape_cast %swap3A_232 : vector<1x16xf32> to vector<16xf32>
    %swap3A_234 = vector.shape_cast %broadcast_in_dim3A_228 : vector<16xf32> to vector<1x16xf32>
    tpu.vector_store %arg8[%swap3A_230, %swap3A_231], %swap3A_234 {strides = array<i32>} : memref<8x128xf32, #tpu.memory_space<vmem>>, vector<1x16xf32>,
    %broadcast_in_dim3A_235 = arith.constant 0.000000e+00 : f32
    %broadcast_in_dim3A_236 = vector.broadcast %broadcast_in_dim3A_235 : f32 to vector<16xf32>
    %swap3A_237 = arith.constant 3 : i32
    %swap3A_238 = arith.index_cast %swap3A_237 : i32 to index
    %swap3A_239 = arith.constant 80 : index
    %swap3A_240 = tpu.vector_load %arg8[%swap3A_238, %swap3A_239] {strides = array<i32>} : memref<8x128xf32, #tpu.memory_space<vmem>>, vector<1x16xf32>,
    %swap3A_241 = vector.shape_cast %swap3A_240 : vector<1x16xf32> to vector<16xf32>
    %swap3A_242 = vector.shape_cast %broadcast_in_dim3A_236 : vector<16xf32> to vector<1x16xf32>
    tpu.vector_store %arg8[%swap3A_238, %swap3A_239], %swap3A_242 {strides = array<i32>} : memref<8x128xf32, #tpu.memory_space<vmem>>, vector<1x16xf32>,
    %broadcast_in_dim3A_243 = arith.constant 0.000000e+00 : f32
    %broadcast_in_dim3A_244 = vector.broadcast %broadcast_in_dim3A_243 : f32 to vector<16xf32>
    %swap3A_245 = arith.constant 3 : i32
    %swap3A_246 = arith.index_cast %swap3A_245 : i32 to index
    %swap3A_247 = arith.constant 96 : index
    %swap3A_248 = tpu.vector_load %arg8[%swap3A_246, %swap3A_247] {strides = array<i32>} : memref<8x128xf32, #tpu.memory_space<vmem>>, vector<1x16xf32>,
    %swap3A_249 = vector.shape_cast %swap3A_248 : vector<1x16xf32> to vector<16xf32>
    %swap3A_250 = vector.shape_cast %broadcast_in_dim3A_244 : vector<16xf32> to vector<1x16xf32>
    tpu.vector_store %arg8[%swap3A_246, %swap3A_247], %swap3A_250 {strides = array<i32>} : memref<8x128xf32, #tpu.memory_space<vmem>>, vector<1x16xf32>,
    %broadcast_in_dim3A_251 = arith.constant 0.000000e+00 : f32
    %broadcast_in_dim3A_252 = vector.broadcast %broadcast_in_dim3A_251 : f32 to vector<16xf32>
    %swap3A_253 = arith.constant 3 : i32
    %swap3A_254 = arith.index_cast %swap3A_253 : i32 to index
    %swap3A_255 = arith.constant 112 : index
    %swap3A_256 = tpu.vector_load %arg8[%swap3A_254, %swap3A_255] {strides = array<i32>} : memref<8x128xf32, #tpu.memory_space<vmem>>, vector<1x16xf32>,
    %swap3A_257 = vector.shape_cast %swap3A_256 : vector<1x16xf32> to vector<16xf32>
    %swap3A_258 = vector.shape_cast %broadcast_in_dim3A_252 : vector<16xf32> to vector<1x16xf32>
    tpu.vector_store %arg8[%swap3A_254, %swap3A_255], %swap3A_258 {strides = array<i32>} : memref<8x128xf32, #tpu.memory_space<vmem>>, vector<1x16xf32>,
    %broadcast_in_dim3A_259 = arith.constant 0.000000e+00 : f32
    %broadcast_in_dim3A_260 = vector.broadcast %broadcast_in_dim3A_259 : f32 to vector<16xf32>
    %swap3A_261 = arith.constant 4 : i32
    %swap3A_262 = arith.index_cast %swap3A_261 : i32 to index
    %swap3A_263 = arith.constant 0 : index
    %swap3A_264 = tpu.vector_load %arg8[%swap3A_262, %swap3A_263] {strides = array<i32>} : memref<8x128xf32, #tpu.memory_space<vmem>>, vector<1x16xf32>,
    %swap3A_265 = vector.shape_cast %swap3A_264 : vector<1x16xf32> to vector<16xf32>
    %swap3A_266 = vector.shape_cast %broadcast_in_dim3A_260 : vector<16xf32> to vector<1x16xf32>
    tpu.vector_store %arg8[%swap3A_262, %swap3A_263], %swap3A_266 {strides = array<i32>} : memref<8x128xf32, #tpu.memory_space<vmem>>, vector<1x16xf32>,
    %broadcast_in_dim3A_267 = arith.constant 0.000000e+00 : f32
    %broadcast_in_dim3A_268 = vector.broadcast %broadcast_in_dim3A_267 : f32 to vector<16xf32>
    %swap3A_269 = arith.constant 4 : i32
    %swap3A_270 = arith.index_cast %swap3A_269 : i32 to index
    %swap3A_271 = arith.constant 16 : index
    %swap3A_272 = tpu.vector_load %arg8[%swap3A_270, %swap3A_271] {strides = array<i32>} : memref<8x128xf32, #tpu.memory_space<vmem>>, vector<1x16xf32>,
    %swap3A_273 = vector.shape_cast %swap3A_272 : vector<1x16xf32> to vector<16xf32>
    %swap3A_274 = vector.shape_cast %broadcast_in_dim3A_268 : vector<16xf32> to vector<1x16xf32>
    tpu.vector_store %arg8[%swap3A_270, %swap3A_271], %swap3A_274 {strides = array<i32>} : memref<8x128xf32, #tpu.memory_space<vmem>>, vector<1x16xf32>,
    %broadcast_in_dim3A_275 = arith.constant 0.000000e+00 : f32
    %broadcast_in_dim3A_276 = vector.broadcast %broadcast_in_dim3A_275 : f32 to vector<16xf32>
    %swap3A_277 = arith.constant 4 : i32
    %swap3A_278 = arith.index_cast %swap3A_277 : i32 to index
    %swap3A_279 = arith.constant 32 : index
    %swap3A_280 = tpu.vector_load %arg8[%swap3A_278, %swap3A_279] {strides = array<i32>} : memref<8x128xf32, #tpu.memory_space<vmem>>, vector<1x16xf32>,
    %swap3A_281 = vector.shape_cast %swap3A_280 : vector<1x16xf32> to vector<16xf32>
    %swap3A_282 = vector.shape_cast %broadcast_in_dim3A_276 : vector<16xf32> to vector<1x16xf32>
    tpu.vector_store %arg8[%swap3A_278, %swap3A_279], %swap3A_282 {strides = array<i32>} : memref<8x128xf32, #tpu.memory_space<vmem>>, vector<1x16xf32>,
    %broadcast_in_dim3A_283 = arith.constant 0.000000e+00 : f32
    %broadcast_in_dim3A_284 = vector.broadcast %broadcast_in_dim3A_283 : f32 to vector<16xf32>
    %swap3A_285 = arith.constant 4 : i32
    %swap3A_286 = arith.index_cast %swap3A_285 : i32 to index
    %swap3A_287 = arith.constant 48 : index
    %swap3A_288 = tpu.vector_load %arg8[%swap3A_286, %swap3A_287] {strides = array<i32>} : memref<8x128xf32, #tpu.memory_space<vmem>>, vector<1x16xf32>,
    %swap3A_289 = vector.shape_cast %swap3A_288 : vector<1x16xf32> to vector<16xf32>
    %swap3A_290 = vector.shape_cast %broadcast_in_dim3A_284 : vector<16xf32> to vector<1x16xf32>
    tpu.vector_store %arg8[%swap3A_286, %swap3A_287], %swap3A_290 {strides = array<i32>} : memref<8x128xf32, #tpu.memory_space<vmem>>, vector<1x16xf32>,
    %broadcast_in_dim3A_291 = arith.constant 0.000000e+00 : f32
    %broadcast_in_dim3A_292 = vector.broadcast %broadcast_in_dim3A_291 : f32 to vector<16xf32>
    %swap3A_293 = arith.constant 4 : i32
    %swap3A_294 = arith.index_cast %swap3A_293 : i32 to index
    %swap3A_295 = arith.constant 64 : index
    %swap3A_296 = tpu.vector_load %arg8[%swap3A_294, %swap3A_295] {strides = array<i32>} : memref<8x128xf32, #tpu.memory_space<vmem>>, vector<1x16xf32>,
    %swap3A_297 = vector.shape_cast %swap3A_296 : vector<1x16xf32> to vector<16xf32>
    %swap3A_298 = vector.shape_cast %broadcast_in_dim3A_292 : vector<16xf32> to vector<1x16xf32>
    tpu.vector_store %arg8[%swap3A_294, %swap3A_295], %swap3A_298 {strides = array<i32>} : memref<8x128xf32, #tpu.memory_space<vmem>>, vector<1x16xf32>,
    %broadcast_in_dim3A_299 = arith.constant 0.000000e+00 : f32
    %broadcast_in_dim3A_300 = vector.broadcast %broadcast_in_dim3A_299 : f32 to vector<16xf32>
    %swap3A_301 = arith.constant 4 : i32
    %swap3A_302 = arith.index_cast %swap3A_301 : i32 to index
    %swap3A_303 = arith.constant 80 : index
    %swap3A_304 = tpu.vector_load %arg8[%swap3A_302, %swap3A_303] {strides = array<i32>} : memref<8x128xf32, #tpu.memory_space<vmem>>, vector<1x16xf32>,
    %swap3A_305 = vector.shape_cast %swap3A_304 : vector<1x16xf32> to vector<16xf32>
    %swap3A_306 = vector.shape_cast %broadcast_in_dim3A_300 : vector<16xf32> to vector<1x16xf32>
    tpu.vector_store %arg8[%swap3A_302, %swap3A_303], %swap3A_306 {strides = array<i32>} : memref<8x128xf32, #tpu.memory_space<vmem>>, vector<1x16xf32>,
    %broadcast_in_dim3A_307 = arith.constant 0.000000e+00 : f32
    %broadcast_in_dim3A_308 = vector.broadcast %broadcast_in_dim3A_307 : f32 to vector<16xf32>
    %swap3A_309 = arith.constant 4 : i32
    %swap3A_310 = arith.index_cast %swap3A_309 : i32 to index
    %swap3A_311 = arith.constant 96 : index
    %swap3A_312 = tpu.vector_load %arg8[%swap3A_310, %swap3A_311] {strides = array<i32>} : memref<8x128xf32, #tpu.memory_space<vmem>>, vector<1x16xf32>,
    %swap3A_313 = vector.shape_cast %swap3A_312 : vector<1x16xf32> to vector<16xf32>
    %swap3A_314 = vector.shape_cast %broadcast_in_dim3A_308 : vector<16xf32> to vector<1x16xf32>
    tpu.vector_store %arg8[%swap3A_310, %swap3A_311], %swap3A_314 {strides = array<i32>} : memref<8x128xf32, #tpu.memory_space<vmem>>, vector<1x16xf32>,
    %broadcast_in_dim3A_315 = arith.constant 0.000000e+00 : f32
    %broadcast_in_dim3A_316 = vector.broadcast %broadcast_in_dim3A_315 : f32 to vector<16xf32>
    %swap3A_317 = arith.constant 4 : i32
    %swap3A_318 = arith.index_cast %swap3A_317 : i32 to index
    %swap3A_319 = arith.constant 112 : index
    %swap3A_320 = tpu.vector_load %arg8[%swap3A_318, %swap3A_319] {strides = array<i32>} : memref<8x128xf32, #tpu.memory_space<vmem>>, vector<1x16xf32>,
    %swap3A_321 = vector.shape_cast %swap3A_320 : vector<1x16xf32> to vector<16xf32>
    %swap3A_322 = vector.shape_cast %broadcast_in_dim3A_316 : vector<16xf32> to vector<1x16xf32>
    tpu.vector_store %arg8[%swap3A_318, %swap3A_319], %swap3A_322 {strides = array<i32>} : memref<8x128xf32, #tpu.memory_space<vmem>>, vector<1x16xf32>,
    %broadcast_in_dim3A_323 = arith.constant 0.000000e+00 : f32
    %broadcast_in_dim3A_324 = vector.broadcast %broadcast_in_dim3A_323 : f32 to vector<16xf32>
    %swap3A_325 = arith.constant 5 : i32
    %swap3A_326 = arith.index_cast %swap3A_325 : i32 to index
    %swap3A_327 = arith.constant 0 : index
    %swap3A_328 = tpu.vector_load %arg8[%swap3A_326, %swap3A_327] {strides = array<i32>} : memref<8x128xf32, #tpu.memory_space<vmem>>, vector<1x16xf32>,
    %swap3A_329 = vector.shape_cast %swap3A_328 : vector<1x16xf32> to vector<16xf32>
    %swap3A_330 = vector.shape_cast %broadcast_in_dim3A_324 : vector<16xf32> to vector<1x16xf32>
    tpu.vector_store %arg8[%swap3A_326, %swap3A_327], %swap3A_330 {strides = array<i32>} : memref<8x128xf32, #tpu.memory_space<vmem>>, vector<1x16xf32>,
    %broadcast_in_dim3A_331 = arith.constant 0.000000e+00 : f32
    %broadcast_in_dim3A_332 = vector.broadcast %broadcast_in_dim3A_331 : f32 to vector<16xf32>
    %swap3A_333 = arith.constant 5 : i32
    %swap3A_334 = arith.index_cast %swap3A_333 : i32 to index
    %swap3A_335 = arith.constant 16 : index
    %swap3A_336 = tpu.vector_load %arg8[%swap3A_334, %swap3A_335] {strides = array<i32>} : memref<8x128xf32, #tpu.memory_space<vmem>>, vector<1x16xf32>,
    %swap3A_337 = vector.shape_cast %swap3A_336 : vector<1x16xf32> to vector<16xf32>
    %swap3A_338 = vector.shape_cast %broadcast_in_dim3A_332 : vector<16xf32> to vector<1x16xf32>
    tpu.vector_store %arg8[%swap3A_334, %swap3A_335], %swap3A_338 {strides = array<i32>} : memref<8x128xf32, #tpu.memory_space<vmem>>, vector<1x16xf32>,
    %broadcast_in_dim3A_339 = arith.constant 0.000000e+00 : f32
    %broadcast_in_dim3A_340 = vector.broadcast %broadcast_in_dim3A_339 : f32 to vector<16xf32>
    %swap3A_341 = arith.constant 5 : i32
    %swap3A_342 = arith.index_cast %swap3A_341 : i32 to index
    %swap3A_343 = arith.constant 32 : index
    %swap3A_344 = tpu.vector_load %arg8[%swap3A_342, %swap3A_343] {strides = array<i32>} : memref<8x128xf32, #tpu.memory_space<vmem>>, vector<1x16xf32>,
    %swap3A_345 = vector.shape_cast %swap3A_344 : vector<1x16xf32> to vector<16xf32>
    %swap3A_346 = vector.shape_cast %broadcast_in_dim3A_340 : vector<16xf32> to vector<1x16xf32>
    tpu.vector_store %arg8[%swap3A_342, %swap3A_343], %swap3A_346 {strides = array<i32>} : memref<8x128xf32, #tpu.memory_space<vmem>>, vector<1x16xf32>,
    %broadcast_in_dim3A_347 = arith.constant 0.000000e+00 : f32
    %broadcast_in_dim3A_348 = vector.broadcast %broadcast_in_dim3A_347 : f32 to vector<16xf32>
    %swap3A_349 = arith.constant 5 : i32
    %swap3A_350 = arith.index_cast %swap3A_349 : i32 to index
    %swap3A_351 = arith.constant 48 : index
    %swap3A_352 = tpu.vector_load %arg8[%swap3A_350, %swap3A_351] {strides = array<i32>} : memref<8x128xf32, #tpu.memory_space<vmem>>, vector<1x16xf32>,
    %swap3A_353 = vector.shape_cast %swap3A_352 : vector<1x16xf32> to vector<16xf32>
    %swap3A_354 = vector.shape_cast %broadcast_in_dim3A_348 : vector<16xf32> to vector<1x16xf32>
    tpu.vector_store %arg8[%swap3A_350, %swap3A_351], %swap3A_354 {strides = array<i32>} : memref<8x128xf32, #tpu.memory_space<vmem>>, vector<1x16xf32>,
    %broadcast_in_dim3A_355 = arith.constant 0.000000e+00 : f32
    %broadcast_in_dim3A_356 = vector.broadcast %broadcast_in_dim3A_355 : f32 to vector<16xf32>
    %swap3A_357 = arith.constant 5 : i32
    %swap3A_358 = arith.index_cast %swap3A_357 : i32 to index
    %swap3A_359 = arith.constant 64 : index
    %swap3A_360 = tpu.vector_load %arg8[%swap3A_358, %swap3A_359] {strides = array<i32>} : memref<8x128xf32, #tpu.memory_space<vmem>>, vector<1x16xf32>,
    %swap3A_361 = vector.shape_cast %swap3A_360 : vector<1x16xf32> to vector<16xf32>
    %swap3A_362 = vector.shape_cast %broadcast_in_dim3A_356 : vector<16xf32> to vector<1x16xf32>
    tpu.vector_store %arg8[%swap3A_358, %swap3A_359], %swap3A_362 {strides = array<i32>} : memref<8x128xf32, #tpu.memory_space<vmem>>, vector<1x16xf32>,
    %broadcast_in_dim3A_363 = arith.constant 0.000000e+00 : f32
    %broadcast_in_dim3A_364 = vector.broadcast %broadcast_in_dim3A_363 : f32 to vector<16xf32>
    %swap3A_365 = arith.constant 5 : i32
    %swap3A_366 = arith.index_cast %swap3A_365 : i32 to index
    %swap3A_367 = arith.constant 80 : index
    %swap3A_368 = tpu.vector_load %arg8[%swap3A_366, %swap3A_367] {strides = array<i32>} : memref<8x128xf32, #tpu.memory_space<vmem>>, vector<1x16xf32>,
    %swap3A_369 = vector.shape_cast %swap3A_368 : vector<1x16xf32> to vector<16xf32>
    %swap3A_370 = vector.shape_cast %broadcast_in_dim3A_364 : vector<16xf32> to vector<1x16xf32>
    tpu.vector_store %arg8[%swap3A_366, %swap3A_367], %swap3A_370 {strides = array<i32>} : memref<8x128xf32, #tpu.memory_space<vmem>>, vector<1x16xf32>,
    %broadcast_in_dim3A_371 = arith.constant 0.000000e+00 : f32
    %broadcast_in_dim3A_372 = vector.broadcast %broadcast_in_dim3A_371 : f32 to vector<16xf32>
    %swap3A_373 = arith.constant 5 : i32
    %swap3A_374 = arith.index_cast %swap3A_373 : i32 to index
    %swap3A_375 = arith.constant 96 : index
    %swap3A_376 = tpu.vector_load %arg8[%swap3A_374, %swap3A_375] {strides = array<i32>} : memref<8x128xf32, #tpu.memory_space<vmem>>, vector<1x16xf32>,
    %swap3A_377 = vector.shape_cast %swap3A_376 : vector<1x16xf32> to vector<16xf32>
    %swap3A_378 = vector.shape_cast %broadcast_in_dim3A_372 : vector<16xf32> to vector<1x16xf32>
    tpu.vector_store %arg8[%swap3A_374, %swap3A_375], %swap3A_378 {strides = array<i32>} : memref<8x128xf32, #tpu.memory_space<vmem>>, vector<1x16xf32>,
    %broadcast_in_dim3A_379 = arith.constant 0.000000e+00 : f32
    %broadcast_in_dim3A_380 = vector.broadcast %broadcast_in_dim3A_379 : f32 to vector<16xf32>
    %swap3A_381 = arith.constant 5 : i32
    %swap3A_382 = arith.index_cast %swap3A_381 : i32 to index
    %swap3A_383 = arith.constant 112 : index
    %swap3A_384 = tpu.vector_load %arg8[%swap3A_382, %swap3A_383] {strides = array<i32>} : memref<8x128xf32, #tpu.memory_space<vmem>>, vector<1x16xf32>,
    %swap3A_385 = vector.shape_cast %swap3A_384 : vector<1x16xf32> to vector<16xf32>
    %swap3A_386 = vector.shape_cast %broadcast_in_dim3A_380 : vector<16xf32> to vector<1x16xf32>
    tpu.vector_store %arg8[%swap3A_382, %swap3A_383], %swap3A_386 {strides = array<i32>} : memref<8x128xf32, #tpu.memory_space<vmem>>, vector<1x16xf32>,
    %broadcast_in_dim3A_387 = arith.constant 0.000000e+00 : f32
    %broadcast_in_dim3A_388 = vector.broadcast %broadcast_in_dim3A_387 : f32 to vector<16xf32>
    %swap3A_389 = arith.constant 6 : i32
    %swap3A_390 = arith.index_cast %swap3A_389 : i32 to index
    %swap3A_391 = arith.constant 0 : index
    %swap3A_392 = tpu.vector_load %arg8[%swap3A_390, %swap3A_391] {strides = array<i32>} : memref<8x128xf32, #tpu.memory_space<vmem>>, vector<1x16xf32>,
    %swap3A_393 = vector.shape_cast %swap3A_392 : vector<1x16xf32> to vector<16xf32>
    %swap3A_394 = vector.shape_cast %broadcast_in_dim3A_388 : vector<16xf32> to vector<1x16xf32>
    tpu.vector_store %arg8[%swap3A_390, %swap3A_391], %swap3A_394 {strides = array<i32>} : memref<8x128xf32, #tpu.memory_space<vmem>>, vector<1x16xf32>,
    %broadcast_in_dim3A_395 = arith.constant 0.000000e+00 : f32
    %broadcast_in_dim3A_396 = vector.broadcast %broadcast_in_dim3A_395 : f32 to vector<16xf32>
    %swap3A_397 = arith.constant 6 : i32
    %swap3A_398 = arith.index_cast %swap3A_397 : i32 to index
    %swap3A_399 = arith.constant 16 : index
    %swap3A_400 = tpu.vector_load %arg8[%swap3A_398, %swap3A_399] {strides = array<i32>} : memref<8x128xf32, #tpu.memory_space<vmem>>, vector<1x16xf32>,
    %swap3A_401 = vector.shape_cast %swap3A_400 : vector<1x16xf32> to vector<16xf32>
    %swap3A_402 = vector.shape_cast %broadcast_in_dim3A_396 : vector<16xf32> to vector<1x16xf32>
    tpu.vector_store %arg8[%swap3A_398, %swap3A_399], %swap3A_402 {strides = array<i32>} : memref<8x128xf32, #tpu.memory_space<vmem>>, vector<1x16xf32>,
    %broadcast_in_dim3A_403 = arith.constant 0.000000e+00 : f32
    %broadcast_in_dim3A_404 = vector.broadcast %broadcast_in_dim3A_403 : f32 to vector<16xf32>
    %swap3A_405 = arith.constant 6 : i32
    %swap3A_406 = arith.index_cast %swap3A_405 : i32 to index
    %swap3A_407 = arith.constant 32 : index
    %swap3A_408 = tpu.vector_load %arg8[%swap3A_406, %swap3A_407] {strides = array<i32>} : memref<8x128xf32, #tpu.memory_space<vmem>>, vector<1x16xf32>,
    %swap3A_409 = vector.shape_cast %swap3A_408 : vector<1x16xf32> to vector<16xf32>
    %swap3A_410 = vector.shape_cast %broadcast_in_dim3A_404 : vector<16xf32> to vector<1x16xf32>
    tpu.vector_store %arg8[%swap3A_406, %swap3A_407], %swap3A_410 {strides = array<i32>} : memref<8x128xf32, #tpu.memory_space<vmem>>, vector<1x16xf32>,
    %broadcast_in_dim3A_411 = arith.constant 0.000000e+00 : f32
    %broadcast_in_dim3A_412 = vector.broadcast %broadcast_in_dim3A_411 : f32 to vector<16xf32>
    %swap3A_413 = arith.constant 6 : i32
    %swap3A_414 = arith.index_cast %swap3A_413 : i32 to index
    %swap3A_415 = arith.constant 48 : index
    %swap3A_416 = tpu.vector_load %arg8[%swap3A_414, %swap3A_415] {strides = array<i32>} : memref<8x128xf32, #tpu.memory_space<vmem>>, vector<1x16xf32>,
    %swap3A_417 = vector.shape_cast %swap3A_416 : vector<1x16xf32> to vector<16xf32>
    %swap3A_418 = vector.shape_cast %broadcast_in_dim3A_412 : vector<16xf32> to vector<1x16xf32>
    tpu.vector_store %arg8[%swap3A_414, %swap3A_415], %swap3A_418 {strides = array<i32>} : memref<8x128xf32, #tpu.memory_space<vmem>>, vector<1x16xf32>,
    %broadcast_in_dim3A_419 = arith.constant 0.000000e+00 : f32
    %broadcast_in_dim3A_420 = vector.broadcast %broadcast_in_dim3A_419 : f32 to vector<16xf32>
    %swap3A_421 = arith.constant 6 : i32
    %swap3A_422 = arith.index_cast %swap3A_421 : i32 to index
    %swap3A_423 = arith.constant 64 : index
    %swap3A_424 = tpu.vector_load %arg8[%swap3A_422, %swap3A_423] {strides = array<i32>} : memref<8x128xf32, #tpu.memory_space<vmem>>, vector<1x16xf32>,
    %swap3A_425 = vector.shape_cast %swap3A_424 : vector<1x16xf32> to vector<16xf32>
    %swap3A_426 = vector.shape_cast %broadcast_in_dim3A_420 : vector<16xf32> to vector<1x16xf32>
    tpu.vector_store %arg8[%swap3A_422, %swap3A_423], %swap3A_426 {strides = array<i32>} : memref<8x128xf32, #tpu.memory_space<vmem>>, vector<1x16xf32>,
    %broadcast_in_dim3A_427 = arith.constant 0.000000e+00 : f32
    %broadcast_in_dim3A_428 = vector.broadcast %broadcast_in_dim3A_427 : f32 to vector<16xf32>
    %swap3A_429 = arith.constant 6 : i32
    %swap3A_430 = arith.index_cast %swap3A_429 : i32 to index
    %swap3A_431 = arith.constant 80 : index
    %swap3A_432 = tpu.vector_load %arg8[%swap3A_430, %swap3A_431] {strides = array<i32>} : memref<8x128xf32, #tpu.memory_space<vmem>>, vector<1x16xf32>,
    %swap3A_433 = vector.shape_cast %swap3A_432 : vector<1x16xf32> to vector<16xf32>
    %swap3A_434 = vector.shape_cast %broadcast_in_dim3A_428 : vector<16xf32> to vector<1x16xf32>
    tpu.vector_store %arg8[%swap3A_430, %swap3A_431], %swap3A_434 {strides = array<i32>} : memref<8x128xf32, #tpu.memory_space<vmem>>, vector<1x16xf32>,
    %broadcast_in_dim3A_435 = arith.constant 0.000000e+00 : f32
    %broadcast_in_dim3A_436 = vector.broadcast %broadcast_in_dim3A_435 : f32 to vector<16xf32>
    %swap3A_437 = arith.constant 6 : i32
    %swap3A_438 = arith.index_cast %swap3A_437 : i32 to index
    %swap3A_439 = arith.constant 96 : index
    %swap3A_440 = tpu.vector_load %arg8[%swap3A_438, %swap3A_439] {strides = array<i32>} : memref<8x128xf32, #tpu.memory_space<vmem>>, vector<1x16xf32>,
    %swap3A_441 = vector.shape_cast %swap3A_440 : vector<1x16xf32> to vector<16xf32>
    %swap3A_442 = vector.shape_cast %broadcast_in_dim3A_436 : vector<16xf32> to vector<1x16xf32>
    tpu.vector_store %arg8[%swap3A_438, %swap3A_439], %swap3A_442 {strides = array<i32>} : memref<8x128xf32, #tpu.memory_space<vmem>>, vector<1x16xf32>,
    %broadcast_in_dim3A_443 = arith.constant 0.000000e+00 : f32
    %broadcast_in_dim3A_444 = vector.broadcast %broadcast_in_dim3A_443 : f32 to vector<16xf32>
    %swap3A_445 = arith.constant 6 : i32
    %swap3A_446 = arith.index_cast %swap3A_445 : i32 to index
    %swap3A_447 = arith.constant 112 : index
    %swap3A_448 = tpu.vector_load %arg8[%swap3A_446, %swap3A_447] {strides = array<i32>} : memref<8x128xf32, #tpu.memory_space<vmem>>, vector<1x16xf32>,
    %swap3A_449 = vector.shape_cast %swap3A_448 : vector<1x16xf32> to vector<16xf32>
    %swap3A_450 = vector.shape_cast %broadcast_in_dim3A_444 : vector<16xf32> to vector<1x16xf32>
    tpu.vector_store %arg8[%swap3A_446, %swap3A_447], %swap3A_450 {strides = array<i32>} : memref<8x128xf32, #tpu.memory_space<vmem>>, vector<1x16xf32>,
    %broadcast_in_dim3A_451 = arith.constant 0.000000e+00 : f32
    %broadcast_in_dim3A_452 = vector.broadcast %broadcast_in_dim3A_451 : f32 to vector<16xf32>
    %swap3A_453 = arith.constant 7 : i32
    %swap3A_454 = arith.index_cast %swap3A_453 : i32 to index
    %swap3A_455 = arith.constant 0 : index
    %swap3A_456 = tpu.vector_load %arg8[%swap3A_454, %swap3A_455] {strides = array<i32>} : memref<8x128xf32, #tpu.memory_space<vmem>>, vector<1x16xf32>,
    %swap3A_457 = vector.shape_cast %swap3A_456 : vector<1x16xf32> to vector<16xf32>
    %swap3A_458 = vector.shape_cast %broadcast_in_dim3A_452 : vector<16xf32> to vector<1x16xf32>
    tpu.vector_store %arg8[%swap3A_454, %swap3A_455], %swap3A_458 {strides = array<i32>} : memref<8x128xf32, #tpu.memory_space<vmem>>, vector<1x16xf32>,
    %broadcast_in_dim3A_459 = arith.constant 0.000000e+00 : f32
    %broadcast_in_dim3A_460 = vector.broadcast %broadcast_in_dim3A_459 : f32 to vector<16xf32>
    %swap3A_461 = arith.constant 7 : i32
    %swap3A_462 = arith.index_cast %swap3A_461 : i32 to index
    %swap3A_463 = arith.constant 16 : index
    %swap3A_464 = tpu.vector_load %arg8[%swap3A_462, %swap3A_463] {strides = array<i32>} : memref<8x128xf32, #tpu.memory_space<vmem>>, vector<1x16xf32>,
    %swap3A_465 = vector.shape_cast %swap3A_464 : vector<1x16xf32> to vector<16xf32>
    %swap3A_466 = vector.shape_cast %broadcast_in_dim3A_460 : vector<16xf32> to vector<1x16xf32>
    tpu.vector_store %arg8[%swap3A_462, %swap3A_463], %swap3A_466 {strides = array<i32>} : memref<8x128xf32, #tpu.memory_space<vmem>>, vector<1x16xf32>,
    %broadcast_in_dim3A_467 = arith.constant 0.000000e+00 : f32
    %broadcast_in_dim3A_468 = vector.broadcast %broadcast_in_dim3A_467 : f32 to vector<16xf32>
    %swap3A_469 = arith.constant 7 : i32
    %swap3A_470 = arith.index_cast %swap3A_469 : i32 to index
    %swap3A_471 = arith.constant 32 : index
    %swap3A_472 = tpu.vector_load %arg8[%swap3A_470, %swap3A_471] {strides = array<i32>} : memref<8x128xf32, #tpu.memory_space<vmem>>, vector<1x16xf32>,
    %swap3A_473 = vector.shape_cast %swap3A_472 : vector<1x16xf32> to vector<16xf32>
    %swap3A_474 = vector.shape_cast %broadcast_in_dim3A_468 : vector<16xf32> to vector<1x16xf32>
    tpu.vector_store %arg8[%swap3A_470, %swap3A_471], %swap3A_474 {strides = array<i32>} : memref<8x128xf32, #tpu.memory_space<vmem>>, vector<1x16xf32>,
    %broadcast_in_dim3A_475 = arith.constant 0.000000e+00 : f32
    %broadcast_in_dim3A_476 = vector.broadcast %broadcast_in_dim3A_475 : f32 to vector<16xf32>
    %swap3A_477 = arith.constant 7 : i32
    %swap3A_478 = arith.index_cast %swap3A_477 : i32 to index
    %swap3A_479 = arith.constant 48 : index
    %swap3A_480 = tpu.vector_load %arg8[%swap3A_478, %swap3A_479] {strides = array<i32>} : memref<8x128xf32, #tpu.memory_space<vmem>>, vector<1x16xf32>,
    %swap3A_481 = vector.shape_cast %swap3A_480 : vector<1x16xf32> to vector<16xf32>
    %swap3A_482 = vector.shape_cast %broadcast_in_dim3A_476 : vector<16xf32> to vector<1x16xf32>
    tpu.vector_store %arg8[%swap3A_478, %swap3A_479], %swap3A_482 {strides = array<i32>} : memref<8x128xf32, #tpu.memory_space<vmem>>, vector<1x16xf32>,
    %broadcast_in_dim3A_483 = arith.constant 0.000000e+00 : f32
    %broadcast_in_dim3A_484 = vector.broadcast %broadcast_in_dim3A_483 : f32 to vector<16xf32>
    %swap3A_485 = arith.constant 7 : i32
    %swap3A_486 = arith.index_cast %swap3A_485 : i32 to index
    %swap3A_487 = arith.constant 64 : index
    %swap3A_488 = tpu.vector_load %arg8[%swap3A_486, %swap3A_487] {strides = array<i32>} : memref<8x128xf32, #tpu.memory_space<vmem>>, vector<1x16xf32>,
    %swap3A_489 = vector.shape_cast %swap3A_488 : vector<1x16xf32> to vector<16xf32>
    %swap3A_490 = vector.shape_cast %broadcast_in_dim3A_484 : vector<16xf32> to vector<1x16xf32>
    tpu.vector_store %arg8[%swap3A_486, %swap3A_487], %swap3A_490 {strides = array<i32>} : memref<8x128xf32, #tpu.memory_space<vmem>>, vector<1x16xf32>,
    %broadcast_in_dim3A_491 = arith.constant 0.000000e+00 : f32
    %broadcast_in_dim3A_492 = vector.broadcast %broadcast_in_dim3A_491 : f32 to vector<16xf32>
    %swap3A_493 = arith.constant 7 : i32
    %swap3A_494 = arith.index_cast %swap3A_493 : i32 to index
    %swap3A_495 = arith.constant 80 : index
    %swap3A_496 = tpu.vector_load %arg8[%swap3A_494, %swap3A_495] {strides = array<i32>} : memref<8x128xf32, #tpu.memory_space<vmem>>, vector<1x16xf32>,
    %swap3A_497 = vector.shape_cast %swap3A_496 : vector<1x16xf32> to vector<16xf32>
    %swap3A_498 = vector.shape_cast %broadcast_in_dim3A_492 : vector<16xf32> to vector<1x16xf32>
    tpu.vector_store %arg8[%swap3A_494, %swap3A_495], %swap3A_498 {strides = array<i32>} : memref<8x128xf32, #tpu.memory_space<vmem>>, vector<1x16xf32>,
    %broadcast_in_dim3A_499 = arith.constant 0.000000e+00 : f32
    %broadcast_in_dim3A_500 = vector.broadcast %broadcast_in_dim3A_499 : f32 to vector<16xf32>
    %swap3A_501 = arith.constant 7 : i32
    %swap3A_502 = arith.index_cast %swap3A_501 : i32 to index
    %swap3A_503 = arith.constant 96 : index
    %swap3A_504 = tpu.vector_load %arg8[%swap3A_502, %swap3A_503] {strides = array<i32>} : memref<8x128xf32, #tpu.memory_space<vmem>>, vector<1x16xf32>,
    %swap3A_505 = vector.shape_cast %swap3A_504 : vector<1x16xf32> to vector<16xf32>
    %swap3A_506 = vector.shape_cast %broadcast_in_dim3A_500 : vector<16xf32> to vector<1x16xf32>
    tpu.vector_store %arg8[%swap3A_502, %swap3A_503], %swap3A_506 {strides = array<i32>} : memref<8x128xf32, #tpu.memory_space<vmem>>, vector<1x16xf32>,
    %broadcast_in_dim3A_507 = arith.constant 0.000000e+00 : f32
    %broadcast_in_dim3A_508 = vector.broadcast %broadcast_in_dim3A_507 : f32 to vector<16xf32>
    %swap3A_509 = arith.constant 7 : i32
    %swap3A_510 = arith.index_cast %swap3A_509 : i32 to index
    %swap3A_511 = arith.constant 112 : index
    %swap3A_512 = tpu.vector_load %arg8[%swap3A_510, %swap3A_511] {strides = array<i32>} : memref<8x128xf32, #tpu.memory_space<vmem>>, vector<1x16xf32>,
    %swap3A_513 = vector.shape_cast %swap3A_512 : vector<1x16xf32> to vector<16xf32>
    %swap3A_514 = vector.shape_cast %broadcast_in_dim3A_508 : vector<16xf32> to vector<1x16xf32>
    tpu.vector_store %arg8[%swap3A_510, %swap3A_511], %swap3A_514 {strides = array<i32>} : memref<8x128xf32, #tpu.memory_space<vmem>>, vector<1x16xf32>,
    %broadcast_in_dim3A_515 = arith.constant 0 : i32
    %broadcast_in_dim3A_516 = vector.broadcast %broadcast_in_dim3A_515 : i32 to vector<16xi32>
    %mul3A_517 = arith.constant 2 : i32
    %mul3A_518 = arith.muli %arg1, %mul3A_517 : i32
    %add3A_519 = arith.constant 0 : i32
    %add3A_520 = arith.addi %mul3A_518, %add3A_519 : i32
    %mul3A_521 = arith.constant 8 : i32
    %mul3A_522 = arith.muli %add3A_520, %mul3A_521 : i32
    %add3A_523 = vector.broadcast %mul3A_522 : i32 to vector<16xi32>
    %add3A_524 = arith.addi %broadcast_in_dim3A_516, %add3A_523 : vector<16xi32>
    %swap3A_525 = arith.constant 0 : index
    %swap3A_526 = tpu.vector_load %arg9[%swap3A_525] {strides = array<i32>} : memref<256xi32, #tpu.memory_space<vmem>>, vector<16xi32>,
    %swap3A_527 = vector.shape_cast %swap3A_526 : vector<16xi32> to vector<16xi32>
    %swap3A_528 = vector.shape_cast %add3A_524 : vector<16xi32> to vector<16xi32>
    tpu.vector_store %arg9[%swap3A_525], %swap3A_528 {strides = array<i32>} : memref<256xi32, #tpu.memory_space<vmem>>, vector<16xi32>,
    %broadcast_in_dim3A_529 = arith.constant 0 : i32
    %broadcast_in_dim3A_530 = vector.broadcast %broadcast_in_dim3A_529 : i32 to vector<16xi32>
    %mul3A_531 = arith.constant 2 : i32
    %mul3A_532 = arith.muli %arg1, %mul3A_531 : i32
    %add3A_533 = arith.constant 0 : i32
    %add3A_534 = arith.addi %mul3A_532, %add3A_533 : i32
    %mul3A_535 = arith.constant 8 : i32
    %mul3A_536 = arith.muli %add3A_534, %mul3A_535 : i32
    %add3A_537 = vector.broadcast %mul3A_536 : i32 to vector<16xi32>
    %add3A_538 = arith.addi %broadcast_in_dim3A_530, %add3A_537 : vector<16xi32>
    %swap3A_539 = arith.constant 16 : index
    %swap3A_540 = tpu.vector_load %arg9[%swap3A_539] {strides = array<i32>} : memref<256xi32, #tpu.memory_space<vmem>>, vector<16xi32>,
    %swap3A_541 = vector.shape_cast %swap3A_540 : vector<16xi32> to vector<16xi32>
    %swap3A_542 = vector.shape_cast %add3A_538 : vector<16xi32> to vector<16xi32>
    tpu.vector_store %arg9[%swap3A_539], %swap3A_542 {strides = array<i32>} : memref<256xi32, #tpu.memory_space<vmem>>, vector<16xi32>,
    %broadcast_in_dim3A_543 = arith.constant 1 : i32
    %broadcast_in_dim3A_544 = vector.broadcast %broadcast_in_dim3A_543 : i32 to vector<16xi32>
    %mul3A_545 = arith.constant 2 : i32
    %mul3A_546 = arith.muli %arg1, %mul3A_545 : i32
    %add3A_547 = arith.constant 0 : i32
    %add3A_548 = arith.addi %mul3A_546, %add3A_547 : i32
    %mul3A_549 = arith.constant 8 : i32
    %mul3A_550 = arith.muli %add3A_548, %mul3A_549 : i32
    %add3A_551 = vector.broadcast %mul3A_550 : i32 to vector<16xi32>
    %add3A_552 = arith.addi %broadcast_in_dim3A_544, %add3A_551 : vector<16xi32>
    %swap3A_553 = arith.constant 32 : index
    %swap3A_554 = tpu.vector_load %arg9[%swap3A_553] {strides = array<i32>} : memref<256xi32, #tpu.memory_space<vmem>>, vector<16xi32>,
    %swap3A_555 = vector.shape_cast %swap3A_554 : vector<16xi32> to vector<16xi32>
    %swap3A_556 = vector.shape_cast %add3A_552 : vector<16xi32> to vector<16xi32>
    tpu.vector_store %arg9[%swap3A_553], %swap3A_556 {strides = array<i32>} : memref<256xi32, #tpu.memory_space<vmem>>, vector<16xi32>,
    %broadcast_in_dim3A_557 = arith.constant 1 : i32
    %broadcast_in_dim3A_558 = vector.broadcast %broadcast_in_dim3A_557 : i32 to vector<16xi32>
    %mul3A_559 = arith.constant 2 : i32
    %mul3A_560 = arith.muli %arg1, %mul3A_559 : i32
    %add3A_561 = arith.constant 0 : i32
    %add3A_562 = arith.addi %mul3A_560, %add3A_561 : i32
    %mul3A_563 = arith.constant 8 : i32
    %mul3A_564 = arith.muli %add3A_562, %mul3A_563 : i32
    %add3A_565 = vector.broadcast %mul3A_564 : i32 to vector<16xi32>
    %add3A_566 = arith.addi %broadcast_in_dim3A_558, %add3A_565 : vector<16xi32>
    %swap3A_567 = arith.constant 48 : index
    %swap3A_568 = tpu.vector_load %arg9[%swap3A_567] {strides = array<i32>} : memref<256xi32, #tpu.memory_space<vmem>>, vector<16xi32>,
    %swap3A_569 = vector.shape_cast %swap3A_568 : vector<16xi32> to vector<16xi32>
    %swap3A_570 = vector.shape_cast %add3A_566 : vector<16xi32> to vector<16xi32>
    tpu.vector_store %arg9[%swap3A_567], %swap3A_570 {strides = array<i32>} : memref<256xi32, #tpu.memory_space<vmem>>, vector<16xi32>,
    %broadcast_in_dim3A_571 = arith.constant 2 : i32
    %broadcast_in_dim3A_572 = vector.broadcast %broadcast_in_dim3A_571 : i32 to vector<16xi32>
    %mul3A_573 = arith.constant 2 : i32
    %mul3A_574 = arith.muli %arg1, %mul3A_573 : i32
    %add3A_575 = arith.constant 0 : i32
    %add3A_576 = arith.addi %mul3A_574, %add3A_575 : i32
    %mul3A_577 = arith.constant 8 : i32
    %mul3A_578 = arith.muli %add3A_576, %mul3A_577 : i32
    %add3A_579 = vector.broadcast %mul3A_578 : i32 to vector<16xi32>
    %add3A_580 = arith.addi %broadcast_in_dim3A_572, %add3A_579 : vector<16xi32>
    %swap3A_581 = arith.constant 64 : index
    %swap3A_582 = tpu.vector_load %arg9[%swap3A_581] {strides = array<i32>} : memref<256xi32, #tpu.memory_space<vmem>>, vector<16xi32>,
    %swap3A_583 = vector.shape_cast %swap3A_582 : vector<16xi32> to vector<16xi32>
    %swap3A_584 = vector.shape_cast %add3A_580 : vector<16xi32> to vector<16xi32>
    tpu.vector_store %arg9[%swap3A_581], %swap3A_584 {strides = array<i32>} : memref<256xi32, #tpu.memory_space<vmem>>, vector<16xi32>,
    %broadcast_in_dim3A_585 = arith.constant 2 : i32
    %broadcast_in_dim3A_586 = vector.broadcast %broadcast_in_dim3A_585 : i32 to vector<16xi32>
    %mul3A_587 = arith.constant 2 : i32
    %mul3A_588 = arith.muli %arg1, %mul3A_587 : i32
    %add3A_589 = arith.constant 0 : i32
    %add3A_590 = arith.addi %mul3A_588, %add3A_589 : i32
    %mul3A_591 = arith.constant 8 : i32
    %mul3A_592 = arith.muli %add3A_590, %mul3A_591 : i32
    %add3A_593 = vector.broadcast %mul3A_592 : i32 to vector<16xi32>
    %add3A_594 = arith.addi %broadcast_in_dim3A_586, %add3A_593 : vector<16xi32>
    %swap3A_595 = arith.constant 80 : index
    %swap3A_596 = tpu.vector_load %arg9[%swap3A_595] {strides = array<i32>} : memref<256xi32, #tpu.memory_space<vmem>>, vector<16xi32>,
    %swap3A_597 = vector.shape_cast %swap3A_596 : vector<16xi32> to vector<16xi32>
    %swap3A_598 = vector.shape_cast %add3A_594 : vector<16xi32> to vector<16xi32>
    tpu.vector_store %arg9[%swap3A_595], %swap3A_598 {strides = array<i32>} : memref<256xi32, #tpu.memory_space<vmem>>, vector<16xi32>,
    %broadcast_in_dim3A_599 = arith.constant 3 : i32
    %broadcast_in_dim3A_600 = vector.broadcast %broadcast_in_dim3A_599 : i32 to vector<16xi32>
    %mul3A_601 = arith.constant 2 : i32
    %mul3A_602 = arith.muli %arg1, %mul3A_601 : i32
    %add3A_603 = arith.constant 0 : i32
    %add3A_604 = arith.addi %mul3A_602, %add3A_603 : i32
    %mul3A_605 = arith.constant 8 : i32
    %mul3A_606 = arith.muli %add3A_604, %mul3A_605 : i32
    %add3A_607 = vector.broadcast %mul3A_606 : i32 to vector<16xi32>
    %add3A_608 = arith.addi %broadcast_in_dim3A_600, %add3A_607 : vector<16xi32>
    %swap3A_609 = arith.constant 96 : index
    %swap3A_610 = tpu.vector_load %arg9[%swap3A_609] {strides = array<i32>} : memref<256xi32, #tpu.memory_space<vmem>>, vector<16xi32>,
    %swap3A_611 = vector.shape_cast %swap3A_610 : vector<16xi32> to vector<16xi32>
    %swap3A_612 = vector.shape_cast %add3A_608 : vector<16xi32> to vector<16xi32>
    tpu.vector_store %arg9[%swap3A_609], %swap3A_612 {strides = array<i32>} : memref<256xi32, #tpu.memory_space<vmem>>, vector<16xi32>,
    %broadcast_in_dim3A_613 = arith.constant 3 : i32
    %broadcast_in_dim3A_614 = vector.broadcast %broadcast_in_dim3A_613 : i32 to vector<16xi32>
    %mul3A_615 = arith.constant 2 : i32
    %mul3A_616 = arith.muli %arg1, %mul3A_615 : i32
    %add3A_617 = arith.constant 0 : i32
    %add3A_618 = arith.addi %mul3A_616, %add3A_617 : i32
    %mul3A_619 = arith.constant 8 : i32
    %mul3A_620 = arith.muli %add3A_618, %mul3A_619 : i32
    %add3A_621 = vector.broadcast %mul3A_620 : i32 to vector<16xi32>
    %add3A_622 = arith.addi %broadcast_in_dim3A_614, %add3A_621 : vector<16xi32>
    %swap3A_623 = arith.constant 112 : index
    %swap3A_624 = tpu.vector_load %arg9[%swap3A_623] {strides = array<i32>} : memref<256xi32, #tpu.memory_space<vmem>>, vector<16xi32>,
    %swap3A_625 = vector.shape_cast %swap3A_624 : vector<16xi32> to vector<16xi32>
    %swap3A_626 = vector.shape_cast %add3A_622 : vector<16xi32> to vector<16xi32>
    tpu.vector_store %arg9[%swap3A_623], %swap3A_626 {strides = array<i32>} : memref<256xi32, #tpu.memory_space<vmem>>, vector<16xi32>,
    %broadcast_in_dim3A_627 = arith.constant 4 : i32
    %broadcast_in_dim3A_628 = vector.broadcast %broadcast_in_dim3A_627 : i32 to vector<16xi32>
    %mul3A_629 = arith.constant 2 : i32
    %mul3A_630 = arith.muli %arg1, %mul3A_629 : i32
    %add3A_631 = arith.constant 0 : i32
    %add3A_632 = arith.addi %mul3A_630, %add3A_631 : i32
    %mul3A_633 = arith.constant 8 : i32
    %mul3A_634 = arith.muli %add3A_632, %mul3A_633 : i32
    %add3A_635 = vector.broadcast %mul3A_634 : i32 to vector<16xi32>
    %add3A_636 = arith.addi %broadcast_in_dim3A_628, %add3A_635 : vector<16xi32>
    %swap3A_637 = arith.constant 128 : index
    %swap3A_638 = tpu.vector_load %arg9[%swap3A_637] {strides = array<i32>} : memref<256xi32, #tpu.memory_space<vmem>>, vector<16xi32>,
    %swap3A_639 = vector.shape_cast %swap3A_638 : vector<16xi32> to vector<16xi32>
    %swap3A_640 = vector.shape_cast %add3A_636 : vector<16xi32> to vector<16xi32>
    tpu.vector_store %arg9[%swap3A_637], %swap3A_640 {strides = array<i32>} : memref<256xi32, #tpu.memory_space<vmem>>, vector<16xi32>,
    %broadcast_in_dim3A_641 = arith.constant 4 : i32
    %broadcast_in_dim3A_642 = vector.broadcast %broadcast_in_dim3A_641 : i32 to vector<16xi32>
    %mul3A_643 = arith.constant 2 : i32
    %mul3A_644 = arith.muli %arg1, %mul3A_643 : i32
    %add3A_645 = arith.constant 0 : i32
    %add3A_646 = arith.addi %mul3A_644, %add3A_645 : i32
    %mul3A_647 = arith.constant 8 : i32
    %mul3A_648 = arith.muli %add3A_646, %mul3A_647 : i32
    %add3A_649 = vector.broadcast %mul3A_648 : i32 to vector<16xi32>
    %add3A_650 = arith.addi %broadcast_in_dim3A_642, %add3A_649 : vector<16xi32>
    %swap3A_651 = arith.constant 144 : index
    %swap3A_652 = tpu.vector_load %arg9[%swap3A_651] {strides = array<i32>} : memref<256xi32, #tpu.memory_space<vmem>>, vector<16xi32>,
    %swap3A_653 = vector.shape_cast %swap3A_652 : vector<16xi32> to vector<16xi32>
    %swap3A_654 = vector.shape_cast %add3A_650 : vector<16xi32> to vector<16xi32>
    tpu.vector_store %arg9[%swap3A_651], %swap3A_654 {strides = array<i32>} : memref<256xi32, #tpu.memory_space<vmem>>, vector<16xi32>,
    %broadcast_in_dim3A_655 = arith.constant 5 : i32
    %broadcast_in_dim3A_656 = vector.broadcast %broadcast_in_dim3A_655 : i32 to vector<16xi32>
    %mul3A_657 = arith.constant 2 : i32
    %mul3A_658 = arith.muli %arg1, %mul3A_657 : i32
    %add3A_659 = arith.constant 0 : i32
    %add3A_660 = arith.addi %mul3A_658, %add3A_659 : i32
    %mul3A_661 = arith.constant 8 : i32
    %mul3A_662 = arith.muli %add3A_660, %mul3A_661 : i32
    %add3A_663 = vector.broadcast %mul3A_662 : i32 to vector<16xi32>
    %add3A_664 = arith.addi %broadcast_in_dim3A_656, %add3A_663 : vector<16xi32>
    %swap3A_665 = arith.constant 160 : index
    %swap3A_666 = tpu.vector_load %arg9[%swap3A_665] {strides = array<i32>} : memref<256xi32, #tpu.memory_space<vmem>>, vector<16xi32>,
    %swap3A_667 = vector.shape_cast %swap3A_666 : vector<16xi32> to vector<16xi32>
    %swap3A_668 = vector.shape_cast %add3A_664 : vector<16xi32> to vector<16xi32>
    tpu.vector_store %arg9[%swap3A_665], %swap3A_668 {strides = array<i32>} : memref<256xi32, #tpu.memory_space<vmem>>, vector<16xi32>,
    %broadcast_in_dim3A_669 = arith.constant 5 : i32
    %broadcast_in_dim3A_670 = vector.broadcast %broadcast_in_dim3A_669 : i32 to vector<16xi32>
    %mul3A_671 = arith.constant 2 : i32
    %mul3A_672 = arith.muli %arg1, %mul3A_671 : i32
    %add3A_673 = arith.constant 0 : i32
    %add3A_674 = arith.addi %mul3A_672, %add3A_673 : i32
    %mul3A_675 = arith.constant 8 : i32
    %mul3A_676 = arith.muli %add3A_674, %mul3A_675 : i32
    %add3A_677 = vector.broadcast %mul3A_676 : i32 to vector<16xi32>
    %add3A_678 = arith.addi %broadcast_in_dim3A_670, %add3A_677 : vector<16xi32>
    %swap3A_679 = arith.constant 176 : index
    %swap3A_680 = tpu.vector_load %arg9[%swap3A_679] {strides = array<i32>} : memref<256xi32, #tpu.memory_space<vmem>>, vector<16xi32>,
    %swap3A_681 = vector.shape_cast %swap3A_680 : vector<16xi32> to vector<16xi32>
    %swap3A_682 = vector.shape_cast %add3A_678 : vector<16xi32> to vector<16xi32>
    tpu.vector_store %arg9[%swap3A_679], %swap3A_682 {strides = array<i32>} : memref<256xi32, #tpu.memory_space<vmem>>, vector<16xi32>,
    %broadcast_in_dim3A_683 = arith.constant 6 : i32
    %broadcast_in_dim3A_684 = vector.broadcast %broadcast_in_dim3A_683 : i32 to vector<16xi32>
    %mul3A_685 = arith.constant 2 : i32
    %mul3A_686 = arith.muli %arg1, %mul3A_685 : i32
    %add3A_687 = arith.constant 0 : i32
    %add3A_688 = arith.addi %mul3A_686, %add3A_687 : i32
    %mul3A_689 = arith.constant 8 : i32
    %mul3A_690 = arith.muli %add3A_688, %mul3A_689 : i32
    %add3A_691 = vector.broadcast %mul3A_690 : i32 to vector<16xi32>
    %add3A_692 = arith.addi %broadcast_in_dim3A_684, %add3A_691 : vector<16xi32>
    %swap3A_693 = arith.constant 192 : index
    %swap3A_694 = tpu.vector_load %arg9[%swap3A_693] {strides = array<i32>} : memref<256xi32, #tpu.memory_space<vmem>>, vector<16xi32>,
    %swap3A_695 = vector.shape_cast %swap3A_694 : vector<16xi32> to vector<16xi32>
    %swap3A_696 = vector.shape_cast %add3A_692 : vector<16xi32> to vector<16xi32>
    tpu.vector_store %arg9[%swap3A_693], %swap3A_696 {strides = array<i32>} : memref<256xi32, #tpu.memory_space<vmem>>, vector<16xi32>,
    %broadcast_in_dim3A_697 = arith.constant 6 : i32
    %broadcast_in_dim3A_698 = vector.broadcast %broadcast_in_dim3A_697 : i32 to vector<16xi32>
    %mul3A_699 = arith.constant 2 : i32
    %mul3A_700 = arith.muli %arg1, %mul3A_699 : i32
    %add3A_701 = arith.constant 0 : i32
    %add3A_702 = arith.addi %mul3A_700, %add3A_701 : i32
    %mul3A_703 = arith.constant 8 : i32
    %mul3A_704 = arith.muli %add3A_702, %mul3A_703 : i32
    %add3A_705 = vector.broadcast %mul3A_704 : i32 to vector<16xi32>
    %add3A_706 = arith.addi %broadcast_in_dim3A_698, %add3A_705 : vector<16xi32>
    %swap3A_707 = arith.constant 208 : index
    %swap3A_708 = tpu.vector_load %arg9[%swap3A_707] {strides = array<i32>} : memref<256xi32, #tpu.memory_space<vmem>>, vector<16xi32>,
    %swap3A_709 = vector.shape_cast %swap3A_708 : vector<16xi32> to vector<16xi32>
    %swap3A_710 = vector.shape_cast %add3A_706 : vector<16xi32> to vector<16xi32>
    tpu.vector_store %arg9[%swap3A_707], %swap3A_710 {strides = array<i32>} : memref<256xi32, #tpu.memory_space<vmem>>, vector<16xi32>,
    %broadcast_in_dim3A_711 = arith.constant 7 : i32
    %broadcast_in_dim3A_712 = vector.broadcast %broadcast_in_dim3A_711 : i32 to vector<16xi32>
    %mul3A_713 = arith.constant 2 : i32
    %mul3A_714 = arith.muli %arg1, %mul3A_713 : i32
    %add3A_715 = arith.constant 0 : i32
    %add3A_716 = arith.addi %mul3A_714, %add3A_715 : i32
    %mul3A_717 = arith.constant 8 : i32
    %mul3A_718 = arith.muli %add3A_716, %mul3A_717 : i32
    %add3A_719 = vector.broadcast %mul3A_718 : i32 to vector<16xi32>
    %add3A_720 = arith.addi %broadcast_in_dim3A_712, %add3A_719 : vector<16xi32>
    %swap3A_721 = arith.constant 224 : index
    %swap3A_722 = tpu.vector_load %arg9[%swap3A_721] {strides = array<i32>} : memref<256xi32, #tpu.memory_space<vmem>>, vector<16xi32>,
    %swap3A_723 = vector.shape_cast %swap3A_722 : vector<16xi32> to vector<16xi32>
    %swap3A_724 = vector.shape_cast %add3A_720 : vector<16xi32> to vector<16xi32>
    tpu.vector_store %arg9[%swap3A_721], %swap3A_724 {strides = array<i32>} : memref<256xi32, #tpu.memory_space<vmem>>, vector<16xi32>,
    %broadcast_in_dim3A_725 = arith.constant 7 : i32
    %broadcast_in_dim3A_726 = vector.broadcast %broadcast_in_dim3A_725 : i32 to vector<16xi32>
    %mul3A_727 = arith.constant 2 : i32
    %mul3A_728 = arith.muli %arg1, %mul3A_727 : i32
    %add3A_729 = arith.constant 0 : i32
    %add3A_730 = arith.addi %mul3A_728, %add3A_729 : i32
    %mul3A_731 = arith.constant 8 : i32
    %mul3A_732 = arith.muli %add3A_730, %mul3A_731 : i32
    %add3A_733 = vector.broadcast %mul3A_732 : i32 to vector<16xi32>
    %add3A_734 = arith.addi %broadcast_in_dim3A_726, %add3A_733 : vector<16xi32>
    %swap3A_735 = arith.constant 240 : index
    %swap3A_736 = tpu.vector_load %arg9[%swap3A_735] {strides = array<i32>} : memref<256xi32, #tpu.memory_space<vmem>>, vector<16xi32>,
    %swap3A_737 = vector.shape_cast %swap3A_736 : vector<16xi32> to vector<16xi32>
    %swap3A_738 = vector.shape_cast %add3A_734 : vector<16xi32> to vector<16xi32>
    tpu.vector_store %arg9[%swap3A_735], %swap3A_738 {strides = array<i32>} : memref<256xi32, #tpu.memory_space<vmem>>, vector<16xi32>,
    %broadcast_in_dim3A_739 = arith.constant 0 : i32
    %broadcast_in_dim3A_740 = vector.broadcast %broadcast_in_dim3A_739 : i32 to vector<16xi32>
    %mul3A_741 = arith.constant 2 : i32
    %mul3A_742 = arith.muli %arg1, %mul3A_741 : i32
    %add3A_743 = arith.constant 1 : i32
    %add3A_744 = arith.addi %mul3A_742, %add3A_743 : i32
    %mul3A_745 = arith.constant 8 : i32
    %mul3A_746 = arith.muli %add3A_744, %mul3A_745 : i32
    %add3A_747 = vector.broadcast %mul3A_746 : i32 to vector<16xi32>
    %add3A_748 = arith.addi %broadcast_in_dim3A_740, %add3A_747 : vector<16xi32>
    %swap3A_749 = arith.constant 0 : index
    %swap3A_750 = tpu.vector_load %arg10[%swap3A_749] {strides = array<i32>} : memref<256xi32, #tpu.memory_space<vmem>>, vector<16xi32>,
    %swap3A_751 = vector.shape_cast %swap3A_750 : vector<16xi32> to vector<16xi32>
    %swap3A_752 = vector.shape_cast %add3A_748 : vector<16xi32> to vector<16xi32>
    tpu.vector_store %arg10[%swap3A_749], %swap3A_752 {strides = array<i32>} : memref<256xi32, #tpu.memory_space<vmem>>, vector<16xi32>,
    %broadcast_in_dim3A_753 = arith.constant 0 : i32
    %broadcast_in_dim3A_754 = vector.broadcast %broadcast_in_dim3A_753 : i32 to vector<16xi32>
    %mul3A_755 = arith.constant 2 : i32
    %mul3A_756 = arith.muli %arg1, %mul3A_755 : i32
    %add3A_757 = arith.constant 1 : i32
    %add3A_758 = arith.addi %mul3A_756, %add3A_757 : i32
    %mul3A_759 = arith.constant 8 : i32
    %mul3A_760 = arith.muli %add3A_758, %mul3A_759 : i32
    %add3A_761 = vector.broadcast %mul3A_760 : i32 to vector<16xi32>
    %add3A_762 = arith.addi %broadcast_in_dim3A_754, %add3A_761 : vector<16xi32>
    %swap3A_763 = arith.constant 16 : index
    %swap3A_764 = tpu.vector_load %arg10[%swap3A_763] {strides = array<i32>} : memref<256xi32, #tpu.memory_space<vmem>>, vector<16xi32>,
    %swap3A_765 = vector.shape_cast %swap3A_764 : vector<16xi32> to vector<16xi32>
    %swap3A_766 = vector.shape_cast %add3A_762 : vector<16xi32> to vector<16xi32>
    tpu.vector_store %arg10[%swap3A_763], %swap3A_766 {strides = array<i32>} : memref<256xi32, #tpu.memory_space<vmem>>, vector<16xi32>,
    %broadcast_in_dim3A_767 = arith.constant 1 : i32
    %broadcast_in_dim3A_768 = vector.broadcast %broadcast_in_dim3A_767 : i32 to vector<16xi32>
    %mul3A_769 = arith.constant 2 : i32
    %mul3A_770 = arith.muli %arg1, %mul3A_769 : i32
    %add3A_771 = arith.constant 1 : i32
    %add3A_772 = arith.addi %mul3A_770, %add3A_771 : i32
    %mul3A_773 = arith.constant 8 : i32
    %mul3A_774 = arith.muli %add3A_772, %mul3A_773 : i32
    %add3A_775 = vector.broadcast %mul3A_774 : i32 to vector<16xi32>
    %add3A_776 = arith.addi %broadcast_in_dim3A_768, %add3A_775 : vector<16xi32>
    %swap3A_777 = arith.constant 32 : index
    %swap3A_778 = tpu.vector_load %arg10[%swap3A_777] {strides = array<i32>} : memref<256xi32, #tpu.memory_space<vmem>>, vector<16xi32>,
    %swap3A_779 = vector.shape_cast %swap3A_778 : vector<16xi32> to vector<16xi32>
    %swap3A_780 = vector.shape_cast %add3A_776 : vector<16xi32> to vector<16xi32>
    tpu.vector_store %arg10[%swap3A_777], %swap3A_780 {strides = array<i32>} : memref<256xi32, #tpu.memory_space<vmem>>, vector<16xi32>,
    %broadcast_in_dim3A_781 = arith.constant 1 : i32
    %broadcast_in_dim3A_782 = vector.broadcast %broadcast_in_dim3A_781 : i32 to vector<16xi32>
    %mul3A_783 = arith.constant 2 : i32
    %mul3A_784 = arith.muli %arg1, %mul3A_783 : i32
    %add3A_785 = arith.constant 1 : i32
    %add3A_786 = arith.addi %mul3A_784, %add3A_785 : i32
    %mul3A_787 = arith.constant 8 : i32
    %mul3A_788 = arith.muli %add3A_786, %mul3A_787 : i32
    %add3A_789 = vector.broadcast %mul3A_788 : i32 to vector<16xi32>
    %add3A_790 = arith.addi %broadcast_in_dim3A_782, %add3A_789 : vector<16xi32>
    %swap3A_791 = arith.constant 48 : index
    %swap3A_792 = tpu.vector_load %arg10[%swap3A_791] {strides = array<i32>} : memref<256xi32, #tpu.memory_space<vmem>>, vector<16xi32>,
    %swap3A_793 = vector.shape_cast %swap3A_792 : vector<16xi32> to vector<16xi32>
    %swap3A_794 = vector.shape_cast %add3A_790 : vector<16xi32> to vector<16xi32>
    tpu.vector_store %arg10[%swap3A_791], %swap3A_794 {strides = array<i32>} : memref<256xi32, #tpu.memory_space<vmem>>, vector<16xi32>,
    %broadcast_in_dim3A_795 = arith.constant 2 : i32
    %broadcast_in_dim3A_796 = vector.broadcast %broadcast_in_dim3A_795 : i32 to vector<16xi32>
    %mul3A_797 = arith.constant 2 : i32
    %mul3A_798 = arith.muli %arg1, %mul3A_797 : i32
    %add3A_799 = arith.constant 1 : i32
    %add3A_800 = arith.addi %mul3A_798, %add3A_799 : i32
    %mul3A_801 = arith.constant 8 : i32
    %mul3A_802 = arith.muli %add3A_800, %mul3A_801 : i32
    %add3A_803 = vector.broadcast %mul3A_802 : i32 to vector<16xi32>
    %add3A_804 = arith.addi %broadcast_in_dim3A_796, %add3A_803 : vector<16xi32>
    %swap3A_805 = arith.constant 64 : index
    %swap3A_806 = tpu.vector_load %arg10[%swap3A_805] {strides = array<i32>} : memref<256xi32, #tpu.memory_space<vmem>>, vector<16xi32>,
    %swap3A_807 = vector.shape_cast %swap3A_806 : vector<16xi32> to vector<16xi32>
    %swap3A_808 = vector.shape_cast %add3A_804 : vector<16xi32> to vector<16xi32>
    tpu.vector_store %arg10[%swap3A_805], %swap3A_808 {strides = array<i32>} : memref<256xi32, #tpu.memory_space<vmem>>, vector<16xi32>,
    %broadcast_in_dim3A_809 = arith.constant 2 : i32
    %broadcast_in_dim3A_810 = vector.broadcast %broadcast_in_dim3A_809 : i32 to vector<16xi32>
    %mul3A_811 = arith.constant 2 : i32
    %mul3A_812 = arith.muli %arg1, %mul3A_811 : i32
    %add3A_813 = arith.constant 1 : i32
    %add3A_814 = arith.addi %mul3A_812, %add3A_813 : i32
    %mul3A_815 = arith.constant 8 : i32
    %mul3A_816 = arith.muli %add3A_814, %mul3A_815 : i32
    %add3A_817 = vector.broadcast %mul3A_816 : i32 to vector<16xi32>
    %add3A_818 = arith.addi %broadcast_in_dim3A_810, %add3A_817 : vector<16xi32>
    %swap3A_819 = arith.constant 80 : index
    %swap3A_820 = tpu.vector_load %arg10[%swap3A_819] {strides = array<i32>} : memref<256xi32, #tpu.memory_space<vmem>>, vector<16xi32>,
    %swap3A_821 = vector.shape_cast %swap3A_820 : vector<16xi32> to vector<16xi32>
    %swap3A_822 = vector.shape_cast %add3A_818 : vector<16xi32> to vector<16xi32>
    tpu.vector_store %arg10[%swap3A_819], %swap3A_822 {strides = array<i32>} : memref<256xi32, #tpu.memory_space<vmem>>, vector<16xi32>,
    %broadcast_in_dim3A_823 = arith.constant 3 : i32
    %broadcast_in_dim3A_824 = vector.broadcast %broadcast_in_dim3A_823 : i32 to vector<16xi32>
    %mul3A_825 = arith.constant 2 : i32
    %mul3A_826 = arith.muli %arg1, %mul3A_825 : i32
    %add3A_827 = arith.constant 1 : i32
    %add3A_828 = arith.addi %mul3A_826, %add3A_827 : i32
    %mul3A_829 = arith.constant 8 : i32
    %mul3A_830 = arith.muli %add3A_828, %mul3A_829 : i32
    %add3A_831 = vector.broadcast %mul3A_830 : i32 to vector<16xi32>
    %add3A_832 = arith.addi %broadcast_in_dim3A_824, %add3A_831 : vector<16xi32>
    %swap3A_833 = arith.constant 96 : index
    %swap3A_834 = tpu.vector_load %arg10[%swap3A_833] {strides = array<i32>} : memref<256xi32, #tpu.memory_space<vmem>>, vector<16xi32>,
    %swap3A_835 = vector.shape_cast %swap3A_834 : vector<16xi32> to vector<16xi32>
    %swap3A_836 = vector.shape_cast %add3A_832 : vector<16xi32> to vector<16xi32>
    tpu.vector_store %arg10[%swap3A_833], %swap3A_836 {strides = array<i32>} : memref<256xi32, #tpu.memory_space<vmem>>, vector<16xi32>,
    %broadcast_in_dim3A_837 = arith.constant 3 : i32
    %broadcast_in_dim3A_838 = vector.broadcast %broadcast_in_dim3A_837 : i32 to vector<16xi32>
    %mul3A_839 = arith.constant 2 : i32
    %mul3A_840 = arith.muli %arg1, %mul3A_839 : i32
    %add3A_841 = arith.constant 1 : i32
    %add3A_842 = arith.addi %mul3A_840, %add3A_841 : i32
    %mul3A_843 = arith.constant 8 : i32
    %mul3A_844 = arith.muli %add3A_842, %mul3A_843 : i32
    %add3A_845 = vector.broadcast %mul3A_844 : i32 to vector<16xi32>
    %add3A_846 = arith.addi %broadcast_in_dim3A_838, %add3A_845 : vector<16xi32>
    %swap3A_847 = arith.constant 112 : index
    %swap3A_848 = tpu.vector_load %arg10[%swap3A_847] {strides = array<i32>} : memref<256xi32, #tpu.memory_space<vmem>>, vector<16xi32>,
    %swap3A_849 = vector.shape_cast %swap3A_848 : vector<16xi32> to vector<16xi32>
    %swap3A_850 = vector.shape_cast %add3A_846 : vector<16xi32> to vector<16xi32>
    tpu.vector_store %arg10[%swap3A_847], %swap3A_850 {strides = array<i32>} : memref<256xi32, #tpu.memory_space<vmem>>, vector<16xi32>,
    %broadcast_in_dim3A_851 = arith.constant 4 : i32
    %broadcast_in_dim3A_852 = vector.broadcast %broadcast_in_dim3A_851 : i32 to vector<16xi32>
    %mul3A_853 = arith.constant 2 : i32
    %mul3A_854 = arith.muli %arg1, %mul3A_853 : i32
    %add3A_855 = arith.constant 1 : i32
    %add3A_856 = arith.addi %mul3A_854, %add3A_855 : i32
    %mul3A_857 = arith.constant 8 : i32
    %mul3A_858 = arith.muli %add3A_856, %mul3A_857 : i32
    %add3A_859 = vector.broadcast %mul3A_858 : i32 to vector<16xi32>
    %add3A_860 = arith.addi %broadcast_in_dim3A_852, %add3A_859 : vector<16xi32>
    %swap3A_861 = arith.constant 128 : index
    %swap3A_862 = tpu.vector_load %arg10[%swap3A_861] {strides = array<i32>} : memref<256xi32, #tpu.memory_space<vmem>>, vector<16xi32>,
    %swap3A_863 = vector.shape_cast %swap3A_862 : vector<16xi32> to vector<16xi32>
    %swap3A_864 = vector.shape_cast %add3A_860 : vector<16xi32> to vector<16xi32>
    tpu.vector_store %arg10[%swap3A_861], %swap3A_864 {strides = array<i32>} : memref<256xi32, #tpu.memory_space<vmem>>, vector<16xi32>,
    %broadcast_in_dim3A_865 = arith.constant 4 : i32
    %broadcast_in_dim3A_866 = vector.broadcast %broadcast_in_dim3A_865 : i32 to vector<16xi32>
    %mul3A_867 = arith.constant 2 : i32
    %mul3A_868 = arith.muli %arg1, %mul3A_867 : i32
    %add3A_869 = arith.constant 1 : i32
    %add3A_870 = arith.addi %mul3A_868, %add3A_869 : i32
    %mul3A_871 = arith.constant 8 : i32
    %mul3A_872 = arith.muli %add3A_870, %mul3A_871 : i32
    %add3A_873 = vector.broadcast %mul3A_872 : i32 to vector<16xi32>
    %add3A_874 = arith.addi %broadcast_in_dim3A_866, %add3A_873 : vector<16xi32>
    %swap3A_875 = arith.constant 144 : index
    %swap3A_876 = tpu.vector_load %arg10[%swap3A_875] {strides = array<i32>} : memref<256xi32, #tpu.memory_space<vmem>>, vector<16xi32>,
    %swap3A_877 = vector.shape_cast %swap3A_876 : vector<16xi32> to vector<16xi32>
    %swap3A_878 = vector.shape_cast %add3A_874 : vector<16xi32> to vector<16xi32>
    tpu.vector_store %arg10[%swap3A_875], %swap3A_878 {strides = array<i32>} : memref<256xi32, #tpu.memory_space<vmem>>, vector<16xi32>,
    %broadcast_in_dim3A_879 = arith.constant 5 : i32
    %broadcast_in_dim3A_880 = vector.broadcast %broadcast_in_dim3A_879 : i32 to vector<16xi32>
    %mul3A_881 = arith.constant 2 : i32
    %mul3A_882 = arith.muli %arg1, %mul3A_881 : i32
    %add3A_883 = arith.constant 1 : i32
    %add3A_884 = arith.addi %mul3A_882, %add3A_883 : i32
    %mul3A_885 = arith.constant 8 : i32
    %mul3A_886 = arith.muli %add3A_884, %mul3A_885 : i32
    %add3A_887 = vector.broadcast %mul3A_886 : i32 to vector<16xi32>
    %add3A_888 = arith.addi %broadcast_in_dim3A_880, %add3A_887 : vector<16xi32>
    %swap3A_889 = arith.constant 160 : index
    %swap3A_890 = tpu.vector_load %arg10[%swap3A_889] {strides = array<i32>} : memref<256xi32, #tpu.memory_space<vmem>>, vector<16xi32>,
    %swap3A_891 = vector.shape_cast %swap3A_890 : vector<16xi32> to vector<16xi32>
    %swap3A_892 = vector.shape_cast %add3A_888 : vector<16xi32> to vector<16xi32>
    tpu.vector_store %arg10[%swap3A_889], %swap3A_892 {strides = array<i32>} : memref<256xi32, #tpu.memory_space<vmem>>, vector<16xi32>,
    %broadcast_in_dim3A_893 = arith.constant 5 : i32
    %broadcast_in_dim3A_894 = vector.broadcast %broadcast_in_dim3A_893 : i32 to vector<16xi32>
    %mul3A_895 = arith.constant 2 : i32
    %mul3A_896 = arith.muli %arg1, %mul3A_895 : i32
    %add3A_897 = arith.constant 1 : i32
    %add3A_898 = arith.addi %mul3A_896, %add3A_897 : i32
    %mul3A_899 = arith.constant 8 : i32
    %mul3A_900 = arith.muli %add3A_898, %mul3A_899 : i32
    %add3A_901 = vector.broadcast %mul3A_900 : i32 to vector<16xi32>
    %add3A_902 = arith.addi %broadcast_in_dim3A_894, %add3A_901 : vector<16xi32>
    %swap3A_903 = arith.constant 176 : index
    %swap3A_904 = tpu.vector_load %arg10[%swap3A_903] {strides = array<i32>} : memref<256xi32, #tpu.memory_space<vmem>>, vector<16xi32>,
    %swap3A_905 = vector.shape_cast %swap3A_904 : vector<16xi32> to vector<16xi32>
    %swap3A_906 = vector.shape_cast %add3A_902 : vector<16xi32> to vector<16xi32>
    tpu.vector_store %arg10[%swap3A_903], %swap3A_906 {strides = array<i32>} : memref<256xi32, #tpu.memory_space<vmem>>, vector<16xi32>,
    %broadcast_in_dim3A_907 = arith.constant 6 : i32
    %broadcast_in_dim3A_908 = vector.broadcast %broadcast_in_dim3A_907 : i32 to vector<16xi32>
    %mul3A_909 = arith.constant 2 : i32
    %mul3A_910 = arith.muli %arg1, %mul3A_909 : i32
    %add3A_911 = arith.constant 1 : i32
    %add3A_912 = arith.addi %mul3A_910, %add3A_911 : i32
    %mul3A_913 = arith.constant 8 : i32
    %mul3A_914 = arith.muli %add3A_912, %mul3A_913 : i32
    %add3A_915 = vector.broadcast %mul3A_914 : i32 to vector<16xi32>
    %add3A_916 = arith.addi %broadcast_in_dim3A_908, %add3A_915 : vector<16xi32>
    %swap3A_917 = arith.constant 192 : index
    %swap3A_918 = tpu.vector_load %arg10[%swap3A_917] {strides = array<i32>} : memref<256xi32, #tpu.memory_space<vmem>>, vector<16xi32>,
    %swap3A_919 = vector.shape_cast %swap3A_918 : vector<16xi32> to vector<16xi32>
    %swap3A_920 = vector.shape_cast %add3A_916 : vector<16xi32> to vector<16xi32>
    tpu.vector_store %arg10[%swap3A_917], %swap3A_920 {strides = array<i32>} : memref<256xi32, #tpu.memory_space<vmem>>, vector<16xi32>,
    %broadcast_in_dim3A_921 = arith.constant 6 : i32
    %broadcast_in_dim3A_922 = vector.broadcast %broadcast_in_dim3A_921 : i32 to vector<16xi32>
    %mul3A_923 = arith.constant 2 : i32
    %mul3A_924 = arith.muli %arg1, %mul3A_923 : i32
    %add3A_925 = arith.constant 1 : i32
    %add3A_926 = arith.addi %mul3A_924, %add3A_925 : i32
    %mul3A_927 = arith.constant 8 : i32
    %mul3A_928 = arith.muli %add3A_926, %mul3A_927 : i32
    %add3A_929 = vector.broadcast %mul3A_928 : i32 to vector<16xi32>
    %add3A_930 = arith.addi %broadcast_in_dim3A_922, %add3A_929 : vector<16xi32>
    %swap3A_931 = arith.constant 208 : index
    %swap3A_932 = tpu.vector_load %arg10[%swap3A_931] {strides = array<i32>} : memref<256xi32, #tpu.memory_space<vmem>>, vector<16xi32>,
    %swap3A_933 = vector.shape_cast %swap3A_932 : vector<16xi32> to vector<16xi32>
    %swap3A_934 = vector.shape_cast %add3A_930 : vector<16xi32> to vector<16xi32>
    tpu.vector_store %arg10[%swap3A_931], %swap3A_934 {strides = array<i32>} : memref<256xi32, #tpu.memory_space<vmem>>, vector<16xi32>,
    %broadcast_in_dim3A_935 = arith.constant 7 : i32
    %broadcast_in_dim3A_936 = vector.broadcast %broadcast_in_dim3A_935 : i32 to vector<16xi32>
    %mul3A_937 = arith.constant 2 : i32
    %mul3A_938 = arith.muli %arg1, %mul3A_937 : i32
    %add3A_939 = arith.constant 1 : i32
    %add3A_940 = arith.addi %mul3A_938, %add3A_939 : i32
    %mul3A_941 = arith.constant 8 : i32
    %mul3A_942 = arith.muli %add3A_940, %mul3A_941 : i32
    %add3A_943 = vector.broadcast %mul3A_942 : i32 to vector<16xi32>
    %add3A_944 = arith.addi %broadcast_in_dim3A_936, %add3A_943 : vector<16xi32>
    %swap3A_945 = arith.constant 224 : index
    %swap3A_946 = tpu.vector_load %arg10[%swap3A_945] {strides = array<i32>} : memref<256xi32, #tpu.memory_space<vmem>>, vector<16xi32>,
    %swap3A_947 = vector.shape_cast %swap3A_946 : vector<16xi32> to vector<16xi32>
    %swap3A_948 = vector.shape_cast %add3A_944 : vector<16xi32> to vector<16xi32>
    tpu.vector_store %arg10[%swap3A_945], %swap3A_948 {strides = array<i32>} : memref<256xi32, #tpu.memory_space<vmem>>, vector<16xi32>,
    %broadcast_in_dim3A_949 = arith.constant 7 : i32
    %broadcast_in_dim3A_950 = vector.broadcast %broadcast_in_dim3A_949 : i32 to vector<16xi32>
    %mul3A_951 = arith.constant 2 : i32
    %mul3A_952 = arith.muli %arg1, %mul3A_951 : i32
    %add3A_953 = arith.constant 1 : i32
    %add3A_954 = arith.addi %mul3A_952, %add3A_953 : i32
    %mul3A_955 = arith.constant 8 : i32
    %mul3A_956 = arith.muli %add3A_954, %mul3A_955 : i32
    %add3A_957 = vector.broadcast %mul3A_956 : i32 to vector<16xi32>
    %add3A_958 = arith.addi %broadcast_in_dim3A_950, %add3A_957 : vector<16xi32>
    %swap3A_959 = arith.constant 240 : index
    %swap3A_960 = tpu.vector_load %arg10[%swap3A_959] {strides = array<i32>} : memref<256xi32, #tpu.memory_space<vmem>>, vector<16xi32>,
    %swap3A_961 = vector.shape_cast %swap3A_960 : vector<16xi32> to vector<16xi32>
    %swap3A_962 = vector.shape_cast %add3A_958 : vector<16xi32> to vector<16xi32>
    tpu.vector_store %arg10[%swap3A_959], %swap3A_962 {strides = array<i32>} : memref<256xi32, #tpu.memory_space<vmem>>, vector<16xi32>,
    %dma_start3A = arith.constant 0 : i32
    %dma_start3A_963 = arith.constant 0 : i32
    %dma_start3A_964 = tpu.memref_slice %arg6[%dma_start3A, %dma_start3A_963] : memref<256x128xf32, #tpu.memory_space<vmem>> -> memref<128x128xf32, #tpu.memory_space<vmem>>
    %dma_start3A_965 = arith.constant 0 : i32
    %dma_start3A_966 = tpu.memref_slice %arg5[%dma_start3A_965] : memref<10240xi32, #tpu.memory_space<vmem>> -> memref<128xi32, #tpu.memory_space<vmem>>
    %dma_start3A_967 = arith.constant 0 : i32
    %dma_start3A_968 = arith.constant 0 : i32
    %dma_start3A_969 = tpu.memref_slice %arg2[%dma_start3A_967, %dma_start3A_968] : memref<320000x128xf32, #tpu.memory_space<hbm>> -> memref<320000x128xf32, #tpu.memory_space<hbm>>
    tpu.enqueue_indirect_dma source(%dma_start3A_969 : memref<320000x128xf32, #tpu.memory_space<hbm>>) target(%dma_start3A_964 : memref<128x128xf32, #tpu.memory_space<vmem>>) offsets(%dma_start3A_966 : memref<128xi32, #tpu.memory_space<vmem>>) semaphore(%arg13 : memref<!tpu.dma_semaphore, #tpu.memory_space<semaphore_mem>>)
    %dma_start3A_970 = arith.constant 128 : i32
    %dma_start3A_971 = arith.constant 0 : i32
    %dma_start3A_972 = tpu.memref_slice %arg6[%dma_start3A_970, %dma_start3A_971] : memref<256x128xf32, #tpu.memory_space<vmem>> -> memref<128x128xf32, #tpu.memory_space<vmem>>
    %dma_start3A_973 = arith.constant 128 : i32
    %dma_start3A_974 = tpu.memref_slice %arg5[%dma_start3A_973] : memref<10240xi32, #tpu.memory_space<vmem>> -> memref<128xi32, #tpu.memory_space<vmem>>
    %dma_start3A_975 = arith.constant 0 : i32
    %dma_start3A_976 = arith.constant 0 : i32
    %dma_start3A_977 = tpu.memref_slice %arg2[%dma_start3A_975, %dma_start3A_976] : memref<320000x128xf32, #tpu.memory_space<hbm>> -> memref<320000x128xf32, #tpu.memory_space<hbm>>
    tpu.enqueue_indirect_dma source(%dma_start3A_977 : memref<320000x128xf32, #tpu.memory_space<hbm>>) target(%dma_start3A_972 : memref<128x128xf32, #tpu.memory_space<vmem>>) offsets(%dma_start3A_974 : memref<128xi32, #tpu.memory_space<vmem>>) semaphore(%arg13 : memref<!tpu.dma_semaphore, #tpu.memory_space<semaphore_mem>>)
    %scan3A = arith.constant 0 : i32
    %scan3A_978 = arith.constant 0 : i32
    %scan3A_979 = arith.constant 20 : i32
    %scan3A_980 = arith.addi %scan3A_978, %scan3A_979 : i32
    %scan3A_981 = arith.constant 1 : i32
    scf.for %scan3A_1006 = %scan3A_978 to %scan3A_980 step %scan3A_981  : i32 {
      %mul3A_1007 = arith.constant 2 : i32
      %mul3A_1008 = arith.muli %mul3A_1007, %scan3A_1006 : i32
      %add3A_1009 = arith.constant 0 : i32
      %add3A_1010 = arith.addi %mul3A_1008, %add3A_1009 : i32
      %add3A_1011 = arith.constant 1 : i32
      %add3A_1012 = arith.addi %add3A_1010, %add3A_1011 : i32
      %lt3A = arith.constant 40 : i32
      %lt3A_1013 = arith.cmpi slt, %add3A_1012, %lt3A : i32
      %convert_element_type3A = arith.extui %lt3A_1013 : i1 to i32
      %cond3A = arith.constant 0 : i32
      %cond3A_1014 = arith.cmpi ne, %convert_element_type3A, %cond3A : i32
      scf.if %cond3A_1014 {
        %add3A_1117 = arith.constant 1 : i32
        %add3A_1118 = arith.addi %add3A_1010, %add3A_1117 : i32
        %mul3A_1119 = arith.constant 256 : i32
        %mul3A_1120 = arith.muli %add3A_1118, %mul3A_1119 : i32
        %add3A_1121 = arith.constant 0 : i32
        %add3A_1122 = arith.addi %mul3A_1120, %add3A_1121 : i32
        %dma_start3A_1123 = arith.constant 0 : i32
        %dma_start3A_1124 = arith.constant 0 : i32
        %dma_start3A_1125 = tpu.memref_slice %arg7[%dma_start3A_1123, %dma_start3A_1124] : memref<256x128xf32, #tpu.memory_space<vmem>> -> memref<128x128xf32, #tpu.memory_space<vmem>>
        %dma_start3A_1126 = tpu.memref_slice %arg5[%add3A_1122] : memref<10240xi32, #tpu.memory_space<vmem>> -> memref<128xi32, #tpu.memory_space<vmem>>
        %dma_start3A_1127 = arith.constant 0 : i32
        %dma_start3A_1128 = arith.constant 0 : i32
        %dma_start3A_1129 = tpu.memref_slice %arg2[%dma_start3A_1127, %dma_start3A_1128] : memref<320000x128xf32, #tpu.memory_space<hbm>> -> memref<320000x128xf32, #tpu.memory_space<hbm>>
        tpu.enqueue_indirect_dma source(%dma_start3A_1129 : memref<320000x128xf32, #tpu.memory_space<hbm>>) target(%dma_start3A_1125 : memref<128x128xf32, #tpu.memory_space<vmem>>) offsets(%dma_start3A_1126 : memref<128xi32, #tpu.memory_space<vmem>>) semaphore(%arg14 : memref<!tpu.dma_semaphore, #tpu.memory_space<semaphore_mem>>)
        %mul3A_1130 = arith.constant 256 : i32
        %mul3A_1131 = arith.muli %add3A_1118, %mul3A_1130 : i32
        %add3A_1132 = arith.constant 128 : i32
        %add3A_1133 = arith.addi %mul3A_1131, %add3A_1132 : i32
        %dma_start3A_1134 = arith.constant 128 : i32
        %dma_start3A_1135 = arith.constant 0 : i32
        %dma_start3A_1136 = tpu.memref_slice %arg7[%dma_start3A_1134, %dma_start3A_1135] : memref<256x128xf32, #tpu.memory_space<vmem>> -> memref<128x128xf32, #tpu.memory_space<vmem>>
        %dma_start3A_1137 = tpu.memref_slice %arg5[%add3A_1133] : memref<10240xi32, #tpu.memory_space<vmem>> -> memref<128xi32, #tpu.memory_space<vmem>>
        %dma_start3A_1138 = arith.constant 0 : i32
        %dma_start3A_1139 = arith.constant 0 : i32
        %dma_start3A_1140 = tpu.memref_slice %arg2[%dma_start3A_1138, %dma_start3A_1139] : memref<320000x128xf32, #tpu.memory_space<hbm>> -> memref<320000x128xf32, #tpu.memory_space<hbm>>
        tpu.enqueue_indirect_dma source(%dma_start3A_1140 : memref<320000x128xf32, #tpu.memory_space<hbm>>) target(%dma_start3A_1136 : memref<128x128xf32, #tpu.memory_space<vmem>>) offsets(%dma_start3A_1137 : memref<128xi32, #tpu.memory_space<vmem>>) semaphore(%arg14 : memref<!tpu.dma_semaphore, #tpu.memory_space<semaphore_mem>>)
      } else {
      }
      %ge3A = arith.constant 2 : i32
      %ge3A_1015 = arith.cmpi sge, %add3A_1010, %ge3A : i32
      %convert_element_type3A_1016 = arith.extui %ge3A_1015 : i1 to i32
      %cond3A_1017 = arith.constant 0 : i32
      %cond3A_1018 = arith.cmpi ne, %convert_element_type3A_1016, %cond3A_1017 : i32
      scf.if %cond3A_1018 {
        %sub3A = arith.constant 2 : i32
        %sub3A_1117 = arith.subi %add3A_1010, %sub3A : i32
        %mul3A_1118 = arith.constant 2 : i32
        %mul3A_1119 = arith.muli %arg1, %mul3A_1118 : i32
        %add3A_1120 = arith.constant 0 : i32
        %add3A_1121 = arith.addi %mul3A_1119, %add3A_1120 : i32
        %mul3A_1122 = arith.constant 8 : i32
        %mul3A_1123 = arith.muli %add3A_1121, %mul3A_1122 : i32
        %mul3A_1124 = arith.constant 8 : i32
        %mul3A_1125 = arith.muli %sub3A_1117, %mul3A_1124 : i32
        %add3A_1126 = arith.addi %mul3A_2, %mul3A_1125 : i32
        %dma_wait3A_1127 = arith.constant 0 : i32
        %dma_wait3A_1128 = tpu.memref_slice %arg4[%add3A_1126, %dma_wait3A_1127] : memref<10240x128xf32, #tpu.memory_space<hbm>> -> memref<8x128xf32, #tpu.memory_space<hbm>>
        %dma_wait3A_1129 = arith.constant 0 : i32
        %dma_wait3A_1130 = tpu.memref_slice %arg11[%mul3A_1123, %dma_wait3A_1129] : memref<256x128xf32, #tpu.memory_space<vmem_shared>> -> memref<8x128xf32, #tpu.memory_space<vmem_shared>>
        tpu.wait_dma2 semaphore(%arg15 : memref<!tpu.dma_semaphore, #tpu.memory_space<semaphore_mem>>) src(%dma_wait3A_1130 : memref<8x128xf32, #tpu.memory_space<vmem_shared>>) dst(%dma_wait3A_1128 : memref<8x128xf32, #tpu.memory_space<hbm>>)
      } else {
      }
      %mul3A_1019 = arith.constant 2 : i32
      %mul3A_1020 = arith.muli %arg1, %mul3A_1019 : i32
      %add3A_1021 = arith.constant 0 : i32
      %add3A_1022 = arith.addi %mul3A_1020, %add3A_1021 : i32
      %mul3A_1023 = arith.constant 8 : i32
      %mul3A_1024 = arith.muli %add3A_1022, %mul3A_1023 : i32
      "tpu.region"() ({
        %run_scoped3A = tpu.sem_alloc : memref<!tpu.dma_semaphore, #tpu.memory_space<semaphore_mem>>
        %dma_start3A_1117 = arith.constant 0 : i32
        %dma_start3A_1118 = tpu.memref_slice %arg11[%mul3A_1024, %dma_start3A_1117] : memref<256x128xf32, #tpu.memory_space<vmem_shared>> -> memref<8x128xf32, #tpu.memory_space<vmem_shared>>
        %dma_start3A_1119 = arith.constant 0 : i32
        %dma_start3A_1120 = tpu.memref_slice %arg11[%mul3A_1024, %dma_start3A_1119] : memref<256x128xf32, #tpu.memory_space<vmem_shared>> -> memref<8x128xf32, #tpu.memory_space<vmem_shared>>
        tpu.enqueue_dma source(%arg8 : memref<8x128xf32, #tpu.memory_space<vmem>>) target(%dma_start3A_1120 : memref<8x128xf32, #tpu.memory_space<vmem_shared>>) target_semaphore(%run_scoped3A : memref<!tpu.dma_semaphore, #tpu.memory_space<semaphore_mem>>)
        %dma_wait3A_1121 = arith.constant 0 : i32
        %dma_wait3A_1122 = tpu.memref_slice %arg11[%mul3A_1024, %dma_wait3A_1121] : memref<256x128xf32, #tpu.memory_space<vmem_shared>> -> memref<8x128xf32, #tpu.memory_space<vmem_shared>>
        %dma_wait3A_1123 = arith.constant 0 : i32
        %dma_wait3A_1124 = tpu.memref_slice %arg11[%mul3A_1024, %dma_wait3A_1123] : memref<256x128xf32, #tpu.memory_space<vmem_shared>> -> memref<8x128xf32, #tpu.memory_space<vmem_shared>>
        tpu.wait_dma2 semaphore(%run_scoped3A : memref<!tpu.dma_semaphore, #tpu.memory_space<semaphore_mem>>) src(%arg8 : memref<8x128xf32, #tpu.memory_space<vmem>>) dst(%dma_wait3A_1124 : memref<8x128xf32, #tpu.memory_space<vmem_shared>>)
        tpu.yield
      }) : () -> ()
      %mul3A_1025 = arith.constant 256 : i32
      %mul3A_1026 = arith.muli %add3A_1010, %mul3A_1025 : i32
      %add3A_1027 = arith.constant 0 : i32
      %add3A_1028 = arith.addi %mul3A_1026, %add3A_1027 : i32
      %dma_wait3A_1029 = arith.constant 0 : i32
      %dma_wait3A_1030 = arith.constant 0 : i32
      %dma_wait3A_1031 = tpu.memref_slice %arg6[%dma_wait3A_1029, %dma_wait3A_1030] : memref<256x128xf32, #tpu.memory_space<vmem>> -> memref<128x128xf32, #tpu.memory_space<vmem>>
      %dma_wait3A_1032 = tpu.memref_slice %arg5[%add3A_1028] : memref<10240xi32, #tpu.memory_space<vmem>> -> memref<128xi32, #tpu.memory_space<vmem>>
      %dma_wait3A_1033 = arith.constant 0 : i32
      %dma_wait3A_1034 = arith.constant 0 : i32
      %dma_wait3A_1035 = tpu.memref_slice %arg2[%dma_wait3A_1033, %dma_wait3A_1034] : memref<320000x128xf32, #tpu.memory_space<hbm>> -> memref<320000x128xf32, #tpu.memory_space<hbm>>
      tpu.wait_indirect_dma semaphore(%arg13 : memref<!tpu.dma_semaphore, #tpu.memory_space<semaphore_mem>>) src(%dma_wait3A_1035 : memref<320000x128xf32, #tpu.memory_space<hbm>>) dst(%dma_wait3A_1031 : memref<128x128xf32, #tpu.memory_space<vmem>>)
      %mul3A_1036 = arith.constant 256 : i32
      %mul3A_1037 = arith.muli %add3A_1010, %mul3A_1036 : i32
      %add3A_1038 = arith.constant 128 : i32
      %add3A_1039 = arith.addi %mul3A_1037, %add3A_1038 : i32
      %dma_wait3A_1040 = arith.constant 128 : i32
      %dma_wait3A_1041 = arith.constant 0 : i32
      %dma_wait3A_1042 = tpu.memref_slice %arg6[%dma_wait3A_1040, %dma_wait3A_1041] : memref<256x128xf32, #tpu.memory_space<vmem>> -> memref<128x128xf32, #tpu.memory_space<vmem>>
      %dma_wait3A_1043 = tpu.memref_slice %arg5[%add3A_1039] : memref<10240xi32, #tpu.memory_space<vmem>> -> memref<128xi32, #tpu.memory_space<vmem>>
      %dma_wait3A_1044 = arith.constant 0 : i32
      %dma_wait3A_1045 = arith.constant 0 : i32
      %dma_wait3A_1046 = tpu.memref_slice %arg2[%dma_wait3A_1044, %dma_wait3A_1045] : memref<320000x128xf32, #tpu.memory_space<hbm>> -> memref<320000x128xf32, #tpu.memory_space<hbm>>
      tpu.wait_indirect_dma semaphore(%arg13 : memref<!tpu.dma_semaphore, #tpu.memory_space<semaphore_mem>>) src(%dma_wait3A_1046 : memref<320000x128xf32, #tpu.memory_space<hbm>>) dst(%dma_wait3A_1042 : memref<128x128xf32, #tpu.memory_space<vmem>>)
      "tpu.region"() ({
        %run_scoped3A = tpu.sem_alloc : memref<!tpu.dma_semaphore, #tpu.memory_space<semaphore_mem>>
        %dma_start3A_1117 = arith.constant 0 : i32
        %dma_start3A_1118 = arith.constant 0 : i32
        %dma_start3A_1119 = tpu.memref_slice %arg11[%dma_start3A_1117, %dma_start3A_1118] : memref<256x128xf32, #tpu.memory_space<vmem_shared>> -> memref<256x128xf32, #tpu.memory_space<vmem_shared>>
        tpu.enqueue_indirect_dma source(%arg6 : memref<256x128xf32, #tpu.memory_space<vmem>>) target(%dma_start3A_1119 : memref<256x128xf32, #tpu.memory_space<vmem_shared>>) offsets(%arg9 : memref<256xi32, #tpu.memory_space<vmem>>) semaphore(%run_scoped3A : memref<!tpu.dma_semaphore, #tpu.memory_space<semaphore_mem>>) {add = true}
        %dma_wait3A_1120 = arith.constant 0 : i32
        %dma_wait3A_1121 = arith.constant 0 : i32
        %dma_wait3A_1122 = tpu.memref_slice %arg11[%dma_wait3A_1120, %dma_wait3A_1121] : memref<256x128xf32, #tpu.memory_space<vmem_shared>> -> memref<256x128xf32, #tpu.memory_space<vmem_shared>>
        tpu.wait_indirect_dma semaphore(%run_scoped3A : memref<!tpu.dma_semaphore, #tpu.memory_space<semaphore_mem>>) src(%arg6 : memref<256x128xf32, #tpu.memory_space<vmem>>) dst(%dma_wait3A_1122 : memref<256x128xf32, #tpu.memory_space<vmem_shared>>)
        tpu.yield
      }) : () -> ()
      %mul3A_1047 = arith.constant 2 : i32
      %mul3A_1048 = arith.muli %arg1, %mul3A_1047 : i32
      %add3A_1049 = arith.constant 0 : i32
      %add3A_1050 = arith.addi %mul3A_1048, %add3A_1049 : i32
      %mul3A_1051 = arith.constant 8 : i32
      %mul3A_1052 = arith.muli %add3A_1050, %mul3A_1051 : i32
      %mul3A_1053 = arith.constant 8 : i32
      %mul3A_1054 = arith.muli %add3A_1010, %mul3A_1053 : i32
      %add3A_1055 = arith.addi %mul3A_2, %mul3A_1054 : i32
      %dma_start3A_1056 = arith.constant 0 : i32
      %dma_start3A_1057 = tpu.memref_slice %arg4[%add3A_1055, %dma_start3A_1056] : memref<10240x128xf32, #tpu.memory_space<hbm>> -> memref<8x128xf32, #tpu.memory_space<hbm>>
      %dma_start3A_1058 = arith.constant 0 : i32
      %dma_start3A_1059 = tpu.memref_slice %arg11[%mul3A_1052, %dma_start3A_1058] : memref<256x128xf32, #tpu.memory_space<vmem_shared>> -> memref<8x128xf32, #tpu.memory_space<vmem_shared>>
      tpu.enqueue_dma source(%dma_start3A_1059 : memref<8x128xf32, #tpu.memory_space<vmem_shared>>) target(%dma_start3A_1057 : memref<8x128xf32, #tpu.memory_space<hbm>>) target_semaphore(%arg15 : memref<!tpu.dma_semaphore, #tpu.memory_space<semaphore_mem>>)
      %mul3A_1060 = arith.constant 2 : i32
      %mul3A_1061 = arith.muli %mul3A_1060, %scan3A_1006 : i32
      %add3A_1062 = arith.constant 1 : i32
      %add3A_1063 = arith.addi %mul3A_1061, %add3A_1062 : i32
      %add3A_1064 = arith.constant 1 : i32
      %add3A_1065 = arith.addi %add3A_1063, %add3A_1064 : i32
      %lt3A_1066 = arith.constant 40 : i32
      %lt3A_1067 = arith.cmpi slt, %add3A_1065, %lt3A_1066 : i32
      %convert_element_type3A_1068 = arith.extui %lt3A_1067 : i1 to i32
      %cond3A_1069 = arith.constant 0 : i32
      %cond3A_1070 = arith.cmpi ne, %convert_element_type3A_1068, %cond3A_1069 : i32
      scf.if %cond3A_1070 {
        %add3A_1117 = arith.constant 1 : i32
        %add3A_1118 = arith.addi %add3A_1063, %add3A_1117 : i32
        %mul3A_1119 = arith.constant 256 : i32
        %mul3A_1120 = arith.muli %add3A_1118, %mul3A_1119 : i32
        %add3A_1121 = arith.constant 0 : i32
        %add3A_1122 = arith.addi %mul3A_1120, %add3A_1121 : i32
        %dma_start3A_1123 = arith.constant 0 : i32
        %dma_start3A_1124 = arith.constant 0 : i32
        %dma_start3A_1125 = tpu.memref_slice %arg6[%dma_start3A_1123, %dma_start3A_1124] : memref<256x128xf32, #tpu.memory_space<vmem>> -> memref<128x128xf32, #tpu.memory_space<vmem>>
        %dma_start3A_1126 = tpu.memref_slice %arg5[%add3A_1122] : memref<10240xi32, #tpu.memory_space<vmem>> -> memref<128xi32, #tpu.memory_space<vmem>>
        %dma_start3A_1127 = arith.constant 0 : i32
        %dma_start3A_1128 = arith.constant 0 : i32
        %dma_start3A_1129 = tpu.memref_slice %arg2[%dma_start3A_1127, %dma_start3A_1128] : memref<320000x128xf32, #tpu.memory_space<hbm>> -> memref<320000x128xf32, #tpu.memory_space<hbm>>
        tpu.enqueue_indirect_dma source(%dma_start3A_1129 : memref<320000x128xf32, #tpu.memory_space<hbm>>) target(%dma_start3A_1125 : memref<128x128xf32, #tpu.memory_space<vmem>>) offsets(%dma_start3A_1126 : memref<128xi32, #tpu.memory_space<vmem>>) semaphore(%arg13 : memref<!tpu.dma_semaphore, #tpu.memory_space<semaphore_mem>>)
        %mul3A_1130 = arith.constant 256 : i32
        %mul3A_1131 = arith.muli %add3A_1118, %mul3A_1130 : i32
        %add3A_1132 = arith.constant 128 : i32
        %add3A_1133 = arith.addi %mul3A_1131, %add3A_1132 : i32
        %dma_start3A_1134 = arith.constant 128 : i32
        %dma_start3A_1135 = arith.constant 0 : i32
        %dma_start3A_1136 = tpu.memref_slice %arg6[%dma_start3A_1134, %dma_start3A_1135] : memref<256x128xf32, #tpu.memory_space<vmem>> -> memref<128x128xf32, #tpu.memory_space<vmem>>
        %dma_start3A_1137 = tpu.memref_slice %arg5[%add3A_1133] : memref<10240xi32, #tpu.memory_space<vmem>> -> memref<128xi32, #tpu.memory_space<vmem>>
        %dma_start3A_1138 = arith.constant 0 : i32
        %dma_start3A_1139 = arith.constant 0 : i32
        %dma_start3A_1140 = tpu.memref_slice %arg2[%dma_start3A_1138, %dma_start3A_1139] : memref<320000x128xf32, #tpu.memory_space<hbm>> -> memref<320000x128xf32, #tpu.memory_space<hbm>>
        tpu.enqueue_indirect_dma source(%dma_start3A_1140 : memref<320000x128xf32, #tpu.memory_space<hbm>>) target(%dma_start3A_1136 : memref<128x128xf32, #tpu.memory_space<vmem>>) offsets(%dma_start3A_1137 : memref<128xi32, #tpu.memory_space<vmem>>) semaphore(%arg13 : memref<!tpu.dma_semaphore, #tpu.memory_space<semaphore_mem>>)
      } else {
      }
      %ge3A_1071 = arith.constant 2 : i32
      %ge3A_1072 = arith.cmpi sge, %add3A_1063, %ge3A_1071 : i32
      %convert_element_type3A_1073 = arith.extui %ge3A_1072 : i1 to i32
      %cond3A_1074 = arith.constant 0 : i32
      %cond3A_1075 = arith.cmpi ne, %convert_element_type3A_1073, %cond3A_1074 : i32
      scf.if %cond3A_1075 {
        %sub3A = arith.constant 2 : i32
        %sub3A_1117 = arith.subi %add3A_1063, %sub3A : i32
        %mul3A_1118 = arith.constant 2 : i32
        %mul3A_1119 = arith.muli %arg1, %mul3A_1118 : i32
        %add3A_1120 = arith.constant 1 : i32
        %add3A_1121 = arith.addi %mul3A_1119, %add3A_1120 : i32
        %mul3A_1122 = arith.constant 8 : i32
        %mul3A_1123 = arith.muli %add3A_1121, %mul3A_1122 : i32
        %mul3A_1124 = arith.constant 8 : i32
        %mul3A_1125 = arith.muli %sub3A_1117, %mul3A_1124 : i32
        %add3A_1126 = arith.addi %mul3A_2, %mul3A_1125 : i32
        %dma_wait3A_1127 = arith.constant 0 : i32
        %dma_wait3A_1128 = tpu.memref_slice %arg4[%add3A_1126, %dma_wait3A_1127] : memref<10240x128xf32, #tpu.memory_space<hbm>> -> memref<8x128xf32, #tpu.memory_space<hbm>>
        %dma_wait3A_1129 = arith.constant 0 : i32
        %dma_wait3A_1130 = tpu.memref_slice %arg11[%mul3A_1123, %dma_wait3A_1129] : memref<256x128xf32, #tpu.memory_space<vmem_shared>> -> memref<8x128xf32, #tpu.memory_space<vmem_shared>>
        tpu.wait_dma2 semaphore(%arg16 : memref<!tpu.dma_semaphore, #tpu.memory_space<semaphore_mem>>) src(%dma_wait3A_1130 : memref<8x128xf32, #tpu.memory_space<vmem_shared>>) dst(%dma_wait3A_1128 : memref<8x128xf32, #tpu.memory_space<hbm>>)
      } else {
      }
      %mul3A_1076 = arith.constant 2 : i32
      %mul3A_1077 = arith.muli %arg1, %mul3A_1076 : i32
      %add3A_1078 = arith.constant 1 : i32
      %add3A_1079 = arith.addi %mul3A_1077, %add3A_1078 : i32
      %mul3A_1080 = arith.constant 8 : i32
      %mul3A_1081 = arith.muli %add3A_1079, %mul3A_1080 : i32
      "tpu.region"() ({
        %run_scoped3A = tpu.sem_alloc : memref<!tpu.dma_semaphore, #tpu.memory_space<semaphore_mem>>
        %dma_start3A_1117 = arith.constant 0 : i32
        %dma_start3A_1118 = tpu.memref_slice %arg11[%mul3A_1081, %dma_start3A_1117] : memref<256x128xf32, #tpu.memory_space<vmem_shared>> -> memref<8x128xf32, #tpu.memory_space<vmem_shared>>
        %dma_start3A_1119 = arith.constant 0 : i32
        %dma_start3A_1120 = tpu.memref_slice %arg11[%mul3A_1081, %dma_start3A_1119] : memref<256x128xf32, #tpu.memory_space<vmem_shared>> -> memref<8x128xf32, #tpu.memory_space<vmem_shared>>
        tpu.enqueue_dma source(%arg8 : memref<8x128xf32, #tpu.memory_space<vmem>>) target(%dma_start3A_1120 : memref<8x128xf32, #tpu.memory_space<vmem_shared>>) target_semaphore(%run_scoped3A : memref<!tpu.dma_semaphore, #tpu.memory_space<semaphore_mem>>)
        %dma_wait3A_1121 = arith.constant 0 : i32
        %dma_wait3A_1122 = tpu.memref_slice %arg11[%mul3A_1081, %dma_wait3A_1121] : memref<256x128xf32, #tpu.memory_space<vmem_shared>> -> memref<8x128xf32, #tpu.memory_space<vmem_shared>>
        %dma_wait3A_1123 = arith.constant 0 : i32
        %dma_wait3A_1124 = tpu.memref_slice %arg11[%mul3A_1081, %dma_wait3A_1123] : memref<256x128xf32, #tpu.memory_space<vmem_shared>> -> memref<8x128xf32, #tpu.memory_space<vmem_shared>>
        tpu.wait_dma2 semaphore(%run_scoped3A : memref<!tpu.dma_semaphore, #tpu.memory_space<semaphore_mem>>) src(%arg8 : memref<8x128xf32, #tpu.memory_space<vmem>>) dst(%dma_wait3A_1124 : memref<8x128xf32, #tpu.memory_space<vmem_shared>>)
        tpu.yield
      }) : () -> ()
      %mul3A_1082 = arith.constant 256 : i32
      %mul3A_1083 = arith.muli %add3A_1063, %mul3A_1082 : i32
      %add3A_1084 = arith.constant 0 : i32
      %add3A_1085 = arith.addi %mul3A_1083, %add3A_1084 : i32
      %dma_wait3A_1086 = arith.constant 0 : i32
      %dma_wait3A_1087 = arith.constant 0 : i32
      %dma_wait3A_1088 = tpu.memref_slice %arg7[%dma_wait3A_1086, %dma_wait3A_1087] : memref<256x128xf32, #tpu.memory_space<vmem>> -> memref<128x128xf32, #tpu.memory_space<vmem>>
      %dma_wait3A_1089 = tpu.memref_slice %arg5[%add3A_1085] : memref<10240xi32, #tpu.memory_space<vmem>> -> memref<128xi32, #tpu.memory_space<vmem>>
      %dma_wait3A_1090 = arith.constant 0 : i32
      %dma_wait3A_1091 = arith.constant 0 : i32
      %dma_wait3A_1092 = tpu.memref_slice %arg2[%dma_wait3A_1090, %dma_wait3A_1091] : memref<320000x128xf32, #tpu.memory_space<hbm>> -> memref<320000x128xf32, #tpu.memory_space<hbm>>
      tpu.wait_indirect_dma semaphore(%arg14 : memref<!tpu.dma_semaphore, #tpu.memory_space<semaphore_mem>>) src(%dma_wait3A_1092 : memref<320000x128xf32, #tpu.memory_space<hbm>>) dst(%dma_wait3A_1088 : memref<128x128xf32, #tpu.memory_space<vmem>>)
      %mul3A_1093 = arith.constant 256 : i32
      %mul3A_1094 = arith.muli %add3A_1063, %mul3A_1093 : i32
      %add3A_1095 = arith.constant 128 : i32
      %add3A_1096 = arith.addi %mul3A_1094, %add3A_1095 : i32
      %dma_wait3A_1097 = arith.constant 128 : i32
      %dma_wait3A_1098 = arith.constant 0 : i32
      %dma_wait3A_1099 = tpu.memref_slice %arg7[%dma_wait3A_1097, %dma_wait3A_1098] : memref<256x128xf32, #tpu.memory_space<vmem>> -> memref<128x128xf32, #tpu.memory_space<vmem>>
      %dma_wait3A_1100 = tpu.memref_slice %arg5[%add3A_1096] : memref<10240xi32, #tpu.memory_space<vmem>> -> memref<128xi32, #tpu.memory_space<vmem>>
      %dma_wait3A_1101 = arith.constant 0 : i32
      %dma_wait3A_1102 = arith.constant 0 : i32
      %dma_wait3A_1103 = tpu.memref_slice %arg2[%dma_wait3A_1101, %dma_wait3A_1102] : memref<320000x128xf32, #tpu.memory_space<hbm>> -> memref<320000x128xf32, #tpu.memory_space<hbm>>
      tpu.wait_indirect_dma semaphore(%arg14 : memref<!tpu.dma_semaphore, #tpu.memory_space<semaphore_mem>>) src(%dma_wait3A_1103 : memref<320000x128xf32, #tpu.memory_space<hbm>>) dst(%dma_wait3A_1099 : memref<128x128xf32, #tpu.memory_space<vmem>>)
      "tpu.region"() ({
        %run_scoped3A = tpu.sem_alloc : memref<!tpu.dma_semaphore, #tpu.memory_space<semaphore_mem>>
        %dma_start3A_1117 = arith.constant 0 : i32
        %dma_start3A_1118 = arith.constant 0 : i32
        %dma_start3A_1119 = tpu.memref_slice %arg11[%dma_start3A_1117, %dma_start3A_1118] : memref<256x128xf32, #tpu.memory_space<vmem_shared>> -> memref<256x128xf32, #tpu.memory_space<vmem_shared>>
        tpu.enqueue_indirect_dma source(%arg7 : memref<256x128xf32, #tpu.memory_space<vmem>>) target(%dma_start3A_1119 : memref<256x128xf32, #tpu.memory_space<vmem_shared>>) offsets(%arg10 : memref<256xi32, #tpu.memory_space<vmem>>) semaphore(%run_scoped3A : memref<!tpu.dma_semaphore, #tpu.memory_space<semaphore_mem>>) {add = true}
        %dma_wait3A_1120 = arith.constant 0 : i32
        %dma_wait3A_1121 = arith.constant 0 : i32
        %dma_wait3A_1122 = tpu.memref_slice %arg11[%dma_wait3A_1120, %dma_wait3A_1121] : memref<256x128xf32, #tpu.memory_space<vmem_shared>> -> memref<256x128xf32, #tpu.memory_space<vmem_shared>>
        tpu.wait_indirect_dma semaphore(%run_scoped3A : memref<!tpu.dma_semaphore, #tpu.memory_space<semaphore_mem>>) src(%arg7 : memref<256x128xf32, #tpu.memory_space<vmem>>) dst(%dma_wait3A_1122 : memref<256x128xf32, #tpu.memory_space<vmem_shared>>)
        tpu.yield
      }) : () -> ()
      %mul3A_1104 = arith.constant 2 : i32
      %mul3A_1105 = arith.muli %arg1, %mul3A_1104 : i32
      %add3A_1106 = arith.constant 1 : i32
      %add3A_1107 = arith.addi %mul3A_1105, %add3A_1106 : i32
      %mul3A_1108 = arith.constant 8 : i32
      %mul3A_1109 = arith.muli %add3A_1107, %mul3A_1108 : i32
      %mul3A_1110 = arith.constant 8 : i32
      %mul3A_1111 = arith.muli %add3A_1063, %mul3A_1110 : i32
      %add3A_1112 = arith.addi %mul3A_2, %mul3A_1111 : i32
      %dma_start3A_1113 = arith.constant 0 : i32
      %dma_start3A_1114 = tpu.memref_slice %arg4[%add3A_1112, %dma_start3A_1113] : memref<10240x128xf32, #tpu.memory_space<hbm>> -> memref<8x128xf32, #tpu.memory_space<hbm>>
      %dma_start3A_1115 = arith.constant 0 : i32
      %dma_start3A_1116 = tpu.memref_slice %arg11[%mul3A_1109, %dma_start3A_1115] : memref<256x128xf32, #tpu.memory_space<vmem_shared>> -> memref<8x128xf32, #tpu.memory_space<vmem_shared>>
      tpu.enqueue_dma source(%dma_start3A_1116 : memref<8x128xf32, #tpu.memory_space<vmem_shared>>) target(%dma_start3A_1114 : memref<8x128xf32, #tpu.memory_space<hbm>>) target_semaphore(%arg16 : memref<!tpu.dma_semaphore, #tpu.memory_space<semaphore_mem>>)
    }
    %scan3A_982 = arith.constant 20 : i32
    %mul3A_983 = arith.constant 2 : i32
    %mul3A_984 = arith.muli %arg1, %mul3A_983 : i32
    %add3A_985 = arith.constant 0 : i32
    %add3A_986 = arith.addi %mul3A_984, %add3A_985 : i32
    %mul3A_987 = arith.constant 8 : i32
    %mul3A_988 = arith.muli %add3A_986, %mul3A_987 : i32
    %add3A_989 = arith.constant 304 : i32
    %add3A_990 = arith.addi %mul3A_2, %add3A_989 : i32
    %dma_wait3A = arith.constant 0 : i32
    %dma_wait3A_991 = tpu.memref_slice %arg4[%add3A_990, %dma_wait3A] : memref<10240x128xf32, #tpu.memory_space<hbm>> -> memref<8x128xf32, #tpu.memory_space<hbm>>
    %dma_wait3A_992 = arith.constant 0 : i32
    %dma_wait3A_993 = tpu.memref_slice %arg11[%mul3A_988, %dma_wait3A_992] : memref<256x128xf32, #tpu.memory_space<vmem_shared>> -> memref<8x128xf32, #tpu.memory_space<vmem_shared>>
    tpu.wait_dma2 semaphore(%arg15 : memref<!tpu.dma_semaphore, #tpu.memory_space<semaphore_mem>>) src(%dma_wait3A_993 : memref<8x128xf32, #tpu.memory_space<vmem_shared>>) dst(%dma_wait3A_991 : memref<8x128xf32, #tpu.memory_space<hbm>>)
    %mul3A_994 = arith.constant 2 : i32
    %mul3A_995 = arith.muli %arg1, %mul3A_994 : i32
    %add3A_996 = arith.constant 1 : i32
    %add3A_997 = arith.addi %mul3A_995, %add3A_996 : i32
    %mul3A_998 = arith.constant 8 : i32
    %mul3A_999 = arith.muli %add3A_997, %mul3A_998 : i32
    %add3A_1000 = arith.constant 312 : i32
    %add3A_1001 = arith.addi %mul3A_2, %add3A_1000 : i32
    %dma_wait3A_1002 = arith.constant 0 : i32
    %dma_wait3A_1003 = tpu.memref_slice %arg4[%add3A_1001, %dma_wait3A_1002] : memref<10240x128xf32, #tpu.memory_space<hbm>> -> memref<8x128xf32, #tpu.memory_space<hbm>>
    %dma_wait3A_1004 = arith.constant 0 : i32
    %dma_wait3A_1005 = tpu.memref_slice %arg11[%mul3A_999, %dma_wait3A_1004] : memref<256x128xf32, #tpu.memory_space<vmem_shared>> -> memref<8x128xf32, #tpu.memory_space<vmem_shared>>
    tpu.wait_dma2 semaphore(%arg16 : memref<!tpu.dma_semaphore, #tpu.memory_space<semaphore_mem>>) src(%dma_wait3A_1005 : memref<8x128xf32, #tpu.memory_space<vmem_shared>>) dst(%dma_wait3A_1003 : memref<8x128xf32, #tpu.memory_space<hbm>>)
    return
  }
}

module attributes {stable_mosaic.version = 14 : i64} {
  func.func @_mm2_relu_body(%arg0: i32, %arg1: memref<512x128xf32, #tpu.memory_space<vmem>>, %arg2: memref<512x128xf32, #tpu.memory_space<vmem>>, %arg3: memref<128x128xf32, #tpu.memory_space<vmem>>, %arg4: memref<128x128xf32, #tpu.memory_space<vmem>>, %arg5: memref<512x128xf32, #tpu.memory_space<vmem>>) attributes {dimension_semantics = [#tpu.dimension_semantics<arbitrary>], iteration_bounds = array<i64: 20>, scalar_prefetch = 0 : i64, scratch_operands = 0 : i64, tpu.core_type = #tpu.core_type<tc>, window_params = [{transform_indices = @transform_0, window_bounds = array<i64: 512, 128>}, {transform_indices = @transform_1, window_bounds = array<i64: 512, 128>}, {pipeline_mode = #tpu.pipeline_mode<synchronous>, transform_indices = @transform_2, window_bounds = array<i64: 128, 128>}, {pipeline_mode = #tpu.pipeline_mode<synchronous>, transform_indices = @transform_3, window_bounds = array<i64: 128, 128>}, {transform_indices = @transform_4, window_bounds = array<i64: 512, 128>}]} {
    %get3A = arith.constant 0 : index
    %get3A_0 = arith.constant 0 : index
    %get3A_1 = vector.load %arg1[%get3A, %get3A_0] : memref<512x128xf32, #tpu.memory_space<vmem>>, vector<512x128xf32>
    %get3A_2 = arith.constant 0 : index
    %get3A_3 = arith.constant 0 : index
    %get3A_4 = vector.load %arg3[%get3A_2, %get3A_3] : memref<128x128xf32, #tpu.memory_space<vmem>>, vector<128x128xf32>
    %dot_general3A = arith.constant dense<0.000000e+00> : vector<512x128xf32>
    %dot_general3A_5 = tpu.matmul %get3A_1, %get3A_4, %dot_general3A {dimension_numbers = #tpu.dot_dimension_numbers<[1], [0], [0], [1], [0, 0, 1, 1], [], []>, transpose_lhs_hint = false} : vector<512x128xf32>, vector<128x128xf32>, vector<512x128xf32> -> vector<512x128xf32>
    %get3A_6 = arith.constant 0 : index
    %get3A_7 = arith.constant 0 : index
    %get3A_8 = vector.load %arg2[%get3A_6, %get3A_7] : memref<512x128xf32, #tpu.memory_space<vmem>>, vector<512x128xf32>
    %get3A_9 = arith.constant 0 : index
    %get3A_10 = arith.constant 0 : index
    %get3A_11 = vector.load %arg4[%get3A_9, %get3A_10] : memref<128x128xf32, #tpu.memory_space<vmem>>, vector<128x128xf32>
    %dot_general3A_12 = arith.constant dense<0.000000e+00> : vector<512x128xf32>
    %dot_general3A_13 = tpu.matmul %get3A_8, %get3A_11, %dot_general3A_12 {dimension_numbers = #tpu.dot_dimension_numbers<[1], [0], [0], [1], [0, 0, 1, 1], [], []>, transpose_lhs_hint = false} : vector<512x128xf32>, vector<128x128xf32>, vector<512x128xf32> -> vector<512x128xf32>
    %add3A = arith.addf %dot_general3A_5, %dot_general3A_13 : vector<512x128xf32>
    %max3A = arith.constant 0.000000e+00 : f32
    %max3A_14 = vector.broadcast %max3A : f32 to vector<512x128xf32>
    %max3A_15 = arith.maximumf %add3A, %max3A_14 : vector<512x128xf32>
    %swap3A = arith.constant 0 : index
    %swap3A_16 = arith.constant 0 : index
    %swap3A_17 = vector.load %arg5[%swap3A, %swap3A_16] : memref<512x128xf32, #tpu.memory_space<vmem>>, vector<512x128xf32>
    tpu.vector_store %arg5[%swap3A, %swap3A_16], %max3A_15 {strides = array<i32>} : memref<512x128xf32, #tpu.memory_space<vmem>>, vector<512x128xf32>,
    return
  }
  func.func @transform_0(%arg0: i32) -> (i32, i32) {
    %c0_i32 = arith.constant 0 : i32
    %c0_i32_0 = arith.constant 0 : i32
    return %arg0, %c0_i32 : i32, i32
  }
  func.func @transform_1(%arg0: i32) -> (i32, i32) {
    %c0_i32 = arith.constant 0 : i32
    %c0_i32_0 = arith.constant 0 : i32
    return %arg0, %c0_i32 : i32, i32
  }
  func.func @transform_2(%arg0: i32) -> (i32, i32) {
    %c0_i32 = arith.constant 0 : i32
    %c0_i32_0 = arith.constant 0 : i32
    %c0_i32_1 = arith.constant 0 : i32
    return %c0_i32, %c0_i32_0 : i32, i32
  }
  func.func @transform_3(%arg0: i32) -> (i32, i32) {
    %c0_i32 = arith.constant 0 : i32
    %c0_i32_0 = arith.constant 0 : i32
    %c0_i32_1 = arith.constant 0 : i32
    return %c0_i32, %c0_i32_0 : i32, i32
  }
  func.func @transform_4(%arg0: i32) -> (i32, i32) {
    %c0_i32 = arith.constant 0 : i32
    %c0_i32_0 = arith.constant 0 : i32
    return %arg0, %c0_i32 : i32, i32
  }
}

module attributes {stable_mosaic.version = 14 : i64} {
  func.func @_resid_mm_relu_body(%arg0: i32, %arg1: memref<512x128xf32, #tpu.memory_space<vmem>>, %arg2: memref<512x128xf32, #tpu.memory_space<vmem>>, %arg3: memref<128x128xf32, #tpu.memory_space<vmem>>, %arg4: memref<512x128xf32, #tpu.memory_space<vmem>>) attributes {dimension_semantics = [#tpu.dimension_semantics<arbitrary>], iteration_bounds = array<i64: 20>, scalar_prefetch = 0 : i64, scratch_operands = 0 : i64, tpu.core_type = #tpu.core_type<tc>, window_params = [{transform_indices = @transform_0, window_bounds = array<i64: 512, 128>}, {transform_indices = @transform_1, window_bounds = array<i64: 512, 128>}, {pipeline_mode = #tpu.pipeline_mode<synchronous>, transform_indices = @transform_2, window_bounds = array<i64: 128, 128>}, {transform_indices = @transform_3, window_bounds = array<i64: 512, 128>}]} {
    %get3A = arith.constant 0 : index
    %get3A_0 = arith.constant 0 : index
    %get3A_1 = vector.load %arg2[%get3A, %get3A_0] : memref<512x128xf32, #tpu.memory_space<vmem>>, vector<512x128xf32>
    %get3A_2 = arith.constant 0 : index
    %get3A_3 = arith.constant 0 : index
    %get3A_4 = vector.load %arg3[%get3A_2, %get3A_3] : memref<128x128xf32, #tpu.memory_space<vmem>>, vector<128x128xf32>
    %dot_general3A = arith.constant dense<0.000000e+00> : vector<512x128xf32>
    %dot_general3A_5 = tpu.matmul %get3A_1, %get3A_4, %dot_general3A {dimension_numbers = #tpu.dot_dimension_numbers<[1], [0], [0], [1], [0, 0, 1, 1], [], []>, transpose_lhs_hint = false} : vector<512x128xf32>, vector<128x128xf32>, vector<512x128xf32> -> vector<512x128xf32>
    %get3A_6 = arith.constant 0 : index
    %get3A_7 = arith.constant 0 : index
    %get3A_8 = vector.load %arg1[%get3A_6, %get3A_7] : memref<512x128xf32, #tpu.memory_space<vmem>>, vector<512x128xf32>
    %add3A = arith.addf %get3A_8, %dot_general3A_5 : vector<512x128xf32>
    %max3A = arith.constant 0.000000e+00 : f32
    %max3A_9 = vector.broadcast %max3A : f32 to vector<512x128xf32>
    %max3A_10 = arith.maximumf %add3A, %max3A_9 : vector<512x128xf32>
    %swap3A = arith.constant 0 : index
    %swap3A_11 = arith.constant 0 : index
    %swap3A_12 = vector.load %arg4[%swap3A, %swap3A_11] : memref<512x128xf32, #tpu.memory_space<vmem>>, vector<512x128xf32>
    tpu.vector_store %arg4[%swap3A, %swap3A_11], %max3A_10 {strides = array<i32>} : memref<512x128xf32, #tpu.memory_space<vmem>>, vector<512x128xf32>,
    return
  }
  func.func @transform_0(%arg0: i32) -> (i32, i32) {
    %c0_i32 = arith.constant 0 : i32
    %c0_i32_0 = arith.constant 0 : i32
    return %arg0, %c0_i32 : i32, i32
  }
  func.func @transform_1(%arg0: i32) -> (i32, i32) {
    %c0_i32 = arith.constant 0 : i32
    %c0_i32_0 = arith.constant 0 : i32
    return %arg0, %c0_i32 : i32, i32
  }
  func.func @transform_2(%arg0: i32) -> (i32, i32) {
    %c0_i32 = arith.constant 0 : i32
    %c0_i32_0 = arith.constant 0 : i32
    %c0_i32_1 = arith.constant 0 : i32
    return %c0_i32, %c0_i32_0 : i32, i32
  }
  func.func @transform_3(%arg0: i32) -> (i32, i32) {
    %c0_i32 = arith.constant 0 : i32
    %c0_i32_0 = arith.constant 0 : i32
    return %arg0, %c0_i32 : i32, i32
  }
}

</mosaic_0001>

<sc_bundles>
// kernel: kernel.12.cloned.1.call-start
scs
__scs_entry_jumppad:
0x0: {  	(pc) =	sbr.rel $0x88, $3  }
0x1: {  	(tag) =	ssettag $0x0;
	lr =	simm.s32 $0x1  }
0x2: {  	[smem:$0x3F99] =	sst lr;
	_ =	strace $0xD0000000  }
0x3: {  	_ = 	snop  }
0x4: {  	_ = 	snop  }
0x5: {  	_ = 	snop  }
0x6: {  	_ = 	snop  }
0x7: {  	_ = 	snop  }
__scs_overlays_trampoline_lowered:
0x8: {  	[smem:$0x3FA8] =	sst s0  }
0x9: {  	[smem:$0x3FA9] =	sst s1  }
0xa: {  	[smem:$0x3FAA] =	sst s2  }
0xb: {  	[smem:$0x3FAB] =	sst s3  }
0xc: {  	[smem:$0x3FAC] =	sst s4  }
0xd: {  	[smem:$0x3FAD] =	sst s5  }
0xe: {  	[smem:$0x3FAE] =	sst s6  }
0xf: {  	[smem:$0x3FAF] =	sst s7  }
0x10: {  	[smem:$0x3FB0] =	sst s8  }
0x11: {  	[smem:$0x3FB1] =	sst s9;
	s0 =	simm.s32 @!p0 $0x0  }
0x12: {  	s1 =	sld [smem:$0x3F97];
	s0 =	simm.s32 @p0 $0x1  }
0x13: {  	[smem:$0x3FB2] =	sst s0;
	s0 =	simm.s32 @!p1 $0x0  }
0x14: {  	s2 =	sld [smem:$0x3F96];
	s0 =	simm.s32 @p1 $0x1  }
0x15: {  	[smem:$0x3FB3] =	sst s0;
	s0 =	simm.s32 @!p2 $0x0  }
0x16: {  	s3 =	sld [smem:$0x3FDB];
	s0 =	simm.s32 @p2 $0x1  }
0x17: {  	s4 =	simm.s32 $0x1BF5;
	[smem:$0x3FB5] =	sst s0  }
0x18: {  	s0 =	sld [smem:$0x3F98];
	_ =	swait.ge [sflag:s4], $0x0  }
0x19: {  	s7 =	sld [smem:$0x3F99]  }
0x1a: {  	s8 =	sadd.s32 $0xFFFFE003, lr  }
0x1b: {  	s9 =	sadd.s32 $0xFFFFFEF7, lr;
	s5 =	simm.s32 $0xFFFFFFFF;
	p2 =	slt.u32 s8, $0xFFFFF086  }
0x1c: {  	p1 =	slt.u32 s9, $0xF7A;
	s5 =	simm.s32 @!p2 $0x0  }
0x1d: {  	s5 =	simm.s32 @p1 $0x1;
	p0 =	seq.s32 s7, s2  }
0x1e: {  	s7 =	smul.u32 @!p0 $0xF7A, s2;
	p2 =	seq.s32 @!p0 s5, $0x0  }
0x1f: {  	s9 =	smul.u32 $0xF7A, s1;
	s8 =	simm.s32 @!p0 $0x1BF5;
	p2 =	por !p2, p0  }
0x20: {  	[sflag:s8] =	ssyncset.s32 @!p0 $0xFFFFF086;
	s6 =	sadd.s32 @!p0 s3, s7;
	s7 =	simm.s32 @!p0 $0x108  }
0x21: {  	s3 =	sadd.s32 s3, s9;
	s6 =	sadd.s32 @!p0 $0x88, s6;
	s7 =	simm.s32 @p2 $0x1082  }
0x22: {  	[simem:s7], [sflag:s8] =	dma.local @!p0 [hbm:s6], $0xF7A  }
0x23: {  	s9 =	sor.u32 $0xD0000000, s2;
	s6 =	simm.s32 $0x108;
	_ =	swait.ge @!p0 [sflag:s8], $0x0  }
0x24: {  	s3 =	sadd.s32 $0x88, s3;
	s6 =	simm.s32 @!p1 $0x1082;
	[sflag:s4] =	ssyncset.s32 $0xFFFFF086  }
0x25: {  	[simem:s6], [sflag:s4] =	dma.local [hbm:s3], $0xF7A  }
0x26: {  	[smem:$0x3F99] =	sst s1;
	(tag) =	ssettag s2;
	_ =	strace s9  }
0x27: {  	s1 =	sld [smem:$0x3FA9]  }
0x28: {  	s2 =	sld [smem:$0x3FAA]  }
0x29: {  	s4 =	sld [smem:$0x3FAC]  }
0x2a: {  	p0 =	seq.s32 s5, $0x0;
	s5 =	sld [smem:$0x3FAD]  }
0x2b: {  	s6 =	sld [smem:$0x3FAE]  }
0x2c: {  	s7 =	sld [smem:$0x3FAF]  }
0x2d: {  	s3 =	simm.s32 $0x108;
	s8 =	sld [smem:$0x3FB0]  }
0x2e: {  	s3 =	simm.s32 @!p0 $0x1082;
	s9 =	sld [smem:$0x3FB1]  }
0x2f: {  	lr =	sadd.s32 s0, s3;
	s0 =	sld [smem:$0x3FA8]  }
0x30: {  	s3 =	sld [smem:$0x3FAB]  }
0x31: {  	[smem:$0x3FB4] =	sst s10  }
0x32: {  	s10 =	sld [smem:$0x3FB2];
	_ =	sdelay $0x3  }
0x33: {  	p0 =	seq.s32 s10, $0x1;
	s10 =	sld [smem:$0x3FB4];
	_ =	sdelay $0x3  }
0x34: {  	[smem:$0x3FB4] =	sst s10  }
0x35: {  	s10 =	sld [smem:$0x3FB3];
	_ =	sdelay $0x3  }
0x36: {  	p1 =	seq.s32 s10, $0x1;
	s10 =	sld [smem:$0x3FB4];
	_ =	sdelay $0x3  }
0x37: {  	[smem:$0x3FB4] =	sst s10  }
0x38: {  	s10 =	sld [smem:$0x3FB5]  }
0x39: {  	_ = 	snop;
	(pc) =	sbr.ind lr, $3  }
0x3a: {  	_ = 	snop  }
0x3b: {  	_ = 	snop  }
0x3c: {  	p2 =	seq.s32 s10, $0x1;
	s10 =	sld [smem:$0x3FB4]  }
0x3d: {  	_ =	shalt  }
0x3e: {  	_ =	shalt  }
0x3f: {  	_ =	shalt  }
0x40: {  	_ =	shalt  }
0x41: {  	_ =	shalt  }
0x42: {  	_ =	shalt  }
0x43: {  	_ =	shalt  }
0x44: {  	_ =	shalt  }
0x45: {  	_ =	shalt  }
0x46: {  	_ =	shalt  }
0x47: {  	_ =	shalt  }
0x48: {  	_ =	shalt  }
0x49: {  	_ =	shalt  }
0x4a: {  	_ =	shalt  }
0x4b: {  	_ =	shalt  }
0x4c: {  	_ =	shalt  }
0x4d: {  	_ =	shalt  }
0x4e: {  	_ =	shalt  }
0x4f: {  	_ =	shalt  }
0x50: {  	_ =	shalt  }
0x51: {  	_ =	shalt  }
0x52: {  	_ =	shalt  }
0x53: {  	_ =	shalt  }
0x54: {  	_ =	shalt  }
0x55: {  	_ =	shalt  }
0x56: {  	_ =	shalt  }
0x57: {  	_ =	shalt  }
0x58: {  	_ =	shalt  }
0x59: {  	_ =	shalt  }
0x5a: {  	_ =	shalt  }
0x5b: {  	_ =	shalt  }
0x5c: {  	_ =	shalt  }
0x5d: {  	_ =	shalt  }
0x5e: {  	_ =	shalt  }
0x5f: {  	_ =	shalt  }
0x60: {  	_ =	shalt  }
0x61: {  	_ =	shalt  }
0x62: {  	_ =	shalt  }
0x63: {  	_ =	shalt  }
0x64: {  	_ =	shalt  }
0x65: {  	_ =	shalt  }
0x66: {  	_ =	shalt  }
0x67: {  	_ =	shalt  }
0x68: {  	_ =	shalt  }
0x69: {  	_ =	shalt  }
0x6a: {  	_ =	shalt  }
0x6b: {  	_ =	shalt  }
0x6c: {  	_ =	shalt  }
0x6d: {  	_ =	shalt  }
0x6e: {  	_ =	shalt  }
0x6f: {  	_ =	shalt  }
0x70: {  	_ =	shalt  }
0x71: {  	_ =	shalt  }
0x72: {  	_ =	shalt  }
0x73: {  	_ =	shalt  }
0x74: {  	_ =	shalt  }
0x75: {  	_ =	shalt  }
0x76: {  	_ =	shalt  }
0x77: {  	_ =	shalt  }
0x78: {  	_ =	shalt  }
0x79: {  	_ =	shalt  }
0x7a: {  	_ =	shalt  }
0x7b: {  	_ =	shalt  }
0x7c: {  	_ =	shalt  }
0x7d: {  	_ =	shalt  }
0x7e: {  	_ =	shalt  }
0x7f: {  	_ =	shalt  }
0x80: {  	_ =	shalt  }
0x81: {  	_ =	shalt  }
0x82: {  	_ =	shalt  }
0x83: {  	_ =	shalt  }
0x84: {  	_ =	shalt  }
0x85: {  	_ =	shalt  }
0x86: {  	_ =	shalt  }
0x87: {  	_ =	shalt  }
.Lfunc_end0:
.L_simem_size_0:
called_computation.1_lowered:
.L_overlay_start_0:
0x88: {  	s2 =	sld [smem:$0x3FD9]  }
0x89: {  	s3 =	sld [smem:$0x3FFE];
	_ =	sdelay $0x1  }
0x8a: {  	s1 =	srdreg.scid  }
0x8b: {  	s0 =	sand.u32 $0x1, s1  }
0x8c: {  	s16 =	sshll.u32 s0, $0xA;
	s2 =	sadd.s32 s3, s2  }
0x8d: {  	s2 =	sadd.s32 s2, s16  }
0x8e: {  	[smem:$0x3FC0] =	sst s2  }
0x8f: {  	_ = 	snop  }
0x90: {  	(tm) =	ssettm $0x1  }
0x91: {  	s17 =	sld [smem:$0x3FFB];
	_ =	sdelay $0x3  }
0x92: {  	_ =	strace s17  }
0x93: {  	s2 =	sld [smem:$0x3FFC];
	_ =	sdelay $0x3  }
0x94: {  	_ =	strace s2  }
0x95: {  	s2 =	sld [smem:$0x3FFD];
	_ =	sdelay $0x3  }
0x96: {  	_ =	strace s2  }
0x97: {  	_ =	strace $0x8FFFFFFF  }
0x98: {  	s18 =	sld [smem:$0x3FDB];
	_ =	sdelay $0x1  }
0x99: {  	s19 =	simm.s32 $_scs_section_size  }
0x9a: {  	s4 =	simm.s32 $_size__tile_overlayer_lowered;
	s5 =	simm.s32 $_tile_overlayer_lowered  }
0x9b: {  	s22 =	simm.s32 $0x1BFF;
	s21 =	sshll.u32 s5, $0x1;
	s2 =	sadd.s32 s19, s18  }
0x9c: {  	s6 =	simm.s32 $0x0;
	s20 =	sshll.u32 s4, $0x1;
	s4 =	sadd.s32 s21, s2  }
0x9d: {  	[timem:s6], [sflag:s22] =	dma.local [hbm:s4], s20  }
0x9e: {  	_ =	swait.ge [sflag:s22], s20  }
0x9f: {  	s3 =	ssub.s32 $0x0, s20;
	[sflag:s22] =	ssyncset.done $0x0  }
0xa0: {  	[sflag:s22] =	ssyncadd.s32 s3;
	_ =	sdelay $0x1  }
0xa1: {  	s23 =	simm.s32 $0x1B8B  }
0xa2: {  	_ =	swait.ge [sflag:s23], $0x1  }
0xa3: {  	[sflag:s23] =	ssyncset.done $0x0  }
0xa4: {  	s25 =	simm.s32 $0x1B8E;
	s24 =	sld [smem:$0x3FFE];
	[sflag:s23] =	ssyncadd.s32 $0xFFFFFFFF  }
0xa5: {  	s26 =	simm.s32 $execute0_lowered;
	[smem:$0x3FD2] =	sst s25  }
0xa6: {  	s4 =	sshll.u32 s26, $0x1;
	_ =	strace $0x80000049;
	[dreg:$0x1] =	wrdreg $0xFFFFFFFF  }
0xa7: {  	s28 =	simm.s32 $_size_execute0_lowered;
	s2 =	sadd.s32 s2, s4;
	[dreg:$0x0] =	wrdreg $0x0  }
0xa8: {  	s4 =	sshll.u32 s28, $0x1;
	[dreg:$0x2] =	wrdreg s2  }
0xa9: {  	[dreg:$0x3] =	wrdreg s4  }
0xaa: {  	[dreg:$0x4] =	wrdreg $0xC0  }
0xab: {  	_ =	task [dreg:s6], $0x5FFFF  }
0xac: {  	[dreg:$0x1] =	wrdreg $0xFFFFFFFF  }
0xad: {  	[dreg:$0x0] =	wrdreg $0x60  }
0xae: {  	[dreg:$0x2] =	wrdreg s24  }
0xaf: {  	[dreg:$0x3] =	wrdreg $0xAB000  }
0xb0: {  	[dreg:$0x4] =	wrdreg $0xAF000  }
0xb1: {  	[dreg:$0x5] =	wrdreg $0x9  }
0xb2: {  	_ =	task.clear_ibuf [dreg:s6], $0x6FFFF;
	_ =	strace $0x90000049  }
0xb3: {  	s29 =	simm.s32 $0x9;
	_ =	strace $0x8000004B  }
0xb4: {  	_ =	swait.ge [sflag:s29], $0x1  }
0xb5: {  	[sflag:s29] =	ssyncadd.s32 $0xFFFFFFFF  }
0xb6: {  	_ =	strace $0x9000004B  }
0xb7: {  	_ =	sfence  }
0xb8: {  	s30 =	sld [smem:$0x0];
	_ =	sdelay $0x2  }
0xb9: {  	s31 =	sshll.u32 s1, $0xD;
	s1 =	sshrl.u32 s1, $0x2  }
0xba: {  	s3 =	sand.u32 $0x4000, s31;
	s1 =	sadd.s32 s1, s30  }
0xbb: {  	s0 =	sor.u32 s3, s0;
	s1 =	sshll.u32 s1, $0x11  }
0xbc: {  	s0 =	sor.u32 s1, s0  }
0xbd: {  	s0 =	sadd.s32 $0x8F2B, s0  }
0xbe: {  	[sflag:s0] =	ssyncadd.remote.s32 $0x1  }
0xbf: {  	_ =	sfence.sel $0xFFFF  }
0xc0: {  	[dreg:$0x0] =	wrdreg $0xFFFFFFFF;
	(pc) =	sbr.abs _section_cstart, $3  }
0xc1: {  	[dreg:$0x1] =	wrdreg $0xFFFFFFFF  }
0xc2: {  	_ =	task.clear_ibuf [dreg:s6], $0x2FFFF;
	_ =	strace $0x9FFFFFFF  }
0xc3: {  	(tm) =	ssettm $0x7FFFFFFF  }
tec
execute0_lowered:
.L_overlay_start_1:
0x0: {  	(tag) =	ssettag $0x1  }
0x1: {  	s0 =	rddreg [dreg:$0x0]  }
0x2: {  	s2 =	rddreg [dreg:$0x1]  }
0x3: {  	s3 =	rddreg [dreg:$0x2]  }
0x4: {  	s16 =	stileid.u32;
	s1 =	srdreg.scid  }
0x5: {  	s6 =	simm.s32 $0x0;
	s28 =	simm.s32 $0xAA80;
	s29 =	simm.s32 $0x3  }
0x6: {  	s30 =	simm.s32 $0x4;
	s1 =	sand.u32 $0x1, s1;
	s5 =	smul.u32 $0x2780, s16  }
0x7: {  	s4 =	sshll.u32 s16, $0x1;
	[smem:$0x7FF] =	sst s6;
	s8 =	smul.u32 $0x4F000, s16  }
0x8: {  	s11 =	sadd.s32 $0x34E00, s0;
	s6 =	sshll.u32 s16, $0x6;
	s13 =	smul.u32 $0x14000, s16  }
0x9: {  	s22 =	sshll.u32 s16, $0x3;
	s23 =	sshll.u32 s16, $0xA;
	s24 =	smul.u32 $0x2800, s16  }
0xa: {  	s4 =	sor.u32 s1, s4;
	_ =	strace $0x8000004A;
	s15 =	smul.u32 $0xA000, s1  }
0xb: {  	s7 =	ssub.s32 $0x2, s1;
	s21 =	sor.u32 $0x1C05, s6;
	s1 =	smul.u32 $0x1400, s1  }
0xc: {  	s14 =	sor.u32 $0x4, s22;
	v0 =	vmov s22;
	s22 =	simm.s32 $0xA800;
	s18 =	smul.u32 $0x500, s4  }
0xd: {  	s5 =	sadd.s32 s5, s0;
	s19 =	sshrl.u32 s7, $0x1;
	s12 =	smul.u32 $0xA000, s4  }
0xe: {  	s20 =	sshrl.u32 s8, $0x2;
	[dreg:$0x5] =	wrdreg s21;
	s4 =	smul.u32 $0x1400, s4  }
0xf: {  	s10 =	sshll.u32 s14, $0x7;
	s21 =	simm.s32 $0x6800;
	s7 =	ssub.s32 s7, s19  }
0x10: {  	s8 =	sadd.s32 s20, s3;
	s5 =	sadd.s32 $0x2E00, s5;
	s10 =	sadd.s32 s10, s2  }
0x11: {  	s25 =	sadd.s32 s15, s13;
	s19 =	simm.s32 $0x80;
	s20 =	simm.s32 $0x2800  }
0x12: {  	s9 =	sadd.s32 s18, s0;
	[dreg:$0x4] =	wrdreg s5;
	s0 =	sadd.s32 $0x34E40, s0  }
0x13: {  	s7 =	smax.u32 s7, $0x1;
	s4 =	sadd.s32 s11, s4;
	s12 =	sshrl.u32 s12, $0x3  }
0x14: {  	s31 =	sshrl.u32 s8, $0x3;
	s18 =	simm.s32 $0x5;
	[dreg:$0x7] =	wrdreg s7  }
0x15: {  	s9 =	sadd.s32 $0x2AE00, s9;
	[dreg:$0x8] =	wrdreg s4;
	s7 =	sadd.s32 s24, s11  }
0x16: {  	s4 =	sor.u32 $0x400, s25;
	s13 =	sadd.s32 s12, s0;
	[dreg:$0xa] =	wrdreg s31  }
0x17: {  	s24 =	simm.s32 $0xAA00;
	[dreg:$0x6] =	wrdreg s9;
	s9 =	sadd.s32 s23, s2  }
0x18: {  	v8 =	vimm.f32 $0.0e+00;
	v1 =	vor.u32 $0x1, v0;
	s1 =	sadd.s32 s1, s7;
	s4 =	sshrl.u32 s4, $0x3;
	s26 =	sadd.s32 $0x1380, s13  }
0x19: {  	v2 =	vmov s14;
	v3 =	vor.u32 $0x2, v0;
	v4 =	vor.u32 $0x3, v0;
	s23 =	simm.s32 $0x1;
	[dreg:$0x9] =	wrdreg s26;
	s15 =	sadd.s32 $0x80, s1  }
0x1a: {  	v5 =	vor.u32 $0x1, v2;
	v6 =	vor.u32 $0x2, v2;
	v7 =	vor.u32 $0x3, v2;
	s16 =	sadd.s32 s4, s0;
	s26 =	simm.s32 $0x2;
	s0 =	simm.s32 $0x0  }
.LBB2_1:
0x1b: {  	s1 =	rddreg [dreg:$0x4]  }
0x1c: {  	s4 =	rddreg [dreg:$0x5]  }
0x1d: {  	s5 =	rddreg [dreg:$0xa]  }
0x1e: {  	[spmem:s5], [sflag:s4] =	dma.local [hbm:s1], $0x2780  }
0x1f: {  	_ =	swait.ge [sflag:s18], $0x2780  }
0x20: {  	[sflag:s18] =	ssyncset.done $0x0  }
0x21: {  	s7 =	simm.s32 $0x0;
	s8 =	rddreg [dreg:$0x6];
	[sflag:s18] =	ssyncadd.s32 $0xFFFFD880  }
0x22: {  	[tilespmem:s7], [sflag:$0x5] =	stream.linear.gather [hbm4b:s8+s7], $0x2800, $0x38;
	[tilespmem:$0x1EB00] =	vst v63  }
0x23: {  	_ =	swait.ge [sflag:s18], $0x2800  }
0x24: {  	[sflag:s18] =	ssyncset.done $0x0  }
0x25: {  	[sflag:s18] =	ssyncadd.s32 $0xFFFFD800  }
0x26: {  	[tilespmem:$0xA800] =	vst v8  }
0x27: {  	[tilespmem:$0xA810] =	vst v8  }
0x28: {  	[tilespmem:$0xA820] =	vst v8  }
0x29: {  	[tilespmem:$0xA830] =	vst v8  }
0x2a: {  	[tilespmem:$0xA840] =	vst v8  }
0x2b: {  	[tilespmem:$0xA850] =	vst v8  }
0x2c: {  	[tilespmem:$0xA860] =	vst v8  }
0x2d: {  	[tilespmem:$0xA870] =	vst v8  }
0x2e: {  	[tilespmem:$0xA880] =	vst v8  }
0x2f: {  	[tilespmem:$0xA890] =	vst v8  }
0x30: {  	[tilespmem:$0xA8A0] =	vst v8  }
0x31: {  	[tilespmem:$0xA8B0] =	vst v8  }
0x32: {  	[tilespmem:$0xA8C0] =	vst v8  }
0x33: {  	[tilespmem:$0xA8D0] =	vst v8  }
0x34: {  	[tilespmem:$0xA8E0] =	vst v8  }
0x35: {  	[tilespmem:$0xA8F0] =	vst v8  }
0x36: {  	[tilespmem:$0xA900] =	vst v8  }
0x37: {  	[tilespmem:$0xA910] =	vst v8  }
0x38: {  	[tilespmem:$0xA920] =	vst v8  }
0x39: {  	[tilespmem:$0xA930] =	vst v8  }
0x3a: {  	[tilespmem:$0xA940] =	vst v8  }
0x3b: {  	[tilespmem:$0xA950] =	vst v8  }
0x3c: {  	[tilespmem:$0xA960] =	vst v8  }
0x3d: {  	[tilespmem:$0xA970] =	vst v8  }
0x3e: {  	[tilespmem:$0xA980] =	vst v8  }
0x3f: {  	[tilespmem:$0xA990] =	vst v8  }
0x40: {  	[tilespmem:$0xA9A0] =	vst v8  }
0x41: {  	[tilespmem:$0xA9B0] =	vst v8  }
0x42: {  	[tilespmem:$0xA9C0] =	vst v8  }
0x43: {  	[tilespmem:$0xA9D0] =	vst v8  }
0x44: {  	[tilespmem:$0xA9E0] =	vst v8  }
0x45: {  	[tilespmem:$0xA9F0] =	vst v8  }
0x46: {  	[tilespmem:$0xAA00] =	vst v0  }
0x47: {  	[tilespmem:$0xAA10] =	vst v0  }
0x48: {  	[tilespmem:$0xAA20] =	vst v1  }
0x49: {  	[tilespmem:$0xAA30] =	vst v1  }
0x4a: {  	[tilespmem:$0xAA40] =	vst v3  }
0x4b: {  	[tilespmem:$0xAA50] =	vst v3  }
0x4c: {  	[tilespmem:$0xAA60] =	vst v4  }
0x4d: {  	[tilespmem:$0xAA70] =	vst v4  }
0x4e: {  	[tilespmem:$0xAA80] =	vst v2  }
0x4f: {  	[tilespmem:$0xAA90] =	vst v2  }
0x50: {  	[tilespmem:$0xAAA0] =	vst v5  }
0x51: {  	[tilespmem:$0xAAB0] =	vst v5  }
0x52: {  	[tilespmem:$0xAAC0] =	vst v6  }
0x53: {  	[tilespmem:$0xAAD0] =	vst v6  }
0x54: {  	[tilespmem:$0xAAE0] =	vst v7  }
0x55: {  	[tilespmem:$0xAAF0] =	vst v7  }
0x56: {  	[bflag:$0x0] =	sbarrier.arrive $0xFFFF  }
0x57: {  	[tilespmem:s20], [sflag:$0x1] =	stream.indirect.gather [spmem:s3], $0x80, s7, s19, $0xb8;
	[tilespmem:$0x1EB00] =	vst v63  }
0x58: {  	_ = 	snop  }
0x59: {  	[tilespmem:s21], [sflag:$0x2] =	stream.indirect.gather [spmem:s3], $0x80, s19, s19, $0xb8;
	[tilespmem:$0x1EB00] =	vst v63  }
0x5a: {  	_ = 	snop  }
0x5b: {  	[spmem:s9] =	stream.linear.scatter [tilespmem:s22], [sflag:$0x5], $0x200, $0x38;
	[tilespmem:$0x1EB00] =	vst v63  }
0x5c: {  	_ =	swait.ge [sflag:s18], $0x200  }
0x5d: {  	[sflag:s18] =	ssyncset.done $0x0  }
0x5e: {  	[sflag:s18] =	ssyncadd.s32 $0xFFFFFE00  }
0x5f: {  	_ =	swait.ge [sflag:s23], $0x4000  }
0x60: {  	[sflag:s23] =	ssyncset.done $0x0  }
0x61: {  	[sflag:s23] =	ssyncadd.s32 $0xFFFFC000  }
0x62: {  	[spmem:s2] =	stream.indirect.scatter.add.f32 [tilespmem:s20], [sflag:$0x5], $0x80, s24, s19, $0xb8;
	[tilespmem:$0x1EB00] =	vst v63  }
0x63: {  	_ =	swait.ge [sflag:s18], $0x4000  }
0x64: {  	s31 =	sshrl.u32 s9, $0x3;
	s12 =	simm.s32 $0x100;
	[sflag:s18] =	ssyncset.done $0x0  }
0x65: {  	s1 =	sor.u32 $0x1C03, s6;
	s11 =	rddreg [dreg:$0x8];
	[sflag:s18] =	ssyncadd.s32 $0xFFFFC000  }
0x66: {  	[hbm:s11], [sflag:s1] =	dma.local [spmem:s31], $0x40  }
0x67: {  	[tilespmem:s20], [sflag:$0x1] =	stream.indirect.gather [spmem:s3], $0x80, s12, s19, $0xb8;
	[tilespmem:$0x1EB00] =	vst v63  }
0x68: {  	_ = 	snop  }
0x69: {  	[spmem:s10] =	stream.linear.scatter [tilespmem:s22], [sflag:$0x5], $0x200, $0x38;
	[tilespmem:$0x1EB00] =	vst v63  }
0x6a: {  	_ =	swait.ge [sflag:s18], $0x200  }
0x6b: {  	[sflag:s18] =	ssyncset.done $0x0  }
0x6c: {  	[sflag:s18] =	ssyncadd.s32 $0xFFFFFE00  }
0x6d: {  	_ =	swait.ge [sflag:s26], $0x4000  }
0x6e: {  	[sflag:s26] =	ssyncset.done $0x0  }
0x6f: {  	[sflag:s26] =	ssyncadd.s32 $0xFFFFC000  }
0x70: {  	[spmem:s2] =	stream.indirect.scatter.add.f32 [tilespmem:s21], [sflag:$0x5], $0x80, s28, s19, $0xb8;
	[tilespmem:$0x1EB00] =	vst v63  }
0x71: {  	_ =	swait.ge [sflag:s18], $0x4000  }
0x72: {  	s25 =	sor.u32 $0x1C04, s6;
	[sflag:s18] =	ssyncset.done $0x0  }
0x73: {  	s14 =	simm.s32 $0x180;
	s4 =	sshrl.u32 s10, $0x3;
	[sflag:s18] =	ssyncadd.s32 $0xFFFFC000  }
0x74: {  	[hbm:s13], [sflag:s25] =	dma.local [spmem:s4], $0x40  }
0x75: {  	[tilespmem:s21], [sflag:$0x2] =	stream.indirect.gather [spmem:s3], $0x80, s14, s19, $0xb8;
	[tilespmem:$0x1EB00] =	vst v63  }
0x76: {  	_ =	swait.ge [sflag:s29], $0x40  }
0x77: {  	[sflag:s29] =	ssyncset.done $0x0  }
0x78: {  	[sflag:s29] =	ssyncadd.s32 $0xFFFFFFC0  }
0x79: {  	[spmem:s9] =	stream.linear.scatter [tilespmem:s22], [sflag:$0x5], $0x200, $0x38;
	[tilespmem:$0x1EB00] =	vst v63  }
0x7a: {  	_ =	swait.ge [sflag:s18], $0x200  }
0x7b: {  	[sflag:s18] =	ssyncset.done $0x0  }
0x7c: {  	[sflag:s18] =	ssyncadd.s32 $0xFFFFFE00  }
0x7d: {  	_ =	swait.ge [sflag:s23], $0x4000  }
0x7e: {  	[sflag:s23] =	ssyncset.done $0x0  }
0x7f: {  	[sflag:s23] =	ssyncadd.s32 $0xFFFFC000  }
0x80: {  	[spmem:s2] =	stream.indirect.scatter.add.f32 [tilespmem:s20], [sflag:$0x5], $0x80, s24, s19, $0xb8;
	[tilespmem:$0x1EB00] =	vst v63  }
0x81: {  	_ =	swait.ge [sflag:s18], $0x4000  }
0x82: {  	[sflag:s18] =	ssyncset.done $0x0  }
0x83: {  	s17 =	simm.s32 $0x200;
	s7 =	sadd.s32 $0x0, s15;
	[sflag:s18] =	ssyncadd.s32 $0xFFFFC000  }
0x84: {  	[hbm:s7], [sflag:s1] =	dma.local [spmem:s31], $0x40  }
0x85: {  	[tilespmem:s20], [sflag:$0x1] =	stream.indirect.gather [spmem:s3], $0x80, s17, s19, $0xb8;
	[tilespmem:$0x1EB00] =	vst v63  }
0x86: {  	_ =	swait.ge [sflag:s30], $0x40  }
0x87: {  	[sflag:s30] =	ssyncset.done $0x0  }
0x88: {  	[sflag:s30] =	ssyncadd.s32 $0xFFFFFFC0  }
0x89: {  	[spmem:s10] =	stream.linear.scatter [tilespmem:s22], [sflag:$0x5], $0x200, $0x38;
	[tilespmem:$0x1EB00] =	vst v63  }
0x8a: {  	_ =	swait.ge [sflag:s18], $0x200  }
0x8b: {  	[sflag:s18] =	ssyncset.done $0x0  }
0x8c: {  	[sflag:s18] =	ssyncadd.s32 $0xFFFFFE00  }
0x8d: {  	_ =	swait.ge [sflag:s26], $0x4000  }
0x8e: {  	[sflag:s26] =	ssyncset.done $0x0  }
0x8f: {  	[sflag:s26] =	ssyncadd.s32 $0xFFFFC000  }
0x90: {  	[spmem:s2] =	stream.indirect.scatter.add.f32 [tilespmem:s21], [sflag:$0x5], $0x80, s28, s19, $0xb8;
	[tilespmem:$0x1EB00] =	vst v63  }
0x91: {  	s5 =	simm.s32 $0x100;
	s8 =	simm.s32 $0x300;
	_ =	swait.ge [sflag:s18], $0x4000  }
0x92: {  	s11 =	simm.s32 $0x280;
	s12 =	simm.s32 $0x400;
	[sflag:s18] =	ssyncset.done $0x0  }
0x93: {  	s14 =	sadd.s32 $0x0, s16;
	s7 =	simm.s32 $0x80;
	[sflag:s18] =	ssyncadd.s32 $0xFFFFC000  }
.LBB2_2:
0x94: {  	[hbm:s14], [sflag:s25] =	dma.local [spmem:s4], $0x40  }
0x95: {  	s14 =	smov.u32 s7;
	s7 =	smov.u32 s5  }
0x96: {  	[tilespmem:s21], [sflag:$0x2] =	stream.indirect.gather [spmem:s3], $0x80, s11, s19, $0xb8;
	[tilespmem:$0x1EB00] =	vst v63  }
0x97: {  	s5 =	sadd.s32 $0x80, s5;
	s11 =	sadd.s32 $0xFFFFFF80, s12;
	_ =	swait.ge [sflag:s29], $0x40  }
0x98: {  	p0 =	sne.s32 s5, $0x1300;
	[sflag:s29] =	ssyncset.done $0x0  }
0x99: {  	[sflag:s29] =	ssyncadd.s32 $0xFFFFFFC0  }
0x9a: {  	[spmem:s9] =	stream.linear.scatter [tilespmem:s22], [sflag:$0x5], $0x200, $0x38;
	[tilespmem:$0x1EB00] =	vst v63  }
0x9b: {  	_ =	swait.ge [sflag:s18], $0x200  }
0x9c: {  	[sflag:s18] =	ssyncset.done $0x0  }
0x9d: {  	[sflag:s18] =	ssyncadd.s32 $0xFFFFFE00  }
0x9e: {  	_ =	swait.ge [sflag:s23], $0x4000  }
0x9f: {  	[sflag:s23] =	ssyncset.done $0x0  }
0xa0: {  	[sflag:s23] =	ssyncadd.s32 $0xFFFFC000  }
0xa1: {  	[spmem:s2] =	stream.indirect.scatter.add.f32 [tilespmem:s20], [sflag:$0x5], $0x80, s24, s19, $0xb8;
	[tilespmem:$0x1EB00] =	vst v63  }
0xa2: {  	_ =	swait.ge [sflag:s18], $0x4000  }
0xa3: {  	[sflag:s18] =	ssyncset.done $0x0  }
0xa4: {  	s17 =	sadd.s32 s14, s15;
	[sflag:s18] =	ssyncadd.s32 $0xFFFFC000  }
0xa5: {  	[hbm:s17], [sflag:s1] =	dma.local [spmem:s31], $0x40  }
0xa6: {  	[tilespmem:s20], [sflag:$0x1] =	stream.indirect.gather [spmem:s3], $0x80, s8, s19, $0xb8;
	[tilespmem:$0x1EB00] =	vst v63  }
0xa7: {  	s8 =	smov.u32 s12;
	_ =	swait.ge [sflag:s30], $0x40  }
0xa8: {  	[sflag:s30] =	ssyncset.done $0x0  }
0xa9: {  	[sflag:s30] =	ssyncadd.s32 $0xFFFFFFC0  }
0xaa: {  	[spmem:s10] =	stream.linear.scatter [tilespmem:s22], [sflag:$0x5], $0x200, $0x38;
	[tilespmem:$0x1EB00] =	vst v63  }
0xab: {  	_ =	swait.ge [sflag:s18], $0x200  }
0xac: {  	[sflag:s18] =	ssyncset.done $0x0  }
0xad: {  	[sflag:s18] =	ssyncadd.s32 $0xFFFFFE00  }
0xae: {  	_ =	swait.ge [sflag:s26], $0x4000  }
0xaf: {  	[sflag:s26] =	ssyncset.done $0x0  }
.Ltmp0:
0xb0: {  	[sflag:s26] =	ssyncadd.s32 $0xFFFFC000;
	(pc) =	sbr.rel @p0 .LBB2_2-.Ltmp0, $4  }
0xb1: {  	[spmem:s2] =	stream.indirect.scatter.add.f32 [tilespmem:s21], [sflag:$0x5], $0x80, s28, s19, $0xb8;
	[tilespmem:$0x1EB00] =	vst v63  }
0xb2: {  	_ =	swait.ge [sflag:s18], $0x4000  }
0xb3: {  	[sflag:s18] =	ssyncset.done $0x0  }
0xb4: {  	s14 =	sadd.s32 s14, s16;
	s12 =	sadd.s32 $0x100, s12;
	[sflag:s18] =	ssyncadd.s32 $0xFFFFC000  }
0xb5: {  	[hbm:s14], [sflag:s25] =	dma.local [spmem:s4], $0x40  }
0xb6: {  	[tilespmem:s21], [sflag:$0x2] =	stream.indirect.gather [spmem:s3], $0x80, s11, s19, $0xb8;
	[tilespmem:$0x1EB00] =	vst v63  }
0xb7: {  	_ =	swait.ge [sflag:s29], $0x40  }
0xb8: {  	[sflag:s29] =	ssyncset.done $0x0  }
0xb9: {  	[sflag:s29] =	ssyncadd.s32 $0xFFFFFFC0  }
0xba: {  	[spmem:s9] =	stream.linear.scatter [tilespmem:s22], [sflag:$0x5], $0x200, $0x38;
	[tilespmem:$0x1EB00] =	vst v63  }
0xbb: {  	_ =	swait.ge [sflag:s18], $0x200  }
0xbc: {  	[sflag:s18] =	ssyncset.done $0x0  }
0xbd: {  	[sflag:s18] =	ssyncadd.s32 $0xFFFFFE00  }
0xbe: {  	_ =	swait.ge [sflag:s23], $0x4000  }
0xbf: {  	[sflag:s23] =	ssyncset.done $0x0  }
0xc0: {  	[sflag:s23] =	ssyncadd.s32 $0xFFFFC000  }
0xc1: {  	[spmem:s2] =	stream.indirect.scatter.add.f32 [tilespmem:s20], [sflag:$0x5], $0x80, s24, s19, $0xb8;
	[tilespmem:$0x1EB00] =	vst v63  }
0xc2: {  	_ =	swait.ge [sflag:s18], $0x4000  }
0xc3: {  	[sflag:s18] =	ssyncset.done $0x0  }
0xc4: {  	s17 =	sadd.s32 s7, s15;
	[sflag:s18] =	ssyncadd.s32 $0xFFFFC000  }
0xc5: {  	[hbm:s17], [sflag:s1] =	dma.local [spmem:s31], $0x40  }
0xc6: {  	[tilespmem:s20], [sflag:$0x1] =	stream.indirect.gather [spmem:s3], $0x80, s8, s19, $0xb8;
	[tilespmem:$0x1EB00] =	vst v63  }
0xc7: {  	_ =	swait.ge [sflag:s30], $0x40  }
0xc8: {  	[sflag:s30] =	ssyncset.done $0x0  }
0xc9: {  	[sflag:s30] =	ssyncadd.s32 $0xFFFFFFC0  }
0xca: {  	[spmem:s10] =	stream.linear.scatter [tilespmem:s22], [sflag:$0x5], $0x200, $0x38;
	[tilespmem:$0x1EB00] =	vst v63  }
0xcb: {  	_ =	swait.ge [sflag:s18], $0x200  }
0xcc: {  	[sflag:s18] =	ssyncset.done $0x0  }
0xcd: {  	[sflag:s18] =	ssyncadd.s32 $0xFFFFFE00  }
0xce: {  	_ =	swait.ge [sflag:s26], $0x4000  }
0xcf: {  	[sflag:s26] =	ssyncset.done $0x0  }
0xd0: {  	[sflag:s26] =	ssyncadd.s32 $0xFFFFC000  }
0xd1: {  	[spmem:s2] =	stream.indirect.scatter.add.f32 [tilespmem:s21], [sflag:$0x5], $0x80, s28, s19, $0xb8;
	[tilespmem:$0x1EB00] =	vst v63  }
0xd2: {  	_ =	swait.ge [sflag:s18], $0x4000  }
0xd3: {  	[sflag:s18] =	ssyncset.done $0x0  }
0xd4: {  	s12 =	sadd.s32 s7, s16;
	s14 =	simm.s32 $0x2780;
	[sflag:s18] =	ssyncadd.s32 $0xFFFFC000  }
0xd5: {  	[hbm:s12], [sflag:s25] =	dma.local [spmem:s4], $0x40  }
0xd6: {  	[tilespmem:s21], [sflag:$0x2] =	stream.indirect.gather [spmem:s3], $0x80, s14, s19, $0xb8;
	[tilespmem:$0x1EB00] =	vst v63  }
0xd7: {  	_ =	swait.ge [sflag:s29], $0x40  }
0xd8: {  	[sflag:s29] =	ssyncset.done $0x0  }
0xd9: {  	[sflag:s29] =	ssyncadd.s32 $0xFFFFFFC0  }
0xda: {  	[spmem:s9] =	stream.linear.scatter [tilespmem:s22], [sflag:$0x5], $0x200, $0x38;
	[tilespmem:$0x1EB00] =	vst v63  }
0xdb: {  	_ =	swait.ge [sflag:s18], $0x200  }
0xdc: {  	[sflag:s18] =	ssyncset.done $0x0  }
0xdd: {  	[sflag:s18] =	ssyncadd.s32 $0xFFFFFE00  }
0xde: {  	_ =	swait.ge [sflag:s23], $0x4000  }
0xdf: {  	[sflag:s23] =	ssyncset.done $0x0  }
0xe0: {  	[sflag:s23] =	ssyncadd.s32 $0xFFFFC000  }
0xe1: {  	[spmem:s2] =	stream.indirect.scatter.add.f32 [tilespmem:s20], [sflag:$0x5], $0x80, s24, s19, $0xb8;
	[tilespmem:$0x1EB00] =	vst v63  }
0xe2: {  	_ =	swait.ge [sflag:s18], $0x4000  }
0xe3: {  	[sflag:s18] =	ssyncset.done $0x0  }
0xe4: {  	s5 =	sadd.s32 s5, s15;
	[sflag:s18] =	ssyncadd.s32 $0xFFFFC000  }
0xe5: {  	[hbm:s5], [sflag:s1] =	dma.local [spmem:s31], $0x40  }
0xe6: {  	_ =	swait.ge [sflag:s30], $0x40  }
0xe7: {  	[sflag:s30] =	ssyncset.done $0x0  }
0xe8: {  	[sflag:s30] =	ssyncadd.s32 $0xFFFFFFC0  }
0xe9: {  	[spmem:s10] =	stream.linear.scatter [tilespmem:s22], [sflag:$0x5], $0x200, $0x38;
	[tilespmem:$0x1EB00] =	vst v63  }
0xea: {  	_ =	swait.ge [sflag:s18], $0x200  }
0xeb: {  	[sflag:s18] =	ssyncset.done $0x0  }
0xec: {  	[sflag:s18] =	ssyncadd.s32 $0xFFFFFE00  }
0xed: {  	_ =	swait.ge [sflag:s26], $0x4000  }
0xee: {  	[sflag:s26] =	ssyncset.done $0x0  }
0xef: {  	[sflag:s26] =	ssyncadd.s32 $0xFFFFC000  }
0xf0: {  	[spmem:s2] =	stream.indirect.scatter.add.f32 [tilespmem:s21], [sflag:$0x5], $0x80, s28, s19, $0xb8;
	[tilespmem:$0x1EB00] =	vst v63  }
0xf1: {  	_ =	swait.ge [sflag:s18], $0x4000  }
0xf2: {  	[sflag:s18] =	ssyncset.done $0x0  }
0xf3: {  	s17 =	rddreg [dreg:$0x9];
	[sflag:s18] =	ssyncadd.s32 $0xFFFFC000  }
0xf4: {  	[hbm:s17], [sflag:s25] =	dma.local [spmem:s4], $0x40  }
0xf5: {  	_ =	swait.ge [sflag:s29], $0x40  }
0xf6: {  	[sflag:s29] =	ssyncset.done $0x0  }
0xf7: {  	[sflag:s29] =	ssyncadd.s32 $0xFFFFFFC0  }
0xf8: {  	_ =	swait.ge [sflag:s30], $0x40  }
0xf9: {  	s0 =	sadd.s32 $0x1, s0;
	s31 =	rddreg [dreg:$0x7]  }
0xfa: {  	p0 =	sne.s32 s0, s31  }
.Ltmp1:
0xfb: {  	_ = 	snop;
	(pc) =	sbr.rel @p0 .LBB2_1-.Ltmp1, $3  }
0xfc: {  	_ =	sdelay $0x1  }
0xfd: {  	[sflag:s30] =	ssyncset.done $0x0  }
0xfe: {  	[sflag:s30] =	ssyncadd.s32 $0xFFFFFFC0  }
0xff: {  	_ =	sfence.sel $0x180000  }
0x100: {  	[bflag:$0x0] =	sbarrier.arrive $0xFFFF  }
0x101: {  	_ =	strace $0x9000004A  }
0x102: {  	s0 =	stileid.u32;
	[bflag:$0x2] =	sbarrier.arrive $0xFFFF  }
0x103: {  	p0 =	sne.s32 s0, $0x0;
	s0 =	rddreg [dreg:$0x3]  }
0x104: {  	s0 =	sadd.s32 @!p0 $0x100000, s0  }
0x105: {  	[sflag:s0] =	ssyncadd.tile.s32 @!p0 $0x1;
	_ =	shalt  }
.Lfunc_end2:
_tile_overlayer_lowered:
.L_overlay_start_2:
0x106: {  	(tag) =	ssettag $0x2  }
0x107: {  	s0 =	rddreg [dreg:$0x0];
	s2 =	stileid.u32  }
0x108: {  	s1 =	rddreg [dreg:$0x1];
	p0 =	sne.s32 s2, $0x0  }
0x109: {  	s3 =	rddreg [dreg:$0x2];
	[bflag:$0x3] =	sbarrier.arrive $0xFFFF;
	s2 =	simm.s32 @!p0 $0x1C05  }
0x10a: {  	[timem:s3], [sflag:s2] =	dma.local @!p0 [hbm:s0], s1  }
0x10b: {  	s0 =	simm.s32 @!p0 $0x5  }
0x10c: {  	_ =	swait.ge @!p0 [sflag:s0], s1  }
0x10d: {  	s1 =	ssub.s32 @!p0 $0x0, s1;
	[sflag:s0] =	ssyncset.done @!p0 $0x0  }
0x10e: {  	[sflag:s0] =	ssyncadd.s32 @!p0 s1  }
0x10f: {  	[bflag:$0x3] =	sbarrier.arrive $0xFFFF  }
0x110: {  	_ =	shalt  }

// kernel: kernel.15.cloned.1.call-start
scs
__scs_entry_jumppad:
0x0: {  	(pc) =	sbr.rel $0x88, $3  }
0x1: {  	(tag) =	ssettag $0x0;
	lr =	simm.s32 $0x1  }
0x2: {  	[smem:$0x3F99] =	sst lr;
	_ =	strace $0xD0000000  }
0x3: {  	_ = 	snop  }
0x4: {  	_ = 	snop  }
0x5: {  	_ = 	snop  }
0x6: {  	_ = 	snop  }
0x7: {  	_ = 	snop  }
__scs_overlays_trampoline_lowered:
0x8: {  	[smem:$0x3FA8] =	sst s0  }
0x9: {  	[smem:$0x3FA9] =	sst s1  }
0xa: {  	[smem:$0x3FAA] =	sst s2  }
0xb: {  	[smem:$0x3FAB] =	sst s3  }
0xc: {  	[smem:$0x3FAC] =	sst s4  }
0xd: {  	[smem:$0x3FAD] =	sst s5  }
0xe: {  	[smem:$0x3FAE] =	sst s6  }
0xf: {  	[smem:$0x3FAF] =	sst s7  }
0x10: {  	[smem:$0x3FB0] =	sst s8  }
0x11: {  	[smem:$0x3FB1] =	sst s9;
	s0 =	simm.s32 @!p0 $0x0  }
0x12: {  	s1 =	sld [smem:$0x3F97];
	s0 =	simm.s32 @p0 $0x1  }
0x13: {  	[smem:$0x3FB2] =	sst s0;
	s0 =	simm.s32 @!p1 $0x0  }
0x14: {  	s2 =	sld [smem:$0x3F96];
	s0 =	simm.s32 @p1 $0x1  }
0x15: {  	[smem:$0x3FB3] =	sst s0;
	s0 =	simm.s32 @!p2 $0x0  }
0x16: {  	s3 =	sld [smem:$0x3FDB];
	s0 =	simm.s32 @p2 $0x1  }
0x17: {  	s4 =	simm.s32 $0x1BF5;
	[smem:$0x3FB5] =	sst s0  }
0x18: {  	s0 =	sld [smem:$0x3F98];
	_ =	swait.ge [sflag:s4], $0x0  }
0x19: {  	s7 =	sld [smem:$0x3F99]  }
0x1a: {  	s8 =	sadd.s32 $0xFFFFE003, lr  }
0x1b: {  	s9 =	sadd.s32 $0xFFFFFEF7, lr;
	s5 =	simm.s32 $0xFFFFFFFF;
	p2 =	slt.u32 s8, $0xFFFFF086  }
0x1c: {  	p1 =	slt.u32 s9, $0xF7A;
	s5 =	simm.s32 @!p2 $0x0  }
0x1d: {  	s5 =	simm.s32 @p1 $0x1;
	p0 =	seq.s32 s7, s2  }
0x1e: {  	s7 =	smul.u32 @!p0 $0xF7A, s2;
	p2 =	seq.s32 @!p0 s5, $0x0  }
0x1f: {  	s9 =	smul.u32 $0xF7A, s1;
	s8 =	simm.s32 @!p0 $0x1BF5;
	p2 =	por !p2, p0  }
0x20: {  	[sflag:s8] =	ssyncset.s32 @!p0 $0xFFFFF086;
	s6 =	sadd.s32 @!p0 s3, s7;
	s7 =	simm.s32 @!p0 $0x108  }
0x21: {  	s3 =	sadd.s32 s3, s9;
	s6 =	sadd.s32 @!p0 $0x88, s6;
	s7 =	simm.s32 @p2 $0x1082  }
0x22: {  	[simem:s7], [sflag:s8] =	dma.local @!p0 [hbm:s6], $0xF7A  }
0x23: {  	s9 =	sor.u32 $0xD0000000, s2;
	s6 =	simm.s32 $0x108;
	_ =	swait.ge @!p0 [sflag:s8], $0x0  }
0x24: {  	s3 =	sadd.s32 $0x88, s3;
	s6 =	simm.s32 @!p1 $0x1082;
	[sflag:s4] =	ssyncset.s32 $0xFFFFF086  }
0x25: {  	[simem:s6], [sflag:s4] =	dma.local [hbm:s3], $0xF7A  }
0x26: {  	[smem:$0x3F99] =	sst s1;
	(tag) =	ssettag s2;
	_ =	strace s9  }
0x27: {  	s1 =	sld [smem:$0x3FA9]  }
0x28: {  	s2 =	sld [smem:$0x3FAA]  }
0x29: {  	s4 =	sld [smem:$0x3FAC]  }
0x2a: {  	p0 =	seq.s32 s5, $0x0;
	s5 =	sld [smem:$0x3FAD]  }
0x2b: {  	s6 =	sld [smem:$0x3FAE]  }
0x2c: {  	s7 =	sld [smem:$0x3FAF]  }
0x2d: {  	s3 =	simm.s32 $0x108;
	s8 =	sld [smem:$0x3FB0]  }
0x2e: {  	s3 =	simm.s32 @!p0 $0x1082;
	s9 =	sld [smem:$0x3FB1]  }
0x2f: {  	lr =	sadd.s32 s0, s3;
	s0 =	sld [smem:$0x3FA8]  }
0x30: {  	s3 =	sld [smem:$0x3FAB]  }
0x31: {  	[smem:$0x3FB4] =	sst s10  }
0x32: {  	s10 =	sld [smem:$0x3FB2];
	_ =	sdelay $0x3  }
0x33: {  	p0 =	seq.s32 s10, $0x1;
	s10 =	sld [smem:$0x3FB4];
	_ =	sdelay $0x3  }
0x34: {  	[smem:$0x3FB4] =	sst s10  }
0x35: {  	s10 =	sld [smem:$0x3FB3];
	_ =	sdelay $0x3  }
0x36: {  	p1 =	seq.s32 s10, $0x1;
	s10 =	sld [smem:$0x3FB4];
	_ =	sdelay $0x3  }
0x37: {  	[smem:$0x3FB4] =	sst s10  }
0x38: {  	s10 =	sld [smem:$0x3FB5]  }
0x39: {  	_ = 	snop;
	(pc) =	sbr.ind lr, $3  }
0x3a: {  	_ = 	snop  }
0x3b: {  	_ = 	snop  }
0x3c: {  	p2 =	seq.s32 s10, $0x1;
	s10 =	sld [smem:$0x3FB4]  }
0x3d: {  	_ =	shalt  }
0x3e: {  	_ =	shalt  }
0x3f: {  	_ =	shalt  }
0x40: {  	_ =	shalt  }
0x41: {  	_ =	shalt  }
0x42: {  	_ =	shalt  }
0x43: {  	_ =	shalt  }
0x44: {  	_ =	shalt  }
0x45: {  	_ =	shalt  }
0x46: {  	_ =	shalt  }
0x47: {  	_ =	shalt  }
0x48: {  	_ =	shalt  }
0x49: {  	_ =	shalt  }
0x4a: {  	_ =	shalt  }
0x4b: {  	_ =	shalt  }
0x4c: {  	_ =	shalt  }
0x4d: {  	_ =	shalt  }
0x4e: {  	_ =	shalt  }
0x4f: {  	_ =	shalt  }
0x50: {  	_ =	shalt  }
0x51: {  	_ =	shalt  }
0x52: {  	_ =	shalt  }
0x53: {  	_ =	shalt  }
0x54: {  	_ =	shalt  }
0x55: {  	_ =	shalt  }
0x56: {  	_ =	shalt  }
0x57: {  	_ =	shalt  }
0x58: {  	_ =	shalt  }
0x59: {  	_ =	shalt  }
0x5a: {  	_ =	shalt  }
0x5b: {  	_ =	shalt  }
0x5c: {  	_ =	shalt  }
0x5d: {  	_ =	shalt  }
0x5e: {  	_ =	shalt  }
0x5f: {  	_ =	shalt  }
0x60: {  	_ =	shalt  }
0x61: {  	_ =	shalt  }
0x62: {  	_ =	shalt  }
0x63: {  	_ =	shalt  }
0x64: {  	_ =	shalt  }
0x65: {  	_ =	shalt  }
0x66: {  	_ =	shalt  }
0x67: {  	_ =	shalt  }
0x68: {  	_ =	shalt  }
0x69: {  	_ =	shalt  }
0x6a: {  	_ =	shalt  }
0x6b: {  	_ =	shalt  }
0x6c: {  	_ =	shalt  }
0x6d: {  	_ =	shalt  }
0x6e: {  	_ =	shalt  }
0x6f: {  	_ =	shalt  }
0x70: {  	_ =	shalt  }
0x71: {  	_ =	shalt  }
0x72: {  	_ =	shalt  }
0x73: {  	_ =	shalt  }
0x74: {  	_ =	shalt  }
0x75: {  	_ =	shalt  }
0x76: {  	_ =	shalt  }
0x77: {  	_ =	shalt  }
0x78: {  	_ =	shalt  }
0x79: {  	_ =	shalt  }
0x7a: {  	_ =	shalt  }
0x7b: {  	_ =	shalt  }
0x7c: {  	_ =	shalt  }
0x7d: {  	_ =	shalt  }
0x7e: {  	_ =	shalt  }
0x7f: {  	_ =	shalt  }
0x80: {  	_ =	shalt  }
0x81: {  	_ =	shalt  }
0x82: {  	_ =	shalt  }
0x83: {  	_ =	shalt  }
0x84: {  	_ =	shalt  }
0x85: {  	_ =	shalt  }
0x86: {  	_ =	shalt  }
0x87: {  	_ =	shalt  }
.Lfunc_end0:
.L_simem_size_0:
called_computation.2_lowered:
.L_overlay_start_0:
0x88: {  	s2 =	sld [smem:$0x3FD9]  }
0x89: {  	s3 =	sld [smem:$0x3FFE];
	_ =	sdelay $0x1  }
0x8a: {  	s1 =	srdreg.scid  }
0x8b: {  	s0 =	sand.u32 $0x1, s1  }
0x8c: {  	s16 =	sshll.u32 s0, $0xA;
	s2 =	sadd.s32 s3, s2  }
0x8d: {  	s2 =	sadd.s32 s2, s16  }
0x8e: {  	[smem:$0x3FC0] =	sst s2  }
0x8f: {  	_ = 	snop  }
0x90: {  	(tm) =	ssettm $0x1  }
0x91: {  	s17 =	sld [smem:$0x3FFB];
	_ =	sdelay $0x3  }
0x92: {  	_ =	strace s17  }
0x93: {  	s2 =	sld [smem:$0x3FFC];
	_ =	sdelay $0x3  }
0x94: {  	_ =	strace s2  }
0x95: {  	s2 =	sld [smem:$0x3FFD];
	_ =	sdelay $0x3  }
0x96: {  	_ =	strace s2  }
0x97: {  	_ =	strace $0x8FFFFFFF  }
0x98: {  	s18 =	sld [smem:$0x3FDB];
	_ =	sdelay $0x1  }
0x99: {  	s19 =	simm.s32 $_scs_section_size  }
0x9a: {  	s4 =	simm.s32 $_size__tile_overlayer_lowered;
	s5 =	simm.s32 $_tile_overlayer_lowered  }
0x9b: {  	s22 =	simm.s32 $0x1BFF;
	s21 =	sshll.u32 s5, $0x1;
	s2 =	sadd.s32 s19, s18  }
0x9c: {  	s6 =	simm.s32 $0x0;
	s20 =	sshll.u32 s4, $0x1;
	s4 =	sadd.s32 s21, s2  }
0x9d: {  	[timem:s6], [sflag:s22] =	dma.local [hbm:s4], s20  }
0x9e: {  	_ =	swait.ge [sflag:s22], s20  }
0x9f: {  	s3 =	ssub.s32 $0x0, s20;
	[sflag:s22] =	ssyncset.done $0x0  }
0xa0: {  	[sflag:s22] =	ssyncadd.s32 s3;
	_ =	sdelay $0x1  }
0xa1: {  	s23 =	simm.s32 $0x1B8B  }
0xa2: {  	_ =	swait.ge [sflag:s23], $0x1  }
0xa3: {  	[sflag:s23] =	ssyncset.done $0x0  }
0xa4: {  	s25 =	simm.s32 $0x1B8E;
	s24 =	sld [smem:$0x3FFE];
	[sflag:s23] =	ssyncadd.s32 $0xFFFFFFFF  }
0xa5: {  	s26 =	simm.s32 $execute0_lowered;
	[smem:$0x3FD2] =	sst s25  }
0xa6: {  	s4 =	sshll.u32 s26, $0x1;
	_ =	strace $0x8000004C;
	[dreg:$0x1] =	wrdreg $0xFFFFFFFF  }
0xa7: {  	s28 =	simm.s32 $_size_execute0_lowered;
	s2 =	sadd.s32 s2, s4;
	[dreg:$0x0] =	wrdreg $0x0  }
0xa8: {  	s4 =	sshll.u32 s28, $0x1;
	[dreg:$0x2] =	wrdreg s2  }
0xa9: {  	[dreg:$0x3] =	wrdreg s4  }
0xaa: {  	[dreg:$0x4] =	wrdreg $0xC0  }
0xab: {  	_ =	task [dreg:s6], $0x5FFFF  }
0xac: {  	[dreg:$0x1] =	wrdreg $0xFFFFFFFF  }
0xad: {  	[dreg:$0x0] =	wrdreg $0x60  }
0xae: {  	[dreg:$0x2] =	wrdreg s24  }
0xaf: {  	[dreg:$0x3] =	wrdreg $0xAB000  }
0xb0: {  	[dreg:$0x4] =	wrdreg $0xAF000  }
0xb1: {  	[dreg:$0x5] =	wrdreg $0x9  }
0xb2: {  	_ =	task.clear_ibuf [dreg:s6], $0x6FFFF;
	_ =	strace $0x9000004C  }
0xb3: {  	s29 =	simm.s32 $0x9;
	_ =	strace $0x8000004E  }
0xb4: {  	_ =	swait.ge [sflag:s29], $0x1  }
0xb5: {  	[sflag:s29] =	ssyncadd.s32 $0xFFFFFFFF  }
0xb6: {  	_ =	strace $0x9000004E  }
0xb7: {  	_ =	sfence  }
0xb8: {  	s30 =	sld [smem:$0x0];
	_ =	sdelay $0x2  }
0xb9: {  	s31 =	sshll.u32 s1, $0xD;
	s1 =	sshrl.u32 s1, $0x2  }
0xba: {  	s3 =	sand.u32 $0x4000, s31;
	s1 =	sadd.s32 s1, s30  }
0xbb: {  	s0 =	sor.u32 s3, s0;
	s1 =	sshll.u32 s1, $0x11  }
0xbc: {  	s0 =	sor.u32 s1, s0  }
0xbd: {  	s0 =	sadd.s32 $0x8F2B, s0  }
0xbe: {  	[sflag:s0] =	ssyncadd.remote.s32 $0x1  }
0xbf: {  	_ =	sfence.sel $0xFFFF  }
0xc0: {  	[dreg:$0x0] =	wrdreg $0xFFFFFFFF;
	(pc) =	sbr.abs _section_cstart, $3  }
0xc1: {  	[dreg:$0x1] =	wrdreg $0xFFFFFFFF  }
0xc2: {  	_ =	task.clear_ibuf [dreg:s6], $0x2FFFF;
	_ =	strace $0x9FFFFFFF  }
0xc3: {  	(tm) =	ssettm $0x7FFFFFFF  }
tec
execute0_lowered:
.L_overlay_start_1:
0x0: {  	(tag) =	ssettag $0x1  }
0x1: {  	s0 =	rddreg [dreg:$0x0]  }
0x2: {  	s2 =	rddreg [dreg:$0x1]  }
0x3: {  	s3 =	rddreg [dreg:$0x2]  }
0x4: {  	s16 =	stileid.u32;
	s1 =	srdreg.scid  }
0x5: {  	s6 =	simm.s32 $0x0;
	s28 =	simm.s32 $0xAA80;
	s29 =	simm.s32 $0x3  }
0x6: {  	s30 =	simm.s32 $0x4;
	s1 =	sand.u32 $0x1, s1;
	s5 =	smul.u32 $0x2780, s16  }
0x7: {  	s4 =	sshll.u32 s16, $0x1;
	[smem:$0x7FF] =	sst s6;
	s8 =	smul.u32 $0x4F000, s16  }
0x8: {  	s11 =	sadd.s32 $0x34E00, s0;
	s6 =	sshll.u32 s16, $0x6;
	s13 =	smul.u32 $0x14000, s16  }
0x9: {  	s22 =	sshll.u32 s16, $0x3;
	s23 =	sshll.u32 s16, $0xA;
	s24 =	smul.u32 $0x2800, s16  }
0xa: {  	s4 =	sor.u32 s1, s4;
	_ =	strace $0x8000004D;
	s15 =	smul.u32 $0xA000, s1  }
0xb: {  	s7 =	ssub.s32 $0x2, s1;
	s21 =	sor.u32 $0x1C05, s6;
	s1 =	smul.u32 $0x1400, s1  }
0xc: {  	s14 =	sor.u32 $0x4, s22;
	v0 =	vmov s22;
	s22 =	simm.s32 $0xA800;
	s18 =	smul.u32 $0x500, s4  }
0xd: {  	s5 =	sadd.s32 s5, s0;
	s19 =	sshrl.u32 s7, $0x1;
	s12 =	smul.u32 $0xA000, s4  }
0xe: {  	s20 =	sshrl.u32 s8, $0x2;
	[dreg:$0x5] =	wrdreg s21;
	s4 =	smul.u32 $0x1400, s4  }
0xf: {  	s10 =	sshll.u32 s14, $0x7;
	s21 =	simm.s32 $0x6800;
	s7 =	ssub.s32 s7, s19  }
0x10: {  	s8 =	sadd.s32 s20, s3;
	s5 =	sadd.s32 $0x2E00, s5;
	s10 =	sadd.s32 s10, s2  }
0x11: {  	s25 =	sadd.s32 s15, s13;
	s19 =	simm.s32 $0x80;
	s20 =	simm.s32 $0x2800  }
0x12: {  	s9 =	sadd.s32 s18, s0;
	[dreg:$0x4] =	wrdreg s5;
	s0 =	sadd.s32 $0x34E40, s0  }
0x13: {  	s7 =	smax.u32 s7, $0x1;
	s4 =	sadd.s32 s11, s4;
	s12 =	sshrl.u32 s12, $0x3  }
0x14: {  	s31 =	sshrl.u32 s8, $0x3;
	s18 =	simm.s32 $0x5;
	[dreg:$0x7] =	wrdreg s7  }
0x15: {  	s9 =	sadd.s32 $0x2AE00, s9;
	[dreg:$0x8] =	wrdreg s4;
	s7 =	sadd.s32 s24, s11  }
0x16: {  	s4 =	sor.u32 $0x400, s25;
	s13 =	sadd.s32 s12, s0;
	[dreg:$0xa] =	wrdreg s31  }
0x17: {  	s24 =	simm.s32 $0xAA00;
	[dreg:$0x6] =	wrdreg s9;
	s9 =	sadd.s32 s23, s2  }
0x18: {  	v8 =	vimm.f32 $0.0e+00;
	v1 =	vor.u32 $0x1, v0;
	s1 =	sadd.s32 s1, s7;
	s4 =	sshrl.u32 s4, $0x3;
	s26 =	sadd.s32 $0x1380, s13  }
0x19: {  	v2 =	vmov s14;
	v3 =	vor.u32 $0x2, v0;
	v4 =	vor.u32 $0x3, v0;
	s23 =	simm.s32 $0x1;
	[dreg:$0x9] =	wrdreg s26;
	s15 =	sadd.s32 $0x80, s1  }
0x1a: {  	v5 =	vor.u32 $0x1, v2;
	v6 =	vor.u32 $0x2, v2;
	v7 =	vor.u32 $0x3, v2;
	s16 =	sadd.s32 s4, s0;
	s26 =	simm.s32 $0x2;
	s0 =	simm.s32 $0x0  }
.LBB2_1:
0x1b: {  	s1 =	rddreg [dreg:$0x4]  }
0x1c: {  	s4 =	rddreg [dreg:$0x5]  }
0x1d: {  	s5 =	rddreg [dreg:$0xa]  }
0x1e: {  	[spmem:s5], [sflag:s4] =	dma.local [hbm:s1], $0x2780  }
0x1f: {  	_ =	swait.ge [sflag:s18], $0x2780  }
0x20: {  	[sflag:s18] =	ssyncset.done $0x0  }
0x21: {  	s7 =	simm.s32 $0x0;
	s8 =	rddreg [dreg:$0x6];
	[sflag:s18] =	ssyncadd.s32 $0xFFFFD880  }
0x22: {  	[tilespmem:s7], [sflag:$0x5] =	stream.linear.gather [hbm4b:s8+s7], $0x2800, $0x38;
	[tilespmem:$0x1EB00] =	vst v63  }
0x23: {  	_ =	swait.ge [sflag:s18], $0x2800  }
0x24: {  	[sflag:s18] =	ssyncset.done $0x0  }
0x25: {  	[sflag:s18] =	ssyncadd.s32 $0xFFFFD800  }
0x26: {  	[tilespmem:$0xA800] =	vst v8  }
0x27: {  	[tilespmem:$0xA810] =	vst v8  }
0x28: {  	[tilespmem:$0xA820] =	vst v8  }
0x29: {  	[tilespmem:$0xA830] =	vst v8  }
0x2a: {  	[tilespmem:$0xA840] =	vst v8  }
0x2b: {  	[tilespmem:$0xA850] =	vst v8  }
0x2c: {  	[tilespmem:$0xA860] =	vst v8  }
0x2d: {  	[tilespmem:$0xA870] =	vst v8  }
0x2e: {  	[tilespmem:$0xA880] =	vst v8  }
0x2f: {  	[tilespmem:$0xA890] =	vst v8  }
0x30: {  	[tilespmem:$0xA8A0] =	vst v8  }
0x31: {  	[tilespmem:$0xA8B0] =	vst v8  }
0x32: {  	[tilespmem:$0xA8C0] =	vst v8  }
0x33: {  	[tilespmem:$0xA8D0] =	vst v8  }
0x34: {  	[tilespmem:$0xA8E0] =	vst v8  }
0x35: {  	[tilespmem:$0xA8F0] =	vst v8  }
0x36: {  	[tilespmem:$0xA900] =	vst v8  }
0x37: {  	[tilespmem:$0xA910] =	vst v8  }
0x38: {  	[tilespmem:$0xA920] =	vst v8  }
0x39: {  	[tilespmem:$0xA930] =	vst v8  }
0x3a: {  	[tilespmem:$0xA940] =	vst v8  }
0x3b: {  	[tilespmem:$0xA950] =	vst v8  }
0x3c: {  	[tilespmem:$0xA960] =	vst v8  }
0x3d: {  	[tilespmem:$0xA970] =	vst v8  }
0x3e: {  	[tilespmem:$0xA980] =	vst v8  }
0x3f: {  	[tilespmem:$0xA990] =	vst v8  }
0x40: {  	[tilespmem:$0xA9A0] =	vst v8  }
0x41: {  	[tilespmem:$0xA9B0] =	vst v8  }
0x42: {  	[tilespmem:$0xA9C0] =	vst v8  }
0x43: {  	[tilespmem:$0xA9D0] =	vst v8  }
0x44: {  	[tilespmem:$0xA9E0] =	vst v8  }
0x45: {  	[tilespmem:$0xA9F0] =	vst v8  }
0x46: {  	[tilespmem:$0xAA00] =	vst v0  }
0x47: {  	[tilespmem:$0xAA10] =	vst v0  }
0x48: {  	[tilespmem:$0xAA20] =	vst v1  }
0x49: {  	[tilespmem:$0xAA30] =	vst v1  }
0x4a: {  	[tilespmem:$0xAA40] =	vst v3  }
0x4b: {  	[tilespmem:$0xAA50] =	vst v3  }
0x4c: {  	[tilespmem:$0xAA60] =	vst v4  }
0x4d: {  	[tilespmem:$0xAA70] =	vst v4  }
0x4e: {  	[tilespmem:$0xAA80] =	vst v2  }
0x4f: {  	[tilespmem:$0xAA90] =	vst v2  }
0x50: {  	[tilespmem:$0xAAA0] =	vst v5  }
0x51: {  	[tilespmem:$0xAAB0] =	vst v5  }
0x52: {  	[tilespmem:$0xAAC0] =	vst v6  }
0x53: {  	[tilespmem:$0xAAD0] =	vst v6  }
0x54: {  	[tilespmem:$0xAAE0] =	vst v7  }
0x55: {  	[tilespmem:$0xAAF0] =	vst v7  }
0x56: {  	[bflag:$0x0] =	sbarrier.arrive $0xFFFF  }
0x57: {  	[tilespmem:s20], [sflag:$0x1] =	stream.indirect.gather [spmem:s3], $0x80, s7, s19, $0xb8;
	[tilespmem:$0x1EB00] =	vst v63  }
0x58: {  	_ = 	snop  }
0x59: {  	[tilespmem:s21], [sflag:$0x2] =	stream.indirect.gather [spmem:s3], $0x80, s19, s19, $0xb8;
	[tilespmem:$0x1EB00] =	vst v63  }
0x5a: {  	_ = 	snop  }
0x5b: {  	[spmem:s9] =	stream.linear.scatter [tilespmem:s22], [sflag:$0x5], $0x200, $0x38;
	[tilespmem:$0x1EB00] =	vst v63  }
0x5c: {  	_ =	swait.ge [sflag:s18], $0x200  }
0x5d: {  	[sflag:s18] =	ssyncset.done $0x0  }
0x5e: {  	[sflag:s18] =	ssyncadd.s32 $0xFFFFFE00  }
0x5f: {  	_ =	swait.ge [sflag:s23], $0x4000  }
0x60: {  	[sflag:s23] =	ssyncset.done $0x0  }
0x61: {  	[sflag:s23] =	ssyncadd.s32 $0xFFFFC000  }
0x62: {  	[spmem:s2] =	stream.indirect.scatter.add.f32 [tilespmem:s20], [sflag:$0x5], $0x80, s24, s19, $0xb8;
	[tilespmem:$0x1EB00] =	vst v63  }
0x63: {  	_ =	swait.ge [sflag:s18], $0x4000  }
0x64: {  	s31 =	sshrl.u32 s9, $0x3;
	s12 =	simm.s32 $0x100;
	[sflag:s18] =	ssyncset.done $0x0  }
0x65: {  	s1 =	sor.u32 $0x1C03, s6;
	s11 =	rddreg [dreg:$0x8];
	[sflag:s18] =	ssyncadd.s32 $0xFFFFC000  }
0x66: {  	[hbm:s11], [sflag:s1] =	dma.local [spmem:s31], $0x40  }
0x67: {  	[tilespmem:s20], [sflag:$0x1] =	stream.indirect.gather [spmem:s3], $0x80, s12, s19, $0xb8;
	[tilespmem:$0x1EB00] =	vst v63  }
0x68: {  	_ = 	snop  }
0x69: {  	[spmem:s10] =	stream.linear.scatter [tilespmem:s22], [sflag:$0x5], $0x200, $0x38;
	[tilespmem:$0x1EB00] =	vst v63  }
0x6a: {  	_ =	swait.ge [sflag:s18], $0x200  }
0x6b: {  	[sflag:s18] =	ssyncset.done $0x0  }
0x6c: {  	[sflag:s18] =	ssyncadd.s32 $0xFFFFFE00  }
0x6d: {  	_ =	swait.ge [sflag:s26], $0x4000  }
0x6e: {  	[sflag:s26] =	ssyncset.done $0x0  }
0x6f: {  	[sflag:s26] =	ssyncadd.s32 $0xFFFFC000  }
0x70: {  	[spmem:s2] =	stream.indirect.scatter.add.f32 [tilespmem:s21], [sflag:$0x5], $0x80, s28, s19, $0xb8;
	[tilespmem:$0x1EB00] =	vst v63  }
0x71: {  	_ =	swait.ge [sflag:s18], $0x4000  }
0x72: {  	s25 =	sor.u32 $0x1C04, s6;
	[sflag:s18] =	ssyncset.done $0x0  }
0x73: {  	s14 =	simm.s32 $0x180;
	s4 =	sshrl.u32 s10, $0x3;
	[sflag:s18] =	ssyncadd.s32 $0xFFFFC000  }
0x74: {  	[hbm:s13], [sflag:s25] =	dma.local [spmem:s4], $0x40  }
0x75: {  	[tilespmem:s21], [sflag:$0x2] =	stream.indirect.gather [spmem:s3], $0x80, s14, s19, $0xb8;
	[tilespmem:$0x1EB00] =	vst v63  }
0x76: {  	_ =	swait.ge [sflag:s29], $0x40  }
0x77: {  	[sflag:s29] =	ssyncset.done $0x0  }
0x78: {  	[sflag:s29] =	ssyncadd.s32 $0xFFFFFFC0  }
0x79: {  	[spmem:s9] =	stream.linear.scatter [tilespmem:s22], [sflag:$0x5], $0x200, $0x38;
	[tilespmem:$0x1EB00] =	vst v63  }
0x7a: {  	_ =	swait.ge [sflag:s18], $0x200  }
0x7b: {  	[sflag:s18] =	ssyncset.done $0x0  }
0x7c: {  	[sflag:s18] =	ssyncadd.s32 $0xFFFFFE00  }
0x7d: {  	_ =	swait.ge [sflag:s23], $0x4000  }
0x7e: {  	[sflag:s23] =	ssyncset.done $0x0  }
0x7f: {  	[sflag:s23] =	ssyncadd.s32 $0xFFFFC000  }
0x80: {  	[spmem:s2] =	stream.indirect.scatter.add.f32 [tilespmem:s20], [sflag:$0x5], $0x80, s24, s19, $0xb8;
	[tilespmem:$0x1EB00] =	vst v63  }
0x81: {  	_ =	swait.ge [sflag:s18], $0x4000  }
0x82: {  	[sflag:s18] =	ssyncset.done $0x0  }
0x83: {  	s17 =	simm.s32 $0x200;
	s7 =	sadd.s32 $0x0, s15;
	[sflag:s18] =	ssyncadd.s32 $0xFFFFC000  }
0x84: {  	[hbm:s7], [sflag:s1] =	dma.local [spmem:s31], $0x40  }
0x85: {  	[tilespmem:s20], [sflag:$0x1] =	stream.indirect.gather [spmem:s3], $0x80, s17, s19, $0xb8;
	[tilespmem:$0x1EB00] =	vst v63  }
0x86: {  	_ =	swait.ge [sflag:s30], $0x40  }
0x87: {  	[sflag:s30] =	ssyncset.done $0x0  }
0x88: {  	[sflag:s30] =	ssyncadd.s32 $0xFFFFFFC0  }
0x89: {  	[spmem:s10] =	stream.linear.scatter [tilespmem:s22], [sflag:$0x5], $0x200, $0x38;
	[tilespmem:$0x1EB00] =	vst v63  }
0x8a: {  	_ =	swait.ge [sflag:s18], $0x200  }
0x8b: {  	[sflag:s18] =	ssyncset.done $0x0  }
0x8c: {  	[sflag:s18] =	ssyncadd.s32 $0xFFFFFE00  }
0x8d: {  	_ =	swait.ge [sflag:s26], $0x4000  }
0x8e: {  	[sflag:s26] =	ssyncset.done $0x0  }
0x8f: {  	[sflag:s26] =	ssyncadd.s32 $0xFFFFC000  }
0x90: {  	[spmem:s2] =	stream.indirect.scatter.add.f32 [tilespmem:s21], [sflag:$0x5], $0x80, s28, s19, $0xb8;
	[tilespmem:$0x1EB00] =	vst v63  }
0x91: {  	s5 =	simm.s32 $0x100;
	s8 =	simm.s32 $0x300;
	_ =	swait.ge [sflag:s18], $0x4000  }
0x92: {  	s11 =	simm.s32 $0x280;
	s12 =	simm.s32 $0x400;
	[sflag:s18] =	ssyncset.done $0x0  }
0x93: {  	s14 =	sadd.s32 $0x0, s16;
	s7 =	simm.s32 $0x80;
	[sflag:s18] =	ssyncadd.s32 $0xFFFFC000  }
.LBB2_2:
0x94: {  	[hbm:s14], [sflag:s25] =	dma.local [spmem:s4], $0x40  }
0x95: {  	s14 =	smov.u32 s7;
	s7 =	smov.u32 s5  }
0x96: {  	[tilespmem:s21], [sflag:$0x2] =	stream.indirect.gather [spmem:s3], $0x80, s11, s19, $0xb8;
	[tilespmem:$0x1EB00] =	vst v63  }
0x97: {  	s5 =	sadd.s32 $0x80, s5;
	s11 =	sadd.s32 $0xFFFFFF80, s12;
	_ =	swait.ge [sflag:s29], $0x40  }
0x98: {  	p0 =	sne.s32 s5, $0x1300;
	[sflag:s29] =	ssyncset.done $0x0  }
0x99: {  	[sflag:s29] =	ssyncadd.s32 $0xFFFFFFC0  }
0x9a: {  	[spmem:s9] =	stream.linear.scatter [tilespmem:s22], [sflag:$0x5], $0x200, $0x38;
	[tilespmem:$0x1EB00] =	vst v63  }
0x9b: {  	_ =	swait.ge [sflag:s18], $0x200  }
0x9c: {  	[sflag:s18] =	ssyncset.done $0x0  }
0x9d: {  	[sflag:s18] =	ssyncadd.s32 $0xFFFFFE00  }
0x9e: {  	_ =	swait.ge [sflag:s23], $0x4000  }
0x9f: {  	[sflag:s23] =	ssyncset.done $0x0  }
0xa0: {  	[sflag:s23] =	ssyncadd.s32 $0xFFFFC000  }
0xa1: {  	[spmem:s2] =	stream.indirect.scatter.add.f32 [tilespmem:s20], [sflag:$0x5], $0x80, s24, s19, $0xb8;
	[tilespmem:$0x1EB00] =	vst v63  }
0xa2: {  	_ =	swait.ge [sflag:s18], $0x4000  }
0xa3: {  	[sflag:s18] =	ssyncset.done $0x0  }
0xa4: {  	s17 =	sadd.s32 s14, s15;
	[sflag:s18] =	ssyncadd.s32 $0xFFFFC000  }
0xa5: {  	[hbm:s17], [sflag:s1] =	dma.local [spmem:s31], $0x40  }
0xa6: {  	[tilespmem:s20], [sflag:$0x1] =	stream.indirect.gather [spmem:s3], $0x80, s8, s19, $0xb8;
	[tilespmem:$0x1EB00] =	vst v63  }
0xa7: {  	s8 =	smov.u32 s12;
	_ =	swait.ge [sflag:s30], $0x40  }
0xa8: {  	[sflag:s30] =	ssyncset.done $0x0  }
0xa9: {  	[sflag:s30] =	ssyncadd.s32 $0xFFFFFFC0  }
0xaa: {  	[spmem:s10] =	stream.linear.scatter [tilespmem:s22], [sflag:$0x5], $0x200, $0x38;
	[tilespmem:$0x1EB00] =	vst v63  }
0xab: {  	_ =	swait.ge [sflag:s18], $0x200  }
0xac: {  	[sflag:s18] =	ssyncset.done $0x0  }
0xad: {  	[sflag:s18] =	ssyncadd.s32 $0xFFFFFE00  }
0xae: {  	_ =	swait.ge [sflag:s26], $0x4000  }
0xaf: {  	[sflag:s26] =	ssyncset.done $0x0  }
.Ltmp0:
0xb0: {  	[sflag:s26] =	ssyncadd.s32 $0xFFFFC000;
	(pc) =	sbr.rel @p0 .LBB2_2-.Ltmp0, $4  }
0xb1: {  	[spmem:s2] =	stream.indirect.scatter.add.f32 [tilespmem:s21], [sflag:$0x5], $0x80, s28, s19, $0xb8;
	[tilespmem:$0x1EB00] =	vst v63  }
0xb2: {  	_ =	swait.ge [sflag:s18], $0x4000  }
0xb3: {  	[sflag:s18] =	ssyncset.done $0x0  }
0xb4: {  	s14 =	sadd.s32 s14, s16;
	s12 =	sadd.s32 $0x100, s12;
	[sflag:s18] =	ssyncadd.s32 $0xFFFFC000  }
0xb5: {  	[hbm:s14], [sflag:s25] =	dma.local [spmem:s4], $0x40  }
0xb6: {  	[tilespmem:s21], [sflag:$0x2] =	stream.indirect.gather [spmem:s3], $0x80, s11, s19, $0xb8;
	[tilespmem:$0x1EB00] =	vst v63  }
0xb7: {  	_ =	swait.ge [sflag:s29], $0x40  }
0xb8: {  	[sflag:s29] =	ssyncset.done $0x0  }
0xb9: {  	[sflag:s29] =	ssyncadd.s32 $0xFFFFFFC0  }
0xba: {  	[spmem:s9] =	stream.linear.scatter [tilespmem:s22], [sflag:$0x5], $0x200, $0x38;
	[tilespmem:$0x1EB00] =	vst v63  }
0xbb: {  	_ =	swait.ge [sflag:s18], $0x200  }
0xbc: {  	[sflag:s18] =	ssyncset.done $0x0  }
0xbd: {  	[sflag:s18] =	ssyncadd.s32 $0xFFFFFE00  }
0xbe: {  	_ =	swait.ge [sflag:s23], $0x4000  }
0xbf: {  	[sflag:s23] =	ssyncset.done $0x0  }
0xc0: {  	[sflag:s23] =	ssyncadd.s32 $0xFFFFC000  }
0xc1: {  	[spmem:s2] =	stream.indirect.scatter.add.f32 [tilespmem:s20], [sflag:$0x5], $0x80, s24, s19, $0xb8;
	[tilespmem:$0x1EB00] =	vst v63  }
0xc2: {  	_ =	swait.ge [sflag:s18], $0x4000  }
0xc3: {  	[sflag:s18] =	ssyncset.done $0x0  }
0xc4: {  	s17 =	sadd.s32 s7, s15;
	[sflag:s18] =	ssyncadd.s32 $0xFFFFC000  }
0xc5: {  	[hbm:s17], [sflag:s1] =	dma.local [spmem:s31], $0x40  }
0xc6: {  	[tilespmem:s20], [sflag:$0x1] =	stream.indirect.gather [spmem:s3], $0x80, s8, s19, $0xb8;
	[tilespmem:$0x1EB00] =	vst v63  }
0xc7: {  	_ =	swait.ge [sflag:s30], $0x40  }
0xc8: {  	[sflag:s30] =	ssyncset.done $0x0  }
0xc9: {  	[sflag:s30] =	ssyncadd.s32 $0xFFFFFFC0  }
0xca: {  	[spmem:s10] =	stream.linear.scatter [tilespmem:s22], [sflag:$0x5], $0x200, $0x38;
	[tilespmem:$0x1EB00] =	vst v63  }
0xcb: {  	_ =	swait.ge [sflag:s18], $0x200  }
0xcc: {  	[sflag:s18] =	ssyncset.done $0x0  }
0xcd: {  	[sflag:s18] =	ssyncadd.s32 $0xFFFFFE00  }
0xce: {  	_ =	swait.ge [sflag:s26], $0x4000  }
0xcf: {  	[sflag:s26] =	ssyncset.done $0x0  }
0xd0: {  	[sflag:s26] =	ssyncadd.s32 $0xFFFFC000  }
0xd1: {  	[spmem:s2] =	stream.indirect.scatter.add.f32 [tilespmem:s21], [sflag:$0x5], $0x80, s28, s19, $0xb8;
	[tilespmem:$0x1EB00] =	vst v63  }
0xd2: {  	_ =	swait.ge [sflag:s18], $0x4000  }
0xd3: {  	[sflag:s18] =	ssyncset.done $0x0  }
0xd4: {  	s12 =	sadd.s32 s7, s16;
	s14 =	simm.s32 $0x2780;
	[sflag:s18] =	ssyncadd.s32 $0xFFFFC000  }
0xd5: {  	[hbm:s12], [sflag:s25] =	dma.local [spmem:s4], $0x40  }
0xd6: {  	[tilespmem:s21], [sflag:$0x2] =	stream.indirect.gather [spmem:s3], $0x80, s14, s19, $0xb8;
	[tilespmem:$0x1EB00] =	vst v63  }
0xd7: {  	_ =	swait.ge [sflag:s29], $0x40  }
0xd8: {  	[sflag:s29] =	ssyncset.done $0x0  }
0xd9: {  	[sflag:s29] =	ssyncadd.s32 $0xFFFFFFC0  }
0xda: {  	[spmem:s9] =	stream.linear.scatter [tilespmem:s22], [sflag:$0x5], $0x200, $0x38;
	[tilespmem:$0x1EB00] =	vst v63  }
0xdb: {  	_ =	swait.ge [sflag:s18], $0x200  }
0xdc: {  	[sflag:s18] =	ssyncset.done $0x0  }
0xdd: {  	[sflag:s18] =	ssyncadd.s32 $0xFFFFFE00  }
0xde: {  	_ =	swait.ge [sflag:s23], $0x4000  }
0xdf: {  	[sflag:s23] =	ssyncset.done $0x0  }
0xe0: {  	[sflag:s23] =	ssyncadd.s32 $0xFFFFC000  }
0xe1: {  	[spmem:s2] =	stream.indirect.scatter.add.f32 [tilespmem:s20], [sflag:$0x5], $0x80, s24, s19, $0xb8;
	[tilespmem:$0x1EB00] =	vst v63  }
0xe2: {  	_ =	swait.ge [sflag:s18], $0x4000  }
0xe3: {  	[sflag:s18] =	ssyncset.done $0x0  }
0xe4: {  	s5 =	sadd.s32 s5, s15;
	[sflag:s18] =	ssyncadd.s32 $0xFFFFC000  }
0xe5: {  	[hbm:s5], [sflag:s1] =	dma.local [spmem:s31], $0x40  }
0xe6: {  	_ =	swait.ge [sflag:s30], $0x40  }
0xe7: {  	[sflag:s30] =	ssyncset.done $0x0  }
0xe8: {  	[sflag:s30] =	ssyncadd.s32 $0xFFFFFFC0  }
0xe9: {  	[spmem:s10] =	stream.linear.scatter [tilespmem:s22], [sflag:$0x5], $0x200, $0x38;
	[tilespmem:$0x1EB00] =	vst v63  }
0xea: {  	_ =	swait.ge [sflag:s18], $0x200  }
0xeb: {  	[sflag:s18] =	ssyncset.done $0x0  }
0xec: {  	[sflag:s18] =	ssyncadd.s32 $0xFFFFFE00  }
0xed: {  	_ =	swait.ge [sflag:s26], $0x4000  }
0xee: {  	[sflag:s26] =	ssyncset.done $0x0  }
0xef: {  	[sflag:s26] =	ssyncadd.s32 $0xFFFFC000  }
0xf0: {  	[spmem:s2] =	stream.indirect.scatter.add.f32 [tilespmem:s21], [sflag:$0x5], $0x80, s28, s19, $0xb8;
	[tilespmem:$0x1EB00] =	vst v63  }
0xf1: {  	_ =	swait.ge [sflag:s18], $0x4000  }
0xf2: {  	[sflag:s18] =	ssyncset.done $0x0  }
0xf3: {  	s17 =	rddreg [dreg:$0x9];
	[sflag:s18] =	ssyncadd.s32 $0xFFFFC000  }
0xf4: {  	[hbm:s17], [sflag:s25] =	dma.local [spmem:s4], $0x40  }
0xf5: {  	_ =	swait.ge [sflag:s29], $0x40  }
0xf6: {  	[sflag:s29] =	ssyncset.done $0x0  }
0xf7: {  	[sflag:s29] =	ssyncadd.s32 $0xFFFFFFC0  }
0xf8: {  	_ =	swait.ge [sflag:s30], $0x40  }
0xf9: {  	s0 =	sadd.s32 $0x1, s0;
	s31 =	rddreg [dreg:$0x7]  }
0xfa: {  	p0 =	sne.s32 s0, s31  }
.Ltmp1:
0xfb: {  	_ = 	snop;
	(pc) =	sbr.rel @p0 .LBB2_1-.Ltmp1, $3  }
0xfc: {  	_ =	sdelay $0x1  }
0xfd: {  	[sflag:s30] =	ssyncset.done $0x0  }
0xfe: {  	[sflag:s30] =	ssyncadd.s32 $0xFFFFFFC0  }
0xff: {  	_ =	sfence.sel $0x180000  }
0x100: {  	[bflag:$0x0] =	sbarrier.arrive $0xFFFF  }
0x101: {  	_ =	strace $0x9000004D  }
0x102: {  	s0 =	stileid.u32;
	[bflag:$0x2] =	sbarrier.arrive $0xFFFF  }
0x103: {  	p0 =	sne.s32 s0, $0x0;
	s0 =	rddreg [dreg:$0x3]  }
0x104: {  	s0 =	sadd.s32 @!p0 $0x100000, s0  }
0x105: {  	[sflag:s0] =	ssyncadd.tile.s32 @!p0 $0x1;
	_ =	shalt  }
.Lfunc_end2:
_tile_overlayer_lowered:
.L_overlay_start_2:
0x106: {  	(tag) =	ssettag $0x2  }
0x107: {  	s0 =	rddreg [dreg:$0x0];
	s2 =	stileid.u32  }
0x108: {  	s1 =	rddreg [dreg:$0x1];
	p0 =	sne.s32 s2, $0x0  }
0x109: {  	s3 =	rddreg [dreg:$0x2];
	[bflag:$0x3] =	sbarrier.arrive $0xFFFF;
	s2 =	simm.s32 @!p0 $0x1C05  }
0x10a: {  	[timem:s3], [sflag:s2] =	dma.local @!p0 [hbm:s0], s1  }
0x10b: {  	s0 =	simm.s32 @!p0 $0x5  }
0x10c: {  	_ =	swait.ge @!p0 [sflag:s0], s1  }
0x10d: {  	s1 =	ssub.s32 @!p0 $0x0, s1;
	[sflag:s0] =	ssyncset.done @!p0 $0x0  }
0x10e: {  	[sflag:s0] =	ssyncadd.s32 @!p0 s1  }
0x10f: {  	[bflag:$0x3] =	sbarrier.arrive $0xFFFF  }
0x110: {  	_ =	shalt  }

// kernel: kernel.9.cloned.1.call-start
scs
__scs_entry_jumppad:
0x0: {  	(pc) =	sbr.rel $0x88, $3  }
0x1: {  	(tag) =	ssettag $0x0;
	lr =	simm.s32 $0x1  }
0x2: {  	[smem:$0x3F99] =	sst lr;
	_ =	strace $0xD0000000  }
0x3: {  	_ = 	snop  }
0x4: {  	_ = 	snop  }
0x5: {  	_ = 	snop  }
0x6: {  	_ = 	snop  }
0x7: {  	_ = 	snop  }
__scs_overlays_trampoline_lowered:
0x8: {  	[smem:$0x3FA8] =	sst s0  }
0x9: {  	[smem:$0x3FA9] =	sst s1  }
0xa: {  	[smem:$0x3FAA] =	sst s2  }
0xb: {  	[smem:$0x3FAB] =	sst s3  }
0xc: {  	[smem:$0x3FAC] =	sst s4  }
0xd: {  	[smem:$0x3FAD] =	sst s5  }
0xe: {  	[smem:$0x3FAE] =	sst s6  }
0xf: {  	[smem:$0x3FAF] =	sst s7  }
0x10: {  	[smem:$0x3FB0] =	sst s8  }
0x11: {  	[smem:$0x3FB1] =	sst s9;
	s0 =	simm.s32 @!p0 $0x0  }
0x12: {  	s1 =	sld [smem:$0x3F97];
	s0 =	simm.s32 @p0 $0x1  }
0x13: {  	[smem:$0x3FB2] =	sst s0;
	s0 =	simm.s32 @!p1 $0x0  }
0x14: {  	s2 =	sld [smem:$0x3F96];
	s0 =	simm.s32 @p1 $0x1  }
0x15: {  	[smem:$0x3FB3] =	sst s0;
	s0 =	simm.s32 @!p2 $0x0  }
0x16: {  	s3 =	sld [smem:$0x3FDB];
	s0 =	simm.s32 @p2 $0x1  }
0x17: {  	s4 =	simm.s32 $0x1BF5;
	[smem:$0x3FB5] =	sst s0  }
0x18: {  	s0 =	sld [smem:$0x3F98];
	_ =	swait.ge [sflag:s4], $0x0  }
0x19: {  	s7 =	sld [smem:$0x3F99]  }
0x1a: {  	s8 =	sadd.s32 $0xFFFFE003, lr  }
0x1b: {  	s9 =	sadd.s32 $0xFFFFFEF7, lr;
	s5 =	simm.s32 $0xFFFFFFFF;
	p2 =	slt.u32 s8, $0xFFFFF086  }
0x1c: {  	p1 =	slt.u32 s9, $0xF7A;
	s5 =	simm.s32 @!p2 $0x0  }
0x1d: {  	s5 =	simm.s32 @p1 $0x1;
	p0 =	seq.s32 s7, s2  }
0x1e: {  	s7 =	smul.u32 @!p0 $0xF7A, s2;
	p2 =	seq.s32 @!p0 s5, $0x0  }
0x1f: {  	s9 =	smul.u32 $0xF7A, s1;
	s8 =	simm.s32 @!p0 $0x1BF5;
	p2 =	por !p2, p0  }
0x20: {  	[sflag:s8] =	ssyncset.s32 @!p0 $0xFFFFF086;
	s6 =	sadd.s32 @!p0 s3, s7;
	s7 =	simm.s32 @!p0 $0x108  }
0x21: {  	s3 =	sadd.s32 s3, s9;
	s6 =	sadd.s32 @!p0 $0x88, s6;
	s7 =	simm.s32 @p2 $0x1082  }
0x22: {  	[simem:s7], [sflag:s8] =	dma.local @!p0 [hbm:s6], $0xF7A  }
0x23: {  	s9 =	sor.u32 $0xD0000000, s2;
	s6 =	simm.s32 $0x108;
	_ =	swait.ge @!p0 [sflag:s8], $0x0  }
0x24: {  	s3 =	sadd.s32 $0x88, s3;
	s6 =	simm.s32 @!p1 $0x1082;
	[sflag:s4] =	ssyncset.s32 $0xFFFFF086  }
0x25: {  	[simem:s6], [sflag:s4] =	dma.local [hbm:s3], $0xF7A  }
0x26: {  	[smem:$0x3F99] =	sst s1;
	(tag) =	ssettag s2;
	_ =	strace s9  }
0x27: {  	s1 =	sld [smem:$0x3FA9]  }
0x28: {  	s2 =	sld [smem:$0x3FAA]  }
0x29: {  	s4 =	sld [smem:$0x3FAC]  }
0x2a: {  	p0 =	seq.s32 s5, $0x0;
	s5 =	sld [smem:$0x3FAD]  }
0x2b: {  	s6 =	sld [smem:$0x3FAE]  }
0x2c: {  	s7 =	sld [smem:$0x3FAF]  }
0x2d: {  	s3 =	simm.s32 $0x108;
	s8 =	sld [smem:$0x3FB0]  }
0x2e: {  	s3 =	simm.s32 @!p0 $0x1082;
	s9 =	sld [smem:$0x3FB1]  }
0x2f: {  	lr =	sadd.s32 s0, s3;
	s0 =	sld [smem:$0x3FA8]  }
0x30: {  	s3 =	sld [smem:$0x3FAB]  }
0x31: {  	[smem:$0x3FB4] =	sst s10  }
0x32: {  	s10 =	sld [smem:$0x3FB2];
	_ =	sdelay $0x3  }
0x33: {  	p0 =	seq.s32 s10, $0x1;
	s10 =	sld [smem:$0x3FB4];
	_ =	sdelay $0x3  }
0x34: {  	[smem:$0x3FB4] =	sst s10  }
0x35: {  	s10 =	sld [smem:$0x3FB3];
	_ =	sdelay $0x3  }
0x36: {  	p1 =	seq.s32 s10, $0x1;
	s10 =	sld [smem:$0x3FB4];
	_ =	sdelay $0x3  }
0x37: {  	[smem:$0x3FB4] =	sst s10  }
0x38: {  	s10 =	sld [smem:$0x3FB5]  }
0x39: {  	_ = 	snop;
	(pc) =	sbr.ind lr, $3  }
0x3a: {  	_ = 	snop  }
0x3b: {  	_ = 	snop  }
0x3c: {  	p2 =	seq.s32 s10, $0x1;
	s10 =	sld [smem:$0x3FB4]  }
0x3d: {  	_ =	shalt  }
0x3e: {  	_ =	shalt  }
0x3f: {  	_ =	shalt  }
0x40: {  	_ =	shalt  }
0x41: {  	_ =	shalt  }
0x42: {  	_ =	shalt  }
0x43: {  	_ =	shalt  }
0x44: {  	_ =	shalt  }
0x45: {  	_ =	shalt  }
0x46: {  	_ =	shalt  }
0x47: {  	_ =	shalt  }
0x48: {  	_ =	shalt  }
0x49: {  	_ =	shalt  }
0x4a: {  	_ =	shalt  }
0x4b: {  	_ =	shalt  }
0x4c: {  	_ =	shalt  }
0x4d: {  	_ =	shalt  }
0x4e: {  	_ =	shalt  }
0x4f: {  	_ =	shalt  }
0x50: {  	_ =	shalt  }
0x51: {  	_ =	shalt  }
0x52: {  	_ =	shalt  }
0x53: {  	_ =	shalt  }
0x54: {  	_ =	shalt  }
0x55: {  	_ =	shalt  }
0x56: {  	_ =	shalt  }
0x57: {  	_ =	shalt  }
0x58: {  	_ =	shalt  }
0x59: {  	_ =	shalt  }
0x5a: {  	_ =	shalt  }
0x5b: {  	_ =	shalt  }
0x5c: {  	_ =	shalt  }
0x5d: {  	_ =	shalt  }
0x5e: {  	_ =	shalt  }
0x5f: {  	_ =	shalt  }
0x60: {  	_ =	shalt  }
0x61: {  	_ =	shalt  }
0x62: {  	_ =	shalt  }
0x63: {  	_ =	shalt  }
0x64: {  	_ =	shalt  }
0x65: {  	_ =	shalt  }
0x66: {  	_ =	shalt  }
0x67: {  	_ =	shalt  }
0x68: {  	_ =	shalt  }
0x69: {  	_ =	shalt  }
0x6a: {  	_ =	shalt  }
0x6b: {  	_ =	shalt  }
0x6c: {  	_ =	shalt  }
0x6d: {  	_ =	shalt  }
0x6e: {  	_ =	shalt  }
0x6f: {  	_ =	shalt  }
0x70: {  	_ =	shalt  }
0x71: {  	_ =	shalt  }
0x72: {  	_ =	shalt  }
0x73: {  	_ =	shalt  }
0x74: {  	_ =	shalt  }
0x75: {  	_ =	shalt  }
0x76: {  	_ =	shalt  }
0x77: {  	_ =	shalt  }
0x78: {  	_ =	shalt  }
0x79: {  	_ =	shalt  }
0x7a: {  	_ =	shalt  }
0x7b: {  	_ =	shalt  }
0x7c: {  	_ =	shalt  }
0x7d: {  	_ =	shalt  }
0x7e: {  	_ =	shalt  }
0x7f: {  	_ =	shalt  }
0x80: {  	_ =	shalt  }
0x81: {  	_ =	shalt  }
0x82: {  	_ =	shalt  }
0x83: {  	_ =	shalt  }
0x84: {  	_ =	shalt  }
0x85: {  	_ =	shalt  }
0x86: {  	_ =	shalt  }
0x87: {  	_ =	shalt  }
.Lfunc_end0:
.L_simem_size_0:
called_computation_lowered:
.L_overlay_start_0:
0x88: {  	s2 =	sld [smem:$0x3FD9]  }
0x89: {  	s3 =	sld [smem:$0x3FFE];
	_ =	sdelay $0x1  }
0x8a: {  	s1 =	srdreg.scid  }
0x8b: {  	s0 =	sand.u32 $0x1, s1  }
0x8c: {  	s17 =	sshll.u32 s0, $0xA;
	s2 =	sadd.s32 s3, s2  }
0x8d: {  	s2 =	sadd.s32 s2, s17  }
0x8e: {  	[smem:$0x3FC0] =	sst s2  }
0x8f: {  	_ = 	snop  }
0x90: {  	s2 =	sld [smem:$0x3FC8]  }
0x91: {  	s18 =	sld [smem:$0x3FD0];
	(tm) =	ssettm $0x1  }
0x92: {  	s4 =	sld [smem:$0x3FFB];
	_ =	sdelay $0x3  }
0x93: {  	_ =	strace s4  }
0x94: {  	s4 =	sld [smem:$0x3FFC];
	_ =	sdelay $0x3  }
0x95: {  	_ =	strace s4  }
0x96: {  	s4 =	sld [smem:$0x3FFD];
	_ =	sdelay $0x3  }
0x97: {  	_ =	strace s4  }
0x98: {  	_ =	strace $0x8FFFFFFF  }
0x99: {  	s19 =	sld [smem:$0x3FDB];
	_ =	sdelay $0x1  }
0x9a: {  	s5 =	simm.s32 $_scs_section_size  }
0x9b: {  	s6 =	simm.s32 $_size__tile_overlayer_lowered;
	s7 =	simm.s32 $_tile_overlayer_lowered  }
0x9c: {  	s22 =	simm.s32 $0x1BFF;
	s21 =	sshll.u32 s7, $0x1;
	s4 =	sadd.s32 s5, s19  }
0x9d: {  	s8 =	simm.s32 $0x0;
	s20 =	sshll.u32 s6, $0x1;
	s6 =	sadd.s32 s21, s4  }
0x9e: {  	[timem:s8], [sflag:s22] =	dma.local [hbm:s6], s20  }
0x9f: {  	_ =	swait.ge [sflag:s22], s20  }
0xa0: {  	s5 =	ssub.s32 $0x0, s20;
	[sflag:s22] =	ssyncset.done $0x0  }
0xa1: {  	[sflag:s22] =	ssyncadd.s32 s5;
	_ =	sdelay $0x1  }
0xa2: {  	s23 =	simm.s32 $0x1B8B  }
0xa3: {  	_ =	swait.ge [sflag:s23], $0x1  }
0xa4: {  	[sflag:s23] =	ssyncset.done $0x0  }
0xa5: {  	s25 =	simm.s32 $0x1B8E;
	s24 =	sld [smem:$0x3FFE];
	[sflag:s23] =	ssyncadd.s32 $0xFFFFFFFF  }
0xa6: {  	s26 =	simm.s32 $execute0_lowered;
	[smem:$0x3FD2] =	sst s25  }
0xa7: {  	s6 =	sshll.u32 s26, $0x1;
	_ =	strace $0x80000046;
	[dreg:$0x1] =	wrdreg $0xFFFFFFFF  }
0xa8: {  	s28 =	simm.s32 $_size_execute0_lowered;
	s4 =	sadd.s32 s4, s6;
	[dreg:$0x0] =	wrdreg $0x0  }
0xa9: {  	s6 =	sshll.u32 s28, $0x1;
	[dreg:$0x2] =	wrdreg s4  }
0xaa: {  	[dreg:$0x3] =	wrdreg s6  }
0xab: {  	[dreg:$0x4] =	wrdreg $0xC0  }
0xac: {  	_ =	task [dreg:s8], $0x5FFFF  }
0xad: {  	[dreg:$0x1] =	wrdreg $0xFFFFFFFF  }
0xae: {  	[dreg:$0x0] =	wrdreg $0x60  }
0xaf: {  	[dreg:$0x2] =	wrdreg s2  }
0xb0: {  	[dreg:$0x3] =	wrdreg s18  }
0xb1: {  	[dreg:$0x4] =	wrdreg s24  }
0xb2: {  	[dreg:$0x5] =	wrdreg $0x12E000  }
0xb3: {  	[dreg:$0x6] =	wrdreg $0x9  }
0xb4: {  	_ =	task.clear_ibuf [dreg:s8], $0x7FFFF;
	_ =	strace $0x90000046  }
0xb5: {  	s29 =	simm.s32 $0x9;
	_ =	strace $0x80000048  }
0xb6: {  	_ =	swait.ge [sflag:s29], $0x1  }
0xb7: {  	[sflag:s29] =	ssyncadd.s32 $0xFFFFFFFF  }
0xb8: {  	_ =	strace $0x90000048  }
0xb9: {  	_ =	sfence  }
0xba: {  	s30 =	sld [smem:$0x0];
	_ =	sdelay $0x2  }
0xbb: {  	s31 =	sshll.u32 s1, $0xD;
	s1 =	sshrl.u32 s1, $0x2  }
0xbc: {  	s3 =	sand.u32 $0x4000, s31;
	s1 =	sadd.s32 s1, s30  }
0xbd: {  	s0 =	sor.u32 s3, s0;
	s1 =	sshll.u32 s1, $0x11  }
0xbe: {  	s0 =	sor.u32 s1, s0  }
0xbf: {  	s0 =	sadd.s32 $0x8F2B, s0  }
0xc0: {  	[sflag:s0] =	ssyncadd.remote.s32 $0x1  }
0xc1: {  	_ =	sfence.sel $0xFFFF  }
0xc2: {  	[dreg:$0x0] =	wrdreg $0xFFFFFFFF;
	(pc) =	sbr.abs _section_cstart, $3  }
0xc3: {  	[dreg:$0x1] =	wrdreg $0xFFFFFFFF  }
0xc4: {  	_ =	task.clear_ibuf [dreg:s8], $0x2FFFF;
	_ =	strace $0x9FFFFFFF  }
0xc5: {  	(tm) =	ssettm $0x7FFFFFFF  }
tec
execute0_lowered:
.L_overlay_start_1:
0x0: {  	(tag) =	ssettag $0x1  }
0x1: {  	s1 =	rddreg [dreg:$0x0]  }
0x2: {  	s0 =	rddreg [dreg:$0x1]  }
0x3: {  	s2 =	rddreg [dreg:$0x2]  }
0x4: {  	s3 =	rddreg [dreg:$0x3];
	s4 =	srdreg.scid  }
0x5: {  	s13 =	stileid.u32;
	s6 =	simm.s32 $0x0;
	s15 =	simm.s32 $0x5  }
0x6: {  	s16 =	simm.s32 $0x80;
	s17 =	simm.s32 $0x2800;
	s18 =	simm.s32 $0x6800  }
0x7: {  	s19 =	simm.s32 $0x100;
	s20 =	simm.s32 $0xA800;
	s29 =	simm.s32 $0x2  }
0x8: {  	s30 =	simm.s32 $0x12D00;
	s31 =	simm.s32 $0x3;
	s4 =	sand.u32 $0x1, s4  }
0x9: {  	s5 =	sshll.u32 s13, $0x1;
	s10 =	sshll.u32 s13, $0x4;
	s11 =	smul.u32 $0x14000, s13  }
0xa: {  	s21 =	sshll.u32 s13, $0xB;
	s13 =	smul.u32 $0x50, s13;
	s5 =	sor.u32 s4, s5  }
0xb: {  	s28 =	simm.s32 $0x0;
	[smem:$0x7FF] =	sst s6;
	s7 =	smul.u32 $0x500, s5  }
0xc: {  	s2 =	sadd.s32 $0x2E00, s2;
	s12 =	ssub.s32 $0x2, s4;
	s9 =	smul.u32 $0xA000, s5  }
0xd: {  	_ =	strace $0x80000047;
	s8 =	sshrl.u32 s12, $0x1;
	s5 =	smul.u32 $0x1400, s5  }
0xe: {  	s14 =	sor.u32 $0x8, s10;
	s8 =	ssub.s32 s12, s8;
	s12 =	smul.u32 $0xA000, s4  }
0xf: {  	s6 =	sadd.s32 s21, s3;
	s22 =	sshll.u32 s14, $0x7;
	s4 =	smul.u32 $0x28, s4  }
0x10: {  	s0 =	sadd.s32 s0, s7;
	s7 =	sadd.s32 s22, s3;
	s8 =	smax.u32 s8, $0x1  }
0x11: {  	s23 =	sshrl.u32 s9, $0x3;
	s5 =	sadd.s32 s2, s5;
	[dreg:$0x5] =	wrdreg s0  }
0x12: {  	s22 =	simm.s32 $0xE800;
	[dreg:$0x6] =	wrdreg s8;
	s9 =	sadd.s32 s2, s23  }
0x13: {  	s24 =	sadd.s32 s12, s11;
	s25 =	sadd.s32 $0x80, s5;
	s4 =	sadd.s32 s4, s13  }
0x14: {  	v16 =	vimm.f32 $0.0e+00;
	v0 =	vmov s10;
	s5 =	sadd.s32 $0x1380, s5;
	s23 =	simm.s32 $0x12800;
	[dreg:$0x8] =	wrdreg s25  }
0x15: {  	v1 =	vor.u32 $0x1, v0;
	v2 =	vor.u32 $0x2, v0;
	v3 =	vor.u32 $0x3, v0;
	s8 =	sor.u32 $0x800, s24;
	[dreg:$0x7] =	wrdreg s9;
	s9 =	sadd.s32 $0x1300, s9  }
0x16: {  	v4 =	vor.u32 $0x4, v0;
	v5 =	vor.u32 $0x5, v0;
	v7 =	vmov s14;
	s4 =	sshll.u32 s4, $0x7;
	[dreg:$0xa] =	wrdreg s5;
	s8 =	sshrl.u32 s8, $0x3  }
0x17: {  	v6 =	vor.u32 $0x6, v0;
	v8 =	vor.u32 $0x7, v0;
	v9 =	vor.u32 $0x1, v7;
	[dreg:$0x9] =	wrdreg s9;
	s26 =	sadd.s32 s8, s2;
	s2 =	sadd.s32 s4, s2  }
0x18: {  	v10 =	vor.u32 $0x2, v7;
	v11 =	vor.u32 $0x3, v7;
	v12 =	vor.u32 $0x4, v7;
	s0 =	simm.s32 $0x4;
	[dreg:$0xb] =	wrdreg s26;
	s2 =	sadd.s32 $0x180, s2  }
0x19: {  	v13 =	vor.u32 $0x5, v7;
	v14 =	vor.u32 $0x6, v7;
	v15 =	vor.u32 $0x7, v7;
	s24 =	simm.s32 $0x1;
	s25 =	simm.s32 $0x12C00;
	[dreg:$0xc] =	wrdreg s2  }
.LBB2_1:
0x1a: {  	s2 =	simm.s32 $0x0;
	s4 =	rddreg [dreg:$0x5]  }
0x1b: {  	[tilespmem:s2], [sflag:$0x5] =	stream.linear.gather [hbm4b:s4+s2], $0x2800, $0x38;
	[tilespmem:$0x13600] =	vst v63  }
0x1c: {  	_ =	swait.ge [sflag:s15], $0x2800  }
0x1d: {  	[sflag:s15] =	ssyncset.done $0x0  }
0x1e: {  	[sflag:s15] =	ssyncadd.s32 $0xFFFFD800  }
0x1f: {  	[tilespmem:$0x12800] =	vst v16  }
0x20: {  	[tilespmem:$0x12810] =	vst v16  }
0x21: {  	[tilespmem:$0x12820] =	vst v16  }
0x22: {  	[tilespmem:$0x12830] =	vst v16  }
0x23: {  	[tilespmem:$0x12840] =	vst v16  }
0x24: {  	[tilespmem:$0x12850] =	vst v16  }
0x25: {  	[tilespmem:$0x12860] =	vst v16  }
0x26: {  	[tilespmem:$0x12870] =	vst v16  }
0x27: {  	[tilespmem:$0x12880] =	vst v16  }
0x28: {  	[tilespmem:$0x12890] =	vst v16  }
0x29: {  	[tilespmem:$0x128A0] =	vst v16  }
0x2a: {  	[tilespmem:$0x128B0] =	vst v16  }
0x2b: {  	[tilespmem:$0x128C0] =	vst v16  }
0x2c: {  	[tilespmem:$0x128D0] =	vst v16  }
0x2d: {  	[tilespmem:$0x128E0] =	vst v16  }
0x2e: {  	[tilespmem:$0x128F0] =	vst v16  }
0x2f: {  	[tilespmem:$0x12900] =	vst v16  }
0x30: {  	[tilespmem:$0x12910] =	vst v16  }
0x31: {  	[tilespmem:$0x12920] =	vst v16  }
0x32: {  	[tilespmem:$0x12930] =	vst v16  }
0x33: {  	[tilespmem:$0x12940] =	vst v16  }
0x34: {  	[tilespmem:$0x12950] =	vst v16  }
0x35: {  	[tilespmem:$0x12960] =	vst v16  }
0x36: {  	[tilespmem:$0x12970] =	vst v16  }
0x37: {  	[tilespmem:$0x12980] =	vst v16  }
0x38: {  	[tilespmem:$0x12990] =	vst v16  }
0x39: {  	[tilespmem:$0x129A0] =	vst v16  }
0x3a: {  	[tilespmem:$0x129B0] =	vst v16  }
0x3b: {  	[tilespmem:$0x129C0] =	vst v16  }
0x3c: {  	[tilespmem:$0x129D0] =	vst v16  }
0x3d: {  	[tilespmem:$0x129E0] =	vst v16  }
0x3e: {  	[tilespmem:$0x129F0] =	vst v16  }
0x3f: {  	[tilespmem:$0x12A00] =	vst v16  }
0x40: {  	[tilespmem:$0x12A10] =	vst v16  }
0x41: {  	[tilespmem:$0x12A20] =	vst v16  }
0x42: {  	[tilespmem:$0x12A30] =	vst v16  }
0x43: {  	[tilespmem:$0x12A40] =	vst v16  }
0x44: {  	[tilespmem:$0x12A50] =	vst v16  }
0x45: {  	[tilespmem:$0x12A60] =	vst v16  }
0x46: {  	[tilespmem:$0x12A70] =	vst v16  }
0x47: {  	[tilespmem:$0x12A80] =	vst v16  }
0x48: {  	[tilespmem:$0x12A90] =	vst v16  }
0x49: {  	[tilespmem:$0x12AA0] =	vst v16  }
0x4a: {  	[tilespmem:$0x12AB0] =	vst v16  }
0x4b: {  	[tilespmem:$0x12AC0] =	vst v16  }
0x4c: {  	[tilespmem:$0x12AD0] =	vst v16  }
0x4d: {  	[tilespmem:$0x12AE0] =	vst v16  }
0x4e: {  	[tilespmem:$0x12AF0] =	vst v16  }
0x4f: {  	[tilespmem:$0x12B00] =	vst v16  }
0x50: {  	[tilespmem:$0x12B10] =	vst v16  }
0x51: {  	[tilespmem:$0x12B20] =	vst v16  }
0x52: {  	[tilespmem:$0x12B30] =	vst v16  }
0x53: {  	[tilespmem:$0x12B40] =	vst v16  }
0x54: {  	[tilespmem:$0x12B50] =	vst v16  }
0x55: {  	[tilespmem:$0x12B60] =	vst v16  }
0x56: {  	[tilespmem:$0x12B70] =	vst v16  }
0x57: {  	[tilespmem:$0x12B80] =	vst v16  }
0x58: {  	[tilespmem:$0x12B90] =	vst v16  }
0x59: {  	[tilespmem:$0x12BA0] =	vst v16  }
0x5a: {  	[tilespmem:$0x12BB0] =	vst v16  }
0x5b: {  	[tilespmem:$0x12BC0] =	vst v16  }
0x5c: {  	[tilespmem:$0x12BD0] =	vst v16  }
0x5d: {  	[tilespmem:$0x12BE0] =	vst v16  }
0x5e: {  	[tilespmem:$0x12BF0] =	vst v16  }
0x5f: {  	[tilespmem:$0x12C00] =	vst v0  }
0x60: {  	[tilespmem:$0x12C10] =	vst v0  }
0x61: {  	[tilespmem:$0x12C20] =	vst v1  }
0x62: {  	[tilespmem:$0x12C30] =	vst v1  }
0x63: {  	[tilespmem:$0x12C40] =	vst v2  }
0x64: {  	[tilespmem:$0x12C50] =	vst v2  }
0x65: {  	[tilespmem:$0x12C60] =	vst v3  }
0x66: {  	[tilespmem:$0x12C70] =	vst v3  }
0x67: {  	[tilespmem:$0x12C80] =	vst v4  }
0x68: {  	[tilespmem:$0x12C90] =	vst v4  }
0x69: {  	[tilespmem:$0x12CA0] =	vst v5  }
0x6a: {  	[tilespmem:$0x12CB0] =	vst v5  }
0x6b: {  	[tilespmem:$0x12CC0] =	vst v6  }
0x6c: {  	[tilespmem:$0x12CD0] =	vst v6  }
0x6d: {  	[tilespmem:$0x12CE0] =	vst v8  }
0x6e: {  	[tilespmem:$0x12CF0] =	vst v8  }
0x6f: {  	[tilespmem:$0x12D00] =	vst v7  }
0x70: {  	[tilespmem:$0x12D10] =	vst v7  }
0x71: {  	[tilespmem:$0x12D20] =	vst v9  }
0x72: {  	[tilespmem:$0x12D30] =	vst v9  }
0x73: {  	[tilespmem:$0x12D40] =	vst v10  }
0x74: {  	[tilespmem:$0x12D50] =	vst v10  }
0x75: {  	[tilespmem:$0x12D60] =	vst v11  }
0x76: {  	[tilespmem:$0x12D70] =	vst v11  }
0x77: {  	[tilespmem:$0x12D80] =	vst v12  }
0x78: {  	[tilespmem:$0x12D90] =	vst v12  }
0x79: {  	[tilespmem:$0x12DA0] =	vst v13  }
0x7a: {  	[tilespmem:$0x12DB0] =	vst v13  }
0x7b: {  	[tilespmem:$0x12DC0] =	vst v14  }
0x7c: {  	[tilespmem:$0x12DD0] =	vst v14  }
0x7d: {  	[tilespmem:$0x12DE0] =	vst v15  }
0x7e: {  	[tilespmem:$0x12DF0] =	vst v15  }
0x7f: {  	[tilespmem:s17], [sflag:$0x1] =	stream.indirect.gather [hbm4b:s1+s16], $0x80, s2, s16, $0xb8;
	[tilespmem:$0x13600] =	vst v63  }
0x80: {  	_ = 	snop  }
0x81: {  	[tilespmem:s18], [sflag:$0x1] =	stream.indirect.gather [hbm4b:s1+s16], $0x80, s16, s16, $0xb8;
	[tilespmem:$0x13600] =	vst v63  }
0x82: {  	_ = 	snop  }
0x83: {  	[tilespmem:s20], [sflag:$0x2] =	stream.indirect.gather [hbm4b:s1+s16], $0x80, s19, s16, $0xb8;
	[tilespmem:$0x13600] =	vst v63  }
0x84: {  	s13 =	simm.s32 $0x180  }
0x85: {  	[tilespmem:s22], [sflag:$0x2] =	stream.indirect.gather [hbm4b:s1+s16], $0x80, s13, s16, $0xb8;
	[tilespmem:$0x13600] =	vst v63  }
0x86: {  	_ = 	snop  }
0x87: {  	[spmem:s6] =	stream.linear.scatter [tilespmem:s23], [sflag:$0x5], $0x400, $0x38;
	[tilespmem:$0x13600] =	vst v63  }
0x88: {  	_ =	swait.ge [sflag:s15], $0x400  }
0x89: {  	[sflag:s15] =	ssyncset.done $0x0  }
0x8a: {  	[sflag:s15] =	ssyncadd.s32 $0xFFFFFC00  }
0x8b: {  	_ =	swait.ge [sflag:s24], $0x4000  }
0x8c: {  	[sflag:s24] =	ssyncset.done $0x0  }
0x8d: {  	[sflag:s24] =	ssyncadd.s32 $0xFFFFC000  }
0x8e: {  	_ =	swait.ge [sflag:s24], $0x4000  }
0x8f: {  	[sflag:s24] =	ssyncset.done $0x0  }
0x90: {  	[sflag:s24] =	ssyncadd.s32 $0xFFFFC000  }
0x91: {  	[spmem:s3] =	stream.indirect.scatter.add.f32 [tilespmem:s17], [sflag:$0x5], $0x80, s25, s19, $0xb8;
	[tilespmem:$0x13600] =	vst v63  }
0x92: {  	s14 =	stileid.u32;
	s26 =	sshrl.u32 s6, $0x3;
	_ =	swait.ge [sflag:s15], $0x8000  }
0x93: {  	s8 =	simm.s32 $0x200;
	s21 =	sshll.u32 s14, $0x6;
	[sflag:s15] =	ssyncset.done $0x0  }
0x94: {  	s2 =	sor.u32 $0x1C03, s21;
	s5 =	rddreg [dreg:$0x7];
	[sflag:s15] =	ssyncadd.s32 $0xFFFF8000  }
0x95: {  	[hbm:s5], [sflag:s2] =	dma.local [spmem:s26], $0x80  }
0x96: {  	[tilespmem:s17], [sflag:$0x1] =	stream.indirect.gather [hbm4b:s1+s16], $0x80, s8, s16, $0xb8;
	[tilespmem:$0x13600] =	vst v63  }
0x97: {  	s9 =	simm.s32 $0x280  }
0x98: {  	[tilespmem:s18], [sflag:$0x1] =	stream.indirect.gather [hbm4b:s1+s16], $0x80, s9, s16, $0xb8;
	[tilespmem:$0x13600] =	vst v63  }
0x99: {  	_ = 	snop  }
0x9a: {  	[spmem:s7] =	stream.linear.scatter [tilespmem:s23], [sflag:$0x5], $0x400, $0x38;
	[tilespmem:$0x13600] =	vst v63  }
0x9b: {  	_ =	swait.ge [sflag:s15], $0x400  }
0x9c: {  	[sflag:s15] =	ssyncset.done $0x0  }
0x9d: {  	[sflag:s15] =	ssyncadd.s32 $0xFFFFFC00  }
0x9e: {  	_ =	swait.ge [sflag:s29], $0x4000  }
0x9f: {  	[sflag:s29] =	ssyncset.done $0x0  }
0xa0: {  	[sflag:s29] =	ssyncadd.s32 $0xFFFFC000  }
0xa1: {  	_ =	swait.ge [sflag:s29], $0x4000  }
0xa2: {  	[sflag:s29] =	ssyncset.done $0x0  }
0xa3: {  	[sflag:s29] =	ssyncadd.s32 $0xFFFFC000  }
0xa4: {  	[spmem:s3] =	stream.indirect.scatter.add.f32 [tilespmem:s20], [sflag:$0x5], $0x80, s30, s19, $0xb8;
	[tilespmem:$0x13600] =	vst v63  }
0xa5: {  	_ =	swait.ge [sflag:s15], $0x8000  }
0xa6: {  	s11 =	simm.s32 $0x300;
	s4 =	sshrl.u32 s7, $0x3;
	[sflag:s15] =	ssyncset.done $0x0  }
0xa7: {  	s21 =	sor.u32 $0x1C04, s21;
	s10 =	rddreg [dreg:$0x8];
	[sflag:s15] =	ssyncadd.s32 $0xFFFF8000  }
0xa8: {  	[hbm:s10], [sflag:s21] =	dma.local [spmem:s4], $0x80  }
0xa9: {  	[tilespmem:s20], [sflag:$0x2] =	stream.indirect.gather [hbm4b:s1+s16], $0x80, s11, s16, $0xb8;
	[tilespmem:$0x13600] =	vst v63  }
0xaa: {  	s12 =	simm.s32 $0x380  }
0xab: {  	[tilespmem:s22], [sflag:$0x2] =	stream.indirect.gather [hbm4b:s1+s16], $0x80, s12, s16, $0xb8;
	[tilespmem:$0x13600] =	vst v63  }
0xac: {  	_ =	swait.ge [sflag:s31], $0x80  }
0xad: {  	[sflag:s31] =	ssyncset.done $0x0  }
0xae: {  	[sflag:s31] =	ssyncadd.s32 $0xFFFFFF80  }
0xaf: {  	[spmem:s6] =	stream.linear.scatter [tilespmem:s23], [sflag:$0x5], $0x400, $0x38;
	[tilespmem:$0x13600] =	vst v63  }
0xb0: {  	_ =	swait.ge [sflag:s15], $0x400  }
0xb1: {  	[sflag:s15] =	ssyncset.done $0x0  }
0xb2: {  	[sflag:s15] =	ssyncadd.s32 $0xFFFFFC00  }
0xb3: {  	_ =	swait.ge [sflag:s24], $0x4000  }
0xb4: {  	[sflag:s24] =	ssyncset.done $0x0  }
0xb5: {  	[sflag:s24] =	ssyncadd.s32 $0xFFFFC000  }
0xb6: {  	_ =	swait.ge [sflag:s24], $0x4000  }
0xb7: {  	[sflag:s24] =	ssyncset.done $0x0  }
0xb8: {  	[sflag:s24] =	ssyncadd.s32 $0xFFFFC000  }
0xb9: {  	[spmem:s3] =	stream.indirect.scatter.add.f32 [tilespmem:s17], [sflag:$0x5], $0x80, s25, s19, $0xb8;
	[tilespmem:$0x13600] =	vst v63  }
0xba: {  	_ =	swait.ge [sflag:s15], $0x8000  }
0xbb: {  	[sflag:s15] =	ssyncset.done $0x0  }
0xbc: {  	s13 =	simm.s32 $0x400;
	s8 =	rddreg [dreg:$0xb];
	[sflag:s15] =	ssyncadd.s32 $0xFFFF8000  }
0xbd: {  	[hbm:s8], [sflag:s2] =	dma.local [spmem:s26], $0x80  }
0xbe: {  	[tilespmem:s17], [sflag:$0x1] =	stream.indirect.gather [hbm4b:s1+s16], $0x80, s13, s16, $0xb8;
	[tilespmem:$0x13600] =	vst v63  }
0xbf: {  	s14 =	simm.s32 $0x480  }
0xc0: {  	[tilespmem:s18], [sflag:$0x1] =	stream.indirect.gather [hbm4b:s1+s16], $0x80, s14, s16, $0xb8;
	[tilespmem:$0x13600] =	vst v63  }
0xc1: {  	_ =	swait.ge [sflag:s0], $0x80  }
0xc2: {  	[sflag:s0] =	ssyncset.done $0x0  }
0xc3: {  	[sflag:s0] =	ssyncadd.s32 $0xFFFFFF80  }
0xc4: {  	[spmem:s7] =	stream.linear.scatter [tilespmem:s23], [sflag:$0x5], $0x400, $0x38;
	[tilespmem:$0x13600] =	vst v63  }
0xc5: {  	_ =	swait.ge [sflag:s15], $0x400  }
0xc6: {  	[sflag:s15] =	ssyncset.done $0x0  }
0xc7: {  	[sflag:s15] =	ssyncadd.s32 $0xFFFFFC00  }
0xc8: {  	_ =	swait.ge [sflag:s29], $0x4000  }
0xc9: {  	[sflag:s29] =	ssyncset.done $0x0  }
0xca: {  	[sflag:s29] =	ssyncadd.s32 $0xFFFFC000  }
0xcb: {  	_ =	swait.ge [sflag:s29], $0x4000  }
0xcc: {  	[sflag:s29] =	ssyncset.done $0x0  }
0xcd: {  	[sflag:s29] =	ssyncadd.s32 $0xFFFFC000  }
0xce: {  	[spmem:s3] =	stream.indirect.scatter.add.f32 [tilespmem:s20], [sflag:$0x5], $0x80, s30, s19, $0xb8;
	[tilespmem:$0x13600] =	vst v63  }
0xcf: {  	_ =	swait.ge [sflag:s15], $0x8000  }
0xd0: {  	s11 =	simm.s32 $0x200;
	s12 =	simm.s32 $0x1000;
	s14 =	rddreg [dreg:$0xc]  }
0xd1: {  	s8 =	sadd.s32 $0x100, s8;
	[sflag:s15] =	ssyncset.done $0x0;
	s5 =	sadd.s32 $0x100, s14  }
.LBB2_2:
0xd2: {  	s10 =	sadd.s32 $0x300, s11  }
0xd3: {  	[sflag:s15] =	ssyncadd.s32 $0xFFFF8000;
	s9 =	smov.u32 s12;
	s13 =	sadd.s32 $0x800, s12  }
0xd4: {  	[hbm:s14], [sflag:s21] =	dma.local [spmem:s4], $0x80  }
0xd5: {  	[tilespmem:s20], [sflag:$0x2] =	stream.indirect.gather [hbm4b:s1+s16], $0x80, s10, s16, $0xb8;
	[tilespmem:$0x13600] =	vst v63  }
0xd6: {  	p0 =	sne.s32 s12, $0x8800;
	s14 =	smov.u32 s5;
	s10 =	sadd.s32 $0x380, s11  }
0xd7: {  	[tilespmem:s22], [sflag:$0x2] =	stream.indirect.gather [hbm4b:s1+s16], $0x80, s10, s16, $0xb8;
	[tilespmem:$0x13600] =	vst v63  }
0xd8: {  	_ =	swait.ge [sflag:s31], $0x80  }
0xd9: {  	[sflag:s31] =	ssyncset.done $0x0  }
0xda: {  	[sflag:s31] =	ssyncadd.s32 $0xFFFFFF80  }
0xdb: {  	[spmem:s6] =	stream.linear.scatter [tilespmem:s23], [sflag:$0x5], $0x400, $0x38;
	[tilespmem:$0x13600] =	vst v63  }
0xdc: {  	_ =	swait.ge [sflag:s15], $0x400  }
0xdd: {  	[sflag:s15] =	ssyncset.done $0x0  }
0xde: {  	[sflag:s15] =	ssyncadd.s32 $0xFFFFFC00  }
0xdf: {  	_ =	swait.ge [sflag:s24], $0x4000  }
0xe0: {  	[sflag:s24] =	ssyncset.done $0x0  }
0xe1: {  	[sflag:s24] =	ssyncadd.s32 $0xFFFFC000  }
0xe2: {  	_ =	swait.ge [sflag:s24], $0x4000  }
0xe3: {  	[sflag:s24] =	ssyncset.done $0x0  }
0xe4: {  	[sflag:s24] =	ssyncadd.s32 $0xFFFFC000  }
0xe5: {  	[spmem:s3] =	stream.indirect.scatter.add.f32 [tilespmem:s17], [sflag:$0x5], $0x80, s25, s19, $0xb8;
	[tilespmem:$0x13600] =	vst v63  }
0xe6: {  	_ =	swait.ge [sflag:s15], $0x8000  }
0xe7: {  	[sflag:s15] =	ssyncset.done $0x0  }
0xe8: {  	s10 =	sadd.s32 $0x400, s11;
	[sflag:s15] =	ssyncadd.s32 $0xFFFF8000  }
0xe9: {  	[hbm:s8], [sflag:s2] =	dma.local [spmem:s26], $0x80  }
0xea: {  	[tilespmem:s17], [sflag:$0x1] =	stream.indirect.gather [hbm4b:s1+s16], $0x80, s10, s16, $0xb8;
	[tilespmem:$0x13600] =	vst v63  }
0xeb: {  	s10 =	sadd.s32 $0x480, s11  }
0xec: {  	[tilespmem:s18], [sflag:$0x1] =	stream.indirect.gather [hbm4b:s1+s16], $0x80, s10, s16, $0xb8;
	[tilespmem:$0x13600] =	vst v63  }
0xed: {  	_ =	swait.ge [sflag:s0], $0x80  }
0xee: {  	[sflag:s0] =	ssyncset.done $0x0  }
0xef: {  	[sflag:s0] =	ssyncadd.s32 $0xFFFFFF80  }
0xf0: {  	[spmem:s7] =	stream.linear.scatter [tilespmem:s23], [sflag:$0x5], $0x400, $0x38;
	[tilespmem:$0x13600] =	vst v63  }
0xf1: {  	_ =	swait.ge [sflag:s15], $0x400  }
0xf2: {  	[sflag:s15] =	ssyncset.done $0x0  }
0xf3: {  	[sflag:s15] =	ssyncadd.s32 $0xFFFFFC00  }
0xf4: {  	_ =	swait.ge [sflag:s29], $0x4000  }
0xf5: {  	[sflag:s29] =	ssyncset.done $0x0  }
0xf6: {  	[sflag:s29] =	ssyncadd.s32 $0xFFFFC000  }
0xf7: {  	_ =	swait.ge [sflag:s29], $0x4000  }
.Ltmp0:
0xf8: {  	[sflag:s29] =	ssyncset.done $0x0;
	(pc) =	sbr.rel @p0 .LBB2_2-.Ltmp0, $4  }
0xf9: {  	[sflag:s29] =	ssyncadd.s32 $0xFFFFC000  }
0xfa: {  	[spmem:s3] =	stream.indirect.scatter.add.f32 [tilespmem:s20], [sflag:$0x5], $0x80, s30, s19, $0xb8;
	[tilespmem:$0x13600] =	vst v63  }
0xfb: {  	s5 =	sadd.s32 $0x100, s5;
	s12 =	smov.u32 s13;
	_ =	swait.ge [sflag:s15], $0x8000  }
0xfc: {  	s8 =	sadd.s32 $0x100, s8;
	s11 =	sshra.s32 s9, $0x2;
	[sflag:s15] =	ssyncset.done $0x0  }
0xfd: {  	[sflag:s15] =	ssyncadd.s32 $0xFFFF8000;
	s9 =	sadd.s32 $0x300, s11  }
0xfe: {  	[hbm:s14], [sflag:s21] =	dma.local [spmem:s4], $0x80  }
0xff: {  	[tilespmem:s20], [sflag:$0x2] =	stream.indirect.gather [hbm4b:s1+s16], $0x80, s9, s16, $0xb8;
	[tilespmem:$0x13600] =	vst v63  }
0x100: {  	s14 =	sadd.s32 $0x380, s11  }
0x101: {  	[tilespmem:s22], [sflag:$0x2] =	stream.indirect.gather [hbm4b:s1+s16], $0x80, s14, s16, $0xb8;
	[tilespmem:$0x13600] =	vst v63  }
0x102: {  	_ =	swait.ge [sflag:s31], $0x80  }
0x103: {  	[sflag:s31] =	ssyncset.done $0x0  }
0x104: {  	[sflag:s31] =	ssyncadd.s32 $0xFFFFFF80  }
0x105: {  	[spmem:s6] =	stream.linear.scatter [tilespmem:s23], [sflag:$0x5], $0x400, $0x38;
	[tilespmem:$0x13600] =	vst v63  }
0x106: {  	_ =	swait.ge [sflag:s15], $0x400  }
0x107: {  	[sflag:s15] =	ssyncset.done $0x0  }
0x108: {  	[sflag:s15] =	ssyncadd.s32 $0xFFFFFC00  }
0x109: {  	_ =	swait.ge [sflag:s24], $0x4000  }
0x10a: {  	[sflag:s24] =	ssyncset.done $0x0  }
0x10b: {  	[sflag:s24] =	ssyncadd.s32 $0xFFFFC000  }
0x10c: {  	_ =	swait.ge [sflag:s24], $0x4000  }
0x10d: {  	[sflag:s24] =	ssyncset.done $0x0  }
0x10e: {  	[sflag:s24] =	ssyncadd.s32 $0xFFFFC000  }
0x10f: {  	[spmem:s3] =	stream.indirect.scatter.add.f32 [tilespmem:s17], [sflag:$0x5], $0x80, s25, s19, $0xb8;
	[tilespmem:$0x13600] =	vst v63  }
0x110: {  	_ =	swait.ge [sflag:s15], $0x8000  }
0x111: {  	[sflag:s15] =	ssyncset.done $0x0  }
0x112: {  	s9 =	sadd.s32 $0x400, s11;
	[sflag:s15] =	ssyncadd.s32 $0xFFFF8000  }
0x113: {  	[hbm:s8], [sflag:s2] =	dma.local [spmem:s26], $0x80  }
0x114: {  	[tilespmem:s17], [sflag:$0x1] =	stream.indirect.gather [hbm4b:s1+s16], $0x80, s9, s16, $0xb8;
	[tilespmem:$0x13600] =	vst v63  }
0x115: {  	s10 =	sadd.s32 $0x480, s11  }
0x116: {  	[tilespmem:s18], [sflag:$0x1] =	stream.indirect.gather [hbm4b:s1+s16], $0x80, s10, s16, $0xb8;
	[tilespmem:$0x13600] =	vst v63  }
0x117: {  	_ =	swait.ge [sflag:s0], $0x80  }
0x118: {  	[sflag:s0] =	ssyncset.done $0x0  }
0x119: {  	[sflag:s0] =	ssyncadd.s32 $0xFFFFFF80  }
0x11a: {  	[spmem:s7] =	stream.linear.scatter [tilespmem:s23], [sflag:$0x5], $0x400, $0x38;
	[tilespmem:$0x13600] =	vst v63  }
0x11b: {  	_ =	swait.ge [sflag:s15], $0x400  }
0x11c: {  	[sflag:s15] =	ssyncset.done $0x0  }
0x11d: {  	[sflag:s15] =	ssyncadd.s32 $0xFFFFFC00  }
0x11e: {  	_ =	swait.ge [sflag:s29], $0x4000  }
0x11f: {  	[sflag:s29] =	ssyncset.done $0x0  }
0x120: {  	[sflag:s29] =	ssyncadd.s32 $0xFFFFC000  }
0x121: {  	_ =	swait.ge [sflag:s29], $0x4000  }
0x122: {  	[sflag:s29] =	ssyncset.done $0x0  }
0x123: {  	[sflag:s29] =	ssyncadd.s32 $0xFFFFC000  }
0x124: {  	[spmem:s3] =	stream.indirect.scatter.add.f32 [tilespmem:s20], [sflag:$0x5], $0x80, s30, s19, $0xb8;
	[tilespmem:$0x13600] =	vst v63  }
0x125: {  	_ =	swait.ge [sflag:s15], $0x8000  }
0x126: {  	[sflag:s15] =	ssyncset.done $0x0  }
0x127: {  	s11 =	simm.s32 $0x2700;
	[sflag:s15] =	ssyncadd.s32 $0xFFFF8000  }
0x128: {  	[hbm:s5], [sflag:s21] =	dma.local [spmem:s4], $0x80  }
0x129: {  	[tilespmem:s20], [sflag:$0x2] =	stream.indirect.gather [hbm4b:s1+s16], $0x80, s11, s16, $0xb8;
	[tilespmem:$0x13600] =	vst v63  }
0x12a: {  	s12 =	simm.s32 $0x2780  }
0x12b: {  	[tilespmem:s22], [sflag:$0x2] =	stream.indirect.gather [hbm4b:s1+s16], $0x80, s12, s16, $0xb8;
	[tilespmem:$0x13600] =	vst v63  }
0x12c: {  	_ =	swait.ge [sflag:s31], $0x80  }
0x12d: {  	[sflag:s31] =	ssyncset.done $0x0  }
0x12e: {  	[sflag:s31] =	ssyncadd.s32 $0xFFFFFF80  }
0x12f: {  	[spmem:s6] =	stream.linear.scatter [tilespmem:s23], [sflag:$0x5], $0x400, $0x38;
	[tilespmem:$0x13600] =	vst v63  }
0x130: {  	_ =	swait.ge [sflag:s15], $0x400  }
0x131: {  	[sflag:s15] =	ssyncset.done $0x0  }
0x132: {  	[sflag:s15] =	ssyncadd.s32 $0xFFFFFC00  }
0x133: {  	_ =	swait.ge [sflag:s24], $0x4000  }
0x134: {  	[sflag:s24] =	ssyncset.done $0x0  }
0x135: {  	[sflag:s24] =	ssyncadd.s32 $0xFFFFC000  }
0x136: {  	_ =	swait.ge [sflag:s24], $0x4000  }
0x137: {  	[sflag:s24] =	ssyncset.done $0x0  }
0x138: {  	[sflag:s24] =	ssyncadd.s32 $0xFFFFC000  }
0x139: {  	[spmem:s3] =	stream.indirect.scatter.add.f32 [tilespmem:s17], [sflag:$0x5], $0x80, s25, s19, $0xb8;
	[tilespmem:$0x13600] =	vst v63  }
0x13a: {  	_ =	swait.ge [sflag:s15], $0x8000  }
0x13b: {  	[sflag:s15] =	ssyncset.done $0x0  }
0x13c: {  	s13 =	rddreg [dreg:$0x9];
	[sflag:s15] =	ssyncadd.s32 $0xFFFF8000  }
0x13d: {  	[hbm:s13], [sflag:s2] =	dma.local [spmem:s26], $0x80  }
0x13e: {  	_ =	swait.ge [sflag:s0], $0x80  }
0x13f: {  	[sflag:s0] =	ssyncset.done $0x0  }
0x140: {  	[sflag:s0] =	ssyncadd.s32 $0xFFFFFF80  }
0x141: {  	[spmem:s7] =	stream.linear.scatter [tilespmem:s23], [sflag:$0x5], $0x400, $0x38;
	[tilespmem:$0x13600] =	vst v63  }
0x142: {  	_ =	swait.ge [sflag:s15], $0x400  }
0x143: {  	[sflag:s15] =	ssyncset.done $0x0  }
0x144: {  	[sflag:s15] =	ssyncadd.s32 $0xFFFFFC00  }
0x145: {  	_ =	swait.ge [sflag:s29], $0x4000  }
0x146: {  	[sflag:s29] =	ssyncset.done $0x0  }
0x147: {  	[sflag:s29] =	ssyncadd.s32 $0xFFFFC000  }
0x148: {  	_ =	swait.ge [sflag:s29], $0x4000  }
0x149: {  	[sflag:s29] =	ssyncset.done $0x0  }
0x14a: {  	[sflag:s29] =	ssyncadd.s32 $0xFFFFC000  }
0x14b: {  	[spmem:s3] =	stream.indirect.scatter.add.f32 [tilespmem:s20], [sflag:$0x5], $0x80, s30, s19, $0xb8;
	[tilespmem:$0x13600] =	vst v63  }
0x14c: {  	_ =	swait.ge [sflag:s15], $0x8000  }
0x14d: {  	[sflag:s15] =	ssyncset.done $0x0  }
0x14e: {  	s14 =	rddreg [dreg:$0xa];
	[sflag:s15] =	ssyncadd.s32 $0xFFFF8000  }
0x14f: {  	[hbm:s14], [sflag:s21] =	dma.local [spmem:s4], $0x80  }
0x150: {  	_ =	swait.ge [sflag:s31], $0x80  }
0x151: {  	[sflag:s31] =	ssyncset.done $0x0  }
0x152: {  	[sflag:s31] =	ssyncadd.s32 $0xFFFFFF80  }
0x153: {  	_ =	swait.ge [sflag:s0], $0x80  }
0x154: {  	s28 =	sadd.s32 $0x1, s28;
	s26 =	rddreg [dreg:$0x6]  }
0x155: {  	p0 =	sne.s32 s28, s26  }
.Ltmp1:
0x156: {  	_ = 	snop;
	(pc) =	sbr.rel @p0 .LBB2_1-.Ltmp1, $3  }
0x157: {  	_ =	sdelay $0x1  }
0x158: {  	[sflag:s0] =	ssyncset.done $0x0  }
0x159: {  	[sflag:s0] =	ssyncadd.s32 $0xFFFFFF80  }
0x15a: {  	_ =	sfence.sel $0x180000  }
0x15b: {  	[bflag:$0x0] =	sbarrier.arrive $0xFFFF  }
0x15c: {  	_ =	strace $0x90000047  }
0x15d: {  	s0 =	stileid.u32;
	[bflag:$0x2] =	sbarrier.arrive $0xFFFF  }
0x15e: {  	p0 =	sne.s32 s0, $0x0;
	s0 =	rddreg [dreg:$0x4]  }
0x15f: {  	s0 =	sadd.s32 @!p0 $0x100000, s0  }
0x160: {  	[sflag:s0] =	ssyncadd.tile.s32 @!p0 $0x1;
	_ =	shalt  }
.Lfunc_end2:
_tile_overlayer_lowered:
.L_overlay_start_2:
0x161: {  	(tag) =	ssettag $0x2  }
0x162: {  	s0 =	rddreg [dreg:$0x0];
	s2 =	stileid.u32  }
0x163: {  	s1 =	rddreg [dreg:$0x1];
	p0 =	sne.s32 s2, $0x0  }
0x164: {  	s3 =	rddreg [dreg:$0x2];
	[bflag:$0x3] =	sbarrier.arrive $0xFFFF;
	s2 =	simm.s32 @!p0 $0x1C05  }
0x165: {  	[timem:s3], [sflag:s2] =	dma.local @!p0 [hbm:s0], s1  }
0x166: {  	s0 =	simm.s32 @!p0 $0x5  }
0x167: {  	_ =	swait.ge @!p0 [sflag:s0], s1  }
0x168: {  	s1 =	ssub.s32 @!p0 $0x0, s1;
	[sflag:s0] =	ssyncset.done @!p0 $0x0  }
0x169: {  	[sflag:s0] =	ssyncadd.s32 @!p0 s1  }
0x16a: {  	[bflag:$0x3] =	sbarrier.arrive $0xFFFF  }
0x16b: {  	_ =	shalt  }

</sc_bundles>
